<compile_context>
chip_gen: v7x
topology: tpu7x:2x2x1
jax: 0.10.2.dev20260603
libtpu: 0.0.44.dev20260713+nightly
codegen_flags: <defaults>
</compile_context>

<pallas_src>
import functools

import jax
import jax.numpy as jnp
from jax import lax
from jax.experimental import pallas as pl
from jax.experimental.pallas import tpu as pltpu
from jax.experimental.pallas import tpu_sc as plsc

_B = 4
_C = 384
_HW = 224 * 224
_K = 8
_CT = 3584
_NJ = _HW // _CT
_INV_HW = 1.0 / _HW
_NCHUNK = _C // 16
_LANE16 = 16



def _pool_body(x1_ref, x2_ref, o1_ref, o2_ref):
    i = pl.program_id(0)
    j = pl.program_id(1)
    row = pl.ds(i, 1)
    s1 = jnp.sum(x1_ref[...], axis=1)
    s2 = jnp.sum(x2_ref[...], axis=1)

    @pl.when(j == 0)
    def _init():
        o1_ref[row, :] = s1
        o2_ref[row, :] = s2

    @pl.when(j != 0)
    def _acc():
        o1_ref[row, :] += s1
        o2_ref[row, :] += s2


_pool_call = pl.pallas_call(
    _pool_body,
    grid=(_B, _NJ),
    in_specs=[pl.BlockSpec((1, _CT, _C), lambda i, j: (i, j, 0))] * 2,
    out_specs=[pl.BlockSpec((_B, _C), lambda i, j: (0, 0))] * 2,
    out_shape=[jax.ShapeDtypeStruct((_B, _C), jnp.float32)] * 2,
    compiler_params=pltpu.CompilerParams(
        dimension_semantics=("arbitrary", "arbitrary")),
)


def _frpool_body(x_ref, o_ref):
    j = pl.program_id(1)
    xb = x_ref[...].astype(jnp.bfloat16).astype(jnp.float32)
    s = jnp.sum(xb, axis=1, keepdims=True)

    @pl.when(j == 0)
    def _init():
        o_ref[...] = s

    @pl.when(j != 0)
    def _acc():
        o_ref[...] += s


_frpool_call = pl.pallas_call(
    _frpool_body,
    grid=(1, 7),
    in_specs=[pl.BlockSpec((_B * 3, _HW // 7), lambda i, j: (0, j))],
    out_specs=[pl.BlockSpec((_B * 3, 1), lambda i, j: (0, 0))],
    out_shape=[jax.ShapeDtypeStruct((_B * 3, 1), jnp.float32)],
    compiler_params=pltpu.CompilerParams(
        dimension_semantics=("arbitrary", "arbitrary")),
)


def _bf16_round(x):
    u = plsc.bitcast(x, jnp.uint32)
    lsb = (u >> jnp.uint32(16)) & jnp.uint32(1)
    ur = (u + jnp.uint32(0x7FFF) + lsb) & jnp.uint32(0xFFFF0000)
    return plsc.bitcast(ur, jnp.float32)


def _topk8(dbuf):
    neg = jnp.float32(-jnp.inf)
    big = jnp.int32(1 << 30)
    lane = lax.iota(jnp.int32, _LANE16)
    sel_v = jnp.full((_LANE16,), neg, jnp.float32)
    sel_i = jnp.zeros((_LANE16,), jnp.int32)
    prev = jnp.int32(-1)
    for k in range(_K):
        def scan_body(j, carry, _prev=prev):
            bv, bi = carry
            sl = pl.ds(j * _LANE16, _LANE16)
            d = dbuf[sl]
            idx = lax.iota(jnp.int32, _LANE16) + j * _LANE16
            d = jnp.where(idx == _prev, neg, d)
            dbuf[sl] = d
            take = (d > bv) | ((d == bv) & (idx < bi))
            bv = jnp.where(take, d, bv)
            bi = jnp.where(take, idx, bi)
            return bv, bi

        bv0 = jnp.full((_LANE16,), neg, jnp.float32)
        bi0 = jnp.full((_LANE16,), big, jnp.int32)
        bv, bi = lax.fori_loop(0, _NCHUNK, scan_body, (bv0, bi0))
        m = jnp.max(bv)
        imax = jnp.min(jnp.where(bv == m, bi, big))
        sel_v = jnp.where(lane == k, m, sel_v)
        sel_i = jnp.where(lane == k, imax, sel_i)
        prev = imax
    return sel_v, sel_i


@functools.lru_cache(maxsize=None)
def _make_gating():
    @functools.partial(
        pl.kernel,
        out_type=(
            jax.ShapeDtypeStruct((_B, 128), jnp.float32),
            jax.ShapeDtypeStruct((_B, 128), jnp.int32),
            jax.ShapeDtypeStruct((_B, 128), jnp.float32),
            jax.ShapeDtypeStruct((_B, 128), jnp.int32),
        ),
        mesh=plsc.VectorSubcoreMesh(core_axis_name="c", subcore_axis_name="s"),
        scratch_types=[
            pltpu.VMEM((128,), jnp.float32),
            pltpu.VMEM((3, _C), jnp.float32),
            pltpu.VMEM((_C,), jnp.float32),
            pltpu.VMEM((_C,), jnp.float32),
            pltpu.VMEM((128,), jnp.float32),
            pltpu.VMEM((128,), jnp.int32),
        ],
        compiler_params=pltpu.CompilerParams(needs_layout_passes=False),
    )
    def _gating(frs_hbm, wt_hbm, s1_hbm, s2_hbm,
                w1_hbm, i1_hbm, w2_hbm, i2_hbm,
                frv, wtv, sv, dv, owv, oiv):
        cid = lax.axis_index("c")
        sid = lax.axis_index("s")
        wid = sid * 2 + cid

        def _work(b, s_hbm, w_hbm, i_hbm):
            pltpu.sync_copy(frs_hbm, frv)
            pltpu.sync_copy(wt_hbm, wtv)
            pltpu.sync_copy(s_hbm.at[b], sv)

            lane = lax.iota(jnp.int32, _LANE16)
            frvec = frv[pl.ds(0, _LANE16)]
            fm = []
            for ch in range(3):
                sel = jnp.where(lane == 3 * b + ch, frvec, 0.0)
                fm.append(jnp.sum(sel) * jnp.float32(_INV_HW))

            for j in range(_NCHUNK):
                sl = pl.ds(j * _LANE16, _LANE16)
                frp = (fm[0] * _bf16_round(wtv[0, sl])
                       + fm[1] * _bf16_round(wtv[1, sl])
                       + fm[2] * _bf16_round(wtv[2, sl]))
                x = sv[sl] * jnp.float32(_INV_HW)
                dv[sl] = -jnp.abs(frp - x)

            sel_v, sel_i = _topk8(dv)
            m = jnp.max(sel_v)
            e = jnp.where(lane < _K, jnp.exp(sel_v - m), 0.0)
            w = e / jnp.sum(e)
            owv[pl.ds(0, _LANE16)] = w
            oiv[pl.ds(0, _LANE16)] = sel_i
            pltpu.sync_copy(owv, w_hbm.at[b])
            pltpu.sync_copy(oiv, i_hbm.at[b])

        @pl.when(wid < _B)
        def _w1():
            _work(wid, s1_hbm, w1_hbm, i1_hbm)

        @pl.when((wid >= _B) & (wid < 2 * _B))
        def _w2():
            _work(wid - _B, s2_hbm, w2_hbm, i2_hbm)

    return _gating


def kernel(F1, F2, fr, W):
    F1v = F1.transpose(0, 2, 3, 1).reshape(_B, _HW, _C)
    F2v = F2.transpose(0, 2, 3, 1).reshape(_B, _HW, _C)
    frv = fr.reshape(_B * 3, _HW)
    sums1, sums2 = _pool_call(F1v, F2v)
    (frs,) = _frpool_call(frv)
    frs128 = jnp.concatenate(
        [frs.reshape(_B * 3), jnp.zeros((128 - _B * 3,), jnp.float32)])
    w1, i1, w2, i2 = _make_gating()(frs128, W.T, sums1, sums2)
    return w1[:, :_K], i1[:, :_K], w2[:, :_K], i2[:, :_K]

# --- scband reference (transcript-rebuilt; emitter-appended) ---
"""Pipeline reference for scband-laplace-gating-network-25709674234436 (READ-ONLY COPY).

The authoritative reference and input builder live on the scoring server;
editing this copy changes nothing except your own understanding.
"""

import jax, jax.numpy as jnp
import numpy as np

IN_CHANNELS = 384
K = 8

def setup_inputs(seed: int = 0) -> dict:
    key = jax.random.key(seed)
    k1, k2, k3, k4 = jax.random.split(key, 4)
    F1 = jax.random.normal(k1, (4, 384, 224, 224), dtype=jnp.float32)
    F2 = jax.random.normal(k2, (4, 384, 224, 224), dtype=jnp.float32)
    fr = jax.random.normal(k3, (4, 3, 224, 224), dtype=jnp.float32)
    # frconv: nn.Conv2d(3, in_channels, kernel_size=1, bias=False) -> weight (out_c, in_c)
    fan_in = 3 * 1 * 1
    bound = 1.0 / np.sqrt(fan_in)
    W = jax.random.uniform(k4, (IN_CHANNELS, 3), dtype=jnp.float32, minval=-bound, maxval=bound)
    return {"F1": F1, "F2": F2, "fr": fr, "W": W}

def reference(F1, F2, fr, W):
    # global average pool over spatial dims, then squeeze -> (B, C)
    x1 = jnp.mean(F1, axis=(2, 3))
    x2 = jnp.mean(F2, axis=(2, 3))
    # 1x1 conv (3 -> in_channels), no bias
    fr_c = jnp.einsum('bchw,oc->bohw', fr, W)
    frp = jnp.mean(fr_c, axis=(2, 3))
    dist1 = -jnp.abs(frp - x1)
    dist2 = -jnp.abs(frp - x2)
    topk_values1, topk_indices1 = jax.lax.top_k(dist1, K)
    topk_values2, topk_indices2 = jax.lax.top_k(dist2, K)
    topk_weights1 = jax.nn.softmax(topk_values1, axis=1)
    topk_weights2 = jax.nn.softmax(topk_values2, axis=1)
    return (topk_weights1, topk_indices1, topk_weights2, topk_indices2)

if __name__ == "__main__":
    import jax
    _d = setup_inputs()
    print(jax.jit(kernel)(*tuple(_d.values())))

</pallas_src>

<mosaic_0001>
#map = affine_map<(d0, d1) -> (0)>
#map1 = affine_map<(d0, d1) -> (0, 0)>
module attributes {stable_mosaic.version = 14 : i64} {
  func.func @_gating(%arg0: i32, %arg1: i32, %arg2: memref<128xf32, #tpu.memory_space<hbm>>, %arg3: memref<3x384xf32, #tpu.memory_space<hbm>>, %arg4: memref<4x384xf32, #tpu.memory_space<hbm>>, %arg5: memref<4x384xf32, #tpu.memory_space<hbm>>, %arg6: memref<4x128xf32, #tpu.memory_space<hbm>>, %arg7: memref<4x128xi32, #tpu.memory_space<hbm>>, %arg8: memref<4x128xf32, #tpu.memory_space<hbm>>, %arg9: memref<4x128xi32, #tpu.memory_space<hbm>>, %arg10: memref<128xf32, #tpu.memory_space<vmem>>, %arg11: memref<3x384xf32, #tpu.memory_space<vmem>>, %arg12: memref<384xf32, #tpu.memory_space<vmem>>, %arg13: memref<384xf32, #tpu.memory_space<vmem>>, %arg14: memref<128xf32, #tpu.memory_space<vmem>>, %arg15: memref<128xi32, #tpu.memory_space<vmem>>) attributes {dimension_semantics = [#tpu.dimension_semantics<core_parallel>, #tpu.dimension_semantics<subcore_parallel>], iteration_bounds = array<i64: 2, 16>, scalar_prefetch = 0 : i64, scratch_operands = 6 : i64, tpu.core_type = #tpu.core_type<sc_vector_subcore>, window_params = [{transform_indices = #map}, {transform_indices = #map1}, {transform_indices = #map1}, {transform_indices = #map1}, {transform_indices = #map1}, {transform_indices = #map1}, {transform_indices = #map1}, {transform_indices = #map1}]} {
    %mul3A = arith.constant 2 : i32
    %mul3A_0 = arith.muli %arg1, %mul3A : i32
    %add3A = arith.addi %mul3A_0, %arg0 : i32
    %lt3A = arith.constant 4 : i32
    %lt3A_1 = arith.cmpi slt, %add3A, %lt3A : i32
    %convert_element_type3A = arith.extui %lt3A_1 : i1 to i32
    %cond3A = arith.constant 0 : i32
    %cond3A_2 = arith.cmpi ne, %convert_element_type3A, %cond3A : i32
    scf.if %cond3A_2 {
      "tpu.region"() ({
        %run_scoped3A = tpu.sem_alloc : memref<!tpu.dma_semaphore, #tpu.memory_space<semaphore_mem>>
        tpu.enqueue_dma source(%arg2 : memref<128xf32, #tpu.memory_space<hbm>>) target(%arg10 : memref<128xf32, #tpu.memory_space<vmem>>) target_semaphore(%run_scoped3A : memref<!tpu.dma_semaphore, #tpu.memory_space<semaphore_mem>>)
        tpu.wait_dma2 semaphore(%run_scoped3A : memref<!tpu.dma_semaphore, #tpu.memory_space<semaphore_mem>>) src(%arg2 : memref<128xf32, #tpu.memory_space<hbm>>) dst(%arg10 : memref<128xf32, #tpu.memory_space<vmem>>)
        tpu.yield
      }) : () -> ()
      "tpu.region"() ({
        %run_scoped3A = tpu.sem_alloc : memref<!tpu.dma_semaphore, #tpu.memory_space<semaphore_mem>>
        tpu.enqueue_dma source(%arg3 : memref<3x384xf32, #tpu.memory_space<hbm>>) target(%arg11 : memref<3x384xf32, #tpu.memory_space<vmem>>) target_semaphore(%run_scoped3A : memref<!tpu.dma_semaphore, #tpu.memory_space<semaphore_mem>>)
        tpu.wait_dma2 semaphore(%run_scoped3A : memref<!tpu.dma_semaphore, #tpu.memory_space<semaphore_mem>>) src(%arg3 : memref<3x384xf32, #tpu.memory_space<hbm>>) dst(%arg11 : memref<3x384xf32, #tpu.memory_space<vmem>>)
        tpu.yield
      }) : () -> ()
      "tpu.region"() ({
        %run_scoped3A = tpu.sem_alloc : memref<!tpu.dma_semaphore, #tpu.memory_space<semaphore_mem>>
        %dma_start3A = arith.constant 0 : i32
        %dma_start3A_2220 = tpu.memref_slice %arg4[%add3A, %dma_start3A] : memref<4x384xf32, #tpu.memory_space<hbm>> -> memref<1x384xf32, #tpu.memory_space<hbm>>
        %dma_start3A_2221 = tpu.memref_squeeze %dma_start3A_2220 : memref<1x384xf32, #tpu.memory_space<hbm>> -> memref<384xf32, #tpu.memory_space<hbm>>
        %dma_start3A_2222 = arith.constant 0 : i32
        %dma_start3A_2223 = tpu.memref_slice %arg4[%add3A, %dma_start3A_2222] : memref<4x384xf32, #tpu.memory_space<hbm>> -> memref<1x384xf32, #tpu.memory_space<hbm>>
        %dma_start3A_2224 = tpu.memref_squeeze %dma_start3A_2223 : memref<1x384xf32, #tpu.memory_space<hbm>> -> memref<384xf32, #tpu.memory_space<hbm>>
        tpu.enqueue_dma source(%dma_start3A_2224 : memref<384xf32, #tpu.memory_space<hbm>>) target(%arg12 : memref<384xf32, #tpu.memory_space<vmem>>) target_semaphore(%run_scoped3A : memref<!tpu.dma_semaphore, #tpu.memory_space<semaphore_mem>>)
        %dma_wait3A = arith.constant 0 : i32
        %dma_wait3A_2225 = tpu.memref_slice %arg4[%add3A, %dma_wait3A] : memref<4x384xf32, #tpu.memory_space<hbm>> -> memref<1x384xf32, #tpu.memory_space<hbm>>
        %dma_wait3A_2226 = tpu.memref_squeeze %dma_wait3A_2225 : memref<1x384xf32, #tpu.memory_space<hbm>> -> memref<384xf32, #tpu.memory_space<hbm>>
        %dma_wait3A_2227 = arith.constant 0 : i32
        %dma_wait3A_2228 = tpu.memref_slice %arg4[%add3A, %dma_wait3A_2227] : memref<4x384xf32, #tpu.memory_space<hbm>> -> memref<1x384xf32, #tpu.memory_space<hbm>>
        %dma_wait3A_2229 = tpu.memref_squeeze %dma_wait3A_2228 : memref<1x384xf32, #tpu.memory_space<hbm>> -> memref<384xf32, #tpu.memory_space<hbm>>
        tpu.wait_dma2 semaphore(%run_scoped3A : memref<!tpu.dma_semaphore, #tpu.memory_space<semaphore_mem>>) src(%dma_wait3A_2229 : memref<384xf32, #tpu.memory_space<hbm>>) dst(%arg12 : memref<384xf32, #tpu.memory_space<vmem>>)
        tpu.yield
      }) : () -> ()
      %iota3A = tpu.iota {dimensions = array<i32: 0>} : vector<16xi32>
      %get3A = arith.constant 0 : index
      %get3A_9 = tpu.vector_load %arg10[%get3A] {strides = array<i32>} : memref<128xf32, #tpu.memory_space<vmem>>, vector<16xf32>,
      %mul3A_10 = arith.constant 3 : i32
      %mul3A_11 = arith.muli %mul3A_10, %add3A : i32
      %add3A_12 = arith.constant 0 : i32
      %add3A_13 = arith.addi %mul3A_11, %add3A_12 : i32
      %eq3A = vector.broadcast %add3A_13 : i32 to vector<16xi32>
      %eq3A_14 = arith.cmpi eq, %iota3A, %eq3A : vector<16xi32>
      %jit3A = arith.constant 0.000000e+00 : f32
      %broadcast_in_dim3A = vector.broadcast %jit3A : f32 to vector<16xf32>
      %select_n3A = arith.select %eq3A_14, %get3A_9, %broadcast_in_dim3A : vector<16xi1>, vector<16xf32>
      %reduce_sum3A = arith.constant true
      %reduce_sum3A_15 = vector.broadcast %reduce_sum3A : i1 to vector<16xi1>
      %reduce_sum3A_16 = tpu.scan <sum>, %select_n3A masked %reduce_sum3A_15 : vector<16xf32>, vector<16xi1> -> vector<16xf32>
      %reduce_sum3A_17 = vector.extract %reduce_sum3A_16[15] : f32 from vector<16xf32>
      %mul3A_18 = arith.constant 1.99298465E-5 : f32
      %mul3A_19 = arith.mulf %reduce_sum3A_17, %mul3A_18 : f32
      %mul3A_20 = arith.constant 3 : i32
      %mul3A_21 = arith.muli %mul3A_20, %add3A : i32
      %add3A_22 = arith.constant 1 : i32
      %add3A_23 = arith.addi %mul3A_21, %add3A_22 : i32
      %eq3A_24 = vector.broadcast %add3A_23 : i32 to vector<16xi32>
      %eq3A_25 = arith.cmpi eq, %iota3A, %eq3A_24 : vector<16xi32>
      %jit3A_26 = arith.constant 0.000000e+00 : f32
      %broadcast_in_dim3A_27 = vector.broadcast %jit3A_26 : f32 to vector<16xf32>
      %select_n3A_28 = arith.select %eq3A_25, %get3A_9, %broadcast_in_dim3A_27 : vector<16xi1>, vector<16xf32>
      %reduce_sum3A_29 = arith.constant true
      %reduce_sum3A_30 = vector.broadcast %reduce_sum3A_29 : i1 to vector<16xi1>
      %reduce_sum3A_31 = tpu.scan <sum>, %select_n3A_28 masked %reduce_sum3A_30 : vector<16xf32>, vector<16xi1> -> vector<16xf32>
      %reduce_sum3A_32 = vector.extract %reduce_sum3A_31[15] : f32 from vector<16xf32>
      %mul3A_33 = arith.constant 1.99298465E-5 : f32
      %mul3A_34 = arith.mulf %reduce_sum3A_32, %mul3A_33 : f32
      %mul3A_35 = arith.constant 3 : i32
      %mul3A_36 = arith.muli %mul3A_35, %add3A : i32
      %add3A_37 = arith.constant 2 : i32
      %add3A_38 = arith.addi %mul3A_36, %add3A_37 : i32
      %eq3A_39 = vector.broadcast %add3A_38 : i32 to vector<16xi32>
      %eq3A_40 = arith.cmpi eq, %iota3A, %eq3A_39 : vector<16xi32>
      %jit3A_41 = arith.constant 0.000000e+00 : f32
      %broadcast_in_dim3A_42 = vector.broadcast %jit3A_41 : f32 to vector<16xf32>
      %select_n3A_43 = arith.select %eq3A_40, %get3A_9, %broadcast_in_dim3A_42 : vector<16xi1>, vector<16xf32>
      %reduce_sum3A_44 = arith.constant true
      %reduce_sum3A_45 = vector.broadcast %reduce_sum3A_44 : i1 to vector<16xi1>
      %reduce_sum3A_46 = tpu.scan <sum>, %select_n3A_43 masked %reduce_sum3A_45 : vector<16xf32>, vector<16xi1> -> vector<16xf32>
      %reduce_sum3A_47 = vector.extract %reduce_sum3A_46[15] : f32 from vector<16xf32>
      %mul3A_48 = arith.constant 1.99298465E-5 : f32
      %mul3A_49 = arith.mulf %reduce_sum3A_47, %mul3A_48 : f32
      %get3A_50 = arith.constant 0 : i32
      %get3A_51 = arith.index_cast %get3A_50 : i32 to index
      %get3A_52 = arith.constant 0 : index
      %get3A_53 = tpu.vector_load %arg11[%get3A_51, %get3A_52] {strides = array<i32>} : memref<3x384xf32, #tpu.memory_space<vmem>>, vector<16xf32>,
      %bitcast3A = vector.bitcast %get3A_53 : vector<16xf32> to vector<16xi32>
      %shift_right_logical3A = arith.constant 16 : i32
      %shift_right_logical3A_54 = vector.broadcast %shift_right_logical3A : i32 to vector<16xi32>
      %shift_right_logical3A_55 = arith.shrui %bitcast3A, %shift_right_logical3A_54 : vector<16xi32>
      %and3A_56 = arith.constant 1 : i32
      %and3A_57 = vector.broadcast %and3A_56 : i32 to vector<16xi32>
      %and3A_58 = arith.andi %shift_right_logical3A_55, %and3A_57 : vector<16xi32>
      %add3A_59 = arith.constant 32767 : i32
      %add3A_60 = vector.broadcast %add3A_59 : i32 to vector<16xi32>
      %add3A_61 = arith.addi %bitcast3A, %add3A_60 : vector<16xi32>
      %add3A_62 = arith.addi %add3A_61, %and3A_58 : vector<16xi32>
      %and3A_63 = arith.constant -65536 : i32
      %and3A_64 = vector.broadcast %and3A_63 : i32 to vector<16xi32>
      %and3A_65 = arith.andi %add3A_62, %and3A_64 : vector<16xi32>
      %bitcast3A_66 = vector.bitcast %and3A_65 : vector<16xi32> to vector<16xf32>
      %mul3A_67 = vector.broadcast %mul3A_19 : f32 to vector<16xf32>
      %mul3A_68 = arith.mulf %mul3A_67, %bitcast3A_66 : vector<16xf32>
      %get3A_69 = arith.constant 1 : i32
      %get3A_70 = arith.index_cast %get3A_69 : i32 to index
      %get3A_71 = arith.constant 0 : index
      %get3A_72 = tpu.vector_load %arg11[%get3A_70, %get3A_71] {strides = array<i32>} : memref<3x384xf32, #tpu.memory_space<vmem>>, vector<16xf32>,
      %bitcast3A_73 = vector.bitcast %get3A_72 : vector<16xf32> to vector<16xi32>
      %shift_right_logical3A_74 = arith.constant 16 : i32
      %shift_right_logical3A_75 = vector.broadcast %shift_right_logical3A_74 : i32 to vector<16xi32>
      %shift_right_logical3A_76 = arith.shrui %bitcast3A_73, %shift_right_logical3A_75 : vector<16xi32>
      %and3A_77 = arith.constant 1 : i32
      %and3A_78 = vector.broadcast %and3A_77 : i32 to vector<16xi32>
      %and3A_79 = arith.andi %shift_right_logical3A_76, %and3A_78 : vector<16xi32>
      %add3A_80 = arith.constant 32767 : i32
      %add3A_81 = vector.broadcast %add3A_80 : i32 to vector<16xi32>
      %add3A_82 = arith.addi %bitcast3A_73, %add3A_81 : vector<16xi32>
      %add3A_83 = arith.addi %add3A_82, %and3A_79 : vector<16xi32>
      %and3A_84 = arith.constant -65536 : i32
      %and3A_85 = vector.broadcast %and3A_84 : i32 to vector<16xi32>
      %and3A_86 = arith.andi %add3A_83, %and3A_85 : vector<16xi32>
      %bitcast3A_87 = vector.bitcast %and3A_86 : vector<16xi32> to vector<16xf32>
      %mul3A_88 = vector.broadcast %mul3A_34 : f32 to vector<16xf32>
      %mul3A_89 = arith.mulf %mul3A_88, %bitcast3A_87 : vector<16xf32>
      %add3A_90 = arith.addf %mul3A_68, %mul3A_89 : vector<16xf32>
      %get3A_91 = arith.constant 2 : i32
      %get3A_92 = arith.index_cast %get3A_91 : i32 to index
      %get3A_93 = arith.constant 0 : index
      %get3A_94 = tpu.vector_load %arg11[%get3A_92, %get3A_93] {strides = array<i32>} : memref<3x384xf32, #tpu.memory_space<vmem>>, vector<16xf32>,
      %bitcast3A_95 = vector.bitcast %get3A_94 : vector<16xf32> to vector<16xi32>
      %shift_right_logical3A_96 = arith.constant 16 : i32
      %shift_right_logical3A_97 = vector.broadcast %shift_right_logical3A_96 : i32 to vector<16xi32>
      %shift_right_logical3A_98 = arith.shrui %bitcast3A_95, %shift_right_logical3A_97 : vector<16xi32>
      %and3A_99 = arith.constant 1 : i32
      %and3A_100 = vector.broadcast %and3A_99 : i32 to vector<16xi32>
      %and3A_101 = arith.andi %shift_right_logical3A_98, %and3A_100 : vector<16xi32>
      %add3A_102 = arith.constant 32767 : i32
      %add3A_103 = vector.broadcast %add3A_102 : i32 to vector<16xi32>
      %add3A_104 = arith.addi %bitcast3A_95, %add3A_103 : vector<16xi32>
      %add3A_105 = arith.addi %add3A_104, %and3A_101 : vector<16xi32>
      %and3A_106 = arith.constant -65536 : i32
      %and3A_107 = vector.broadcast %and3A_106 : i32 to vector<16xi32>
      %and3A_108 = arith.andi %add3A_105, %and3A_107 : vector<16xi32>
      %bitcast3A_109 = vector.bitcast %and3A_108 : vector<16xi32> to vector<16xf32>
      %mul3A_110 = vector.broadcast %mul3A_49 : f32 to vector<16xf32>
      %mul3A_111 = arith.mulf %mul3A_110, %bitcast3A_109 : vector<16xf32>
      %add3A_112 = arith.addf %add3A_90, %mul3A_111 : vector<16xf32>
      %get3A_113 = arith.constant 0 : index
      %get3A_114 = tpu.vector_load %arg12[%get3A_113] {strides = array<i32>} : memref<384xf32, #tpu.memory_space<vmem>>, vector<16xf32>,
      %mul3A_115 = arith.constant 1.99298465E-5 : f32
      %mul3A_116 = vector.broadcast %mul3A_115 : f32 to vector<16xf32>
      %mul3A_117 = arith.mulf %get3A_114, %mul3A_116 : vector<16xf32>
      %sub3A = arith.subf %add3A_112, %mul3A_117 : vector<16xf32>
      %abs3A = math.absf %sub3A : vector<16xf32>
      %neg3A = arith.constant 0.000000e+00 : f32
      %neg3A_118 = vector.broadcast %neg3A : f32 to vector<16xf32>
      %neg3A_119 = arith.subf %neg3A_118, %abs3A : vector<16xf32>
      %swap3A = arith.constant 0 : index
      %swap3A_120 = tpu.vector_load %arg13[%swap3A] {strides = array<i32>} : memref<384xf32, #tpu.memory_space<vmem>>, vector<16xf32>,
      tpu.vector_store %arg13[%swap3A], %neg3A_119 {strides = array<i32>} : memref<384xf32, #tpu.memory_space<vmem>>, vector<16xf32>,
      %get3A_121 = arith.constant 0 : i32
      %get3A_122 = arith.index_cast %get3A_121 : i32 to index
      %get3A_123 = arith.constant 16 : index
      %get3A_124 = tpu.vector_load %arg11[%get3A_122, %get3A_123] {strides = array<i32>} : memref<3x384xf32, #tpu.memory_space<vmem>>, vector<16xf32>,
      %bitcast3A_125 = vector.bitcast %get3A_124 : vector<16xf32> to vector<16xi32>
      %shift_right_logical3A_126 = arith.constant 16 : i32
      %shift_right_logical3A_127 = vector.broadcast %shift_right_logical3A_126 : i32 to vector<16xi32>
      %shift_right_logical3A_128 = arith.shrui %bitcast3A_125, %shift_right_logical3A_127 : vector<16xi32>
      %and3A_129 = arith.constant 1 : i32
      %and3A_130 = vector.broadcast %and3A_129 : i32 to vector<16xi32>
      %and3A_131 = arith.andi %shift_right_logical3A_128, %and3A_130 : vector<16xi32>
      %add3A_132 = arith.constant 32767 : i32
      %add3A_133 = vector.broadcast %add3A_132 : i32 to vector<16xi32>
      %add3A_134 = arith.addi %bitcast3A_125, %add3A_133 : vector<16xi32>
      %add3A_135 = arith.addi %add3A_134, %and3A_131 : vector<16xi32>
      %and3A_136 = arith.constant -65536 : i32
      %and3A_137 = vector.broadcast %and3A_136 : i32 to vector<16xi32>
      %and3A_138 = arith.andi %add3A_135, %and3A_137 : vector<16xi32>
      %bitcast3A_139 = vector.bitcast %and3A_138 : vector<16xi32> to vector<16xf32>
      %mul3A_140 = vector.broadcast %mul3A_19 : f32 to vector<16xf32>
      %mul3A_141 = arith.mulf %mul3A_140, %bitcast3A_139 : vector<16xf32>
      %get3A_142 = arith.constant 1 : i32
      %get3A_143 = arith.index_cast %get3A_142 : i32 to index
      %get3A_144 = arith.constant 16 : index
      %get3A_145 = tpu.vector_load %arg11[%get3A_143, %get3A_144] {strides = array<i32>} : memref<3x384xf32, #tpu.memory_space<vmem>>, vector<16xf32>,
      %bitcast3A_146 = vector.bitcast %get3A_145 : vector<16xf32> to vector<16xi32>
      %shift_right_logical3A_147 = arith.constant 16 : i32
      %shift_right_logical3A_148 = vector.broadcast %shift_right_logical3A_147 : i32 to vector<16xi32>
      %shift_right_logical3A_149 = arith.shrui %bitcast3A_146, %shift_right_logical3A_148 : vector<16xi32>
      %and3A_150 = arith.constant 1 : i32
      %and3A_151 = vector.broadcast %and3A_150 : i32 to vector<16xi32>
      %and3A_152 = arith.andi %shift_right_logical3A_149, %and3A_151 : vector<16xi32>
      %add3A_153 = arith.constant 32767 : i32
      %add3A_154 = vector.broadcast %add3A_153 : i32 to vector<16xi32>
      %add3A_155 = arith.addi %bitcast3A_146, %add3A_154 : vector<16xi32>
      %add3A_156 = arith.addi %add3A_155, %and3A_152 : vector<16xi32>
      %and3A_157 = arith.constant -65536 : i32
      %and3A_158 = vector.broadcast %and3A_157 : i32 to vector<16xi32>
      %and3A_159 = arith.andi %add3A_156, %and3A_158 : vector<16xi32>
      %bitcast3A_160 = vector.bitcast %and3A_159 : vector<16xi32> to vector<16xf32>
      %mul3A_161 = vector.broadcast %mul3A_34 : f32 to vector<16xf32>
      %mul3A_162 = arith.mulf %mul3A_161, %bitcast3A_160 : vector<16xf32>
      %add3A_163 = arith.addf %mul3A_141, %mul3A_162 : vector<16xf32>
      %get3A_164 = arith.constant 2 : i32
      %get3A_165 = arith.index_cast %get3A_164 : i32 to index
      %get3A_166 = arith.constant 16 : index
      %get3A_167 = tpu.vector_load %arg11[%get3A_165, %get3A_166] {strides = array<i32>} : memref<3x384xf32, #tpu.memory_space<vmem>>, vector<16xf32>,
      %bitcast3A_168 = vector.bitcast %get3A_167 : vector<16xf32> to vector<16xi32>
      %shift_right_logical3A_169 = arith.constant 16 : i32
      %shift_right_logical3A_170 = vector.broadcast %shift_right_logical3A_169 : i32 to vector<16xi32>
      %shift_right_logical3A_171 = arith.shrui %bitcast3A_168, %shift_right_logical3A_170 : vector<16xi32>
      %and3A_172 = arith.constant 1 : i32
      %and3A_173 = vector.broadcast %and3A_172 : i32 to vector<16xi32>
      %and3A_174 = arith.andi %shift_right_logical3A_171, %and3A_173 : vector<16xi32>
      %add3A_175 = arith.constant 32767 : i32
      %add3A_176 = vector.broadcast %add3A_175 : i32 to vector<16xi32>
      %add3A_177 = arith.addi %bitcast3A_168, %add3A_176 : vector<16xi32>
      %add3A_178 = arith.addi %add3A_177, %and3A_174 : vector<16xi32>
      %and3A_179 = arith.constant -65536 : i32
      %and3A_180 = vector.broadcast %and3A_179 : i32 to vector<16xi32>
      %and3A_181 = arith.andi %add3A_178, %and3A_180 : vector<16xi32>
      %bitcast3A_182 = vector.bitcast %and3A_181 : vector<16xi32> to vector<16xf32>
      %mul3A_183 = vector.broadcast %mul3A_49 : f32 to vector<16xf32>
      %mul3A_184 = arith.mulf %mul3A_183, %bitcast3A_182 : vector<16xf32>
      %add3A_185 = arith.addf %add3A_163, %mul3A_184 : vector<16xf32>
      %get3A_186 = arith.constant 16 : index
      %get3A_187 = tpu.vector_load %arg12[%get3A_186] {strides = array<i32>} : memref<384xf32, #tpu.memory_space<vmem>>, vector<16xf32>,
      %mul3A_188 = arith.constant 1.99298465E-5 : f32
      %mul3A_189 = vector.broadcast %mul3A_188 : f32 to vector<16xf32>
      %mul3A_190 = arith.mulf %get3A_187, %mul3A_189 : vector<16xf32>
      %sub3A_191 = arith.subf %add3A_185, %mul3A_190 : vector<16xf32>
      %abs3A_192 = math.absf %sub3A_191 : vector<16xf32>
      %neg3A_193 = arith.constant 0.000000e+00 : f32
      %neg3A_194 = vector.broadcast %neg3A_193 : f32 to vector<16xf32>
      %neg3A_195 = arith.subf %neg3A_194, %abs3A_192 : vector<16xf32>
      %swap3A_196 = arith.constant 16 : index
      %swap3A_197 = tpu.vector_load %arg13[%swap3A_196] {strides = array<i32>} : memref<384xf32, #tpu.memory_space<vmem>>, vector<16xf32>,
      tpu.vector_store %arg13[%swap3A_196], %neg3A_195 {strides = array<i32>} : memref<384xf32, #tpu.memory_space<vmem>>, vector<16xf32>,
      %get3A_198 = arith.constant 0 : i32
      %get3A_199 = arith.index_cast %get3A_198 : i32 to index
      %get3A_200 = arith.constant 32 : index
      %get3A_201 = tpu.vector_load %arg11[%get3A_199, %get3A_200] {strides = array<i32>} : memref<3x384xf32, #tpu.memory_space<vmem>>, vector<16xf32>,
      %bitcast3A_202 = vector.bitcast %get3A_201 : vector<16xf32> to vector<16xi32>
      %shift_right_logical3A_203 = arith.constant 16 : i32
      %shift_right_logical3A_204 = vector.broadcast %shift_right_logical3A_203 : i32 to vector<16xi32>
      %shift_right_logical3A_205 = arith.shrui %bitcast3A_202, %shift_right_logical3A_204 : vector<16xi32>
      %and3A_206 = arith.constant 1 : i32
      %and3A_207 = vector.broadcast %and3A_206 : i32 to vector<16xi32>
      %and3A_208 = arith.andi %shift_right_logical3A_205, %and3A_207 : vector<16xi32>
      %add3A_209 = arith.constant 32767 : i32
      %add3A_210 = vector.broadcast %add3A_209 : i32 to vector<16xi32>
      %add3A_211 = arith.addi %bitcast3A_202, %add3A_210 : vector<16xi32>
      %add3A_212 = arith.addi %add3A_211, %and3A_208 : vector<16xi32>
      %and3A_213 = arith.constant -65536 : i32
      %and3A_214 = vector.broadcast %and3A_213 : i32 to vector<16xi32>
      %and3A_215 = arith.andi %add3A_212, %and3A_214 : vector<16xi32>
      %bitcast3A_216 = vector.bitcast %and3A_215 : vector<16xi32> to vector<16xf32>
      %mul3A_217 = vector.broadcast %mul3A_19 : f32 to vector<16xf32>
      %mul3A_218 = arith.mulf %mul3A_217, %bitcast3A_216 : vector<16xf32>
      %get3A_219 = arith.constant 1 : i32
      %get3A_220 = arith.index_cast %get3A_219 : i32 to index
      %get3A_221 = arith.constant 32 : index
      %get3A_222 = tpu.vector_load %arg11[%get3A_220, %get3A_221] {strides = array<i32>} : memref<3x384xf32, #tpu.memory_space<vmem>>, vector<16xf32>,
      %bitcast3A_223 = vector.bitcast %get3A_222 : vector<16xf32> to vector<16xi32>
      %shift_right_logical3A_224 = arith.constant 16 : i32
      %shift_right_logical3A_225 = vector.broadcast %shift_right_logical3A_224 : i32 to vector<16xi32>
      %shift_right_logical3A_226 = arith.shrui %bitcast3A_223, %shift_right_logical3A_225 : vector<16xi32>
      %and3A_227 = arith.constant 1 : i32
      %and3A_228 = vector.broadcast %and3A_227 : i32 to vector<16xi32>
      %and3A_229 = arith.andi %shift_right_logical3A_226, %and3A_228 : vector<16xi32>
      %add3A_230 = arith.constant 32767 : i32
      %add3A_231 = vector.broadcast %add3A_230 : i32 to vector<16xi32>
      %add3A_232 = arith.addi %bitcast3A_223, %add3A_231 : vector<16xi32>
      %add3A_233 = arith.addi %add3A_232, %and3A_229 : vector<16xi32>
      %and3A_234 = arith.constant -65536 : i32
      %and3A_235 = vector.broadcast %and3A_234 : i32 to vector<16xi32>
      %and3A_236 = arith.andi %add3A_233, %and3A_235 : vector<16xi32>
      %bitcast3A_237 = vector.bitcast %and3A_236 : vector<16xi32> to vector<16xf32>
      %mul3A_238 = vector.broadcast %mul3A_34 : f32 to vector<16xf32>
      %mul3A_239 = arith.mulf %mul3A_238, %bitcast3A_237 : vector<16xf32>
      %add3A_240 = arith.addf %mul3A_218, %mul3A_239 : vector<16xf32>
      %get3A_241 = arith.constant 2 : i32
      %get3A_242 = arith.index_cast %get3A_241 : i32 to index
      %get3A_243 = arith.constant 32 : index
      %get3A_244 = tpu.vector_load %arg11[%get3A_242, %get3A_243] {strides = array<i32>} : memref<3x384xf32, #tpu.memory_space<vmem>>, vector<16xf32>,
      %bitcast3A_245 = vector.bitcast %get3A_244 : vector<16xf32> to vector<16xi32>
      %shift_right_logical3A_246 = arith.constant 16 : i32
      %shift_right_logical3A_247 = vector.broadcast %shift_right_logical3A_246 : i32 to vector<16xi32>
      %shift_right_logical3A_248 = arith.shrui %bitcast3A_245, %shift_right_logical3A_247 : vector<16xi32>
      %and3A_249 = arith.constant 1 : i32
      %and3A_250 = vector.broadcast %and3A_249 : i32 to vector<16xi32>
      %and3A_251 = arith.andi %shift_right_logical3A_248, %and3A_250 : vector<16xi32>
      %add3A_252 = arith.constant 32767 : i32
      %add3A_253 = vector.broadcast %add3A_252 : i32 to vector<16xi32>
      %add3A_254 = arith.addi %bitcast3A_245, %add3A_253 : vector<16xi32>
      %add3A_255 = arith.addi %add3A_254, %and3A_251 : vector<16xi32>
      %and3A_256 = arith.constant -65536 : i32
      %and3A_257 = vector.broadcast %and3A_256 : i32 to vector<16xi32>
      %and3A_258 = arith.andi %add3A_255, %and3A_257 : vector<16xi32>
      %bitcast3A_259 = vector.bitcast %and3A_258 : vector<16xi32> to vector<16xf32>
      %mul3A_260 = vector.broadcast %mul3A_49 : f32 to vector<16xf32>
      %mul3A_261 = arith.mulf %mul3A_260, %bitcast3A_259 : vector<16xf32>
      %add3A_262 = arith.addf %add3A_240, %mul3A_261 : vector<16xf32>
      %get3A_263 = arith.constant 32 : index
      %get3A_264 = tpu.vector_load %arg12[%get3A_263] {strides = array<i32>} : memref<384xf32, #tpu.memory_space<vmem>>, vector<16xf32>,
      %mul3A_265 = arith.constant 1.99298465E-5 : f32
      %mul3A_266 = vector.broadcast %mul3A_265 : f32 to vector<16xf32>
      %mul3A_267 = arith.mulf %get3A_264, %mul3A_266 : vector<16xf32>
      %sub3A_268 = arith.subf %add3A_262, %mul3A_267 : vector<16xf32>
      %abs3A_269 = math.absf %sub3A_268 : vector<16xf32>
      %neg3A_270 = arith.constant 0.000000e+00 : f32
      %neg3A_271 = vector.broadcast %neg3A_270 : f32 to vector<16xf32>
      %neg3A_272 = arith.subf %neg3A_271, %abs3A_269 : vector<16xf32>
      %swap3A_273 = arith.constant 32 : index
      %swap3A_274 = tpu.vector_load %arg13[%swap3A_273] {strides = array<i32>} : memref<384xf32, #tpu.memory_space<vmem>>, vector<16xf32>,
      tpu.vector_store %arg13[%swap3A_273], %neg3A_272 {strides = array<i32>} : memref<384xf32, #tpu.memory_space<vmem>>, vector<16xf32>,
      %get3A_275 = arith.constant 0 : i32
      %get3A_276 = arith.index_cast %get3A_275 : i32 to index
      %get3A_277 = arith.constant 48 : index
      %get3A_278 = tpu.vector_load %arg11[%get3A_276, %get3A_277] {strides = array<i32>} : memref<3x384xf32, #tpu.memory_space<vmem>>, vector<16xf32>,
      %bitcast3A_279 = vector.bitcast %get3A_278 : vector<16xf32> to vector<16xi32>
      %shift_right_logical3A_280 = arith.constant 16 : i32
      %shift_right_logical3A_281 = vector.broadcast %shift_right_logical3A_280 : i32 to vector<16xi32>
      %shift_right_logical3A_282 = arith.shrui %bitcast3A_279, %shift_right_logical3A_281 : vector<16xi32>
      %and3A_283 = arith.constant 1 : i32
      %and3A_284 = vector.broadcast %and3A_283 : i32 to vector<16xi32>
      %and3A_285 = arith.andi %shift_right_logical3A_282, %and3A_284 : vector<16xi32>
      %add3A_286 = arith.constant 32767 : i32
      %add3A_287 = vector.broadcast %add3A_286 : i32 to vector<16xi32>
      %add3A_288 = arith.addi %bitcast3A_279, %add3A_287 : vector<16xi32>
      %add3A_289 = arith.addi %add3A_288, %and3A_285 : vector<16xi32>
      %and3A_290 = arith.constant -65536 : i32
      %and3A_291 = vector.broadcast %and3A_290 : i32 to vector<16xi32>
      %and3A_292 = arith.andi %add3A_289, %and3A_291 : vector<16xi32>
      %bitcast3A_293 = vector.bitcast %and3A_292 : vector<16xi32> to vector<16xf32>
      %mul3A_294 = vector.broadcast %mul3A_19 : f32 to vector<16xf32>
      %mul3A_295 = arith.mulf %mul3A_294, %bitcast3A_293 : vector<16xf32>
      %get3A_296 = arith.constant 1 : i32
      %get3A_297 = arith.index_cast %get3A_296 : i32 to index
      %get3A_298 = arith.constant 48 : index
      %get3A_299 = tpu.vector_load %arg11[%get3A_297, %get3A_298] {strides = array<i32>} : memref<3x384xf32, #tpu.memory_space<vmem>>, vector<16xf32>,
      %bitcast3A_300 = vector.bitcast %get3A_299 : vector<16xf32> to vector<16xi32>
      %shift_right_logical3A_301 = arith.constant 16 : i32
      %shift_right_logical3A_302 = vector.broadcast %shift_right_logical3A_301 : i32 to vector<16xi32>
      %shift_right_logical3A_303 = arith.shrui %bitcast3A_300, %shift_right_logical3A_302 : vector<16xi32>
      %and3A_304 = arith.constant 1 : i32
      %and3A_305 = vector.broadcast %and3A_304 : i32 to vector<16xi32>
      %and3A_306 = arith.andi %shift_right_logical3A_303, %and3A_305 : vector<16xi32>
      %add3A_307 = arith.constant 32767 : i32
      %add3A_308 = vector.broadcast %add3A_307 : i32 to vector<16xi32>
      %add3A_309 = arith.addi %bitcast3A_300, %add3A_308 : vector<16xi32>
      %add3A_310 = arith.addi %add3A_309, %and3A_306 : vector<16xi32>
      %and3A_311 = arith.constant -65536 : i32
      %and3A_312 = vector.broadcast %and3A_311 : i32 to vector<16xi32>
      %and3A_313 = arith.andi %add3A_310, %and3A_312 : vector<16xi32>
      %bitcast3A_314 = vector.bitcast %and3A_313 : vector<16xi32> to vector<16xf32>
      %mul3A_315 = vector.broadcast %mul3A_34 : f32 to vector<16xf32>
      %mul3A_316 = arith.mulf %mul3A_315, %bitcast3A_314 : vector<16xf32>
      %add3A_317 = arith.addf %mul3A_295, %mul3A_316 : vector<16xf32>
      %get3A_318 = arith.constant 2 : i32
      %get3A_319 = arith.index_cast %get3A_318 : i32 to index
      %get3A_320 = arith.constant 48 : index
      %get3A_321 = tpu.vector_load %arg11[%get3A_319, %get3A_320] {strides = array<i32>} : memref<3x384xf32, #tpu.memory_space<vmem>>, vector<16xf32>,
      %bitcast3A_322 = vector.bitcast %get3A_321 : vector<16xf32> to vector<16xi32>
      %shift_right_logical3A_323 = arith.constant 16 : i32
      %shift_right_logical3A_324 = vector.broadcast %shift_right_logical3A_323 : i32 to vector<16xi32>
      %shift_right_logical3A_325 = arith.shrui %bitcast3A_322, %shift_right_logical3A_324 : vector<16xi32>
      %and3A_326 = arith.constant 1 : i32
      %and3A_327 = vector.broadcast %and3A_326 : i32 to vector<16xi32>
      %and3A_328 = arith.andi %shift_right_logical3A_325, %and3A_327 : vector<16xi32>
      %add3A_329 = arith.constant 32767 : i32
      %add3A_330 = vector.broadcast %add3A_329 : i32 to vector<16xi32>
      %add3A_331 = arith.addi %bitcast3A_322, %add3A_330 : vector<16xi32>
      %add3A_332 = arith.addi %add3A_331, %and3A_328 : vector<16xi32>
      %and3A_333 = arith.constant -65536 : i32
      %and3A_334 = vector.broadcast %and3A_333 : i32 to vector<16xi32>
      %and3A_335 = arith.andi %add3A_332, %and3A_334 : vector<16xi32>
      %bitcast3A_336 = vector.bitcast %and3A_335 : vector<16xi32> to vector<16xf32>
      %mul3A_337 = vector.broadcast %mul3A_49 : f32 to vector<16xf32>
      %mul3A_338 = arith.mulf %mul3A_337, %bitcast3A_336 : vector<16xf32>
      %add3A_339 = arith.addf %add3A_317, %mul3A_338 : vector<16xf32>
      %get3A_340 = arith.constant 48 : index
      %get3A_341 = tpu.vector_load %arg12[%get3A_340] {strides = array<i32>} : memref<384xf32, #tpu.memory_space<vmem>>, vector<16xf32>,
      %mul3A_342 = arith.constant 1.99298465E-5 : f32
      %mul3A_343 = vector.broadcast %mul3A_342 : f32 to vector<16xf32>
      %mul3A_344 = arith.mulf %get3A_341, %mul3A_343 : vector<16xf32>
      %sub3A_345 = arith.subf %add3A_339, %mul3A_344 : vector<16xf32>
      %abs3A_346 = math.absf %sub3A_345 : vector<16xf32>
      %neg3A_347 = arith.constant 0.000000e+00 : f32
      %neg3A_348 = vector.broadcast %neg3A_347 : f32 to vector<16xf32>
      %neg3A_349 = arith.subf %neg3A_348, %abs3A_346 : vector<16xf32>
      %swap3A_350 = arith.constant 48 : index
      %swap3A_351 = tpu.vector_load %arg13[%swap3A_350] {strides = array<i32>} : memref<384xf32, #tpu.memory_space<vmem>>, vector<16xf32>,
      tpu.vector_store %arg13[%swap3A_350], %neg3A_349 {strides = array<i32>} : memref<384xf32, #tpu.memory_space<vmem>>, vector<16xf32>,
      %get3A_352 = arith.constant 0 : i32
      %get3A_353 = arith.index_cast %get3A_352 : i32 to index
      %get3A_354 = arith.constant 64 : index
      %get3A_355 = tpu.vector_load %arg11[%get3A_353, %get3A_354] {strides = array<i32>} : memref<3x384xf32, #tpu.memory_space<vmem>>, vector<16xf32>,
      %bitcast3A_356 = vector.bitcast %get3A_355 : vector<16xf32> to vector<16xi32>
      %shift_right_logical3A_357 = arith.constant 16 : i32
      %shift_right_logical3A_358 = vector.broadcast %shift_right_logical3A_357 : i32 to vector<16xi32>
      %shift_right_logical3A_359 = arith.shrui %bitcast3A_356, %shift_right_logical3A_358 : vector<16xi32>
      %and3A_360 = arith.constant 1 : i32
      %and3A_361 = vector.broadcast %and3A_360 : i32 to vector<16xi32>
      %and3A_362 = arith.andi %shift_right_logical3A_359, %and3A_361 : vector<16xi32>
      %add3A_363 = arith.constant 32767 : i32
      %add3A_364 = vector.broadcast %add3A_363 : i32 to vector<16xi32>
      %add3A_365 = arith.addi %bitcast3A_356, %add3A_364 : vector<16xi32>
      %add3A_366 = arith.addi %add3A_365, %and3A_362 : vector<16xi32>
      %and3A_367 = arith.constant -65536 : i32
      %and3A_368 = vector.broadcast %and3A_367 : i32 to vector<16xi32>
      %and3A_369 = arith.andi %add3A_366, %and3A_368 : vector<16xi32>
      %bitcast3A_370 = vector.bitcast %and3A_369 : vector<16xi32> to vector<16xf32>
      %mul3A_371 = vector.broadcast %mul3A_19 : f32 to vector<16xf32>
      %mul3A_372 = arith.mulf %mul3A_371, %bitcast3A_370 : vector<16xf32>
      %get3A_373 = arith.constant 1 : i32
      %get3A_374 = arith.index_cast %get3A_373 : i32 to index
      %get3A_375 = arith.constant 64 : index
      %get3A_376 = tpu.vector_load %arg11[%get3A_374, %get3A_375] {strides = array<i32>} : memref<3x384xf32, #tpu.memory_space<vmem>>, vector<16xf32>,
      %bitcast3A_377 = vector.bitcast %get3A_376 : vector<16xf32> to vector<16xi32>
      %shift_right_logical3A_378 = arith.constant 16 : i32
      %shift_right_logical3A_379 = vector.broadcast %shift_right_logical3A_378 : i32 to vector<16xi32>
      %shift_right_logical3A_380 = arith.shrui %bitcast3A_377, %shift_right_logical3A_379 : vector<16xi32>
      %and3A_381 = arith.constant 1 : i32
      %and3A_382 = vector.broadcast %and3A_381 : i32 to vector<16xi32>
      %and3A_383 = arith.andi %shift_right_logical3A_380, %and3A_382 : vector<16xi32>
      %add3A_384 = arith.constant 32767 : i32
      %add3A_385 = vector.broadcast %add3A_384 : i32 to vector<16xi32>
      %add3A_386 = arith.addi %bitcast3A_377, %add3A_385 : vector<16xi32>
      %add3A_387 = arith.addi %add3A_386, %and3A_383 : vector<16xi32>
      %and3A_388 = arith.constant -65536 : i32
      %and3A_389 = vector.broadcast %and3A_388 : i32 to vector<16xi32>
      %and3A_390 = arith.andi %add3A_387, %and3A_389 : vector<16xi32>
      %bitcast3A_391 = vector.bitcast %and3A_390 : vector<16xi32> to vector<16xf32>
      %mul3A_392 = vector.broadcast %mul3A_34 : f32 to vector<16xf32>
      %mul3A_393 = arith.mulf %mul3A_392, %bitcast3A_391 : vector<16xf32>
      %add3A_394 = arith.addf %mul3A_372, %mul3A_393 : vector<16xf32>
      %get3A_395 = arith.constant 2 : i32
      %get3A_396 = arith.index_cast %get3A_395 : i32 to index
      %get3A_397 = arith.constant 64 : index
      %get3A_398 = tpu.vector_load %arg11[%get3A_396, %get3A_397] {strides = array<i32>} : memref<3x384xf32, #tpu.memory_space<vmem>>, vector<16xf32>,
      %bitcast3A_399 = vector.bitcast %get3A_398 : vector<16xf32> to vector<16xi32>
      %shift_right_logical3A_400 = arith.constant 16 : i32
      %shift_right_logical3A_401 = vector.broadcast %shift_right_logical3A_400 : i32 to vector<16xi32>
      %shift_right_logical3A_402 = arith.shrui %bitcast3A_399, %shift_right_logical3A_401 : vector<16xi32>
      %and3A_403 = arith.constant 1 : i32
      %and3A_404 = vector.broadcast %and3A_403 : i32 to vector<16xi32>
      %and3A_405 = arith.andi %shift_right_logical3A_402, %and3A_404 : vector<16xi32>
      %add3A_406 = arith.constant 32767 : i32
      %add3A_407 = vector.broadcast %add3A_406 : i32 to vector<16xi32>
      %add3A_408 = arith.addi %bitcast3A_399, %add3A_407 : vector<16xi32>
      %add3A_409 = arith.addi %add3A_408, %and3A_405 : vector<16xi32>
      %and3A_410 = arith.constant -65536 : i32
      %and3A_411 = vector.broadcast %and3A_410 : i32 to vector<16xi32>
      %and3A_412 = arith.andi %add3A_409, %and3A_411 : vector<16xi32>
      %bitcast3A_413 = vector.bitcast %and3A_412 : vector<16xi32> to vector<16xf32>
      %mul3A_414 = vector.broadcast %mul3A_49 : f32 to vector<16xf32>
      %mul3A_415 = arith.mulf %mul3A_414, %bitcast3A_413 : vector<16xf32>
      %add3A_416 = arith.addf %add3A_394, %mul3A_415 : vector<16xf32>
      %get3A_417 = arith.constant 64 : index
      %get3A_418 = tpu.vector_load %arg12[%get3A_417] {strides = array<i32>} : memref<384xf32, #tpu.memory_space<vmem>>, vector<16xf32>,
      %mul3A_419 = arith.constant 1.99298465E-5 : f32
      %mul3A_420 = vector.broadcast %mul3A_419 : f32 to vector<16xf32>
      %mul3A_421 = arith.mulf %get3A_418, %mul3A_420 : vector<16xf32>
      %sub3A_422 = arith.subf %add3A_416, %mul3A_421 : vector<16xf32>
      %abs3A_423 = math.absf %sub3A_422 : vector<16xf32>
      %neg3A_424 = arith.constant 0.000000e+00 : f32
      %neg3A_425 = vector.broadcast %neg3A_424 : f32 to vector<16xf32>
      %neg3A_426 = arith.subf %neg3A_425, %abs3A_423 : vector<16xf32>
      %swap3A_427 = arith.constant 64 : index
      %swap3A_428 = tpu.vector_load %arg13[%swap3A_427] {strides = array<i32>} : memref<384xf32, #tpu.memory_space<vmem>>, vector<16xf32>,
      tpu.vector_store %arg13[%swap3A_427], %neg3A_426 {strides = array<i32>} : memref<384xf32, #tpu.memory_space<vmem>>, vector<16xf32>,
      %get3A_429 = arith.constant 0 : i32
      %get3A_430 = arith.index_cast %get3A_429 : i32 to index
      %get3A_431 = arith.constant 80 : index
      %get3A_432 = tpu.vector_load %arg11[%get3A_430, %get3A_431] {strides = array<i32>} : memref<3x384xf32, #tpu.memory_space<vmem>>, vector<16xf32>,
      %bitcast3A_433 = vector.bitcast %get3A_432 : vector<16xf32> to vector<16xi32>
      %shift_right_logical3A_434 = arith.constant 16 : i32
      %shift_right_logical3A_435 = vector.broadcast %shift_right_logical3A_434 : i32 to vector<16xi32>
      %shift_right_logical3A_436 = arith.shrui %bitcast3A_433, %shift_right_logical3A_435 : vector<16xi32>
      %and3A_437 = arith.constant 1 : i32
      %and3A_438 = vector.broadcast %and3A_437 : i32 to vector<16xi32>
      %and3A_439 = arith.andi %shift_right_logical3A_436, %and3A_438 : vector<16xi32>
      %add3A_440 = arith.constant 32767 : i32
      %add3A_441 = vector.broadcast %add3A_440 : i32 to vector<16xi32>
      %add3A_442 = arith.addi %bitcast3A_433, %add3A_441 : vector<16xi32>
      %add3A_443 = arith.addi %add3A_442, %and3A_439 : vector<16xi32>
      %and3A_444 = arith.constant -65536 : i32
      %and3A_445 = vector.broadcast %and3A_444 : i32 to vector<16xi32>
      %and3A_446 = arith.andi %add3A_443, %and3A_445 : vector<16xi32>
      %bitcast3A_447 = vector.bitcast %and3A_446 : vector<16xi32> to vector<16xf32>
      %mul3A_448 = vector.broadcast %mul3A_19 : f32 to vector<16xf32>
      %mul3A_449 = arith.mulf %mul3A_448, %bitcast3A_447 : vector<16xf32>
      %get3A_450 = arith.constant 1 : i32
      %get3A_451 = arith.index_cast %get3A_450 : i32 to index
      %get3A_452 = arith.constant 80 : index
      %get3A_453 = tpu.vector_load %arg11[%get3A_451, %get3A_452] {strides = array<i32>} : memref<3x384xf32, #tpu.memory_space<vmem>>, vector<16xf32>,
      %bitcast3A_454 = vector.bitcast %get3A_453 : vector<16xf32> to vector<16xi32>
      %shift_right_logical3A_455 = arith.constant 16 : i32
      %shift_right_logical3A_456 = vector.broadcast %shift_right_logical3A_455 : i32 to vector<16xi32>
      %shift_right_logical3A_457 = arith.shrui %bitcast3A_454, %shift_right_logical3A_456 : vector<16xi32>
      %and3A_458 = arith.constant 1 : i32
      %and3A_459 = vector.broadcast %and3A_458 : i32 to vector<16xi32>
      %and3A_460 = arith.andi %shift_right_logical3A_457, %and3A_459 : vector<16xi32>
      %add3A_461 = arith.constant 32767 : i32
      %add3A_462 = vector.broadcast %add3A_461 : i32 to vector<16xi32>
      %add3A_463 = arith.addi %bitcast3A_454, %add3A_462 : vector<16xi32>
      %add3A_464 = arith.addi %add3A_463, %and3A_460 : vector<16xi32>
      %and3A_465 = arith.constant -65536 : i32
      %and3A_466 = vector.broadcast %and3A_465 : i32 to vector<16xi32>
      %and3A_467 = arith.andi %add3A_464, %and3A_466 : vector<16xi32>
      %bitcast3A_468 = vector.bitcast %and3A_467 : vector<16xi32> to vector<16xf32>
      %mul3A_469 = vector.broadcast %mul3A_34 : f32 to vector<16xf32>
      %mul3A_470 = arith.mulf %mul3A_469, %bitcast3A_468 : vector<16xf32>
      %add3A_471 = arith.addf %mul3A_449, %mul3A_470 : vector<16xf32>
      %get3A_472 = arith.constant 2 : i32
      %get3A_473 = arith.index_cast %get3A_472 : i32 to index
      %get3A_474 = arith.constant 80 : index
      %get3A_475 = tpu.vector_load %arg11[%get3A_473, %get3A_474] {strides = array<i32>} : memref<3x384xf32, #tpu.memory_space<vmem>>, vector<16xf32>,
      %bitcast3A_476 = vector.bitcast %get3A_475 : vector<16xf32> to vector<16xi32>
      %shift_right_logical3A_477 = arith.constant 16 : i32
      %shift_right_logical3A_478 = vector.broadcast %shift_right_logical3A_477 : i32 to vector<16xi32>
      %shift_right_logical3A_479 = arith.shrui %bitcast3A_476, %shift_right_logical3A_478 : vector<16xi32>
      %and3A_480 = arith.constant 1 : i32
      %and3A_481 = vector.broadcast %and3A_480 : i32 to vector<16xi32>
      %and3A_482 = arith.andi %shift_right_logical3A_479, %and3A_481 : vector<16xi32>
      %add3A_483 = arith.constant 32767 : i32
      %add3A_484 = vector.broadcast %add3A_483 : i32 to vector<16xi32>
      %add3A_485 = arith.addi %bitcast3A_476, %add3A_484 : vector<16xi32>
      %add3A_486 = arith.addi %add3A_485, %and3A_482 : vector<16xi32>
      %and3A_487 = arith.constant -65536 : i32
      %and3A_488 = vector.broadcast %and3A_487 : i32 to vector<16xi32>
      %and3A_489 = arith.andi %add3A_486, %and3A_488 : vector<16xi32>
      %bitcast3A_490 = vector.bitcast %and3A_489 : vector<16xi32> to vector<16xf32>
      %mul3A_491 = vector.broadcast %mul3A_49 : f32 to vector<16xf32>
      %mul3A_492 = arith.mulf %mul3A_491, %bitcast3A_490 : vector<16xf32>
      %add3A_493 = arith.addf %add3A_471, %mul3A_492 : vector<16xf32>
      %get3A_494 = arith.constant 80 : index
      %get3A_495 = tpu.vector_load %arg12[%get3A_494] {strides = array<i32>} : memref<384xf32, #tpu.memory_space<vmem>>, vector<16xf32>,
      %mul3A_496 = arith.constant 1.99298465E-5 : f32
      %mul3A_497 = vector.broadcast %mul3A_496 : f32 to vector<16xf32>
      %mul3A_498 = arith.mulf %get3A_495, %mul3A_497 : vector<16xf32>
      %sub3A_499 = arith.subf %add3A_493, %mul3A_498 : vector<16xf32>
      %abs3A_500 = math.absf %sub3A_499 : vector<16xf32>
      %neg3A_501 = arith.constant 0.000000e+00 : f32
      %neg3A_502 = vector.broadcast %neg3A_501 : f32 to vector<16xf32>
      %neg3A_503 = arith.subf %neg3A_502, %abs3A_500 : vector<16xf32>
      %swap3A_504 = arith.constant 80 : index
      %swap3A_505 = tpu.vector_load %arg13[%swap3A_504] {strides = array<i32>} : memref<384xf32, #tpu.memory_space<vmem>>, vector<16xf32>,
      tpu.vector_store %arg13[%swap3A_504], %neg3A_503 {strides = array<i32>} : memref<384xf32, #tpu.memory_space<vmem>>, vector<16xf32>,
      %get3A_506 = arith.constant 0 : i32
      %get3A_507 = arith.index_cast %get3A_506 : i32 to index
      %get3A_508 = arith.constant 96 : index
      %get3A_509 = tpu.vector_load %arg11[%get3A_507, %get3A_508] {strides = array<i32>} : memref<3x384xf32, #tpu.memory_space<vmem>>, vector<16xf32>,
      %bitcast3A_510 = vector.bitcast %get3A_509 : vector<16xf32> to vector<16xi32>
      %shift_right_logical3A_511 = arith.constant 16 : i32
      %shift_right_logical3A_512 = vector.broadcast %shift_right_logical3A_511 : i32 to vector<16xi32>
      %shift_right_logical3A_513 = arith.shrui %bitcast3A_510, %shift_right_logical3A_512 : vector<16xi32>
      %and3A_514 = arith.constant 1 : i32
      %and3A_515 = vector.broadcast %and3A_514 : i32 to vector<16xi32>
      %and3A_516 = arith.andi %shift_right_logical3A_513, %and3A_515 : vector<16xi32>
      %add3A_517 = arith.constant 32767 : i32
      %add3A_518 = vector.broadcast %add3A_517 : i32 to vector<16xi32>
      %add3A_519 = arith.addi %bitcast3A_510, %add3A_518 : vector<16xi32>
      %add3A_520 = arith.addi %add3A_519, %and3A_516 : vector<16xi32>
      %and3A_521 = arith.constant -65536 : i32
      %and3A_522 = vector.broadcast %and3A_521 : i32 to vector<16xi32>
      %and3A_523 = arith.andi %add3A_520, %and3A_522 : vector<16xi32>
      %bitcast3A_524 = vector.bitcast %and3A_523 : vector<16xi32> to vector<16xf32>
      %mul3A_525 = vector.broadcast %mul3A_19 : f32 to vector<16xf32>
      %mul3A_526 = arith.mulf %mul3A_525, %bitcast3A_524 : vector<16xf32>
      %get3A_527 = arith.constant 1 : i32
      %get3A_528 = arith.index_cast %get3A_527 : i32 to index
      %get3A_529 = arith.constant 96 : index
      %get3A_530 = tpu.vector_load %arg11[%get3A_528, %get3A_529] {strides = array<i32>} : memref<3x384xf32, #tpu.memory_space<vmem>>, vector<16xf32>,
      %bitcast3A_531 = vector.bitcast %get3A_530 : vector<16xf32> to vector<16xi32>
      %shift_right_logical3A_532 = arith.constant 16 : i32
      %shift_right_logical3A_533 = vector.broadcast %shift_right_logical3A_532 : i32 to vector<16xi32>
      %shift_right_logical3A_534 = arith.shrui %bitcast3A_531, %shift_right_logical3A_533 : vector<16xi32>
      %and3A_535 = arith.constant 1 : i32
      %and3A_536 = vector.broadcast %and3A_535 : i32 to vector<16xi32>
      %and3A_537 = arith.andi %shift_right_logical3A_534, %and3A_536 : vector<16xi32>
      %add3A_538 = arith.constant 32767 : i32
      %add3A_539 = vector.broadcast %add3A_538 : i32 to vector<16xi32>
      %add3A_540 = arith.addi %bitcast3A_531, %add3A_539 : vector<16xi32>
      %add3A_541 = arith.addi %add3A_540, %and3A_537 : vector<16xi32>
      %and3A_542 = arith.constant -65536 : i32
      %and3A_543 = vector.broadcast %and3A_542 : i32 to vector<16xi32>
      %and3A_544 = arith.andi %add3A_541, %and3A_543 : vector<16xi32>
      %bitcast3A_545 = vector.bitcast %and3A_544 : vector<16xi32> to vector<16xf32>
      %mul3A_546 = vector.broadcast %mul3A_34 : f32 to vector<16xf32>
      %mul3A_547 = arith.mulf %mul3A_546, %bitcast3A_545 : vector<16xf32>
      %add3A_548 = arith.addf %mul3A_526, %mul3A_547 : vector<16xf32>
      %get3A_549 = arith.constant 2 : i32
      %get3A_550 = arith.index_cast %get3A_549 : i32 to index
      %get3A_551 = arith.constant 96 : index
      %get3A_552 = tpu.vector_load %arg11[%get3A_550, %get3A_551] {strides = array<i32>} : memref<3x384xf32, #tpu.memory_space<vmem>>, vector<16xf32>,
      %bitcast3A_553 = vector.bitcast %get3A_552 : vector<16xf32> to vector<16xi32>
      %shift_right_logical3A_554 = arith.constant 16 : i32
      %shift_right_logical3A_555 = vector.broadcast %shift_right_logical3A_554 : i32 to vector<16xi32>
      %shift_right_logical3A_556 = arith.shrui %bitcast3A_553, %shift_right_logical3A_555 : vector<16xi32>
      %and3A_557 = arith.constant 1 : i32
      %and3A_558 = vector.broadcast %and3A_557 : i32 to vector<16xi32>
      %and3A_559 = arith.andi %shift_right_logical3A_556, %and3A_558 : vector<16xi32>
      %add3A_560 = arith.constant 32767 : i32
      %add3A_561 = vector.broadcast %add3A_560 : i32 to vector<16xi32>
      %add3A_562 = arith.addi %bitcast3A_553, %add3A_561 : vector<16xi32>
      %add3A_563 = arith.addi %add3A_562, %and3A_559 : vector<16xi32>
      %and3A_564 = arith.constant -65536 : i32
      %and3A_565 = vector.broadcast %and3A_564 : i32 to vector<16xi32>
      %and3A_566 = arith.andi %add3A_563, %and3A_565 : vector<16xi32>
      %bitcast3A_567 = vector.bitcast %and3A_566 : vector<16xi32> to vector<16xf32>
      %mul3A_568 = vector.broadcast %mul3A_49 : f32 to vector<16xf32>
      %mul3A_569 = arith.mulf %mul3A_568, %bitcast3A_567 : vector<16xf32>
      %add3A_570 = arith.addf %add3A_548, %mul3A_569 : vector<16xf32>
      %get3A_571 = arith.constant 96 : index
      %get3A_572 = tpu.vector_load %arg12[%get3A_571] {strides = array<i32>} : memref<384xf32, #tpu.memory_space<vmem>>, vector<16xf32>,
      %mul3A_573 = arith.constant 1.99298465E-5 : f32
      %mul3A_574 = vector.broadcast %mul3A_573 : f32 to vector<16xf32>
      %mul3A_575 = arith.mulf %get3A_572, %mul3A_574 : vector<16xf32>
      %sub3A_576 = arith.subf %add3A_570, %mul3A_575 : vector<16xf32>
      %abs3A_577 = math.absf %sub3A_576 : vector<16xf32>
      %neg3A_578 = arith.constant 0.000000e+00 : f32
      %neg3A_579 = vector.broadcast %neg3A_578 : f32 to vector<16xf32>
      %neg3A_580 = arith.subf %neg3A_579, %abs3A_577 : vector<16xf32>
      %swap3A_581 = arith.constant 96 : index
      %swap3A_582 = tpu.vector_load %arg13[%swap3A_581] {strides = array<i32>} : memref<384xf32, #tpu.memory_space<vmem>>, vector<16xf32>,
      tpu.vector_store %arg13[%swap3A_581], %neg3A_580 {strides = array<i32>} : memref<384xf32, #tpu.memory_space<vmem>>, vector<16xf32>,
      %get3A_583 = arith.constant 0 : i32
      %get3A_584 = arith.index_cast %get3A_583 : i32 to index
      %get3A_585 = arith.constant 112 : index
      %get3A_586 = tpu.vector_load %arg11[%get3A_584, %get3A_585] {strides = array<i32>} : memref<3x384xf32, #tpu.memory_space<vmem>>, vector<16xf32>,
      %bitcast3A_587 = vector.bitcast %get3A_586 : vector<16xf32> to vector<16xi32>
      %shift_right_logical3A_588 = arith.constant 16 : i32
      %shift_right_logical3A_589 = vector.broadcast %shift_right_logical3A_588 : i32 to vector<16xi32>
      %shift_right_logical3A_590 = arith.shrui %bitcast3A_587, %shift_right_logical3A_589 : vector<16xi32>
      %and3A_591 = arith.constant 1 : i32
      %and3A_592 = vector.broadcast %and3A_591 : i32 to vector<16xi32>
      %and3A_593 = arith.andi %shift_right_logical3A_590, %and3A_592 : vector<16xi32>
      %add3A_594 = arith.constant 32767 : i32
      %add3A_595 = vector.broadcast %add3A_594 : i32 to vector<16xi32>
      %add3A_596 = arith.addi %bitcast3A_587, %add3A_595 : vector<16xi32>
      %add3A_597 = arith.addi %add3A_596, %and3A_593 : vector<16xi32>
      %and3A_598 = arith.constant -65536 : i32
      %and3A_599 = vector.broadcast %and3A_598 : i32 to vector<16xi32>
      %and3A_600 = arith.andi %add3A_597, %and3A_599 : vector<16xi32>
      %bitcast3A_601 = vector.bitcast %and3A_600 : vector<16xi32> to vector<16xf32>
      %mul3A_602 = vector.broadcast %mul3A_19 : f32 to vector<16xf32>
      %mul3A_603 = arith.mulf %mul3A_602, %bitcast3A_601 : vector<16xf32>
      %get3A_604 = arith.constant 1 : i32
      %get3A_605 = arith.index_cast %get3A_604 : i32 to index
      %get3A_606 = arith.constant 112 : index
      %get3A_607 = tpu.vector_load %arg11[%get3A_605, %get3A_606] {strides = array<i32>} : memref<3x384xf32, #tpu.memory_space<vmem>>, vector<16xf32>,
      %bitcast3A_608 = vector.bitcast %get3A_607 : vector<16xf32> to vector<16xi32>
      %shift_right_logical3A_609 = arith.constant 16 : i32
      %shift_right_logical3A_610 = vector.broadcast %shift_right_logical3A_609 : i32 to vector<16xi32>
      %shift_right_logical3A_611 = arith.shrui %bitcast3A_608, %shift_right_logical3A_610 : vector<16xi32>
      %and3A_612 = arith.constant 1 : i32
      %and3A_613 = vector.broadcast %and3A_612 : i32 to vector<16xi32>
      %and3A_614 = arith.andi %shift_right_logical3A_611, %and3A_613 : vector<16xi32>
      %add3A_615 = arith.constant 32767 : i32
      %add3A_616 = vector.broadcast %add3A_615 : i32 to vector<16xi32>
      %add3A_617 = arith.addi %bitcast3A_608, %add3A_616 : vector<16xi32>
      %add3A_618 = arith.addi %add3A_617, %and3A_614 : vector<16xi32>
      %and3A_619 = arith.constant -65536 : i32
      %and3A_620 = vector.broadcast %and3A_619 : i32 to vector<16xi32>
      %and3A_621 = arith.andi %add3A_618, %and3A_620 : vector<16xi32>
      %bitcast3A_622 = vector.bitcast %and3A_621 : vector<16xi32> to vector<16xf32>
      %mul3A_623 = vector.broadcast %mul3A_34 : f32 to vector<16xf32>
      %mul3A_624 = arith.mulf %mul3A_623, %bitcast3A_622 : vector<16xf32>
      %add3A_625 = arith.addf %mul3A_603, %mul3A_624 : vector<16xf32>
      %get3A_626 = arith.constant 2 : i32
      %get3A_627 = arith.index_cast %get3A_626 : i32 to index
      %get3A_628 = arith.constant 112 : index
      %get3A_629 = tpu.vector_load %arg11[%get3A_627, %get3A_628] {strides = array<i32>} : memref<3x384xf32, #tpu.memory_space<vmem>>, vector<16xf32>,
      %bitcast3A_630 = vector.bitcast %get3A_629 : vector<16xf32> to vector<16xi32>
      %shift_right_logical3A_631 = arith.constant 16 : i32
      %shift_right_logical3A_632 = vector.broadcast %shift_right_logical3A_631 : i32 to vector<16xi32>
      %shift_right_logical3A_633 = arith.shrui %bitcast3A_630, %shift_right_logical3A_632 : vector<16xi32>
      %and3A_634 = arith.constant 1 : i32
      %and3A_635 = vector.broadcast %and3A_634 : i32 to vector<16xi32>
      %and3A_636 = arith.andi %shift_right_logical3A_633, %and3A_635 : vector<16xi32>
      %add3A_637 = arith.constant 32767 : i32
      %add3A_638 = vector.broadcast %add3A_637 : i32 to vector<16xi32>
      %add3A_639 = arith.addi %bitcast3A_630, %add3A_638 : vector<16xi32>
      %add3A_640 = arith.addi %add3A_639, %and3A_636 : vector<16xi32>
      %and3A_641 = arith.constant -65536 : i32
      %and3A_642 = vector.broadcast %and3A_641 : i32 to vector<16xi32>
      %and3A_643 = arith.andi %add3A_640, %and3A_642 : vector<16xi32>
      %bitcast3A_644 = vector.bitcast %and3A_643 : vector<16xi32> to vector<16xf32>
      %mul3A_645 = vector.broadcast %mul3A_49 : f32 to vector<16xf32>
      %mul3A_646 = arith.mulf %mul3A_645, %bitcast3A_644 : vector<16xf32>
      %add3A_647 = arith.addf %add3A_625, %mul3A_646 : vector<16xf32>
      %get3A_648 = arith.constant 112 : index
      %get3A_649 = tpu.vector_load %arg12[%get3A_648] {strides = array<i32>} : memref<384xf32, #tpu.memory_space<vmem>>, vector<16xf32>,
      %mul3A_650 = arith.constant 1.99298465E-5 : f32
      %mul3A_651 = vector.broadcast %mul3A_650 : f32 to vector<16xf32>
      %mul3A_652 = arith.mulf %get3A_649, %mul3A_651 : vector<16xf32>
      %sub3A_653 = arith.subf %add3A_647, %mul3A_652 : vector<16xf32>
      %abs3A_654 = math.absf %sub3A_653 : vector<16xf32>
      %neg3A_655 = arith.constant 0.000000e+00 : f32
      %neg3A_656 = vector.broadcast %neg3A_655 : f32 to vector<16xf32>
      %neg3A_657 = arith.subf %neg3A_656, %abs3A_654 : vector<16xf32>
      %swap3A_658 = arith.constant 112 : index
      %swap3A_659 = tpu.vector_load %arg13[%swap3A_658] {strides = array<i32>} : memref<384xf32, #tpu.memory_space<vmem>>, vector<16xf32>,
      tpu.vector_store %arg13[%swap3A_658], %neg3A_657 {strides = array<i32>} : memref<384xf32, #tpu.memory_space<vmem>>, vector<16xf32>,
      %get3A_660 = arith.constant 0 : i32
      %get3A_661 = arith.index_cast %get3A_660 : i32 to index
      %get3A_662 = arith.constant 128 : index
      %get3A_663 = tpu.vector_load %arg11[%get3A_661, %get3A_662] {strides = array<i32>} : memref<3x384xf32, #tpu.memory_space<vmem>>, vector<16xf32>,
      %bitcast3A_664 = vector.bitcast %get3A_663 : vector<16xf32> to vector<16xi32>
      %shift_right_logical3A_665 = arith.constant 16 : i32
      %shift_right_logical3A_666 = vector.broadcast %shift_right_logical3A_665 : i32 to vector<16xi32>
      %shift_right_logical3A_667 = arith.shrui %bitcast3A_664, %shift_right_logical3A_666 : vector<16xi32>
      %and3A_668 = arith.constant 1 : i32
      %and3A_669 = vector.broadcast %and3A_668 : i32 to vector<16xi32>
      %and3A_670 = arith.andi %shift_right_logical3A_667, %and3A_669 : vector<16xi32>
      %add3A_671 = arith.constant 32767 : i32
      %add3A_672 = vector.broadcast %add3A_671 : i32 to vector<16xi32>
      %add3A_673 = arith.addi %bitcast3A_664, %add3A_672 : vector<16xi32>
      %add3A_674 = arith.addi %add3A_673, %and3A_670 : vector<16xi32>
      %and3A_675 = arith.constant -65536 : i32
      %and3A_676 = vector.broadcast %and3A_675 : i32 to vector<16xi32>
      %and3A_677 = arith.andi %add3A_674, %and3A_676 : vector<16xi32>
      %bitcast3A_678 = vector.bitcast %and3A_677 : vector<16xi32> to vector<16xf32>
      %mul3A_679 = vector.broadcast %mul3A_19 : f32 to vector<16xf32>
      %mul3A_680 = arith.mulf %mul3A_679, %bitcast3A_678 : vector<16xf32>
      %get3A_681 = arith.constant 1 : i32
      %get3A_682 = arith.index_cast %get3A_681 : i32 to index
      %get3A_683 = arith.constant 128 : index
      %get3A_684 = tpu.vector_load %arg11[%get3A_682, %get3A_683] {strides = array<i32>} : memref<3x384xf32, #tpu.memory_space<vmem>>, vector<16xf32>,
      %bitcast3A_685 = vector.bitcast %get3A_684 : vector<16xf32> to vector<16xi32>
      %shift_right_logical3A_686 = arith.constant 16 : i32
      %shift_right_logical3A_687 = vector.broadcast %shift_right_logical3A_686 : i32 to vector<16xi32>
      %shift_right_logical3A_688 = arith.shrui %bitcast3A_685, %shift_right_logical3A_687 : vector<16xi32>
      %and3A_689 = arith.constant 1 : i32
      %and3A_690 = vector.broadcast %and3A_689 : i32 to vector<16xi32>
      %and3A_691 = arith.andi %shift_right_logical3A_688, %and3A_690 : vector<16xi32>
      %add3A_692 = arith.constant 32767 : i32
      %add3A_693 = vector.broadcast %add3A_692 : i32 to vector<16xi32>
      %add3A_694 = arith.addi %bitcast3A_685, %add3A_693 : vector<16xi32>
      %add3A_695 = arith.addi %add3A_694, %and3A_691 : vector<16xi32>
      %and3A_696 = arith.constant -65536 : i32
      %and3A_697 = vector.broadcast %and3A_696 : i32 to vector<16xi32>
      %and3A_698 = arith.andi %add3A_695, %and3A_697 : vector<16xi32>
      %bitcast3A_699 = vector.bitcast %and3A_698 : vector<16xi32> to vector<16xf32>
      %mul3A_700 = vector.broadcast %mul3A_34 : f32 to vector<16xf32>
      %mul3A_701 = arith.mulf %mul3A_700, %bitcast3A_699 : vector<16xf32>
      %add3A_702 = arith.addf %mul3A_680, %mul3A_701 : vector<16xf32>
      %get3A_703 = arith.constant 2 : i32
      %get3A_704 = arith.index_cast %get3A_703 : i32 to index
      %get3A_705 = arith.constant 128 : index
      %get3A_706 = tpu.vector_load %arg11[%get3A_704, %get3A_705] {strides = array<i32>} : memref<3x384xf32, #tpu.memory_space<vmem>>, vector<16xf32>,
      %bitcast3A_707 = vector.bitcast %get3A_706 : vector<16xf32> to vector<16xi32>
      %shift_right_logical3A_708 = arith.constant 16 : i32
      %shift_right_logical3A_709 = vector.broadcast %shift_right_logical3A_708 : i32 to vector<16xi32>
      %shift_right_logical3A_710 = arith.shrui %bitcast3A_707, %shift_right_logical3A_709 : vector<16xi32>
      %and3A_711 = arith.constant 1 : i32
      %and3A_712 = vector.broadcast %and3A_711 : i32 to vector<16xi32>
      %and3A_713 = arith.andi %shift_right_logical3A_710, %and3A_712 : vector<16xi32>
      %add3A_714 = arith.constant 32767 : i32
      %add3A_715 = vector.broadcast %add3A_714 : i32 to vector<16xi32>
      %add3A_716 = arith.addi %bitcast3A_707, %add3A_715 : vector<16xi32>
      %add3A_717 = arith.addi %add3A_716, %and3A_713 : vector<16xi32>
      %and3A_718 = arith.constant -65536 : i32
      %and3A_719 = vector.broadcast %and3A_718 : i32 to vector<16xi32>
      %and3A_720 = arith.andi %add3A_717, %and3A_719 : vector<16xi32>
      %bitcast3A_721 = vector.bitcast %and3A_720 : vector<16xi32> to vector<16xf32>
      %mul3A_722 = vector.broadcast %mul3A_49 : f32 to vector<16xf32>
      %mul3A_723 = arith.mulf %mul3A_722, %bitcast3A_721 : vector<16xf32>
      %add3A_724 = arith.addf %add3A_702, %mul3A_723 : vector<16xf32>
      %get3A_725 = arith.constant 128 : index
      %get3A_726 = tpu.vector_load %arg12[%get3A_725] {strides = array<i32>} : memref<384xf32, #tpu.memory_space<vmem>>, vector<16xf32>,
      %mul3A_727 = arith.constant 1.99298465E-5 : f32
      %mul3A_728 = vector.broadcast %mul3A_727 : f32 to vector<16xf32>
      %mul3A_729 = arith.mulf %get3A_726, %mul3A_728 : vector<16xf32>
      %sub3A_730 = arith.subf %add3A_724, %mul3A_729 : vector<16xf32>
      %abs3A_731 = math.absf %sub3A_730 : vector<16xf32>
      %neg3A_732 = arith.constant 0.000000e+00 : f32
      %neg3A_733 = vector.broadcast %neg3A_732 : f32 to vector<16xf32>
      %neg3A_734 = arith.subf %neg3A_733, %abs3A_731 : vector<16xf32>
      %swap3A_735 = arith.constant 128 : index
      %swap3A_736 = tpu.vector_load %arg13[%swap3A_735] {strides = array<i32>} : memref<384xf32, #tpu.memory_space<vmem>>, vector<16xf32>,
      tpu.vector_store %arg13[%swap3A_735], %neg3A_734 {strides = array<i32>} : memref<384xf32, #tpu.memory_space<vmem>>, vector<16xf32>,
      %get3A_737 = arith.constant 0 : i32
      %get3A_738 = arith.index_cast %get3A_737 : i32 to index
      %get3A_739 = arith.constant 144 : index
      %get3A_740 = tpu.vector_load %arg11[%get3A_738, %get3A_739] {strides = array<i32>} : memref<3x384xf32, #tpu.memory_space<vmem>>, vector<16xf32>,
      %bitcast3A_741 = vector.bitcast %get3A_740 : vector<16xf32> to vector<16xi32>
      %shift_right_logical3A_742 = arith.constant 16 : i32
      %shift_right_logical3A_743 = vector.broadcast %shift_right_logical3A_742 : i32 to vector<16xi32>
      %shift_right_logical3A_744 = arith.shrui %bitcast3A_741, %shift_right_logical3A_743 : vector<16xi32>
      %and3A_745 = arith.constant 1 : i32
      %and3A_746 = vector.broadcast %and3A_745 : i32 to vector<16xi32>
      %and3A_747 = arith.andi %shift_right_logical3A_744, %and3A_746 : vector<16xi32>
      %add3A_748 = arith.constant 32767 : i32
      %add3A_749 = vector.broadcast %add3A_748 : i32 to vector<16xi32>
      %add3A_750 = arith.addi %bitcast3A_741, %add3A_749 : vector<16xi32>
      %add3A_751 = arith.addi %add3A_750, %and3A_747 : vector<16xi32>
      %and3A_752 = arith.constant -65536 : i32
      %and3A_753 = vector.broadcast %and3A_752 : i32 to vector<16xi32>
      %and3A_754 = arith.andi %add3A_751, %and3A_753 : vector<16xi32>
      %bitcast3A_755 = vector.bitcast %and3A_754 : vector<16xi32> to vector<16xf32>
      %mul3A_756 = vector.broadcast %mul3A_19 : f32 to vector<16xf32>
      %mul3A_757 = arith.mulf %mul3A_756, %bitcast3A_755 : vector<16xf32>
      %get3A_758 = arith.constant 1 : i32
      %get3A_759 = arith.index_cast %get3A_758 : i32 to index
      %get3A_760 = arith.constant 144 : index
      %get3A_761 = tpu.vector_load %arg11[%get3A_759, %get3A_760] {strides = array<i32>} : memref<3x384xf32, #tpu.memory_space<vmem>>, vector<16xf32>,
      %bitcast3A_762 = vector.bitcast %get3A_761 : vector<16xf32> to vector<16xi32>
      %shift_right_logical3A_763 = arith.constant 16 : i32
      %shift_right_logical3A_764 = vector.broadcast %shift_right_logical3A_763 : i32 to vector<16xi32>
      %shift_right_logical3A_765 = arith.shrui %bitcast3A_762, %shift_right_logical3A_764 : vector<16xi32>
      %and3A_766 = arith.constant 1 : i32
      %and3A_767 = vector.broadcast %and3A_766 : i32 to vector<16xi32>
      %and3A_768 = arith.andi %shift_right_logical3A_765, %and3A_767 : vector<16xi32>
      %add3A_769 = arith.constant 32767 : i32
      %add3A_770 = vector.broadcast %add3A_769 : i32 to vector<16xi32>
      %add3A_771 = arith.addi %bitcast3A_762, %add3A_770 : vector<16xi32>
      %add3A_772 = arith.addi %add3A_771, %and3A_768 : vector<16xi32>
      %and3A_773 = arith.constant -65536 : i32
      %and3A_774 = vector.broadcast %and3A_773 : i32 to vector<16xi32>
      %and3A_775 = arith.andi %add3A_772, %and3A_774 : vector<16xi32>
      %bitcast3A_776 = vector.bitcast %and3A_775 : vector<16xi32> to vector<16xf32>
      %mul3A_777 = vector.broadcast %mul3A_34 : f32 to vector<16xf32>
      %mul3A_778 = arith.mulf %mul3A_777, %bitcast3A_776 : vector<16xf32>
      %add3A_779 = arith.addf %mul3A_757, %mul3A_778 : vector<16xf32>
      %get3A_780 = arith.constant 2 : i32
      %get3A_781 = arith.index_cast %get3A_780 : i32 to index
      %get3A_782 = arith.constant 144 : index
      %get3A_783 = tpu.vector_load %arg11[%get3A_781, %get3A_782] {strides = array<i32>} : memref<3x384xf32, #tpu.memory_space<vmem>>, vector<16xf32>,
      %bitcast3A_784 = vector.bitcast %get3A_783 : vector<16xf32> to vector<16xi32>
      %shift_right_logical3A_785 = arith.constant 16 : i32
      %shift_right_logical3A_786 = vector.broadcast %shift_right_logical3A_785 : i32 to vector<16xi32>
      %shift_right_logical3A_787 = arith.shrui %bitcast3A_784, %shift_right_logical3A_786 : vector<16xi32>
      %and3A_788 = arith.constant 1 : i32
      %and3A_789 = vector.broadcast %and3A_788 : i32 to vector<16xi32>
      %and3A_790 = arith.andi %shift_right_logical3A_787, %and3A_789 : vector<16xi32>
      %add3A_791 = arith.constant 32767 : i32
      %add3A_792 = vector.broadcast %add3A_791 : i32 to vector<16xi32>
      %add3A_793 = arith.addi %bitcast3A_784, %add3A_792 : vector<16xi32>
      %add3A_794 = arith.addi %add3A_793, %and3A_790 : vector<16xi32>
      %and3A_795 = arith.constant -65536 : i32
      %and3A_796 = vector.broadcast %and3A_795 : i32 to vector<16xi32>
      %and3A_797 = arith.andi %add3A_794, %and3A_796 : vector<16xi32>
      %bitcast3A_798 = vector.bitcast %and3A_797 : vector<16xi32> to vector<16xf32>
      %mul3A_799 = vector.broadcast %mul3A_49 : f32 to vector<16xf32>
      %mul3A_800 = arith.mulf %mul3A_799, %bitcast3A_798 : vector<16xf32>
      %add3A_801 = arith.addf %add3A_779, %mul3A_800 : vector<16xf32>
      %get3A_802 = arith.constant 144 : index
      %get3A_803 = tpu.vector_load %arg12[%get3A_802] {strides = array<i32>} : memref<384xf32, #tpu.memory_space<vmem>>, vector<16xf32>,
      %mul3A_804 = arith.constant 1.99298465E-5 : f32
      %mul3A_805 = vector.broadcast %mul3A_804 : f32 to vector<16xf32>
      %mul3A_806 = arith.mulf %get3A_803, %mul3A_805 : vector<16xf32>
      %sub3A_807 = arith.subf %add3A_801, %mul3A_806 : vector<16xf32>
      %abs3A_808 = math.absf %sub3A_807 : vector<16xf32>
      %neg3A_809 = arith.constant 0.000000e+00 : f32
      %neg3A_810 = vector.broadcast %neg3A_809 : f32 to vector<16xf32>
      %neg3A_811 = arith.subf %neg3A_810, %abs3A_808 : vector<16xf32>
      %swap3A_812 = arith.constant 144 : index
      %swap3A_813 = tpu.vector_load %arg13[%swap3A_812] {strides = array<i32>} : memref<384xf32, #tpu.memory_space<vmem>>, vector<16xf32>,
      tpu.vector_store %arg13[%swap3A_812], %neg3A_811 {strides = array<i32>} : memref<384xf32, #tpu.memory_space<vmem>>, vector<16xf32>,
      %get3A_814 = arith.constant 0 : i32
      %get3A_815 = arith.index_cast %get3A_814 : i32 to index
      %get3A_816 = arith.constant 160 : index
      %get3A_817 = tpu.vector_load %arg11[%get3A_815, %get3A_816] {strides = array<i32>} : memref<3x384xf32, #tpu.memory_space<vmem>>, vector<16xf32>,
      %bitcast3A_818 = vector.bitcast %get3A_817 : vector<16xf32> to vector<16xi32>
      %shift_right_logical3A_819 = arith.constant 16 : i32
      %shift_right_logical3A_820 = vector.broadcast %shift_right_logical3A_819 : i32 to vector<16xi32>
      %shift_right_logical3A_821 = arith.shrui %bitcast3A_818, %shift_right_logical3A_820 : vector<16xi32>
      %and3A_822 = arith.constant 1 : i32
      %and3A_823 = vector.broadcast %and3A_822 : i32 to vector<16xi32>
      %and3A_824 = arith.andi %shift_right_logical3A_821, %and3A_823 : vector<16xi32>
      %add3A_825 = arith.constant 32767 : i32
      %add3A_826 = vector.broadcast %add3A_825 : i32 to vector<16xi32>
      %add3A_827 = arith.addi %bitcast3A_818, %add3A_826 : vector<16xi32>
      %add3A_828 = arith.addi %add3A_827, %and3A_824 : vector<16xi32>
      %and3A_829 = arith.constant -65536 : i32
      %and3A_830 = vector.broadcast %and3A_829 : i32 to vector<16xi32>
      %and3A_831 = arith.andi %add3A_828, %and3A_830 : vector<16xi32>
      %bitcast3A_832 = vector.bitcast %and3A_831 : vector<16xi32> to vector<16xf32>
      %mul3A_833 = vector.broadcast %mul3A_19 : f32 to vector<16xf32>
      %mul3A_834 = arith.mulf %mul3A_833, %bitcast3A_832 : vector<16xf32>
      %get3A_835 = arith.constant 1 : i32
      %get3A_836 = arith.index_cast %get3A_835 : i32 to index
      %get3A_837 = arith.constant 160 : index
      %get3A_838 = tpu.vector_load %arg11[%get3A_836, %get3A_837] {strides = array<i32>} : memref<3x384xf32, #tpu.memory_space<vmem>>, vector<16xf32>,
      %bitcast3A_839 = vector.bitcast %get3A_838 : vector<16xf32> to vector<16xi32>
      %shift_right_logical3A_840 = arith.constant 16 : i32
      %shift_right_logical3A_841 = vector.broadcast %shift_right_logical3A_840 : i32 to vector<16xi32>
      %shift_right_logical3A_842 = arith.shrui %bitcast3A_839, %shift_right_logical3A_841 : vector<16xi32>
      %and3A_843 = arith.constant 1 : i32
      %and3A_844 = vector.broadcast %and3A_843 : i32 to vector<16xi32>
      %and3A_845 = arith.andi %shift_right_logical3A_842, %and3A_844 : vector<16xi32>
      %add3A_846 = arith.constant 32767 : i32
      %add3A_847 = vector.broadcast %add3A_846 : i32 to vector<16xi32>
      %add3A_848 = arith.addi %bitcast3A_839, %add3A_847 : vector<16xi32>
      %add3A_849 = arith.addi %add3A_848, %and3A_845 : vector<16xi32>
      %and3A_850 = arith.constant -65536 : i32
      %and3A_851 = vector.broadcast %and3A_850 : i32 to vector<16xi32>
      %and3A_852 = arith.andi %add3A_849, %and3A_851 : vector<16xi32>
      %bitcast3A_853 = vector.bitcast %and3A_852 : vector<16xi32> to vector<16xf32>
      %mul3A_854 = vector.broadcast %mul3A_34 : f32 to vector<16xf32>
      %mul3A_855 = arith.mulf %mul3A_854, %bitcast3A_853 : vector<16xf32>
      %add3A_856 = arith.addf %mul3A_834, %mul3A_855 : vector<16xf32>
      %get3A_857 = arith.constant 2 : i32
      %get3A_858 = arith.index_cast %get3A_857 : i32 to index
      %get3A_859 = arith.constant 160 : index
      %get3A_860 = tpu.vector_load %arg11[%get3A_858, %get3A_859] {strides = array<i32>} : memref<3x384xf32, #tpu.memory_space<vmem>>, vector<16xf32>,
      %bitcast3A_861 = vector.bitcast %get3A_860 : vector<16xf32> to vector<16xi32>
      %shift_right_logical3A_862 = arith.constant 16 : i32
      %shift_right_logical3A_863 = vector.broadcast %shift_right_logical3A_862 : i32 to vector<16xi32>
      %shift_right_logical3A_864 = arith.shrui %bitcast3A_861, %shift_right_logical3A_863 : vector<16xi32>
      %and3A_865 = arith.constant 1 : i32
      %and3A_866 = vector.broadcast %and3A_865 : i32 to vector<16xi32>
      %and3A_867 = arith.andi %shift_right_logical3A_864, %and3A_866 : vector<16xi32>
      %add3A_868 = arith.constant 32767 : i32
      %add3A_869 = vector.broadcast %add3A_868 : i32 to vector<16xi32>
      %add3A_870 = arith.addi %bitcast3A_861, %add3A_869 : vector<16xi32>
      %add3A_871 = arith.addi %add3A_870, %and3A_867 : vector<16xi32>
      %and3A_872 = arith.constant -65536 : i32
      %and3A_873 = vector.broadcast %and3A_872 : i32 to vector<16xi32>
      %and3A_874 = arith.andi %add3A_871, %and3A_873 : vector<16xi32>
      %bitcast3A_875 = vector.bitcast %and3A_874 : vector<16xi32> to vector<16xf32>
      %mul3A_876 = vector.broadcast %mul3A_49 : f32 to vector<16xf32>
      %mul3A_877 = arith.mulf %mul3A_876, %bitcast3A_875 : vector<16xf32>
      %add3A_878 = arith.addf %add3A_856, %mul3A_877 : vector<16xf32>
      %get3A_879 = arith.constant 160 : index
      %get3A_880 = tpu.vector_load %arg12[%get3A_879] {strides = array<i32>} : memref<384xf32, #tpu.memory_space<vmem>>, vector<16xf32>,
      %mul3A_881 = arith.constant 1.99298465E-5 : f32
      %mul3A_882 = vector.broadcast %mul3A_881 : f32 to vector<16xf32>
      %mul3A_883 = arith.mulf %get3A_880, %mul3A_882 : vector<16xf32>
      %sub3A_884 = arith.subf %add3A_878, %mul3A_883 : vector<16xf32>
      %abs3A_885 = math.absf %sub3A_884 : vector<16xf32>
      %neg3A_886 = arith.constant 0.000000e+00 : f32
      %neg3A_887 = vector.broadcast %neg3A_886 : f32 to vector<16xf32>
      %neg3A_888 = arith.subf %neg3A_887, %abs3A_885 : vector<16xf32>
      %swap3A_889 = arith.constant 160 : index
      %swap3A_890 = tpu.vector_load %arg13[%swap3A_889] {strides = array<i32>} : memref<384xf32, #tpu.memory_space<vmem>>, vector<16xf32>,
      tpu.vector_store %arg13[%swap3A_889], %neg3A_888 {strides = array<i32>} : memref<384xf32, #tpu.memory_space<vmem>>, vector<16xf32>,
      %get3A_891 = arith.constant 0 : i32
      %get3A_892 = arith.index_cast %get3A_891 : i32 to index
      %get3A_893 = arith.constant 176 : index
      %get3A_894 = tpu.vector_load %arg11[%get3A_892, %get3A_893] {strides = array<i32>} : memref<3x384xf32, #tpu.memory_space<vmem>>, vector<16xf32>,
      %bitcast3A_895 = vector.bitcast %get3A_894 : vector<16xf32> to vector<16xi32>
      %shift_right_logical3A_896 = arith.constant 16 : i32
      %shift_right_logical3A_897 = vector.broadcast %shift_right_logical3A_896 : i32 to vector<16xi32>
      %shift_right_logical3A_898 = arith.shrui %bitcast3A_895, %shift_right_logical3A_897 : vector<16xi32>
      %and3A_899 = arith.constant 1 : i32
      %and3A_900 = vector.broadcast %and3A_899 : i32 to vector<16xi32>
      %and3A_901 = arith.andi %shift_right_logical3A_898, %and3A_900 : vector<16xi32>
      %add3A_902 = arith.constant 32767 : i32
      %add3A_903 = vector.broadcast %add3A_902 : i32 to vector<16xi32>
      %add3A_904 = arith.addi %bitcast3A_895, %add3A_903 : vector<16xi32>
      %add3A_905 = arith.addi %add3A_904, %and3A_901 : vector<16xi32>
      %and3A_906 = arith.constant -65536 : i32
      %and3A_907 = vector.broadcast %and3A_906 : i32 to vector<16xi32>
      %and3A_908 = arith.andi %add3A_905, %and3A_907 : vector<16xi32>
      %bitcast3A_909 = vector.bitcast %and3A_908 : vector<16xi32> to vector<16xf32>
      %mul3A_910 = vector.broadcast %mul3A_19 : f32 to vector<16xf32>
      %mul3A_911 = arith.mulf %mul3A_910, %bitcast3A_909 : vector<16xf32>
      %get3A_912 = arith.constant 1 : i32
      %get3A_913 = arith.index_cast %get3A_912 : i32 to index
      %get3A_914 = arith.constant 176 : index
      %get3A_915 = tpu.vector_load %arg11[%get3A_913, %get3A_914] {strides = array<i32>} : memref<3x384xf32, #tpu.memory_space<vmem>>, vector<16xf32>,
      %bitcast3A_916 = vector.bitcast %get3A_915 : vector<16xf32> to vector<16xi32>
      %shift_right_logical3A_917 = arith.constant 16 : i32
      %shift_right_logical3A_918 = vector.broadcast %shift_right_logical3A_917 : i32 to vector<16xi32>
      %shift_right_logical3A_919 = arith.shrui %bitcast3A_916, %shift_right_logical3A_918 : vector<16xi32>
      %and3A_920 = arith.constant 1 : i32
      %and3A_921 = vector.broadcast %and3A_920 : i32 to vector<16xi32>
      %and3A_922 = arith.andi %shift_right_logical3A_919, %and3A_921 : vector<16xi32>
      %add3A_923 = arith.constant 32767 : i32
      %add3A_924 = vector.broadcast %add3A_923 : i32 to vector<16xi32>
      %add3A_925 = arith.addi %bitcast3A_916, %add3A_924 : vector<16xi32>
      %add3A_926 = arith.addi %add3A_925, %and3A_922 : vector<16xi32>
      %and3A_927 = arith.constant -65536 : i32
      %and3A_928 = vector.broadcast %and3A_927 : i32 to vector<16xi32>
      %and3A_929 = arith.andi %add3A_926, %and3A_928 : vector<16xi32>
      %bitcast3A_930 = vector.bitcast %and3A_929 : vector<16xi32> to vector<16xf32>
      %mul3A_931 = vector.broadcast %mul3A_34 : f32 to vector<16xf32>
      %mul3A_932 = arith.mulf %mul3A_931, %bitcast3A_930 : vector<16xf32>
      %add3A_933 = arith.addf %mul3A_911, %mul3A_932 : vector<16xf32>
      %get3A_934 = arith.constant 2 : i32
      %get3A_935 = arith.index_cast %get3A_934 : i32 to index
      %get3A_936 = arith.constant 176 : index
      %get3A_937 = tpu.vector_load %arg11[%get3A_935, %get3A_936] {strides = array<i32>} : memref<3x384xf32, #tpu.memory_space<vmem>>, vector<16xf32>,
      %bitcast3A_938 = vector.bitcast %get3A_937 : vector<16xf32> to vector<16xi32>
      %shift_right_logical3A_939 = arith.constant 16 : i32
      %shift_right_logical3A_940 = vector.broadcast %shift_right_logical3A_939 : i32 to vector<16xi32>
      %shift_right_logical3A_941 = arith.shrui %bitcast3A_938, %shift_right_logical3A_940 : vector<16xi32>
      %and3A_942 = arith.constant 1 : i32
      %and3A_943 = vector.broadcast %and3A_942 : i32 to vector<16xi32>
      %and3A_944 = arith.andi %shift_right_logical3A_941, %and3A_943 : vector<16xi32>
      %add3A_945 = arith.constant 32767 : i32
      %add3A_946 = vector.broadcast %add3A_945 : i32 to vector<16xi32>
      %add3A_947 = arith.addi %bitcast3A_938, %add3A_946 : vector<16xi32>
      %add3A_948 = arith.addi %add3A_947, %and3A_944 : vector<16xi32>
      %and3A_949 = arith.constant -65536 : i32
      %and3A_950 = vector.broadcast %and3A_949 : i32 to vector<16xi32>
      %and3A_951 = arith.andi %add3A_948, %and3A_950 : vector<16xi32>
      %bitcast3A_952 = vector.bitcast %and3A_951 : vector<16xi32> to vector<16xf32>
      %mul3A_953 = vector.broadcast %mul3A_49 : f32 to vector<16xf32>
      %mul3A_954 = arith.mulf %mul3A_953, %bitcast3A_952 : vector<16xf32>
      %add3A_955 = arith.addf %add3A_933, %mul3A_954 : vector<16xf32>
      %get3A_956 = arith.constant 176 : index
      %get3A_957 = tpu.vector_load %arg12[%get3A_956] {strides = array<i32>} : memref<384xf32, #tpu.memory_space<vmem>>, vector<16xf32>,
      %mul3A_958 = arith.constant 1.99298465E-5 : f32
      %mul3A_959 = vector.broadcast %mul3A_958 : f32 to vector<16xf32>
      %mul3A_960 = arith.mulf %get3A_957, %mul3A_959 : vector<16xf32>
      %sub3A_961 = arith.subf %add3A_955, %mul3A_960 : vector<16xf32>
      %abs3A_962 = math.absf %sub3A_961 : vector<16xf32>
      %neg3A_963 = arith.constant 0.000000e+00 : f32
      %neg3A_964 = vector.broadcast %neg3A_963 : f32 to vector<16xf32>
      %neg3A_965 = arith.subf %neg3A_964, %abs3A_962 : vector<16xf32>
      %swap3A_966 = arith.constant 176 : index
      %swap3A_967 = tpu.vector_load %arg13[%swap3A_966] {strides = array<i32>} : memref<384xf32, #tpu.memory_space<vmem>>, vector<16xf32>,
      tpu.vector_store %arg13[%swap3A_966], %neg3A_965 {strides = array<i32>} : memref<384xf32, #tpu.memory_space<vmem>>, vector<16xf32>,
      %get3A_968 = arith.constant 0 : i32
      %get3A_969 = arith.index_cast %get3A_968 : i32 to index
      %get3A_970 = arith.constant 192 : index
      %get3A_971 = tpu.vector_load %arg11[%get3A_969, %get3A_970] {strides = array<i32>} : memref<3x384xf32, #tpu.memory_space<vmem>>, vector<16xf32>,
      %bitcast3A_972 = vector.bitcast %get3A_971 : vector<16xf32> to vector<16xi32>
      %shift_right_logical3A_973 = arith.constant 16 : i32
      %shift_right_logical3A_974 = vector.broadcast %shift_right_logical3A_973 : i32 to vector<16xi32>
      %shift_right_logical3A_975 = arith.shrui %bitcast3A_972, %shift_right_logical3A_974 : vector<16xi32>
      %and3A_976 = arith.constant 1 : i32
      %and3A_977 = vector.broadcast %and3A_976 : i32 to vector<16xi32>
      %and3A_978 = arith.andi %shift_right_logical3A_975, %and3A_977 : vector<16xi32>
      %add3A_979 = arith.constant 32767 : i32
      %add3A_980 = vector.broadcast %add3A_979 : i32 to vector<16xi32>
      %add3A_981 = arith.addi %bitcast3A_972, %add3A_980 : vector<16xi32>
      %add3A_982 = arith.addi %add3A_981, %and3A_978 : vector<16xi32>
      %and3A_983 = arith.constant -65536 : i32
      %and3A_984 = vector.broadcast %and3A_983 : i32 to vector<16xi32>
      %and3A_985 = arith.andi %add3A_982, %and3A_984 : vector<16xi32>
      %bitcast3A_986 = vector.bitcast %and3A_985 : vector<16xi32> to vector<16xf32>
      %mul3A_987 = vector.broadcast %mul3A_19 : f32 to vector<16xf32>
      %mul3A_988 = arith.mulf %mul3A_987, %bitcast3A_986 : vector<16xf32>
      %get3A_989 = arith.constant 1 : i32
      %get3A_990 = arith.index_cast %get3A_989 : i32 to index
      %get3A_991 = arith.constant 192 : index
      %get3A_992 = tpu.vector_load %arg11[%get3A_990, %get3A_991] {strides = array<i32>} : memref<3x384xf32, #tpu.memory_space<vmem>>, vector<16xf32>,
      %bitcast3A_993 = vector.bitcast %get3A_992 : vector<16xf32> to vector<16xi32>
      %shift_right_logical3A_994 = arith.constant 16 : i32
      %shift_right_logical3A_995 = vector.broadcast %shift_right_logical3A_994 : i32 to vector<16xi32>
      %shift_right_logical3A_996 = arith.shrui %bitcast3A_993, %shift_right_logical3A_995 : vector<16xi32>
      %and3A_997 = arith.constant 1 : i32
      %and3A_998 = vector.broadcast %and3A_997 : i32 to vector<16xi32>
      %and3A_999 = arith.andi %shift_right_logical3A_996, %and3A_998 : vector<16xi32>
      %add3A_1000 = arith.constant 32767 : i32
      %add3A_1001 = vector.broadcast %add3A_1000 : i32 to vector<16xi32>
      %add3A_1002 = arith.addi %bitcast3A_993, %add3A_1001 : vector<16xi32>
      %add3A_1003 = arith.addi %add3A_1002, %and3A_999 : vector<16xi32>
      %and3A_1004 = arith.constant -65536 : i32
      %and3A_1005 = vector.broadcast %and3A_1004 : i32 to vector<16xi32>
      %and3A_1006 = arith.andi %add3A_1003, %and3A_1005 : vector<16xi32>
      %bitcast3A_1007 = vector.bitcast %and3A_1006 : vector<16xi32> to vector<16xf32>
      %mul3A_1008 = vector.broadcast %mul3A_34 : f32 to vector<16xf32>
      %mul3A_1009 = arith.mulf %mul3A_1008, %bitcast3A_1007 : vector<16xf32>
      %add3A_1010 = arith.addf %mul3A_988, %mul3A_1009 : vector<16xf32>
      %get3A_1011 = arith.constant 2 : i32
      %get3A_1012 = arith.index_cast %get3A_1011 : i32 to index
      %get3A_1013 = arith.constant 192 : index
      %get3A_1014 = tpu.vector_load %arg11[%get3A_1012, %get3A_1013] {strides = array<i32>} : memref<3x384xf32, #tpu.memory_space<vmem>>, vector<16xf32>,
      %bitcast3A_1015 = vector.bitcast %get3A_1014 : vector<16xf32> to vector<16xi32>
      %shift_right_logical3A_1016 = arith.constant 16 : i32
      %shift_right_logical3A_1017 = vector.broadcast %shift_right_logical3A_1016 : i32 to vector<16xi32>
      %shift_right_logical3A_1018 = arith.shrui %bitcast3A_1015, %shift_right_logical3A_1017 : vector<16xi32>
      %and3A_1019 = arith.constant 1 : i32
      %and3A_1020 = vector.broadcast %and3A_1019 : i32 to vector<16xi32>
      %and3A_1021 = arith.andi %shift_right_logical3A_1018, %and3A_1020 : vector<16xi32>
      %add3A_1022 = arith.constant 32767 : i32
      %add3A_1023 = vector.broadcast %add3A_1022 : i32 to vector<16xi32>
      %add3A_1024 = arith.addi %bitcast3A_1015, %add3A_1023 : vector<16xi32>
      %add3A_1025 = arith.addi %add3A_1024, %and3A_1021 : vector<16xi32>
      %and3A_1026 = arith.constant -65536 : i32
      %and3A_1027 = vector.broadcast %and3A_1026 : i32 to vector<16xi32>
      %and3A_1028 = arith.andi %add3A_1025, %and3A_1027 : vector<16xi32>
      %bitcast3A_1029 = vector.bitcast %and3A_1028 : vector<16xi32> to vector<16xf32>
      %mul3A_1030 = vector.broadcast %mul3A_49 : f32 to vector<16xf32>
      %mul3A_1031 = arith.mulf %mul3A_1030, %bitcast3A_1029 : vector<16xf32>
      %add3A_1032 = arith.addf %add3A_1010, %mul3A_1031 : vector<16xf32>
      %get3A_1033 = arith.constant 192 : index
      %get3A_1034 = tpu.vector_load %arg12[%get3A_1033] {strides = array<i32>} : memref<384xf32, #tpu.memory_space<vmem>>, vector<16xf32>,
      %mul3A_1035 = arith.constant 1.99298465E-5 : f32
      %mul3A_1036 = vector.broadcast %mul3A_1035 : f32 to vector<16xf32>
      %mul3A_1037 = arith.mulf %get3A_1034, %mul3A_1036 : vector<16xf32>
      %sub3A_1038 = arith.subf %add3A_1032, %mul3A_1037 : vector<16xf32>
      %abs3A_1039 = math.absf %sub3A_1038 : vector<16xf32>
      %neg3A_1040 = arith.constant 0.000000e+00 : f32
      %neg3A_1041 = vector.broadcast %neg3A_1040 : f32 to vector<16xf32>
      %neg3A_1042 = arith.subf %neg3A_1041, %abs3A_1039 : vector<16xf32>
      %swap3A_1043 = arith.constant 192 : index
      %swap3A_1044 = tpu.vector_load %arg13[%swap3A_1043] {strides = array<i32>} : memref<384xf32, #tpu.memory_space<vmem>>, vector<16xf32>,
      tpu.vector_store %arg13[%swap3A_1043], %neg3A_1042 {strides = array<i32>} : memref<384xf32, #tpu.memory_space<vmem>>, vector<16xf32>,
      %get3A_1045 = arith.constant 0 : i32
      %get3A_1046 = arith.index_cast %get3A_1045 : i32 to index
      %get3A_1047 = arith.constant 208 : index
      %get3A_1048 = tpu.vector_load %arg11[%get3A_1046, %get3A_1047] {strides = array<i32>} : memref<3x384xf32, #tpu.memory_space<vmem>>, vector<16xf32>,
      %bitcast3A_1049 = vector.bitcast %get3A_1048 : vector<16xf32> to vector<16xi32>
      %shift_right_logical3A_1050 = arith.constant 16 : i32
      %shift_right_logical3A_1051 = vector.broadcast %shift_right_logical3A_1050 : i32 to vector<16xi32>
      %shift_right_logical3A_1052 = arith.shrui %bitcast3A_1049, %shift_right_logical3A_1051 : vector<16xi32>
      %and3A_1053 = arith.constant 1 : i32
      %and3A_1054 = vector.broadcast %and3A_1053 : i32 to vector<16xi32>
      %and3A_1055 = arith.andi %shift_right_logical3A_1052, %and3A_1054 : vector<16xi32>
      %add3A_1056 = arith.constant 32767 : i32
      %add3A_1057 = vector.broadcast %add3A_1056 : i32 to vector<16xi32>
      %add3A_1058 = arith.addi %bitcast3A_1049, %add3A_1057 : vector<16xi32>
      %add3A_1059 = arith.addi %add3A_1058, %and3A_1055 : vector<16xi32>
      %and3A_1060 = arith.constant -65536 : i32
      %and3A_1061 = vector.broadcast %and3A_1060 : i32 to vector<16xi32>
      %and3A_1062 = arith.andi %add3A_1059, %and3A_1061 : vector<16xi32>
      %bitcast3A_1063 = vector.bitcast %and3A_1062 : vector<16xi32> to vector<16xf32>
      %mul3A_1064 = vector.broadcast %mul3A_19 : f32 to vector<16xf32>
      %mul3A_1065 = arith.mulf %mul3A_1064, %bitcast3A_1063 : vector<16xf32>
      %get3A_1066 = arith.constant 1 : i32
      %get3A_1067 = arith.index_cast %get3A_1066 : i32 to index
      %get3A_1068 = arith.constant 208 : index
      %get3A_1069 = tpu.vector_load %arg11[%get3A_1067, %get3A_1068] {strides = array<i32>} : memref<3x384xf32, #tpu.memory_space<vmem>>, vector<16xf32>,
      %bitcast3A_1070 = vector.bitcast %get3A_1069 : vector<16xf32> to vector<16xi32>
      %shift_right_logical3A_1071 = arith.constant 16 : i32
      %shift_right_logical3A_1072 = vector.broadcast %shift_right_logical3A_1071 : i32 to vector<16xi32>
      %shift_right_logical3A_1073 = arith.shrui %bitcast3A_1070, %shift_right_logical3A_1072 : vector<16xi32>
      %and3A_1074 = arith.constant 1 : i32
      %and3A_1075 = vector.broadcast %and3A_1074 : i32 to vector<16xi32>
      %and3A_1076 = arith.andi %shift_right_logical3A_1073, %and3A_1075 : vector<16xi32>
      %add3A_1077 = arith.constant 32767 : i32
      %add3A_1078 = vector.broadcast %add3A_1077 : i32 to vector<16xi32>
      %add3A_1079 = arith.addi %bitcast3A_1070, %add3A_1078 : vector<16xi32>
      %add3A_1080 = arith.addi %add3A_1079, %and3A_1076 : vector<16xi32>
      %and3A_1081 = arith.constant -65536 : i32
      %and3A_1082 = vector.broadcast %and3A_1081 : i32 to vector<16xi32>
      %and3A_1083 = arith.andi %add3A_1080, %and3A_1082 : vector<16xi32>
      %bitcast3A_1084 = vector.bitcast %and3A_1083 : vector<16xi32> to vector<16xf32>
      %mul3A_1085 = vector.broadcast %mul3A_34 : f32 to vector<16xf32>
      %mul3A_1086 = arith.mulf %mul3A_1085, %bitcast3A_1084 : vector<16xf32>
      %add3A_1087 = arith.addf %mul3A_1065, %mul3A_1086 : vector<16xf32>
      %get3A_1088 = arith.constant 2 : i32
      %get3A_1089 = arith.index_cast %get3A_1088 : i32 to index
      %get3A_1090 = arith.constant 208 : index
      %get3A_1091 = tpu.vector_load %arg11[%get3A_1089, %get3A_1090] {strides = array<i32>} : memref<3x384xf32, #tpu.memory_space<vmem>>, vector<16xf32>,
      %bitcast3A_1092 = vector.bitcast %get3A_1091 : vector<16xf32> to vector<16xi32>
      %shift_right_logical3A_1093 = arith.constant 16 : i32
      %shift_right_logical3A_1094 = vector.broadcast %shift_right_logical3A_1093 : i32 to vector<16xi32>
      %shift_right_logical3A_1095 = arith.shrui %bitcast3A_1092, %shift_right_logical3A_1094 : vector<16xi32>
      %and3A_1096 = arith.constant 1 : i32
      %and3A_1097 = vector.broadcast %and3A_1096 : i32 to vector<16xi32>
      %and3A_1098 = arith.andi %shift_right_logical3A_1095, %and3A_1097 : vector<16xi32>
      %add3A_1099 = arith.constant 32767 : i32
      %add3A_1100 = vector.broadcast %add3A_1099 : i32 to vector<16xi32>
      %add3A_1101 = arith.addi %bitcast3A_1092, %add3A_1100 : vector<16xi32>
      %add3A_1102 = arith.addi %add3A_1101, %and3A_1098 : vector<16xi32>
      %and3A_1103 = arith.constant -65536 : i32
      %and3A_1104 = vector.broadcast %and3A_1103 : i32 to vector<16xi32>
      %and3A_1105 = arith.andi %add3A_1102, %and3A_1104 : vector<16xi32>
      %bitcast3A_1106 = vector.bitcast %and3A_1105 : vector<16xi32> to vector<16xf32>
      %mul3A_1107 = vector.broadcast %mul3A_49 : f32 to vector<16xf32>
      %mul3A_1108 = arith.mulf %mul3A_1107, %bitcast3A_1106 : vector<16xf32>
      %add3A_1109 = arith.addf %add3A_1087, %mul3A_1108 : vector<16xf32>
      %get3A_1110 = arith.constant 208 : index
      %get3A_1111 = tpu.vector_load %arg12[%get3A_1110] {strides = array<i32>} : memref<384xf32, #tpu.memory_space<vmem>>, vector<16xf32>,
      %mul3A_1112 = arith.constant 1.99298465E-5 : f32
      %mul3A_1113 = vector.broadcast %mul3A_1112 : f32 to vector<16xf32>
      %mul3A_1114 = arith.mulf %get3A_1111, %mul3A_1113 : vector<16xf32>
      %sub3A_1115 = arith.subf %add3A_1109, %mul3A_1114 : vector<16xf32>
      %abs3A_1116 = math.absf %sub3A_1115 : vector<16xf32>
      %neg3A_1117 = arith.constant 0.000000e+00 : f32
      %neg3A_1118 = vector.broadcast %neg3A_1117 : f32 to vector<16xf32>
      %neg3A_1119 = arith.subf %neg3A_1118, %abs3A_1116 : vector<16xf32>
      %swap3A_1120 = arith.constant 208 : index
      %swap3A_1121 = tpu.vector_load %arg13[%swap3A_1120] {strides = array<i32>} : memref<384xf32, #tpu.memory_space<vmem>>, vector<16xf32>,
      tpu.vector_store %arg13[%swap3A_1120], %neg3A_1119 {strides = array<i32>} : memref<384xf32, #tpu.memory_space<vmem>>, vector<16xf32>,
      %get3A_1122 = arith.constant 0 : i32
      %get3A_1123 = arith.index_cast %get3A_1122 : i32 to index
      %get3A_1124 = arith.constant 224 : index
      %get3A_1125 = tpu.vector_load %arg11[%get3A_1123, %get3A_1124] {strides = array<i32>} : memref<3x384xf32, #tpu.memory_space<vmem>>, vector<16xf32>,
      %bitcast3A_1126 = vector.bitcast %get3A_1125 : vector<16xf32> to vector<16xi32>
      %shift_right_logical3A_1127 = arith.constant 16 : i32
      %shift_right_logical3A_1128 = vector.broadcast %shift_right_logical3A_1127 : i32 to vector<16xi32>
      %shift_right_logical3A_1129 = arith.shrui %bitcast3A_1126, %shift_right_logical3A_1128 : vector<16xi32>
      %and3A_1130 = arith.constant 1 : i32
      %and3A_1131 = vector.broadcast %and3A_1130 : i32 to vector<16xi32>
      %and3A_1132 = arith.andi %shift_right_logical3A_1129, %and3A_1131 : vector<16xi32>
      %add3A_1133 = arith.constant 32767 : i32
      %add3A_1134 = vector.broadcast %add3A_1133 : i32 to vector<16xi32>
      %add3A_1135 = arith.addi %bitcast3A_1126, %add3A_1134 : vector<16xi32>
      %add3A_1136 = arith.addi %add3A_1135, %and3A_1132 : vector<16xi32>
      %and3A_1137 = arith.constant -65536 : i32
      %and3A_1138 = vector.broadcast %and3A_1137 : i32 to vector<16xi32>
      %and3A_1139 = arith.andi %add3A_1136, %and3A_1138 : vector<16xi32>
      %bitcast3A_1140 = vector.bitcast %and3A_1139 : vector<16xi32> to vector<16xf32>
      %mul3A_1141 = vector.broadcast %mul3A_19 : f32 to vector<16xf32>
      %mul3A_1142 = arith.mulf %mul3A_1141, %bitcast3A_1140 : vector<16xf32>
      %get3A_1143 = arith.constant 1 : i32
      %get3A_1144 = arith.index_cast %get3A_1143 : i32 to index
      %get3A_1145 = arith.constant 224 : index
      %get3A_1146 = tpu.vector_load %arg11[%get3A_1144, %get3A_1145] {strides = array<i32>} : memref<3x384xf32, #tpu.memory_space<vmem>>, vector<16xf32>,
      %bitcast3A_1147 = vector.bitcast %get3A_1146 : vector<16xf32> to vector<16xi32>
      %shift_right_logical3A_1148 = arith.constant 16 : i32
      %shift_right_logical3A_1149 = vector.broadcast %shift_right_logical3A_1148 : i32 to vector<16xi32>
      %shift_right_logical3A_1150 = arith.shrui %bitcast3A_1147, %shift_right_logical3A_1149 : vector<16xi32>
      %and3A_1151 = arith.constant 1 : i32
      %and3A_1152 = vector.broadcast %and3A_1151 : i32 to vector<16xi32>
      %and3A_1153 = arith.andi %shift_right_logical3A_1150, %and3A_1152 : vector<16xi32>
      %add3A_1154 = arith.constant 32767 : i32
      %add3A_1155 = vector.broadcast %add3A_1154 : i32 to vector<16xi32>
      %add3A_1156 = arith.addi %bitcast3A_1147, %add3A_1155 : vector<16xi32>
      %add3A_1157 = arith.addi %add3A_1156, %and3A_1153 : vector<16xi32>
      %and3A_1158 = arith.constant -65536 : i32
      %and3A_1159 = vector.broadcast %and3A_1158 : i32 to vector<16xi32>
      %and3A_1160 = arith.andi %add3A_1157, %and3A_1159 : vector<16xi32>
      %bitcast3A_1161 = vector.bitcast %and3A_1160 : vector<16xi32> to vector<16xf32>
      %mul3A_1162 = vector.broadcast %mul3A_34 : f32 to vector<16xf32>
      %mul3A_1163 = arith.mulf %mul3A_1162, %bitcast3A_1161 : vector<16xf32>
      %add3A_1164 = arith.addf %mul3A_1142, %mul3A_1163 : vector<16xf32>
      %get3A_1165 = arith.constant 2 : i32
      %get3A_1166 = arith.index_cast %get3A_1165 : i32 to index
      %get3A_1167 = arith.constant 224 : index
      %get3A_1168 = tpu.vector_load %arg11[%get3A_1166, %get3A_1167] {strides = array<i32>} : memref<3x384xf32, #tpu.memory_space<vmem>>, vector<16xf32>,
      %bitcast3A_1169 = vector.bitcast %get3A_1168 : vector<16xf32> to vector<16xi32>
      %shift_right_logical3A_1170 = arith.constant 16 : i32
      %shift_right_logical3A_1171 = vector.broadcast %shift_right_logical3A_1170 : i32 to vector<16xi32>
      %shift_right_logical3A_1172 = arith.shrui %bitcast3A_1169, %shift_right_logical3A_1171 : vector<16xi32>
      %and3A_1173 = arith.constant 1 : i32
      %and3A_1174 = vector.broadcast %and3A_1173 : i32 to vector<16xi32>
      %and3A_1175 = arith.andi %shift_right_logical3A_1172, %and3A_1174 : vector<16xi32>
      %add3A_1176 = arith.constant 32767 : i32
      %add3A_1177 = vector.broadcast %add3A_1176 : i32 to vector<16xi32>
      %add3A_1178 = arith.addi %bitcast3A_1169, %add3A_1177 : vector<16xi32>
      %add3A_1179 = arith.addi %add3A_1178, %and3A_1175 : vector<16xi32>
      %and3A_1180 = arith.constant -65536 : i32
      %and3A_1181 = vector.broadcast %and3A_1180 : i32 to vector<16xi32>
      %and3A_1182 = arith.andi %add3A_1179, %and3A_1181 : vector<16xi32>
      %bitcast3A_1183 = vector.bitcast %and3A_1182 : vector<16xi32> to vector<16xf32>
      %mul3A_1184 = vector.broadcast %mul3A_49 : f32 to vector<16xf32>
      %mul3A_1185 = arith.mulf %mul3A_1184, %bitcast3A_1183 : vector<16xf32>
      %add3A_1186 = arith.addf %add3A_1164, %mul3A_1185 : vector<16xf32>
      %get3A_1187 = arith.constant 224 : index
      %get3A_1188 = tpu.vector_load %arg12[%get3A_1187] {strides = array<i32>} : memref<384xf32, #tpu.memory_space<vmem>>, vector<16xf32>,
      %mul3A_1189 = arith.constant 1.99298465E-5 : f32
      %mul3A_1190 = vector.broadcast %mul3A_1189 : f32 to vector<16xf32>
      %mul3A_1191 = arith.mulf %get3A_1188, %mul3A_1190 : vector<16xf32>
      %sub3A_1192 = arith.subf %add3A_1186, %mul3A_1191 : vector<16xf32>
      %abs3A_1193 = math.absf %sub3A_1192 : vector<16xf32>
      %neg3A_1194 = arith.constant 0.000000e+00 : f32
      %neg3A_1195 = vector.broadcast %neg3A_1194 : f32 to vector<16xf32>
      %neg3A_1196 = arith.subf %neg3A_1195, %abs3A_1193 : vector<16xf32>
      %swap3A_1197 = arith.constant 224 : index
      %swap3A_1198 = tpu.vector_load %arg13[%swap3A_1197] {strides = array<i32>} : memref<384xf32, #tpu.memory_space<vmem>>, vector<16xf32>,
      tpu.vector_store %arg13[%swap3A_1197], %neg3A_1196 {strides = array<i32>} : memref<384xf32, #tpu.memory_space<vmem>>, vector<16xf32>,
      %get3A_1199 = arith.constant 0 : i32
      %get3A_1200 = arith.index_cast %get3A_1199 : i32 to index
      %get3A_1201 = arith.constant 240 : index
      %get3A_1202 = tpu.vector_load %arg11[%get3A_1200, %get3A_1201] {strides = array<i32>} : memref<3x384xf32, #tpu.memory_space<vmem>>, vector<16xf32>,
      %bitcast3A_1203 = vector.bitcast %get3A_1202 : vector<16xf32> to vector<16xi32>
      %shift_right_logical3A_1204 = arith.constant 16 : i32
      %shift_right_logical3A_1205 = vector.broadcast %shift_right_logical3A_1204 : i32 to vector<16xi32>
      %shift_right_logical3A_1206 = arith.shrui %bitcast3A_1203, %shift_right_logical3A_1205 : vector<16xi32>
      %and3A_1207 = arith.constant 1 : i32
      %and3A_1208 = vector.broadcast %and3A_1207 : i32 to vector<16xi32>
      %and3A_1209 = arith.andi %shift_right_logical3A_1206, %and3A_1208 : vector<16xi32>
      %add3A_1210 = arith.constant 32767 : i32
      %add3A_1211 = vector.broadcast %add3A_1210 : i32 to vector<16xi32>
      %add3A_1212 = arith.addi %bitcast3A_1203, %add3A_1211 : vector<16xi32>
      %add3A_1213 = arith.addi %add3A_1212, %and3A_1209 : vector<16xi32>
      %and3A_1214 = arith.constant -65536 : i32
      %and3A_1215 = vector.broadcast %and3A_1214 : i32 to vector<16xi32>
      %and3A_1216 = arith.andi %add3A_1213, %and3A_1215 : vector<16xi32>
      %bitcast3A_1217 = vector.bitcast %and3A_1216 : vector<16xi32> to vector<16xf32>
      %mul3A_1218 = vector.broadcast %mul3A_19 : f32 to vector<16xf32>
      %mul3A_1219 = arith.mulf %mul3A_1218, %bitcast3A_1217 : vector<16xf32>
      %get3A_1220 = arith.constant 1 : i32
      %get3A_1221 = arith.index_cast %get3A_1220 : i32 to index
      %get3A_1222 = arith.constant 240 : index
      %get3A_1223 = tpu.vector_load %arg11[%get3A_1221, %get3A_1222] {strides = array<i32>} : memref<3x384xf32, #tpu.memory_space<vmem>>, vector<16xf32>,
      %bitcast3A_1224 = vector.bitcast %get3A_1223 : vector<16xf32> to vector<16xi32>
      %shift_right_logical3A_1225 = arith.constant 16 : i32
      %shift_right_logical3A_1226 = vector.broadcast %shift_right_logical3A_1225 : i32 to vector<16xi32>
      %shift_right_logical3A_1227 = arith.shrui %bitcast3A_1224, %shift_right_logical3A_1226 : vector<16xi32>
      %and3A_1228 = arith.constant 1 : i32
      %and3A_1229 = vector.broadcast %and3A_1228 : i32 to vector<16xi32>
      %and3A_1230 = arith.andi %shift_right_logical3A_1227, %and3A_1229 : vector<16xi32>
      %add3A_1231 = arith.constant 32767 : i32
      %add3A_1232 = vector.broadcast %add3A_1231 : i32 to vector<16xi32>
      %add3A_1233 = arith.addi %bitcast3A_1224, %add3A_1232 : vector<16xi32>
      %add3A_1234 = arith.addi %add3A_1233, %and3A_1230 : vector<16xi32>
      %and3A_1235 = arith.constant -65536 : i32
      %and3A_1236 = vector.broadcast %and3A_1235 : i32 to vector<16xi32>
      %and3A_1237 = arith.andi %add3A_1234, %and3A_1236 : vector<16xi32>
      %bitcast3A_1238 = vector.bitcast %and3A_1237 : vector<16xi32> to vector<16xf32>
      %mul3A_1239 = vector.broadcast %mul3A_34 : f32 to vector<16xf32>
      %mul3A_1240 = arith.mulf %mul3A_1239, %bitcast3A_1238 : vector<16xf32>
      %add3A_1241 = arith.addf %mul3A_1219, %mul3A_1240 : vector<16xf32>
      %get3A_1242 = arith.constant 2 : i32
      %get3A_1243 = arith.index_cast %get3A_1242 : i32 to index
      %get3A_1244 = arith.constant 240 : index
      %get3A_1245 = tpu.vector_load %arg11[%get3A_1243, %get3A_1244] {strides = array<i32>} : memref<3x384xf32, #tpu.memory_space<vmem>>, vector<16xf32>,
      %bitcast3A_1246 = vector.bitcast %get3A_1245 : vector<16xf32> to vector<16xi32>
      %shift_right_logical3A_1247 = arith.constant 16 : i32
      %shift_right_logical3A_1248 = vector.broadcast %shift_right_logical3A_1247 : i32 to vector<16xi32>
      %shift_right_logical3A_1249 = arith.shrui %bitcast3A_1246, %shift_right_logical3A_1248 : vector<16xi32>
      %and3A_1250 = arith.constant 1 : i32
      %and3A_1251 = vector.broadcast %and3A_1250 : i32 to vector<16xi32>
      %and3A_1252 = arith.andi %shift_right_logical3A_1249, %and3A_1251 : vector<16xi32>
      %add3A_1253 = arith.constant 32767 : i32
      %add3A_1254 = vector.broadcast %add3A_1253 : i32 to vector<16xi32>
      %add3A_1255 = arith.addi %bitcast3A_1246, %add3A_1254 : vector<16xi32>
      %add3A_1256 = arith.addi %add3A_1255, %and3A_1252 : vector<16xi32>
      %and3A_1257 = arith.constant -65536 : i32
      %and3A_1258 = vector.broadcast %and3A_1257 : i32 to vector<16xi32>
      %and3A_1259 = arith.andi %add3A_1256, %and3A_1258 : vector<16xi32>
      %bitcast3A_1260 = vector.bitcast %and3A_1259 : vector<16xi32> to vector<16xf32>
      %mul3A_1261 = vector.broadcast %mul3A_49 : f32 to vector<16xf32>
      %mul3A_1262 = arith.mulf %mul3A_1261, %bitcast3A_1260 : vector<16xf32>
      %add3A_1263 = arith.addf %add3A_1241, %mul3A_1262 : vector<16xf32>
      %get3A_1264 = arith.constant 240 : index
      %get3A_1265 = tpu.vector_load %arg12[%get3A_1264] {strides = array<i32>} : memref<384xf32, #tpu.memory_space<vmem>>, vector<16xf32>,
      %mul3A_1266 = arith.constant 1.99298465E-5 : f32
      %mul3A_1267 = vector.broadcast %mul3A_1266 : f32 to vector<16xf32>
      %mul3A_1268 = arith.mulf %get3A_1265, %mul3A_1267 : vector<16xf32>
      %sub3A_1269 = arith.subf %add3A_1263, %mul3A_1268 : vector<16xf32>
      %abs3A_1270 = math.absf %sub3A_1269 : vector<16xf32>
      %neg3A_1271 = arith.constant 0.000000e+00 : f32
      %neg3A_1272 = vector.broadcast %neg3A_1271 : f32 to vector<16xf32>
      %neg3A_1273 = arith.subf %neg3A_1272, %abs3A_1270 : vector<16xf32>
      %swap3A_1274 = arith.constant 240 : index
      %swap3A_1275 = tpu.vector_load %arg13[%swap3A_1274] {strides = array<i32>} : memref<384xf32, #tpu.memory_space<vmem>>, vector<16xf32>,
      tpu.vector_store %arg13[%swap3A_1274], %neg3A_1273 {strides = array<i32>} : memref<384xf32, #tpu.memory_space<vmem>>, vector<16xf32>,
      %get3A_1276 = arith.constant 0 : i32
      %get3A_1277 = arith.index_cast %get3A_1276 : i32 to index
      %get3A_1278 = arith.constant 256 : index
      %get3A_1279 = tpu.vector_load %arg11[%get3A_1277, %get3A_1278] {strides = array<i32>} : memref<3x384xf32, #tpu.memory_space<vmem>>, vector<16xf32>,
      %bitcast3A_1280 = vector.bitcast %get3A_1279 : vector<16xf32> to vector<16xi32>
      %shift_right_logical3A_1281 = arith.constant 16 : i32
      %shift_right_logical3A_1282 = vector.broadcast %shift_right_logical3A_1281 : i32 to vector<16xi32>
      %shift_right_logical3A_1283 = arith.shrui %bitcast3A_1280, %shift_right_logical3A_1282 : vector<16xi32>
      %and3A_1284 = arith.constant 1 : i32
      %and3A_1285 = vector.broadcast %and3A_1284 : i32 to vector<16xi32>
      %and3A_1286 = arith.andi %shift_right_logical3A_1283, %and3A_1285 : vector<16xi32>
      %add3A_1287 = arith.constant 32767 : i32
      %add3A_1288 = vector.broadcast %add3A_1287 : i32 to vector<16xi32>
      %add3A_1289 = arith.addi %bitcast3A_1280, %add3A_1288 : vector<16xi32>
      %add3A_1290 = arith.addi %add3A_1289, %and3A_1286 : vector<16xi32>
      %and3A_1291 = arith.constant -65536 : i32
      %and3A_1292 = vector.broadcast %and3A_1291 : i32 to vector<16xi32>
      %and3A_1293 = arith.andi %add3A_1290, %and3A_1292 : vector<16xi32>
      %bitcast3A_1294 = vector.bitcast %and3A_1293 : vector<16xi32> to vector<16xf32>
      %mul3A_1295 = vector.broadcast %mul3A_19 : f32 to vector<16xf32>
      %mul3A_1296 = arith.mulf %mul3A_1295, %bitcast3A_1294 : vector<16xf32>
      %get3A_1297 = arith.constant 1 : i32
      %get3A_1298 = arith.index_cast %get3A_1297 : i32 to index
      %get3A_1299 = arith.constant 256 : index
      %get3A_1300 = tpu.vector_load %arg11[%get3A_1298, %get3A_1299] {strides = array<i32>} : memref<3x384xf32, #tpu.memory_space<vmem>>, vector<16xf32>,
      %bitcast3A_1301 = vector.bitcast %get3A_1300 : vector<16xf32> to vector<16xi32>
      %shift_right_logical3A_1302 = arith.constant 16 : i32
      %shift_right_logical3A_1303 = vector.broadcast %shift_right_logical3A_1302 : i32 to vector<16xi32>
      %shift_right_logical3A_1304 = arith.shrui %bitcast3A_1301, %shift_right_logical3A_1303 : vector<16xi32>
      %and3A_1305 = arith.constant 1 : i32
      %and3A_1306 = vector.broadcast %and3A_1305 : i32 to vector<16xi32>
      %and3A_1307 = arith.andi %shift_right_logical3A_1304, %and3A_1306 : vector<16xi32>
      %add3A_1308 = arith.constant 32767 : i32
      %add3A_1309 = vector.broadcast %add3A_1308 : i32 to vector<16xi32>
      %add3A_1310 = arith.addi %bitcast3A_1301, %add3A_1309 : vector<16xi32>
      %add3A_1311 = arith.addi %add3A_1310, %and3A_1307 : vector<16xi32>
      %and3A_1312 = arith.constant -65536 : i32
      %and3A_1313 = vector.broadcast %and3A_1312 : i32 to vector<16xi32>
      %and3A_1314 = arith.andi %add3A_1311, %and3A_1313 : vector<16xi32>
      %bitcast3A_1315 = vector.bitcast %and3A_1314 : vector<16xi32> to vector<16xf32>
      %mul3A_1316 = vector.broadcast %mul3A_34 : f32 to vector<16xf32>
      %mul3A_1317 = arith.mulf %mul3A_1316, %bitcast3A_1315 : vector<16xf32>
      %add3A_1318 = arith.addf %mul3A_1296, %mul3A_1317 : vector<16xf32>
      %get3A_1319 = arith.constant 2 : i32
      %get3A_1320 = arith.index_cast %get3A_1319 : i32 to index
      %get3A_1321 = arith.constant 256 : index
      %get3A_1322 = tpu.vector_load %arg11[%get3A_1320, %get3A_1321] {strides = array<i32>} : memref<3x384xf32, #tpu.memory_space<vmem>>, vector<16xf32>,
      %bitcast3A_1323 = vector.bitcast %get3A_1322 : vector<16xf32> to vector<16xi32>
      %shift_right_logical3A_1324 = arith.constant 16 : i32
      %shift_right_logical3A_1325 = vector.broadcast %shift_right_logical3A_1324 : i32 to vector<16xi32>
      %shift_right_logical3A_1326 = arith.shrui %bitcast3A_1323, %shift_right_logical3A_1325 : vector<16xi32>
      %and3A_1327 = arith.constant 1 : i32
      %and3A_1328 = vector.broadcast %and3A_1327 : i32 to vector<16xi32>
      %and3A_1329 = arith.andi %shift_right_logical3A_1326, %and3A_1328 : vector<16xi32>
      %add3A_1330 = arith.constant 32767 : i32
      %add3A_1331 = vector.broadcast %add3A_1330 : i32 to vector<16xi32>
      %add3A_1332 = arith.addi %bitcast3A_1323, %add3A_1331 : vector<16xi32>
      %add3A_1333 = arith.addi %add3A_1332, %and3A_1329 : vector<16xi32>
      %and3A_1334 = arith.constant -65536 : i32
      %and3A_1335 = vector.broadcast %and3A_1334 : i32 to vector<16xi32>
      %and3A_1336 = arith.andi %add3A_1333, %and3A_1335 : vector<16xi32>
      %bitcast3A_1337 = vector.bitcast %and3A_1336 : vector<16xi32> to vector<16xf32>
      %mul3A_1338 = vector.broadcast %mul3A_49 : f32 to vector<16xf32>
      %mul3A_1339 = arith.mulf %mul3A_1338, %bitcast3A_1337 : vector<16xf32>
      %add3A_1340 = arith.addf %add3A_1318, %mul3A_1339 : vector<16xf32>
      %get3A_1341 = arith.constant 256 : index
      %get3A_1342 = tpu.vector_load %arg12[%get3A_1341] {strides = array<i32>} : memref<384xf32, #tpu.memory_space<vmem>>, vector<16xf32>,
      %mul3A_1343 = arith.constant 1.99298465E-5 : f32
      %mul3A_1344 = vector.broadcast %mul3A_1343 : f32 to vector<16xf32>
      %mul3A_1345 = arith.mulf %get3A_1342, %mul3A_1344 : vector<16xf32>
      %sub3A_1346 = arith.subf %add3A_1340, %mul3A_1345 : vector<16xf32>
      %abs3A_1347 = math.absf %sub3A_1346 : vector<16xf32>
      %neg3A_1348 = arith.constant 0.000000e+00 : f32
      %neg3A_1349 = vector.broadcast %neg3A_1348 : f32 to vector<16xf32>
      %neg3A_1350 = arith.subf %neg3A_1349, %abs3A_1347 : vector<16xf32>
      %swap3A_1351 = arith.constant 256 : index
      %swap3A_1352 = tpu.vector_load %arg13[%swap3A_1351] {strides = array<i32>} : memref<384xf32, #tpu.memory_space<vmem>>, vector<16xf32>,
      tpu.vector_store %arg13[%swap3A_1351], %neg3A_1350 {strides = array<i32>} : memref<384xf32, #tpu.memory_space<vmem>>, vector<16xf32>,
      %get3A_1353 = arith.constant 0 : i32
      %get3A_1354 = arith.index_cast %get3A_1353 : i32 to index
      %get3A_1355 = arith.constant 272 : index
      %get3A_1356 = tpu.vector_load %arg11[%get3A_1354, %get3A_1355] {strides = array<i32>} : memref<3x384xf32, #tpu.memory_space<vmem>>, vector<16xf32>,
      %bitcast3A_1357 = vector.bitcast %get3A_1356 : vector<16xf32> to vector<16xi32>
      %shift_right_logical3A_1358 = arith.constant 16 : i32
      %shift_right_logical3A_1359 = vector.broadcast %shift_right_logical3A_1358 : i32 to vector<16xi32>
      %shift_right_logical3A_1360 = arith.shrui %bitcast3A_1357, %shift_right_logical3A_1359 : vector<16xi32>
      %and3A_1361 = arith.constant 1 : i32
      %and3A_1362 = vector.broadcast %and3A_1361 : i32 to vector<16xi32>
      %and3A_1363 = arith.andi %shift_right_logical3A_1360, %and3A_1362 : vector<16xi32>
      %add3A_1364 = arith.constant 32767 : i32
      %add3A_1365 = vector.broadcast %add3A_1364 : i32 to vector<16xi32>
      %add3A_1366 = arith.addi %bitcast3A_1357, %add3A_1365 : vector<16xi32>
      %add3A_1367 = arith.addi %add3A_1366, %and3A_1363 : vector<16xi32>
      %and3A_1368 = arith.constant -65536 : i32
      %and3A_1369 = vector.broadcast %and3A_1368 : i32 to vector<16xi32>
      %and3A_1370 = arith.andi %add3A_1367, %and3A_1369 : vector<16xi32>
      %bitcast3A_1371 = vector.bitcast %and3A_1370 : vector<16xi32> to vector<16xf32>
      %mul3A_1372 = vector.broadcast %mul3A_19 : f32 to vector<16xf32>
      %mul3A_1373 = arith.mulf %mul3A_1372, %bitcast3A_1371 : vector<16xf32>
      %get3A_1374 = arith.constant 1 : i32
      %get3A_1375 = arith.index_cast %get3A_1374 : i32 to index
      %get3A_1376 = arith.constant 272 : index
      %get3A_1377 = tpu.vector_load %arg11[%get3A_1375, %get3A_1376] {strides = array<i32>} : memref<3x384xf32, #tpu.memory_space<vmem>>, vector<16xf32>,
      %bitcast3A_1378 = vector.bitcast %get3A_1377 : vector<16xf32> to vector<16xi32>
      %shift_right_logical3A_1379 = arith.constant 16 : i32
      %shift_right_logical3A_1380 = vector.broadcast %shift_right_logical3A_1379 : i32 to vector<16xi32>
      %shift_right_logical3A_1381 = arith.shrui %bitcast3A_1378, %shift_right_logical3A_1380 : vector<16xi32>
      %and3A_1382 = arith.constant 1 : i32
      %and3A_1383 = vector.broadcast %and3A_1382 : i32 to vector<16xi32>
      %and3A_1384 = arith.andi %shift_right_logical3A_1381, %and3A_1383 : vector<16xi32>
      %add3A_1385 = arith.constant 32767 : i32
      %add3A_1386 = vector.broadcast %add3A_1385 : i32 to vector<16xi32>
      %add3A_1387 = arith.addi %bitcast3A_1378, %add3A_1386 : vector<16xi32>
      %add3A_1388 = arith.addi %add3A_1387, %and3A_1384 : vector<16xi32>
      %and3A_1389 = arith.constant -65536 : i32
      %and3A_1390 = vector.broadcast %and3A_1389 : i32 to vector<16xi32>
      %and3A_1391 = arith.andi %add3A_1388, %and3A_1390 : vector<16xi32>
      %bitcast3A_1392 = vector.bitcast %and3A_1391 : vector<16xi32> to vector<16xf32>
      %mul3A_1393 = vector.broadcast %mul3A_34 : f32 to vector<16xf32>
      %mul3A_1394 = arith.mulf %mul3A_1393, %bitcast3A_1392 : vector<16xf32>
      %add3A_1395 = arith.addf %mul3A_1373, %mul3A_1394 : vector<16xf32>
      %get3A_1396 = arith.constant 2 : i32
      %get3A_1397 = arith.index_cast %get3A_1396 : i32 to index
      %get3A_1398 = arith.constant 272 : index
      %get3A_1399 = tpu.vector_load %arg11[%get3A_1397, %get3A_1398] {strides = array<i32>} : memref<3x384xf32, #tpu.memory_space<vmem>>, vector<16xf32>,
      %bitcast3A_1400 = vector.bitcast %get3A_1399 : vector<16xf32> to vector<16xi32>
      %shift_right_logical3A_1401 = arith.constant 16 : i32
      %shift_right_logical3A_1402 = vector.broadcast %shift_right_logical3A_1401 : i32 to vector<16xi32>
      %shift_right_logical3A_1403 = arith.shrui %bitcast3A_1400, %shift_right_logical3A_1402 : vector<16xi32>
      %and3A_1404 = arith.constant 1 : i32
      %and3A_1405 = vector.broadcast %and3A_1404 : i32 to vector<16xi32>
      %and3A_1406 = arith.andi %shift_right_logical3A_1403, %and3A_1405 : vector<16xi32>
      %add3A_1407 = arith.constant 32767 : i32
      %add3A_1408 = vector.broadcast %add3A_1407 : i32 to vector<16xi32>
      %add3A_1409 = arith.addi %bitcast3A_1400, %add3A_1408 : vector<16xi32>
      %add3A_1410 = arith.addi %add3A_1409, %and3A_1406 : vector<16xi32>
      %and3A_1411 = arith.constant -65536 : i32
      %and3A_1412 = vector.broadcast %and3A_1411 : i32 to vector<16xi32>
      %and3A_1413 = arith.andi %add3A_1410, %and3A_1412 : vector<16xi32>
      %bitcast3A_1414 = vector.bitcast %and3A_1413 : vector<16xi32> to vector<16xf32>
      %mul3A_1415 = vector.broadcast %mul3A_49 : f32 to vector<16xf32>
      %mul3A_1416 = arith.mulf %mul3A_1415, %bitcast3A_1414 : vector<16xf32>
      %add3A_1417 = arith.addf %add3A_1395, %mul3A_1416 : vector<16xf32>
      %get3A_1418 = arith.constant 272 : index
      %get3A_1419 = tpu.vector_load %arg12[%get3A_1418] {strides = array<i32>} : memref<384xf32, #tpu.memory_space<vmem>>, vector<16xf32>,
      %mul3A_1420 = arith.constant 1.99298465E-5 : f32
      %mul3A_1421 = vector.broadcast %mul3A_1420 : f32 to vector<16xf32>
      %mul3A_1422 = arith.mulf %get3A_1419, %mul3A_1421 : vector<16xf32>
      %sub3A_1423 = arith.subf %add3A_1417, %mul3A_1422 : vector<16xf32>
      %abs3A_1424 = math.absf %sub3A_1423 : vector<16xf32>
      %neg3A_1425 = arith.constant 0.000000e+00 : f32
      %neg3A_1426 = vector.broadcast %neg3A_1425 : f32 to vector<16xf32>
      %neg3A_1427 = arith.subf %neg3A_1426, %abs3A_1424 : vector<16xf32>
      %swap3A_1428 = arith.constant 272 : index
      %swap3A_1429 = tpu.vector_load %arg13[%swap3A_1428] {strides = array<i32>} : memref<384xf32, #tpu.memory_space<vmem>>, vector<16xf32>,
      tpu.vector_store %arg13[%swap3A_1428], %neg3A_1427 {strides = array<i32>} : memref<384xf32, #tpu.memory_space<vmem>>, vector<16xf32>,
      %get3A_1430 = arith.constant 0 : i32
      %get3A_1431 = arith.index_cast %get3A_1430 : i32 to index
      %get3A_1432 = arith.constant 288 : index
      %get3A_1433 = tpu.vector_load %arg11[%get3A_1431, %get3A_1432] {strides = array<i32>} : memref<3x384xf32, #tpu.memory_space<vmem>>, vector<16xf32>,
      %bitcast3A_1434 = vector.bitcast %get3A_1433 : vector<16xf32> to vector<16xi32>
      %shift_right_logical3A_1435 = arith.constant 16 : i32
      %shift_right_logical3A_1436 = vector.broadcast %shift_right_logical3A_1435 : i32 to vector<16xi32>
      %shift_right_logical3A_1437 = arith.shrui %bitcast3A_1434, %shift_right_logical3A_1436 : vector<16xi32>
      %and3A_1438 = arith.constant 1 : i32
      %and3A_1439 = vector.broadcast %and3A_1438 : i32 to vector<16xi32>
      %and3A_1440 = arith.andi %shift_right_logical3A_1437, %and3A_1439 : vector<16xi32>
      %add3A_1441 = arith.constant 32767 : i32
      %add3A_1442 = vector.broadcast %add3A_1441 : i32 to vector<16xi32>
      %add3A_1443 = arith.addi %bitcast3A_1434, %add3A_1442 : vector<16xi32>
      %add3A_1444 = arith.addi %add3A_1443, %and3A_1440 : vector<16xi32>
      %and3A_1445 = arith.constant -65536 : i32
      %and3A_1446 = vector.broadcast %and3A_1445 : i32 to vector<16xi32>
      %and3A_1447 = arith.andi %add3A_1444, %and3A_1446 : vector<16xi32>
      %bitcast3A_1448 = vector.bitcast %and3A_1447 : vector<16xi32> to vector<16xf32>
      %mul3A_1449 = vector.broadcast %mul3A_19 : f32 to vector<16xf32>
      %mul3A_1450 = arith.mulf %mul3A_1449, %bitcast3A_1448 : vector<16xf32>
      %get3A_1451 = arith.constant 1 : i32
      %get3A_1452 = arith.index_cast %get3A_1451 : i32 to index
      %get3A_1453 = arith.constant 288 : index
      %get3A_1454 = tpu.vector_load %arg11[%get3A_1452, %get3A_1453] {strides = array<i32>} : memref<3x384xf32, #tpu.memory_space<vmem>>, vector<16xf32>,
      %bitcast3A_1455 = vector.bitcast %get3A_1454 : vector<16xf32> to vector<16xi32>
      %shift_right_logical3A_1456 = arith.constant 16 : i32
      %shift_right_logical3A_1457 = vector.broadcast %shift_right_logical3A_1456 : i32 to vector<16xi32>
      %shift_right_logical3A_1458 = arith.shrui %bitcast3A_1455, %shift_right_logical3A_1457 : vector<16xi32>
      %and3A_1459 = arith.constant 1 : i32
      %and3A_1460 = vector.broadcast %and3A_1459 : i32 to vector<16xi32>
      %and3A_1461 = arith.andi %shift_right_logical3A_1458, %and3A_1460 : vector<16xi32>
      %add3A_1462 = arith.constant 32767 : i32
      %add3A_1463 = vector.broadcast %add3A_1462 : i32 to vector<16xi32>
      %add3A_1464 = arith.addi %bitcast3A_1455, %add3A_1463 : vector<16xi32>
      %add3A_1465 = arith.addi %add3A_1464, %and3A_1461 : vector<16xi32>
      %and3A_1466 = arith.constant -65536 : i32
      %and3A_1467 = vector.broadcast %and3A_1466 : i32 to vector<16xi32>
      %and3A_1468 = arith.andi %add3A_1465, %and3A_1467 : vector<16xi32>
      %bitcast3A_1469 = vector.bitcast %and3A_1468 : vector<16xi32> to vector<16xf32>
      %mul3A_1470 = vector.broadcast %mul3A_34 : f32 to vector<16xf32>
      %mul3A_1471 = arith.mulf %mul3A_1470, %bitcast3A_1469 : vector<16xf32>
      %add3A_1472 = arith.addf %mul3A_1450, %mul3A_1471 : vector<16xf32>
      %get3A_1473 = arith.constant 2 : i32
      %get3A_1474 = arith.index_cast %get3A_1473 : i32 to index
      %get3A_1475 = arith.constant 288 : index
      %get3A_1476 = tpu.vector_load %arg11[%get3A_1474, %get3A_1475] {strides = array<i32>} : memref<3x384xf32, #tpu.memory_space<vmem>>, vector<16xf32>,
      %bitcast3A_1477 = vector.bitcast %get3A_1476 : vector<16xf32> to vector<16xi32>
      %shift_right_logical3A_1478 = arith.constant 16 : i32
      %shift_right_logical3A_1479 = vector.broadcast %shift_right_logical3A_1478 : i32 to vector<16xi32>
      %shift_right_logical3A_1480 = arith.shrui %bitcast3A_1477, %shift_right_logical3A_1479 : vector<16xi32>
      %and3A_1481 = arith.constant 1 : i32
      %and3A_1482 = vector.broadcast %and3A_1481 : i32 to vector<16xi32>
      %and3A_1483 = arith.andi %shift_right_logical3A_1480, %and3A_1482 : vector<16xi32>
      %add3A_1484 = arith.constant 32767 : i32
      %add3A_1485 = vector.broadcast %add3A_1484 : i32 to vector<16xi32>
      %add3A_1486 = arith.addi %bitcast3A_1477, %add3A_1485 : vector<16xi32>
      %add3A_1487 = arith.addi %add3A_1486, %and3A_1483 : vector<16xi32>
      %and3A_1488 = arith.constant -65536 : i32
      %and3A_1489 = vector.broadcast %and3A_1488 : i32 to vector<16xi32>
      %and3A_1490 = arith.andi %add3A_1487, %and3A_1489 : vector<16xi32>
      %bitcast3A_1491 = vector.bitcast %and3A_1490 : vector<16xi32> to vector<16xf32>
      %mul3A_1492 = vector.broadcast %mul3A_49 : f32 to vector<16xf32>
      %mul3A_1493 = arith.mulf %mul3A_1492, %bitcast3A_1491 : vector<16xf32>
      %add3A_1494 = arith.addf %add3A_1472, %mul3A_1493 : vector<16xf32>
      %get3A_1495 = arith.constant 288 : index
      %get3A_1496 = tpu.vector_load %arg12[%get3A_1495] {strides = array<i32>} : memref<384xf32, #tpu.memory_space<vmem>>, vector<16xf32>,
      %mul3A_1497 = arith.constant 1.99298465E-5 : f32
      %mul3A_1498 = vector.broadcast %mul3A_1497 : f32 to vector<16xf32>
      %mul3A_1499 = arith.mulf %get3A_1496, %mul3A_1498 : vector<16xf32>
      %sub3A_1500 = arith.subf %add3A_1494, %mul3A_1499 : vector<16xf32>
      %abs3A_1501 = math.absf %sub3A_1500 : vector<16xf32>
      %neg3A_1502 = arith.constant 0.000000e+00 : f32
      %neg3A_1503 = vector.broadcast %neg3A_1502 : f32 to vector<16xf32>
      %neg3A_1504 = arith.subf %neg3A_1503, %abs3A_1501 : vector<16xf32>
      %swap3A_1505 = arith.constant 288 : index
      %swap3A_1506 = tpu.vector_load %arg13[%swap3A_1505] {strides = array<i32>} : memref<384xf32, #tpu.memory_space<vmem>>, vector<16xf32>,
      tpu.vector_store %arg13[%swap3A_1505], %neg3A_1504 {strides = array<i32>} : memref<384xf32, #tpu.memory_space<vmem>>, vector<16xf32>,
      %get3A_1507 = arith.constant 0 : i32
      %get3A_1508 = arith.index_cast %get3A_1507 : i32 to index
      %get3A_1509 = arith.constant 304 : index
      %get3A_1510 = tpu.vector_load %arg11[%get3A_1508, %get3A_1509] {strides = array<i32>} : memref<3x384xf32, #tpu.memory_space<vmem>>, vector<16xf32>,
      %bitcast3A_1511 = vector.bitcast %get3A_1510 : vector<16xf32> to vector<16xi32>
      %shift_right_logical3A_1512 = arith.constant 16 : i32
      %shift_right_logical3A_1513 = vector.broadcast %shift_right_logical3A_1512 : i32 to vector<16xi32>
      %shift_right_logical3A_1514 = arith.shrui %bitcast3A_1511, %shift_right_logical3A_1513 : vector<16xi32>
      %and3A_1515 = arith.constant 1 : i32
      %and3A_1516 = vector.broadcast %and3A_1515 : i32 to vector<16xi32>
      %and3A_1517 = arith.andi %shift_right_logical3A_1514, %and3A_1516 : vector<16xi32>
      %add3A_1518 = arith.constant 32767 : i32
      %add3A_1519 = vector.broadcast %add3A_1518 : i32 to vector<16xi32>
      %add3A_1520 = arith.addi %bitcast3A_1511, %add3A_1519 : vector<16xi32>
      %add3A_1521 = arith.addi %add3A_1520, %and3A_1517 : vector<16xi32>
      %and3A_1522 = arith.constant -65536 : i32
      %and3A_1523 = vector.broadcast %and3A_1522 : i32 to vector<16xi32>
      %and3A_1524 = arith.andi %add3A_1521, %and3A_1523 : vector<16xi32>
      %bitcast3A_1525 = vector.bitcast %and3A_1524 : vector<16xi32> to vector<16xf32>
      %mul3A_1526 = vector.broadcast %mul3A_19 : f32 to vector<16xf32>
      %mul3A_1527 = arith.mulf %mul3A_1526, %bitcast3A_1525 : vector<16xf32>
      %get3A_1528 = arith.constant 1 : i32
      %get3A_1529 = arith.index_cast %get3A_1528 : i32 to index
      %get3A_1530 = arith.constant 304 : index
      %get3A_1531 = tpu.vector_load %arg11[%get3A_1529, %get3A_1530] {strides = array<i32>} : memref<3x384xf32, #tpu.memory_space<vmem>>, vector<16xf32>,
      %bitcast3A_1532 = vector.bitcast %get3A_1531 : vector<16xf32> to vector<16xi32>
      %shift_right_logical3A_1533 = arith.constant 16 : i32
      %shift_right_logical3A_1534 = vector.broadcast %shift_right_logical3A_1533 : i32 to vector<16xi32>
      %shift_right_logical3A_1535 = arith.shrui %bitcast3A_1532, %shift_right_logical3A_1534 : vector<16xi32>
      %and3A_1536 = arith.constant 1 : i32
      %and3A_1537 = vector.broadcast %and3A_1536 : i32 to vector<16xi32>
      %and3A_1538 = arith.andi %shift_right_logical3A_1535, %and3A_1537 : vector<16xi32>
      %add3A_1539 = arith.constant 32767 : i32
      %add3A_1540 = vector.broadcast %add3A_1539 : i32 to vector<16xi32>
      %add3A_1541 = arith.addi %bitcast3A_1532, %add3A_1540 : vector<16xi32>
      %add3A_1542 = arith.addi %add3A_1541, %and3A_1538 : vector<16xi32>
      %and3A_1543 = arith.constant -65536 : i32
      %and3A_1544 = vector.broadcast %and3A_1543 : i32 to vector<16xi32>
      %and3A_1545 = arith.andi %add3A_1542, %and3A_1544 : vector<16xi32>
      %bitcast3A_1546 = vector.bitcast %and3A_1545 : vector<16xi32> to vector<16xf32>
      %mul3A_1547 = vector.broadcast %mul3A_34 : f32 to vector<16xf32>
      %mul3A_1548 = arith.mulf %mul3A_1547, %bitcast3A_1546 : vector<16xf32>
      %add3A_1549 = arith.addf %mul3A_1527, %mul3A_1548 : vector<16xf32>
      %get3A_1550 = arith.constant 2 : i32
      %get3A_1551 = arith.index_cast %get3A_1550 : i32 to index
      %get3A_1552 = arith.constant 304 : index
      %get3A_1553 = tpu.vector_load %arg11[%get3A_1551, %get3A_1552] {strides = array<i32>} : memref<3x384xf32, #tpu.memory_space<vmem>>, vector<16xf32>,
      %bitcast3A_1554 = vector.bitcast %get3A_1553 : vector<16xf32> to vector<16xi32>
      %shift_right_logical3A_1555 = arith.constant 16 : i32
      %shift_right_logical3A_1556 = vector.broadcast %shift_right_logical3A_1555 : i32 to vector<16xi32>
      %shift_right_logical3A_1557 = arith.shrui %bitcast3A_1554, %shift_right_logical3A_1556 : vector<16xi32>
      %and3A_1558 = arith.constant 1 : i32
      %and3A_1559 = vector.broadcast %and3A_1558 : i32 to vector<16xi32>
      %and3A_1560 = arith.andi %shift_right_logical3A_1557, %and3A_1559 : vector<16xi32>
      %add3A_1561 = arith.constant 32767 : i32
      %add3A_1562 = vector.broadcast %add3A_1561 : i32 to vector<16xi32>
      %add3A_1563 = arith.addi %bitcast3A_1554, %add3A_1562 : vector<16xi32>
      %add3A_1564 = arith.addi %add3A_1563, %and3A_1560 : vector<16xi32>
      %and3A_1565 = arith.constant -65536 : i32
      %and3A_1566 = vector.broadcast %and3A_1565 : i32 to vector<16xi32>
      %and3A_1567 = arith.andi %add3A_1564, %and3A_1566 : vector<16xi32>
      %bitcast3A_1568 = vector.bitcast %and3A_1567 : vector<16xi32> to vector<16xf32>
      %mul3A_1569 = vector.broadcast %mul3A_49 : f32 to vector<16xf32>
      %mul3A_1570 = arith.mulf %mul3A_1569, %bitcast3A_1568 : vector<16xf32>
      %add3A_1571 = arith.addf %add3A_1549, %mul3A_1570 : vector<16xf32>
      %get3A_1572 = arith.constant 304 : index
      %get3A_1573 = tpu.vector_load %arg12[%get3A_1572] {strides = array<i32>} : memref<384xf32, #tpu.memory_space<vmem>>, vector<16xf32>,
      %mul3A_1574 = arith.constant 1.99298465E-5 : f32
      %mul3A_1575 = vector.broadcast %mul3A_1574 : f32 to vector<16xf32>
      %mul3A_1576 = arith.mulf %get3A_1573, %mul3A_1575 : vector<16xf32>
      %sub3A_1577 = arith.subf %add3A_1571, %mul3A_1576 : vector<16xf32>
      %abs3A_1578 = math.absf %sub3A_1577 : vector<16xf32>
      %neg3A_1579 = arith.constant 0.000000e+00 : f32
      %neg3A_1580 = vector.broadcast %neg3A_1579 : f32 to vector<16xf32>
      %neg3A_1581 = arith.subf %neg3A_1580, %abs3A_1578 : vector<16xf32>
      %swap3A_1582 = arith.constant 304 : index
      %swap3A_1583 = tpu.vector_load %arg13[%swap3A_1582] {strides = array<i32>} : memref<384xf32, #tpu.memory_space<vmem>>, vector<16xf32>,
      tpu.vector_store %arg13[%swap3A_1582], %neg3A_1581 {strides = array<i32>} : memref<384xf32, #tpu.memory_space<vmem>>, vector<16xf32>,
      %get3A_1584 = arith.constant 0 : i32
      %get3A_1585 = arith.index_cast %get3A_1584 : i32 to index
      %get3A_1586 = arith.constant 320 : index
      %get3A_1587 = tpu.vector_load %arg11[%get3A_1585, %get3A_1586] {strides = array<i32>} : memref<3x384xf32, #tpu.memory_space<vmem>>, vector<16xf32>,
      %bitcast3A_1588 = vector.bitcast %get3A_1587 : vector<16xf32> to vector<16xi32>
      %shift_right_logical3A_1589 = arith.constant 16 : i32
      %shift_right_logical3A_1590 = vector.broadcast %shift_right_logical3A_1589 : i32 to vector<16xi32>
      %shift_right_logical3A_1591 = arith.shrui %bitcast3A_1588, %shift_right_logical3A_1590 : vector<16xi32>
      %and3A_1592 = arith.constant 1 : i32
      %and3A_1593 = vector.broadcast %and3A_1592 : i32 to vector<16xi32>
      %and3A_1594 = arith.andi %shift_right_logical3A_1591, %and3A_1593 : vector<16xi32>
      %add3A_1595 = arith.constant 32767 : i32
      %add3A_1596 = vector.broadcast %add3A_1595 : i32 to vector<16xi32>
      %add3A_1597 = arith.addi %bitcast3A_1588, %add3A_1596 : vector<16xi32>
      %add3A_1598 = arith.addi %add3A_1597, %and3A_1594 : vector<16xi32>
      %and3A_1599 = arith.constant -65536 : i32
      %and3A_1600 = vector.broadcast %and3A_1599 : i32 to vector<16xi32>
      %and3A_1601 = arith.andi %add3A_1598, %and3A_1600 : vector<16xi32>
      %bitcast3A_1602 = vector.bitcast %and3A_1601 : vector<16xi32> to vector<16xf32>
      %mul3A_1603 = vector.broadcast %mul3A_19 : f32 to vector<16xf32>
      %mul3A_1604 = arith.mulf %mul3A_1603, %bitcast3A_1602 : vector<16xf32>
      %get3A_1605 = arith.constant 1 : i32
      %get3A_1606 = arith.index_cast %get3A_1605 : i32 to index
      %get3A_1607 = arith.constant 320 : index
      %get3A_1608 = tpu.vector_load %arg11[%get3A_1606, %get3A_1607] {strides = array<i32>} : memref<3x384xf32, #tpu.memory_space<vmem>>, vector<16xf32>,
      %bitcast3A_1609 = vector.bitcast %get3A_1608 : vector<16xf32> to vector<16xi32>
      %shift_right_logical3A_1610 = arith.constant 16 : i32
      %shift_right_logical3A_1611 = vector.broadcast %shift_right_logical3A_1610 : i32 to vector<16xi32>
      %shift_right_logical3A_1612 = arith.shrui %bitcast3A_1609, %shift_right_logical3A_1611 : vector<16xi32>
      %and3A_1613 = arith.constant 1 : i32
      %and3A_1614 = vector.broadcast %and3A_1613 : i32 to vector<16xi32>
      %and3A_1615 = arith.andi %shift_right_logical3A_1612, %and3A_1614 : vector<16xi32>
      %add3A_1616 = arith.constant 32767 : i32
      %add3A_1617 = vector.broadcast %add3A_1616 : i32 to vector<16xi32>
      %add3A_1618 = arith.addi %bitcast3A_1609, %add3A_1617 : vector<16xi32>
      %add3A_1619 = arith.addi %add3A_1618, %and3A_1615 : vector<16xi32>
      %and3A_1620 = arith.constant -65536 : i32
      %and3A_1621 = vector.broadcast %and3A_1620 : i32 to vector<16xi32>
      %and3A_1622 = arith.andi %add3A_1619, %and3A_1621 : vector<16xi32>
      %bitcast3A_1623 = vector.bitcast %and3A_1622 : vector<16xi32> to vector<16xf32>
      %mul3A_1624 = vector.broadcast %mul3A_34 : f32 to vector<16xf32>
      %mul3A_1625 = arith.mulf %mul3A_1624, %bitcast3A_1623 : vector<16xf32>
      %add3A_1626 = arith.addf %mul3A_1604, %mul3A_1625 : vector<16xf32>
      %get3A_1627 = arith.constant 2 : i32
      %get3A_1628 = arith.index_cast %get3A_1627 : i32 to index
      %get3A_1629 = arith.constant 320 : index
      %get3A_1630 = tpu.vector_load %arg11[%get3A_1628, %get3A_1629] {strides = array<i32>} : memref<3x384xf32, #tpu.memory_space<vmem>>, vector<16xf32>,
      %bitcast3A_1631 = vector.bitcast %get3A_1630 : vector<16xf32> to vector<16xi32>
      %shift_right_logical3A_1632 = arith.constant 16 : i32
      %shift_right_logical3A_1633 = vector.broadcast %shift_right_logical3A_1632 : i32 to vector<16xi32>
      %shift_right_logical3A_1634 = arith.shrui %bitcast3A_1631, %shift_right_logical3A_1633 : vector<16xi32>
      %and3A_1635 = arith.constant 1 : i32
      %and3A_1636 = vector.broadcast %and3A_1635 : i32 to vector<16xi32>
      %and3A_1637 = arith.andi %shift_right_logical3A_1634, %and3A_1636 : vector<16xi32>
      %add3A_1638 = arith.constant 32767 : i32
      %add3A_1639 = vector.broadcast %add3A_1638 : i32 to vector<16xi32>
      %add3A_1640 = arith.addi %bitcast3A_1631, %add3A_1639 : vector<16xi32>
      %add3A_1641 = arith.addi %add3A_1640, %and3A_1637 : vector<16xi32>
      %and3A_1642 = arith.constant -65536 : i32
      %and3A_1643 = vector.broadcast %and3A_1642 : i32 to vector<16xi32>
      %and3A_1644 = arith.andi %add3A_1641, %and3A_1643 : vector<16xi32>
      %bitcast3A_1645 = vector.bitcast %and3A_1644 : vector<16xi32> to vector<16xf32>
      %mul3A_1646 = vector.broadcast %mul3A_49 : f32 to vector<16xf32>
      %mul3A_1647 = arith.mulf %mul3A_1646, %bitcast3A_1645 : vector<16xf32>
      %add3A_1648 = arith.addf %add3A_1626, %mul3A_1647 : vector<16xf32>
      %get3A_1649 = arith.constant 320 : index
      %get3A_1650 = tpu.vector_load %arg12[%get3A_1649] {strides = array<i32>} : memref<384xf32, #tpu.memory_space<vmem>>, vector<16xf32>,
      %mul3A_1651 = arith.constant 1.99298465E-5 : f32
      %mul3A_1652 = vector.broadcast %mul3A_1651 : f32 to vector<16xf32>
      %mul3A_1653 = arith.mulf %get3A_1650, %mul3A_1652 : vector<16xf32>
      %sub3A_1654 = arith.subf %add3A_1648, %mul3A_1653 : vector<16xf32>
      %abs3A_1655 = math.absf %sub3A_1654 : vector<16xf32>
      %neg3A_1656 = arith.constant 0.000000e+00 : f32
      %neg3A_1657 = vector.broadcast %neg3A_1656 : f32 to vector<16xf32>
      %neg3A_1658 = arith.subf %neg3A_1657, %abs3A_1655 : vector<16xf32>
      %swap3A_1659 = arith.constant 320 : index
      %swap3A_1660 = tpu.vector_load %arg13[%swap3A_1659] {strides = array<i32>} : memref<384xf32, #tpu.memory_space<vmem>>, vector<16xf32>,
      tpu.vector_store %arg13[%swap3A_1659], %neg3A_1658 {strides = array<i32>} : memref<384xf32, #tpu.memory_space<vmem>>, vector<16xf32>,
      %get3A_1661 = arith.constant 0 : i32
      %get3A_1662 = arith.index_cast %get3A_1661 : i32 to index
      %get3A_1663 = arith.constant 336 : index
      %get3A_1664 = tpu.vector_load %arg11[%get3A_1662, %get3A_1663] {strides = array<i32>} : memref<3x384xf32, #tpu.memory_space<vmem>>, vector<16xf32>,
      %bitcast3A_1665 = vector.bitcast %get3A_1664 : vector<16xf32> to vector<16xi32>
      %shift_right_logical3A_1666 = arith.constant 16 : i32
      %shift_right_logical3A_1667 = vector.broadcast %shift_right_logical3A_1666 : i32 to vector<16xi32>
      %shift_right_logical3A_1668 = arith.shrui %bitcast3A_1665, %shift_right_logical3A_1667 : vector<16xi32>
      %and3A_1669 = arith.constant 1 : i32
      %and3A_1670 = vector.broadcast %and3A_1669 : i32 to vector<16xi32>
      %and3A_1671 = arith.andi %shift_right_logical3A_1668, %and3A_1670 : vector<16xi32>
      %add3A_1672 = arith.constant 32767 : i32
      %add3A_1673 = vector.broadcast %add3A_1672 : i32 to vector<16xi32>
      %add3A_1674 = arith.addi %bitcast3A_1665, %add3A_1673 : vector<16xi32>
      %add3A_1675 = arith.addi %add3A_1674, %and3A_1671 : vector<16xi32>
      %and3A_1676 = arith.constant -65536 : i32
      %and3A_1677 = vector.broadcast %and3A_1676 : i32 to vector<16xi32>
      %and3A_1678 = arith.andi %add3A_1675, %and3A_1677 : vector<16xi32>
      %bitcast3A_1679 = vector.bitcast %and3A_1678 : vector<16xi32> to vector<16xf32>
      %mul3A_1680 = vector.broadcast %mul3A_19 : f32 to vector<16xf32>
      %mul3A_1681 = arith.mulf %mul3A_1680, %bitcast3A_1679 : vector<16xf32>
      %get3A_1682 = arith.constant 1 : i32
      %get3A_1683 = arith.index_cast %get3A_1682 : i32 to index
      %get3A_1684 = arith.constant 336 : index
      %get3A_1685 = tpu.vector_load %arg11[%get3A_1683, %get3A_1684] {strides = array<i32>} : memref<3x384xf32, #tpu.memory_space<vmem>>, vector<16xf32>,
      %bitcast3A_1686 = vector.bitcast %get3A_1685 : vector<16xf32> to vector<16xi32>
      %shift_right_logical3A_1687 = arith.constant 16 : i32
      %shift_right_logical3A_1688 = vector.broadcast %shift_right_logical3A_1687 : i32 to vector<16xi32>
      %shift_right_logical3A_1689 = arith.shrui %bitcast3A_1686, %shift_right_logical3A_1688 : vector<16xi32>
      %and3A_1690 = arith.constant 1 : i32
      %and3A_1691 = vector.broadcast %and3A_1690 : i32 to vector<16xi32>
      %and3A_1692 = arith.andi %shift_right_logical3A_1689, %and3A_1691 : vector<16xi32>
      %add3A_1693 = arith.constant 32767 : i32
      %add3A_1694 = vector.broadcast %add3A_1693 : i32 to vector<16xi32>
      %add3A_1695 = arith.addi %bitcast3A_1686, %add3A_1694 : vector<16xi32>
      %add3A_1696 = arith.addi %add3A_1695, %and3A_1692 : vector<16xi32>
      %and3A_1697 = arith.constant -65536 : i32
      %and3A_1698 = vector.broadcast %and3A_1697 : i32 to vector<16xi32>
      %and3A_1699 = arith.andi %add3A_1696, %and3A_1698 : vector<16xi32>
      %bitcast3A_1700 = vector.bitcast %and3A_1699 : vector<16xi32> to vector<16xf32>
      %mul3A_1701 = vector.broadcast %mul3A_34 : f32 to vector<16xf32>
      %mul3A_1702 = arith.mulf %mul3A_1701, %bitcast3A_1700 : vector<16xf32>
      %add3A_1703 = arith.addf %mul3A_1681, %mul3A_1702 : vector<16xf32>
      %get3A_1704 = arith.constant 2 : i32
      %get3A_1705 = arith.index_cast %get3A_1704 : i32 to index
      %get3A_1706 = arith.constant 336 : index
      %get3A_1707 = tpu.vector_load %arg11[%get3A_1705, %get3A_1706] {strides = array<i32>} : memref<3x384xf32, #tpu.memory_space<vmem>>, vector<16xf32>,
      %bitcast3A_1708 = vector.bitcast %get3A_1707 : vector<16xf32> to vector<16xi32>
      %shift_right_logical3A_1709 = arith.constant 16 : i32
      %shift_right_logical3A_1710 = vector.broadcast %shift_right_logical3A_1709 : i32 to vector<16xi32>
      %shift_right_logical3A_1711 = arith.shrui %bitcast3A_1708, %shift_right_logical3A_1710 : vector<16xi32>
      %and3A_1712 = arith.constant 1 : i32
      %and3A_1713 = vector.broadcast %and3A_1712 : i32 to vector<16xi32>
      %and3A_1714 = arith.andi %shift_right_logical3A_1711, %and3A_1713 : vector<16xi32>
      %add3A_1715 = arith.constant 32767 : i32
      %add3A_1716 = vector.broadcast %add3A_1715 : i32 to vector<16xi32>
      %add3A_1717 = arith.addi %bitcast3A_1708, %add3A_1716 : vector<16xi32>
      %add3A_1718 = arith.addi %add3A_1717, %and3A_1714 : vector<16xi32>
      %and3A_1719 = arith.constant -65536 : i32
      %and3A_1720 = vector.broadcast %and3A_1719 : i32 to vector<16xi32>
      %and3A_1721 = arith.andi %add3A_1718, %and3A_1720 : vector<16xi32>
      %bitcast3A_1722 = vector.bitcast %and3A_1721 : vector<16xi32> to vector<16xf32>
      %mul3A_1723 = vector.broadcast %mul3A_49 : f32 to vector<16xf32>
      %mul3A_1724 = arith.mulf %mul3A_1723, %bitcast3A_1722 : vector<16xf32>
      %add3A_1725 = arith.addf %add3A_1703, %mul3A_1724 : vector<16xf32>
      %get3A_1726 = arith.constant 336 : index
      %get3A_1727 = tpu.vector_load %arg12[%get3A_1726] {strides = array<i32>} : memref<384xf32, #tpu.memory_space<vmem>>, vector<16xf32>,
      %mul3A_1728 = arith.constant 1.99298465E-5 : f32
      %mul3A_1729 = vector.broadcast %mul3A_1728 : f32 to vector<16xf32>
      %mul3A_1730 = arith.mulf %get3A_1727, %mul3A_1729 : vector<16xf32>
      %sub3A_1731 = arith.subf %add3A_1725, %mul3A_1730 : vector<16xf32>
      %abs3A_1732 = math.absf %sub3A_1731 : vector<16xf32>
      %neg3A_1733 = arith.constant 0.000000e+00 : f32
      %neg3A_1734 = vector.broadcast %neg3A_1733 : f32 to vector<16xf32>
      %neg3A_1735 = arith.subf %neg3A_1734, %abs3A_1732 : vector<16xf32>
      %swap3A_1736 = arith.constant 336 : index
      %swap3A_1737 = tpu.vector_load %arg13[%swap3A_1736] {strides = array<i32>} : memref<384xf32, #tpu.memory_space<vmem>>, vector<16xf32>,
      tpu.vector_store %arg13[%swap3A_1736], %neg3A_1735 {strides = array<i32>} : memref<384xf32, #tpu.memory_space<vmem>>, vector<16xf32>,
      %get3A_1738 = arith.constant 0 : i32
      %get3A_1739 = arith.index_cast %get3A_1738 : i32 to index
      %get3A_1740 = arith.constant 352 : index
      %get3A_1741 = tpu.vector_load %arg11[%get3A_1739, %get3A_1740] {strides = array<i32>} : memref<3x384xf32, #tpu.memory_space<vmem>>, vector<16xf32>,
      %bitcast3A_1742 = vector.bitcast %get3A_1741 : vector<16xf32> to vector<16xi32>
      %shift_right_logical3A_1743 = arith.constant 16 : i32
      %shift_right_logical3A_1744 = vector.broadcast %shift_right_logical3A_1743 : i32 to vector<16xi32>
      %shift_right_logical3A_1745 = arith.shrui %bitcast3A_1742, %shift_right_logical3A_1744 : vector<16xi32>
      %and3A_1746 = arith.constant 1 : i32
      %and3A_1747 = vector.broadcast %and3A_1746 : i32 to vector<16xi32>
      %and3A_1748 = arith.andi %shift_right_logical3A_1745, %and3A_1747 : vector<16xi32>
      %add3A_1749 = arith.constant 32767 : i32
      %add3A_1750 = vector.broadcast %add3A_1749 : i32 to vector<16xi32>
      %add3A_1751 = arith.addi %bitcast3A_1742, %add3A_1750 : vector<16xi32>
      %add3A_1752 = arith.addi %add3A_1751, %and3A_1748 : vector<16xi32>
      %and3A_1753 = arith.constant -65536 : i32
      %and3A_1754 = vector.broadcast %and3A_1753 : i32 to vector<16xi32>
      %and3A_1755 = arith.andi %add3A_1752, %and3A_1754 : vector<16xi32>
      %bitcast3A_1756 = vector.bitcast %and3A_1755 : vector<16xi32> to vector<16xf32>
      %mul3A_1757 = vector.broadcast %mul3A_19 : f32 to vector<16xf32>
      %mul3A_1758 = arith.mulf %mul3A_1757, %bitcast3A_1756 : vector<16xf32>
      %get3A_1759 = arith.constant 1 : i32
      %get3A_1760 = arith.index_cast %get3A_1759 : i32 to index
      %get3A_1761 = arith.constant 352 : index
      %get3A_1762 = tpu.vector_load %arg11[%get3A_1760, %get3A_1761] {strides = array<i32>} : memref<3x384xf32, #tpu.memory_space<vmem>>, vector<16xf32>,
      %bitcast3A_1763 = vector.bitcast %get3A_1762 : vector<16xf32> to vector<16xi32>
      %shift_right_logical3A_1764 = arith.constant 16 : i32
      %shift_right_logical3A_1765 = vector.broadcast %shift_right_logical3A_1764 : i32 to vector<16xi32>
      %shift_right_logical3A_1766 = arith.shrui %bitcast3A_1763, %shift_right_logical3A_1765 : vector<16xi32>
      %and3A_1767 = arith.constant 1 : i32
      %and3A_1768 = vector.broadcast %and3A_1767 : i32 to vector<16xi32>
      %and3A_1769 = arith.andi %shift_right_logical3A_1766, %and3A_1768 : vector<16xi32>
      %add3A_1770 = arith.constant 32767 : i32
      %add3A_1771 = vector.broadcast %add3A_1770 : i32 to vector<16xi32>
      %add3A_1772 = arith.addi %bitcast3A_1763, %add3A_1771 : vector<16xi32>
      %add3A_1773 = arith.addi %add3A_1772, %and3A_1769 : vector<16xi32>
      %and3A_1774 = arith.constant -65536 : i32
      %and3A_1775 = vector.broadcast %and3A_1774 : i32 to vector<16xi32>
      %and3A_1776 = arith.andi %add3A_1773, %and3A_1775 : vector<16xi32>
      %bitcast3A_1777 = vector.bitcast %and3A_1776 : vector<16xi32> to vector<16xf32>
      %mul3A_1778 = vector.broadcast %mul3A_34 : f32 to vector<16xf32>
      %mul3A_1779 = arith.mulf %mul3A_1778, %bitcast3A_1777 : vector<16xf32>
      %add3A_1780 = arith.addf %mul3A_1758, %mul3A_1779 : vector<16xf32>
      %get3A_1781 = arith.constant 2 : i32
      %get3A_1782 = arith.index_cast %get3A_1781 : i32 to index
      %get3A_1783 = arith.constant 352 : index
      %get3A_1784 = tpu.vector_load %arg11[%get3A_1782, %get3A_1783] {strides = array<i32>} : memref<3x384xf32, #tpu.memory_space<vmem>>, vector<16xf32>,
      %bitcast3A_1785 = vector.bitcast %get3A_1784 : vector<16xf32> to vector<16xi32>
      %shift_right_logical3A_1786 = arith.constant 16 : i32
      %shift_right_logical3A_1787 = vector.broadcast %shift_right_logical3A_1786 : i32 to vector<16xi32>
      %shift_right_logical3A_1788 = arith.shrui %bitcast3A_1785, %shift_right_logical3A_1787 : vector<16xi32>
      %and3A_1789 = arith.constant 1 : i32
      %and3A_1790 = vector.broadcast %and3A_1789 : i32 to vector<16xi32>
      %and3A_1791 = arith.andi %shift_right_logical3A_1788, %and3A_1790 : vector<16xi32>
      %add3A_1792 = arith.constant 32767 : i32
      %add3A_1793 = vector.broadcast %add3A_1792 : i32 to vector<16xi32>
      %add3A_1794 = arith.addi %bitcast3A_1785, %add3A_1793 : vector<16xi32>
      %add3A_1795 = arith.addi %add3A_1794, %and3A_1791 : vector<16xi32>
      %and3A_1796 = arith.constant -65536 : i32
      %and3A_1797 = vector.broadcast %and3A_1796 : i32 to vector<16xi32>
      %and3A_1798 = arith.andi %add3A_1795, %and3A_1797 : vector<16xi32>
      %bitcast3A_1799 = vector.bitcast %and3A_1798 : vector<16xi32> to vector<16xf32>
      %mul3A_1800 = vector.broadcast %mul3A_49 : f32 to vector<16xf32>
      %mul3A_1801 = arith.mulf %mul3A_1800, %bitcast3A_1799 : vector<16xf32>
      %add3A_1802 = arith.addf %add3A_1780, %mul3A_1801 : vector<16xf32>
      %get3A_1803 = arith.constant 352 : index
      %get3A_1804 = tpu.vector_load %arg12[%get3A_1803] {strides = array<i32>} : memref<384xf32, #tpu.memory_space<vmem>>, vector<16xf32>,
      %mul3A_1805 = arith.constant 1.99298465E-5 : f32
      %mul3A_1806 = vector.broadcast %mul3A_1805 : f32 to vector<16xf32>
      %mul3A_1807 = arith.mulf %get3A_1804, %mul3A_1806 : vector<16xf32>
      %sub3A_1808 = arith.subf %add3A_1802, %mul3A_1807 : vector<16xf32>
      %abs3A_1809 = math.absf %sub3A_1808 : vector<16xf32>
      %neg3A_1810 = arith.constant 0.000000e+00 : f32
      %neg3A_1811 = vector.broadcast %neg3A_1810 : f32 to vector<16xf32>
      %neg3A_1812 = arith.subf %neg3A_1811, %abs3A_1809 : vector<16xf32>
      %swap3A_1813 = arith.constant 352 : index
      %swap3A_1814 = tpu.vector_load %arg13[%swap3A_1813] {strides = array<i32>} : memref<384xf32, #tpu.memory_space<vmem>>, vector<16xf32>,
      tpu.vector_store %arg13[%swap3A_1813], %neg3A_1812 {strides = array<i32>} : memref<384xf32, #tpu.memory_space<vmem>>, vector<16xf32>,
      %get3A_1815 = arith.constant 0 : i32
      %get3A_1816 = arith.index_cast %get3A_1815 : i32 to index
      %get3A_1817 = arith.constant 368 : index
      %get3A_1818 = tpu.vector_load %arg11[%get3A_1816, %get3A_1817] {strides = array<i32>} : memref<3x384xf32, #tpu.memory_space<vmem>>, vector<16xf32>,
      %bitcast3A_1819 = vector.bitcast %get3A_1818 : vector<16xf32> to vector<16xi32>
      %shift_right_logical3A_1820 = arith.constant 16 : i32
      %shift_right_logical3A_1821 = vector.broadcast %shift_right_logical3A_1820 : i32 to vector<16xi32>
      %shift_right_logical3A_1822 = arith.shrui %bitcast3A_1819, %shift_right_logical3A_1821 : vector<16xi32>
      %and3A_1823 = arith.constant 1 : i32
      %and3A_1824 = vector.broadcast %and3A_1823 : i32 to vector<16xi32>
      %and3A_1825 = arith.andi %shift_right_logical3A_1822, %and3A_1824 : vector<16xi32>
      %add3A_1826 = arith.constant 32767 : i32
      %add3A_1827 = vector.broadcast %add3A_1826 : i32 to vector<16xi32>
      %add3A_1828 = arith.addi %bitcast3A_1819, %add3A_1827 : vector<16xi32>
      %add3A_1829 = arith.addi %add3A_1828, %and3A_1825 : vector<16xi32>
      %and3A_1830 = arith.constant -65536 : i32
      %and3A_1831 = vector.broadcast %and3A_1830 : i32 to vector<16xi32>
      %and3A_1832 = arith.andi %add3A_1829, %and3A_1831 : vector<16xi32>
      %bitcast3A_1833 = vector.bitcast %and3A_1832 : vector<16xi32> to vector<16xf32>
      %mul3A_1834 = vector.broadcast %mul3A_19 : f32 to vector<16xf32>
      %mul3A_1835 = arith.mulf %mul3A_1834, %bitcast3A_1833 : vector<16xf32>
      %get3A_1836 = arith.constant 1 : i32
      %get3A_1837 = arith.index_cast %get3A_1836 : i32 to index
      %get3A_1838 = arith.constant 368 : index
      %get3A_1839 = tpu.vector_load %arg11[%get3A_1837, %get3A_1838] {strides = array<i32>} : memref<3x384xf32, #tpu.memory_space<vmem>>, vector<16xf32>,
      %bitcast3A_1840 = vector.bitcast %get3A_1839 : vector<16xf32> to vector<16xi32>
      %shift_right_logical3A_1841 = arith.constant 16 : i32
      %shift_right_logical3A_1842 = vector.broadcast %shift_right_logical3A_1841 : i32 to vector<16xi32>
      %shift_right_logical3A_1843 = arith.shrui %bitcast3A_1840, %shift_right_logical3A_1842 : vector<16xi32>
      %and3A_1844 = arith.constant 1 : i32
      %and3A_1845 = vector.broadcast %and3A_1844 : i32 to vector<16xi32>
      %and3A_1846 = arith.andi %shift_right_logical3A_1843, %and3A_1845 : vector<16xi32>
      %add3A_1847 = arith.constant 32767 : i32
      %add3A_1848 = vector.broadcast %add3A_1847 : i32 to vector<16xi32>
      %add3A_1849 = arith.addi %bitcast3A_1840, %add3A_1848 : vector<16xi32>
      %add3A_1850 = arith.addi %add3A_1849, %and3A_1846 : vector<16xi32>
      %and3A_1851 = arith.constant -65536 : i32
      %and3A_1852 = vector.broadcast %and3A_1851 : i32 to vector<16xi32>
      %and3A_1853 = arith.andi %add3A_1850, %and3A_1852 : vector<16xi32>
      %bitcast3A_1854 = vector.bitcast %and3A_1853 : vector<16xi32> to vector<16xf32>
      %mul3A_1855 = vector.broadcast %mul3A_34 : f32 to vector<16xf32>
      %mul3A_1856 = arith.mulf %mul3A_1855, %bitcast3A_1854 : vector<16xf32>
      %add3A_1857 = arith.addf %mul3A_1835, %mul3A_1856 : vector<16xf32>
      %get3A_1858 = arith.constant 2 : i32
      %get3A_1859 = arith.index_cast %get3A_1858 : i32 to index
      %get3A_1860 = arith.constant 368 : index
      %get3A_1861 = tpu.vector_load %arg11[%get3A_1859, %get3A_1860] {strides = array<i32>} : memref<3x384xf32, #tpu.memory_space<vmem>>, vector<16xf32>,
      %bitcast3A_1862 = vector.bitcast %get3A_1861 : vector<16xf32> to vector<16xi32>
      %shift_right_logical3A_1863 = arith.constant 16 : i32
      %shift_right_logical3A_1864 = vector.broadcast %shift_right_logical3A_1863 : i32 to vector<16xi32>
      %shift_right_logical3A_1865 = arith.shrui %bitcast3A_1862, %shift_right_logical3A_1864 : vector<16xi32>
      %and3A_1866 = arith.constant 1 : i32
      %and3A_1867 = vector.broadcast %and3A_1866 : i32 to vector<16xi32>
      %and3A_1868 = arith.andi %shift_right_logical3A_1865, %and3A_1867 : vector<16xi32>
      %add3A_1869 = arith.constant 32767 : i32
      %add3A_1870 = vector.broadcast %add3A_1869 : i32 to vector<16xi32>
      %add3A_1871 = arith.addi %bitcast3A_1862, %add3A_1870 : vector<16xi32>
      %add3A_1872 = arith.addi %add3A_1871, %and3A_1868 : vector<16xi32>
      %and3A_1873 = arith.constant -65536 : i32
      %and3A_1874 = vector.broadcast %and3A_1873 : i32 to vector<16xi32>
      %and3A_1875 = arith.andi %add3A_1872, %and3A_1874 : vector<16xi32>
      %bitcast3A_1876 = vector.bitcast %and3A_1875 : vector<16xi32> to vector<16xf32>
      %mul3A_1877 = vector.broadcast %mul3A_49 : f32 to vector<16xf32>
      %mul3A_1878 = arith.mulf %mul3A_1877, %bitcast3A_1876 : vector<16xf32>
      %add3A_1879 = arith.addf %add3A_1857, %mul3A_1878 : vector<16xf32>
      %get3A_1880 = arith.constant 368 : index
      %get3A_1881 = tpu.vector_load %arg12[%get3A_1880] {strides = array<i32>} : memref<384xf32, #tpu.memory_space<vmem>>, vector<16xf32>,
      %mul3A_1882 = arith.constant 1.99298465E-5 : f32
      %mul3A_1883 = vector.broadcast %mul3A_1882 : f32 to vector<16xf32>
      %mul3A_1884 = arith.mulf %get3A_1881, %mul3A_1883 : vector<16xf32>
      %sub3A_1885 = arith.subf %add3A_1879, %mul3A_1884 : vector<16xf32>
      %abs3A_1886 = math.absf %sub3A_1885 : vector<16xf32>
      %neg3A_1887 = arith.constant 0.000000e+00 : f32
      %neg3A_1888 = vector.broadcast %neg3A_1887 : f32 to vector<16xf32>
      %neg3A_1889 = arith.subf %neg3A_1888, %abs3A_1886 : vector<16xf32>
      %swap3A_1890 = arith.constant 368 : index
      %swap3A_1891 = tpu.vector_load %arg13[%swap3A_1890] {strides = array<i32>} : memref<384xf32, #tpu.memory_space<vmem>>, vector<16xf32>,
      tpu.vector_store %arg13[%swap3A_1890], %neg3A_1889 {strides = array<i32>} : memref<384xf32, #tpu.memory_space<vmem>>, vector<16xf32>,
      %iota3A_1892 = tpu.iota {dimensions = array<i32: 0>} : vector<16xi32>
      %broadcast_in_dim3A_1893 = arith.constant 0xFF800000 : f32
      %broadcast_in_dim3A_1894 = vector.broadcast %broadcast_in_dim3A_1893 : f32 to vector<16xf32>
      %broadcast_in_dim3A_1895 = arith.constant 0 : i32
      %broadcast_in_dim3A_1896 = vector.broadcast %broadcast_in_dim3A_1895 : i32 to vector<16xi32>
      %broadcast_in_dim3A_1897 = arith.constant 0xFF800000 : f32
      %broadcast_in_dim3A_1898 = vector.broadcast %broadcast_in_dim3A_1897 : f32 to vector<16xf32>
      %broadcast_in_dim3A_1899 = arith.constant 1073741824 : i32
      %broadcast_in_dim3A_1900 = vector.broadcast %broadcast_in_dim3A_1899 : i32 to vector<16xi32>
      %scan3A = arith.constant -1 : i32
      %scan3A_1901 = arith.constant 0xFF800000 : f32
      %scan3A_1902 = arith.constant 0 : i32
      %scan3A_1903 = arith.constant 24 : i32
      %scan3A_1904 = arith.addi %scan3A_1902, %scan3A_1903 : i32
      %scan3A_1905 = arith.constant 1 : i32
      %scan3A_1906:2 = scf.for %scan3A_2220 = %scan3A_1902 to %scan3A_1904 step %scan3A_1905 iter_args(%scan3A_2221 = %broadcast_in_dim3A_1898, %scan3A_2222 = %broadcast_in_dim3A_1900) -> (vector<16xf32>, vector<16xi32>)  : i32 {
        %mul3A_2223 = arith.constant 16 : i32
        %mul3A_2224 = arith.muli %scan3A_2220, %mul3A_2223 : i32
        %get3A_2225 = arith.index_cast %mul3A_2224 : i32 to index
        %get3A_2226 = tpu.vector_load %arg13[%get3A_2225] {strides = array<i32>} : memref<384xf32, #tpu.memory_space<vmem>>, vector<16xf32>,
        %iota3A_2227 = tpu.iota {dimensions = array<i32: 0>} : vector<16xi32>
        %mul3A_2228 = arith.constant 16 : i32
        %mul3A_2229 = arith.muli %scan3A_2220, %mul3A_2228 : i32
        %add3A_2230 = vector.broadcast %mul3A_2229 : i32 to vector<16xi32>
        %add3A_2231 = arith.addi %iota3A_2227, %add3A_2230 : vector<16xi32>
        %eq3A_2232 = vector.broadcast %scan3A : i32 to vector<16xi32>
        %eq3A_2233 = arith.cmpi eq, %add3A_2231, %eq3A_2232 : vector<16xi32>
        %broadcast_in_dim3A_2234 = vector.broadcast %scan3A_1901 : f32 to vector<16xf32>
        %select_n3A_2235 = arith.select %eq3A_2233, %broadcast_in_dim3A_2234, %get3A_2226 : vector<16xi1>, vector<16xf32>
        %swap3A_2236 = arith.index_cast %mul3A_2224 : i32 to index
        %swap3A_2237 = tpu.vector_load %arg13[%swap3A_2236] {strides = array<i32>} : memref<384xf32, #tpu.memory_space<vmem>>, vector<16xf32>,
        tpu.vector_store %arg13[%swap3A_2236], %select_n3A_2235 {strides = array<i32>} : memref<384xf32, #tpu.memory_space<vmem>>, vector<16xf32>,
        %gt3A = arith.cmpf ogt, %select_n3A_2235, %scan3A_2221 : vector<16xf32>
        %eq3A_2238 = arith.cmpf oeq, %select_n3A_2235, %scan3A_2221 : vector<16xf32>
        %lt3A_2239 = arith.cmpi slt, %add3A_2231, %scan3A_2222 : vector<16xi32>
        %and3A_2240 = arith.andi %eq3A_2238, %lt3A_2239 : vector<16xi1>
        %or3A = arith.ori %gt3A, %and3A_2240 : vector<16xi1>
        %select_n3A_2241 = arith.select %or3A, %select_n3A_2235, %scan3A_2221 : vector<16xi1>, vector<16xf32>
        %select_n3A_2242 = arith.select %or3A, %add3A_2231, %scan3A_2222 : vector<16xi1>, vector<16xi32>
        scf.yield %select_n3A_2241, %select_n3A_2242 : vector<16xf32>, vector<16xi32>
      }
      %scan3A_1907 = arith.constant 24 : i32
      %reduce_max3A = arith.constant true
      %reduce_max3A_1908 = vector.broadcast %reduce_max3A : i1 to vector<16xi1>
      %reduce_max3A_1909 = tpu.scan <max>, %scan3A_1906#0 masked %reduce_max3A_1908 : vector<16xf32>, vector<16xi1> -> vector<16xf32>
      %reduce_max3A_1910 = vector.extract %reduce_max3A_1909[15] : f32 from vector<16xf32>
      %eq3A_1911 = vector.broadcast %reduce_max3A_1910 : f32 to vector<16xf32>
      %eq3A_1912 = arith.cmpf oeq, %scan3A_1906#0, %eq3A_1911 : vector<16xf32>
      %jit3A_1913 = arith.constant 1073741824 : i32
      %broadcast_in_dim3A_1914 = vector.broadcast %jit3A_1913 : i32 to vector<16xi32>
      %select_n3A_1915 = arith.select %eq3A_1912, %scan3A_1906#1, %broadcast_in_dim3A_1914 : vector<16xi1>, vector<16xi32>
      %reduce_min3A = arith.constant true
      %reduce_min3A_1916 = vector.broadcast %reduce_min3A : i1 to vector<16xi1>
      %reduce_min3A_1917 = arith.constant -2147483648 : i32
      %reduce_min3A_1918 = vector.broadcast %reduce_min3A_1917 : i32 to vector<16xi32>
      %reduce_min3A_1919 = arith.xori %select_n3A_1915, %reduce_min3A_1918 : vector<16xi32>
      %reduce_min3A_1920 = tpu.scan <min>, %reduce_min3A_1919 masked %reduce_min3A_1916 : vector<16xi32>, vector<16xi1> -> vector<16xi32>
      %reduce_min3A_1921 = arith.xori %reduce_min3A_1920, %reduce_min3A_1918 : vector<16xi32>
      %reduce_min3A_1922 = vector.extract %reduce_min3A_1921[15] : i32 from vector<16xi32>
      %eq3A_1923 = arith.constant 0 : i32
      %eq3A_1924 = vector.broadcast %eq3A_1923 : i32 to vector<16xi32>
      %eq3A_1925 = arith.cmpi eq, %iota3A_1892, %eq3A_1924 : vector<16xi32>
      %broadcast_in_dim3A_1926 = vector.broadcast %reduce_max3A_1910 : f32 to vector<16xf32>
      %select_n3A_1927 = arith.select %eq3A_1925, %broadcast_in_dim3A_1926, %broadcast_in_dim3A_1894 : vector<16xi1>, vector<16xf32>
      %eq3A_1928 = arith.constant 0 : i32
      %eq3A_1929 = vector.broadcast %eq3A_1928 : i32 to vector<16xi32>
      %eq3A_1930 = arith.cmpi eq, %iota3A_1892, %eq3A_1929 : vector<16xi32>
      %broadcast_in_dim3A_1931 = vector.broadcast %reduce_min3A_1922 : i32 to vector<16xi32>
      %select_n3A_1932 = arith.select %eq3A_1930, %broadcast_in_dim3A_1931, %broadcast_in_dim3A_1896 : vector<16xi1>, vector<16xi32>
      %broadcast_in_dim3A_1933 = arith.constant 0xFF800000 : f32
      %broadcast_in_dim3A_1934 = vector.broadcast %broadcast_in_dim3A_1933 : f32 to vector<16xf32>
      %broadcast_in_dim3A_1935 = arith.constant 1073741824 : i32
      %broadcast_in_dim3A_1936 = vector.broadcast %broadcast_in_dim3A_1935 : i32 to vector<16xi32>
      %scan3A_1937 = arith.constant 0xFF800000 : f32
      %scan3A_1938 = arith.constant 0 : i32
      %scan3A_1939 = arith.constant 24 : i32
      %scan3A_1940 = arith.addi %scan3A_1938, %scan3A_1939 : i32
      %scan3A_1941 = arith.constant 1 : i32
      %scan3A_1942:2 = scf.for %scan3A_2220 = %scan3A_1938 to %scan3A_1940 step %scan3A_1941 iter_args(%scan3A_2221 = %broadcast_in_dim3A_1934, %scan3A_2222 = %broadcast_in_dim3A_1936) -> (vector<16xf32>, vector<16xi32>)  : i32 {
        %mul3A_2223 = arith.constant 16 : i32
        %mul3A_2224 = arith.muli %scan3A_2220, %mul3A_2223 : i32
        %get3A_2225 = arith.index_cast %mul3A_2224 : i32 to index
        %get3A_2226 = tpu.vector_load %arg13[%get3A_2225] {strides = array<i32>} : memref<384xf32, #tpu.memory_space<vmem>>, vector<16xf32>,
        %iota3A_2227 = tpu.iota {dimensions = array<i32: 0>} : vector<16xi32>
        %mul3A_2228 = arith.constant 16 : i32
        %mul3A_2229 = arith.muli %scan3A_2220, %mul3A_2228 : i32
        %add3A_2230 = vector.broadcast %mul3A_2229 : i32 to vector<16xi32>
        %add3A_2231 = arith.addi %iota3A_2227, %add3A_2230 : vector<16xi32>
        %eq3A_2232 = vector.broadcast %reduce_min3A_1922 : i32 to vector<16xi32>
        %eq3A_2233 = arith.cmpi eq, %add3A_2231, %eq3A_2232 : vector<16xi32>
        %broadcast_in_dim3A_2234 = vector.broadcast %scan3A_1937 : f32 to vector<16xf32>
        %select_n3A_2235 = arith.select %eq3A_2233, %broadcast_in_dim3A_2234, %get3A_2226 : vector<16xi1>, vector<16xf32>
        %swap3A_2236 = arith.index_cast %mul3A_2224 : i32 to index
        %swap3A_2237 = tpu.vector_load %arg13[%swap3A_2236] {strides = array<i32>} : memref<384xf32, #tpu.memory_space<vmem>>, vector<16xf32>,
        tpu.vector_store %arg13[%swap3A_2236], %select_n3A_2235 {strides = array<i32>} : memref<384xf32, #tpu.memory_space<vmem>>, vector<16xf32>,
        %gt3A = arith.cmpf ogt, %select_n3A_2235, %scan3A_2221 : vector<16xf32>
        %eq3A_2238 = arith.cmpf oeq, %select_n3A_2235, %scan3A_2221 : vector<16xf32>
        %lt3A_2239 = arith.cmpi slt, %add3A_2231, %scan3A_2222 : vector<16xi32>
        %and3A_2240 = arith.andi %eq3A_2238, %lt3A_2239 : vector<16xi1>
        %or3A = arith.ori %gt3A, %and3A_2240 : vector<16xi1>
        %select_n3A_2241 = arith.select %or3A, %select_n3A_2235, %scan3A_2221 : vector<16xi1>, vector<16xf32>
        %select_n3A_2242 = arith.select %or3A, %add3A_2231, %scan3A_2222 : vector<16xi1>, vector<16xi32>
        scf.yield %select_n3A_2241, %select_n3A_2242 : vector<16xf32>, vector<16xi32>
      }
      %scan3A_1943 = arith.constant 24 : i32
      %reduce_max3A_1944 = arith.constant true
      %reduce_max3A_1945 = vector.broadcast %reduce_max3A_1944 : i1 to vector<16xi1>
      %reduce_max3A_1946 = tpu.scan <max>, %scan3A_1942#0 masked %reduce_max3A_1945 : vector<16xf32>, vector<16xi1> -> vector<16xf32>
      %reduce_max3A_1947 = vector.extract %reduce_max3A_1946[15] : f32 from vector<16xf32>
      %eq3A_1948 = vector.broadcast %reduce_max3A_1947 : f32 to vector<16xf32>
      %eq3A_1949 = arith.cmpf oeq, %scan3A_1942#0, %eq3A_1948 : vector<16xf32>
      %jit3A_1950 = arith.constant 1073741824 : i32
      %broadcast_in_dim3A_1951 = vector.broadcast %jit3A_1950 : i32 to vector<16xi32>
      %select_n3A_1952 = arith.select %eq3A_1949, %scan3A_1942#1, %broadcast_in_dim3A_1951 : vector<16xi1>, vector<16xi32>
      %reduce_min3A_1953 = arith.constant true
      %reduce_min3A_1954 = vector.broadcast %reduce_min3A_1953 : i1 to vector<16xi1>
      %reduce_min3A_1955 = arith.constant -2147483648 : i32
      %reduce_min3A_1956 = vector.broadcast %reduce_min3A_1955 : i32 to vector<16xi32>
      %reduce_min3A_1957 = arith.xori %select_n3A_1952, %reduce_min3A_1956 : vector<16xi32>
      %reduce_min3A_1958 = tpu.scan <min>, %reduce_min3A_1957 masked %reduce_min3A_1954 : vector<16xi32>, vector<16xi1> -> vector<16xi32>
      %reduce_min3A_1959 = arith.xori %reduce_min3A_1958, %reduce_min3A_1956 : vector<16xi32>
      %reduce_min3A_1960 = vector.extract %reduce_min3A_1959[15] : i32 from vector<16xi32>
      %eq3A_1961 = arith.constant 1 : i32
      %eq3A_1962 = vector.broadcast %eq3A_1961 : i32 to vector<16xi32>
      %eq3A_1963 = arith.cmpi eq, %iota3A_1892, %eq3A_1962 : vector<16xi32>
      %broadcast_in_dim3A_1964 = vector.broadcast %reduce_max3A_1947 : f32 to vector<16xf32>
      %select_n3A_1965 = arith.select %eq3A_1963, %broadcast_in_dim3A_1964, %select_n3A_1927 : vector<16xi1>, vector<16xf32>
      %eq3A_1966 = arith.constant 1 : i32
      %eq3A_1967 = vector.broadcast %eq3A_1966 : i32 to vector<16xi32>
      %eq3A_1968 = arith.cmpi eq, %iota3A_1892, %eq3A_1967 : vector<16xi32>
      %broadcast_in_dim3A_1969 = vector.broadcast %reduce_min3A_1960 : i32 to vector<16xi32>
      %select_n3A_1970 = arith.select %eq3A_1968, %broadcast_in_dim3A_1969, %select_n3A_1932 : vector<16xi1>, vector<16xi32>
      %broadcast_in_dim3A_1971 = arith.constant 0xFF800000 : f32
      %broadcast_in_dim3A_1972 = vector.broadcast %broadcast_in_dim3A_1971 : f32 to vector<16xf32>
      %broadcast_in_dim3A_1973 = arith.constant 1073741824 : i32
      %broadcast_in_dim3A_1974 = vector.broadcast %broadcast_in_dim3A_1973 : i32 to vector<16xi32>
      %scan3A_1975 = arith.constant 0xFF800000 : f32
      %scan3A_1976 = arith.constant 0 : i32
      %scan3A_1977 = arith.constant 24 : i32
      %scan3A_1978 = arith.addi %scan3A_1976, %scan3A_1977 : i32
      %scan3A_1979 = arith.constant 1 : i32
      %scan3A_1980:2 = scf.for %scan3A_2220 = %scan3A_1976 to %scan3A_1978 step %scan3A_1979 iter_args(%scan3A_2221 = %broadcast_in_dim3A_1972, %scan3A_2222 = %broadcast_in_dim3A_1974) -> (vector<16xf32>, vector<16xi32>)  : i32 {
        %mul3A_2223 = arith.constant 16 : i32
        %mul3A_2224 = arith.muli %scan3A_2220, %mul3A_2223 : i32
        %get3A_2225 = arith.index_cast %mul3A_2224 : i32 to index
        %get3A_2226 = tpu.vector_load %arg13[%get3A_2225] {strides = array<i32>} : memref<384xf32, #tpu.memory_space<vmem>>, vector<16xf32>,
        %iota3A_2227 = tpu.iota {dimensions = array<i32: 0>} : vector<16xi32>
        %mul3A_2228 = arith.constant 16 : i32
        %mul3A_2229 = arith.muli %scan3A_2220, %mul3A_2228 : i32
        %add3A_2230 = vector.broadcast %mul3A_2229 : i32 to vector<16xi32>
        %add3A_2231 = arith.addi %iota3A_2227, %add3A_2230 : vector<16xi32>
        %eq3A_2232 = vector.broadcast %reduce_min3A_1960 : i32 to vector<16xi32>
        %eq3A_2233 = arith.cmpi eq, %add3A_2231, %eq3A_2232 : vector<16xi32>
        %broadcast_in_dim3A_2234 = vector.broadcast %scan3A_1975 : f32 to vector<16xf32>
        %select_n3A_2235 = arith.select %eq3A_2233, %broadcast_in_dim3A_2234, %get3A_2226 : vector<16xi1>, vector<16xf32>
        %swap3A_2236 = arith.index_cast %mul3A_2224 : i32 to index
        %swap3A_2237 = tpu.vector_load %arg13[%swap3A_2236] {strides = array<i32>} : memref<384xf32, #tpu.memory_space<vmem>>, vector<16xf32>,
        tpu.vector_store %arg13[%swap3A_2236], %select_n3A_2235 {strides = array<i32>} : memref<384xf32, #tpu.memory_space<vmem>>, vector<16xf32>,
        %gt3A = arith.cmpf ogt, %select_n3A_2235, %scan3A_2221 : vector<16xf32>
        %eq3A_2238 = arith.cmpf oeq, %select_n3A_2235, %scan3A_2221 : vector<16xf32>
        %lt3A_2239 = arith.cmpi slt, %add3A_2231, %scan3A_2222 : vector<16xi32>
        %and3A_2240 = arith.andi %eq3A_2238, %lt3A_2239 : vector<16xi1>
        %or3A = arith.ori %gt3A, %and3A_2240 : vector<16xi1>
        %select_n3A_2241 = arith.select %or3A, %select_n3A_2235, %scan3A_2221 : vector<16xi1>, vector<16xf32>
        %select_n3A_2242 = arith.select %or3A, %add3A_2231, %scan3A_2222 : vector<16xi1>, vector<16xi32>
        scf.yield %select_n3A_2241, %select_n3A_2242 : vector<16xf32>, vector<16xi32>
      }
      %scan3A_1981 = arith.constant 24 : i32
      %reduce_max3A_1982 = arith.constant true
      %reduce_max3A_1983 = vector.broadcast %reduce_max3A_1982 : i1 to vector<16xi1>
      %reduce_max3A_1984 = tpu.scan <max>, %scan3A_1980#0 masked %reduce_max3A_1983 : vector<16xf32>, vector<16xi1> -> vector<16xf32>
      %reduce_max3A_1985 = vector.extract %reduce_max3A_1984[15] : f32 from vector<16xf32>
      %eq3A_1986 = vector.broadcast %reduce_max3A_1985 : f32 to vector<16xf32>
      %eq3A_1987 = arith.cmpf oeq, %scan3A_1980#0, %eq3A_1986 : vector<16xf32>
      %jit3A_1988 = arith.constant 1073741824 : i32
      %broadcast_in_dim3A_1989 = vector.broadcast %jit3A_1988 : i32 to vector<16xi32>
      %select_n3A_1990 = arith.select %eq3A_1987, %scan3A_1980#1, %broadcast_in_dim3A_1989 : vector<16xi1>, vector<16xi32>
      %reduce_min3A_1991 = arith.constant true
      %reduce_min3A_1992 = vector.broadcast %reduce_min3A_1991 : i1 to vector<16xi1>
      %reduce_min3A_1993 = arith.constant -2147483648 : i32
      %reduce_min3A_1994 = vector.broadcast %reduce_min3A_1993 : i32 to vector<16xi32>
      %reduce_min3A_1995 = arith.xori %select_n3A_1990, %reduce_min3A_1994 : vector<16xi32>
      %reduce_min3A_1996 = tpu.scan <min>, %reduce_min3A_1995 masked %reduce_min3A_1992 : vector<16xi32>, vector<16xi1> -> vector<16xi32>
      %reduce_min3A_1997 = arith.xori %reduce_min3A_1996, %reduce_min3A_1994 : vector<16xi32>
      %reduce_min3A_1998 = vector.extract %reduce_min3A_1997[15] : i32 from vector<16xi32>
      %eq3A_1999 = arith.constant 2 : i32
      %eq3A_2000 = vector.broadcast %eq3A_1999 : i32 to vector<16xi32>
      %eq3A_2001 = arith.cmpi eq, %iota3A_1892, %eq3A_2000 : vector<16xi32>
      %broadcast_in_dim3A_2002 = vector.broadcast %reduce_max3A_1985 : f32 to vector<16xf32>
      %select_n3A_2003 = arith.select %eq3A_2001, %broadcast_in_dim3A_2002, %select_n3A_1965 : vector<16xi1>, vector<16xf32>
      %eq3A_2004 = arith.constant 2 : i32
      %eq3A_2005 = vector.broadcast %eq3A_2004 : i32 to vector<16xi32>
      %eq3A_2006 = arith.cmpi eq, %iota3A_1892, %eq3A_2005 : vector<16xi32>
      %broadcast_in_dim3A_2007 = vector.broadcast %reduce_min3A_1998 : i32 to vector<16xi32>
      %select_n3A_2008 = arith.select %eq3A_2006, %broadcast_in_dim3A_2007, %select_n3A_1970 : vector<16xi1>, vector<16xi32>
      %broadcast_in_dim3A_2009 = arith.constant 0xFF800000 : f32
      %broadcast_in_dim3A_2010 = vector.broadcast %broadcast_in_dim3A_2009 : f32 to vector<16xf32>
      %broadcast_in_dim3A_2011 = arith.constant 1073741824 : i32
      %broadcast_in_dim3A_2012 = vector.broadcast %broadcast_in_dim3A_2011 : i32 to vector<16xi32>
      %scan3A_2013 = arith.constant 0xFF800000 : f32
      %scan3A_2014 = arith.constant 0 : i32
      %scan3A_2015 = arith.constant 24 : i32
      %scan3A_2016 = arith.addi %scan3A_2014, %scan3A_2015 : i32
      %scan3A_2017 = arith.constant 1 : i32
      %scan3A_2018:2 = scf.for %scan3A_2220 = %scan3A_2014 to %scan3A_2016 step %scan3A_2017 iter_args(%scan3A_2221 = %broadcast_in_dim3A_2010, %scan3A_2222 = %broadcast_in_dim3A_2012) -> (vector<16xf32>, vector<16xi32>)  : i32 {
        %mul3A_2223 = arith.constant 16 : i32
        %mul3A_2224 = arith.muli %scan3A_2220, %mul3A_2223 : i32
        %get3A_2225 = arith.index_cast %mul3A_2224 : i32 to index
        %get3A_2226 = tpu.vector_load %arg13[%get3A_2225] {strides = array<i32>} : memref<384xf32, #tpu.memory_space<vmem>>, vector<16xf32>,
        %iota3A_2227 = tpu.iota {dimensions = array<i32: 0>} : vector<16xi32>
        %mul3A_2228 = arith.constant 16 : i32
        %mul3A_2229 = arith.muli %scan3A_2220, %mul3A_2228 : i32
        %add3A_2230 = vector.broadcast %mul3A_2229 : i32 to vector<16xi32>
        %add3A_2231 = arith.addi %iota3A_2227, %add3A_2230 : vector<16xi32>
        %eq3A_2232 = vector.broadcast %reduce_min3A_1998 : i32 to vector<16xi32>
        %eq3A_2233 = arith.cmpi eq, %add3A_2231, %eq3A_2232 : vector<16xi32>
        %broadcast_in_dim3A_2234 = vector.broadcast %scan3A_2013 : f32 to vector<16xf32>
        %select_n3A_2235 = arith.select %eq3A_2233, %broadcast_in_dim3A_2234, %get3A_2226 : vector<16xi1>, vector<16xf32>
        %swap3A_2236 = arith.index_cast %mul3A_2224 : i32 to index
        %swap3A_2237 = tpu.vector_load %arg13[%swap3A_2236] {strides = array<i32>} : memref<384xf32, #tpu.memory_space<vmem>>, vector<16xf32>,
        tpu.vector_store %arg13[%swap3A_2236], %select_n3A_2235 {strides = array<i32>} : memref<384xf32, #tpu.memory_space<vmem>>, vector<16xf32>,
        %gt3A = arith.cmpf ogt, %select_n3A_2235, %scan3A_2221 : vector<16xf32>
        %eq3A_2238 = arith.cmpf oeq, %select_n3A_2235, %scan3A_2221 : vector<16xf32>
        %lt3A_2239 = arith.cmpi slt, %add3A_2231, %scan3A_2222 : vector<16xi32>
        %and3A_2240 = arith.andi %eq3A_2238, %lt3A_2239 : vector<16xi1>
        %or3A = arith.ori %gt3A, %and3A_2240 : vector<16xi1>
        %select_n3A_2241 = arith.select %or3A, %select_n3A_2235, %scan3A_2221 : vector<16xi1>, vector<16xf32>
        %select_n3A_2242 = arith.select %or3A, %add3A_2231, %scan3A_2222 : vector<16xi1>, vector<16xi32>
        scf.yield %select_n3A_2241, %select_n3A_2242 : vector<16xf32>, vector<16xi32>
      }
      %scan3A_2019 = arith.constant 24 : i32
      %reduce_max3A_2020 = arith.constant true
      %reduce_max3A_2021 = vector.broadcast %reduce_max3A_2020 : i1 to vector<16xi1>
      %reduce_max3A_2022 = tpu.scan <max>, %scan3A_2018#0 masked %reduce_max3A_2021 : vector<16xf32>, vector<16xi1> -> vector<16xf32>
      %reduce_max3A_2023 = vector.extract %reduce_max3A_2022[15] : f32 from vector<16xf32>
      %eq3A_2024 = vector.broadcast %reduce_max3A_2023 : f32 to vector<16xf32>
      %eq3A_2025 = arith.cmpf oeq, %scan3A_2018#0, %eq3A_2024 : vector<16xf32>
      %jit3A_2026 = arith.constant 1073741824 : i32
      %broadcast_in_dim3A_2027 = vector.broadcast %jit3A_2026 : i32 to vector<16xi32>
      %select_n3A_2028 = arith.select %eq3A_2025, %scan3A_2018#1, %broadcast_in_dim3A_2027 : vector<16xi1>, vector<16xi32>
      %reduce_min3A_2029 = arith.constant true
      %reduce_min3A_2030 = vector.broadcast %reduce_min3A_2029 : i1 to vector<16xi1>
      %reduce_min3A_2031 = arith.constant -2147483648 : i32
      %reduce_min3A_2032 = vector.broadcast %reduce_min3A_2031 : i32 to vector<16xi32>
      %reduce_min3A_2033 = arith.xori %select_n3A_2028, %reduce_min3A_2032 : vector<16xi32>
      %reduce_min3A_2034 = tpu.scan <min>, %reduce_min3A_2033 masked %reduce_min3A_2030 : vector<16xi32>, vector<16xi1> -> vector<16xi32>
      %reduce_min3A_2035 = arith.xori %reduce_min3A_2034, %reduce_min3A_2032 : vector<16xi32>
      %reduce_min3A_2036 = vector.extract %reduce_min3A_2035[15] : i32 from vector<16xi32>
      %eq3A_2037 = arith.constant 3 : i32
      %eq3A_2038 = vector.broadcast %eq3A_2037 : i32 to vector<16xi32>
      %eq3A_2039 = arith.cmpi eq, %iota3A_1892, %eq3A_2038 : vector<16xi32>
      %broadcast_in_dim3A_2040 = vector.broadcast %reduce_max3A_2023 : f32 to vector<16xf32>
      %select_n3A_2041 = arith.select %eq3A_2039, %broadcast_in_dim3A_2040, %select_n3A_2003 : vector<16xi1>, vector<16xf32>
      %eq3A_2042 = arith.constant 3 : i32
      %eq3A_2043 = vector.broadcast %eq3A_2042 : i32 to vector<16xi32>
      %eq3A_2044 = arith.cmpi eq, %iota3A_1892, %eq3A_2043 : vector<16xi32>
      %broadcast_in_dim3A_2045 = vector.broadcast %reduce_min3A_2036 : i32 to vector<16xi32>
      %select_n3A_2046 = arith.select %eq3A_2044, %broadcast_in_dim3A_2045, %select_n3A_2008 : vector<16xi1>, vector<16xi32>
      %broadcast_in_dim3A_2047 = arith.constant 0xFF800000 : f32
      %broadcast_in_dim3A_2048 = vector.broadcast %broadcast_in_dim3A_2047 : f32 to vector<16xf32>
      %broadcast_in_dim3A_2049 = arith.constant 1073741824 : i32
      %broadcast_in_dim3A_2050 = vector.broadcast %broadcast_in_dim3A_2049 : i32 to vector<16xi32>
      %scan3A_2051 = arith.constant 0xFF800000 : f32
      %scan3A_2052 = arith.constant 0 : i32
      %scan3A_2053 = arith.constant 24 : i32
      %scan3A_2054 = arith.addi %scan3A_2052, %scan3A_2053 : i32
      %scan3A_2055 = arith.constant 1 : i32
      %scan3A_2056:2 = scf.for %scan3A_2220 = %scan3A_2052 to %scan3A_2054 step %scan3A_2055 iter_args(%scan3A_2221 = %broadcast_in_dim3A_2048, %scan3A_2222 = %broadcast_in_dim3A_2050) -> (vector<16xf32>, vector<16xi32>)  : i32 {
        %mul3A_2223 = arith.constant 16 : i32
        %mul3A_2224 = arith.muli %scan3A_2220, %mul3A_2223 : i32
        %get3A_2225 = arith.index_cast %mul3A_2224 : i32 to index
        %get3A_2226 = tpu.vector_load %arg13[%get3A_2225] {strides = array<i32>} : memref<384xf32, #tpu.memory_space<vmem>>, vector<16xf32>,
        %iota3A_2227 = tpu.iota {dimensions = array<i32: 0>} : vector<16xi32>
        %mul3A_2228 = arith.constant 16 : i32
        %mul3A_2229 = arith.muli %scan3A_2220, %mul3A_2228 : i32
        %add3A_2230 = vector.broadcast %mul3A_2229 : i32 to vector<16xi32>
        %add3A_2231 = arith.addi %iota3A_2227, %add3A_2230 : vector<16xi32>
        %eq3A_2232 = vector.broadcast %reduce_min3A_2036 : i32 to vector<16xi32>
        %eq3A_2233 = arith.cmpi eq, %add3A_2231, %eq3A_2232 : vector<16xi32>
        %broadcast_in_dim3A_2234 = vector.broadcast %scan3A_2051 : f32 to vector<16xf32>
        %select_n3A_2235 = arith.select %eq3A_2233, %broadcast_in_dim3A_2234, %get3A_2226 : vector<16xi1>, vector<16xf32>
        %swap3A_2236 = arith.index_cast %mul3A_2224 : i32 to index
        %swap3A_2237 = tpu.vector_load %arg13[%swap3A_2236] {strides = array<i32>} : memref<384xf32, #tpu.memory_space<vmem>>, vector<16xf32>,
        tpu.vector_store %arg13[%swap3A_2236], %select_n3A_2235 {strides = array<i32>} : memref<384xf32, #tpu.memory_space<vmem>>, vector<16xf32>,
        %gt3A = arith.cmpf ogt, %select_n3A_2235, %scan3A_2221 : vector<16xf32>
        %eq3A_2238 = arith.cmpf oeq, %select_n3A_2235, %scan3A_2221 : vector<16xf32>
        %lt3A_2239 = arith.cmpi slt, %add3A_2231, %scan3A_2222 : vector<16xi32>
        %and3A_2240 = arith.andi %eq3A_2238, %lt3A_2239 : vector<16xi1>
        %or3A = arith.ori %gt3A, %and3A_2240 : vector<16xi1>
        %select_n3A_2241 = arith.select %or3A, %select_n3A_2235, %scan3A_2221 : vector<16xi1>, vector<16xf32>
        %select_n3A_2242 = arith.select %or3A, %add3A_2231, %scan3A_2222 : vector<16xi1>, vector<16xi32>
        scf.yield %select_n3A_2241, %select_n3A_2242 : vector<16xf32>, vector<16xi32>
      }
      %scan3A_2057 = arith.constant 24 : i32
      %reduce_max3A_2058 = arith.constant true
      %reduce_max3A_2059 = vector.broadcast %reduce_max3A_2058 : i1 to vector<16xi1>
      %reduce_max3A_2060 = tpu.scan <max>, %scan3A_2056#0 masked %reduce_max3A_2059 : vector<16xf32>, vector<16xi1> -> vector<16xf32>
      %reduce_max3A_2061 = vector.extract %reduce_max3A_2060[15] : f32 from vector<16xf32>
      %eq3A_2062 = vector.broadcast %reduce_max3A_2061 : f32 to vector<16xf32>
      %eq3A_2063 = arith.cmpf oeq, %scan3A_2056#0, %eq3A_2062 : vector<16xf32>
      %jit3A_2064 = arith.constant 1073741824 : i32
      %broadcast_in_dim3A_2065 = vector.broadcast %jit3A_2064 : i32 to vector<16xi32>
      %select_n3A_2066 = arith.select %eq3A_2063, %scan3A_2056#1, %broadcast_in_dim3A_2065 : vector<16xi1>, vector<16xi32>
      %reduce_min3A_2067 = arith.constant true
      %reduce_min3A_2068 = vector.broadcast %reduce_min3A_2067 : i1 to vector<16xi1>
      %reduce_min3A_2069 = arith.constant -2147483648 : i32
      %reduce_min3A_2070 = vector.broadcast %reduce_min3A_2069 : i32 to vector<16xi32>
      %reduce_min3A_2071 = arith.xori %select_n3A_2066, %reduce_min3A_2070 : vector<16xi32>
      %reduce_min3A_2072 = tpu.scan <min>, %reduce_min3A_2071 masked %reduce_min3A_2068 : vector<16xi32>, vector<16xi1> -> vector<16xi32>
      %reduce_min3A_2073 = arith.xori %reduce_min3A_2072, %reduce_min3A_2070 : vector<16xi32>
      %reduce_min3A_2074 = vector.extract %reduce_min3A_2073[15] : i32 from vector<16xi32>
      %eq3A_2075 = arith.constant 4 : i32
      %eq3A_2076 = vector.broadcast %eq3A_2075 : i32 to vector<16xi32>
      %eq3A_2077 = arith.cmpi eq, %iota3A_1892, %eq3A_2076 : vector<16xi32>
      %broadcast_in_dim3A_2078 = vector.broadcast %reduce_max3A_2061 : f32 to vector<16xf32>
      %select_n3A_2079 = arith.select %eq3A_2077, %broadcast_in_dim3A_2078, %select_n3A_2041 : vector<16xi1>, vector<16xf32>
      %eq3A_2080 = arith.constant 4 : i32
      %eq3A_2081 = vector.broadcast %eq3A_2080 : i32 to vector<16xi32>
      %eq3A_2082 = arith.cmpi eq, %iota3A_1892, %eq3A_2081 : vector<16xi32>
      %broadcast_in_dim3A_2083 = vector.broadcast %reduce_min3A_2074 : i32 to vector<16xi32>
      %select_n3A_2084 = arith.select %eq3A_2082, %broadcast_in_dim3A_2083, %select_n3A_2046 : vector<16xi1>, vector<16xi32>
      %broadcast_in_dim3A_2085 = arith.constant 0xFF800000 : f32
      %broadcast_in_dim3A_2086 = vector.broadcast %broadcast_in_dim3A_2085 : f32 to vector<16xf32>
      %broadcast_in_dim3A_2087 = arith.constant 1073741824 : i32
      %broadcast_in_dim3A_2088 = vector.broadcast %broadcast_in_dim3A_2087 : i32 to vector<16xi32>
      %scan3A_2089 = arith.constant 0xFF800000 : f32
      %scan3A_2090 = arith.constant 0 : i32
      %scan3A_2091 = arith.constant 24 : i32
      %scan3A_2092 = arith.addi %scan3A_2090, %scan3A_2091 : i32
      %scan3A_2093 = arith.constant 1 : i32
      %scan3A_2094:2 = scf.for %scan3A_2220 = %scan3A_2090 to %scan3A_2092 step %scan3A_2093 iter_args(%scan3A_2221 = %broadcast_in_dim3A_2086, %scan3A_2222 = %broadcast_in_dim3A_2088) -> (vector<16xf32>, vector<16xi32>)  : i32 {
        %mul3A_2223 = arith.constant 16 : i32
        %mul3A_2224 = arith.muli %scan3A_2220, %mul3A_2223 : i32
        %get3A_2225 = arith.index_cast %mul3A_2224 : i32 to index
        %get3A_2226 = tpu.vector_load %arg13[%get3A_2225] {strides = array<i32>} : memref<384xf32, #tpu.memory_space<vmem>>, vector<16xf32>,
        %iota3A_2227 = tpu.iota {dimensions = array<i32: 0>} : vector<16xi32>
        %mul3A_2228 = arith.constant 16 : i32
        %mul3A_2229 = arith.muli %scan3A_2220, %mul3A_2228 : i32
        %add3A_2230 = vector.broadcast %mul3A_2229 : i32 to vector<16xi32>
        %add3A_2231 = arith.addi %iota3A_2227, %add3A_2230 : vector<16xi32>
        %eq3A_2232 = vector.broadcast %reduce_min3A_2074 : i32 to vector<16xi32>
        %eq3A_2233 = arith.cmpi eq, %add3A_2231, %eq3A_2232 : vector<16xi32>
        %broadcast_in_dim3A_2234 = vector.broadcast %scan3A_2089 : f32 to vector<16xf32>
        %select_n3A_2235 = arith.select %eq3A_2233, %broadcast_in_dim3A_2234, %get3A_2226 : vector<16xi1>, vector<16xf32>
        %swap3A_2236 = arith.index_cast %mul3A_2224 : i32 to index
        %swap3A_2237 = tpu.vector_load %arg13[%swap3A_2236] {strides = array<i32>} : memref<384xf32, #tpu.memory_space<vmem>>, vector<16xf32>,
        tpu.vector_store %arg13[%swap3A_2236], %select_n3A_2235 {strides = array<i32>} : memref<384xf32, #tpu.memory_space<vmem>>, vector<16xf32>,
        %gt3A = arith.cmpf ogt, %select_n3A_2235, %scan3A_2221 : vector<16xf32>
        %eq3A_2238 = arith.cmpf oeq, %select_n3A_2235, %scan3A_2221 : vector<16xf32>
        %lt3A_2239 = arith.cmpi slt, %add3A_2231, %scan3A_2222 : vector<16xi32>
        %and3A_2240 = arith.andi %eq3A_2238, %lt3A_2239 : vector<16xi1>
        %or3A = arith.ori %gt3A, %and3A_2240 : vector<16xi1>
        %select_n3A_2241 = arith.select %or3A, %select_n3A_2235, %scan3A_2221 : vector<16xi1>, vector<16xf32>
        %select_n3A_2242 = arith.select %or3A, %add3A_2231, %scan3A_2222 : vector<16xi1>, vector<16xi32>
        scf.yield %select_n3A_2241, %select_n3A_2242 : vector<16xf32>, vector<16xi32>
      }
      %scan3A_2095 = arith.constant 24 : i32
      %reduce_max3A_2096 = arith.constant true
      %reduce_max3A_2097 = vector.broadcast %reduce_max3A_2096 : i1 to vector<16xi1>
      %reduce_max3A_2098 = tpu.scan <max>, %scan3A_2094#0 masked %reduce_max3A_2097 : vector<16xf32>, vector<16xi1> -> vector<16xf32>
      %reduce_max3A_2099 = vector.extract %reduce_max3A_2098[15] : f32 from vector<16xf32>
      %eq3A_2100 = vector.broadcast %reduce_max3A_2099 : f32 to vector<16xf32>
      %eq3A_2101 = arith.cmpf oeq, %scan3A_2094#0, %eq3A_2100 : vector<16xf32>
      %jit3A_2102 = arith.constant 1073741824 : i32
      %broadcast_in_dim3A_2103 = vector.broadcast %jit3A_2102 : i32 to vector<16xi32>
      %select_n3A_2104 = arith.select %eq3A_2101, %scan3A_2094#1, %broadcast_in_dim3A_2103 : vector<16xi1>, vector<16xi32>
      %reduce_min3A_2105 = arith.constant true
      %reduce_min3A_2106 = vector.broadcast %reduce_min3A_2105 : i1 to vector<16xi1>
      %reduce_min3A_2107 = arith.constant -2147483648 : i32
      %reduce_min3A_2108 = vector.broadcast %reduce_min3A_2107 : i32 to vector<16xi32>
      %reduce_min3A_2109 = arith.xori %select_n3A_2104, %reduce_min3A_2108 : vector<16xi32>
      %reduce_min3A_2110 = tpu.scan <min>, %reduce_min3A_2109 masked %reduce_min3A_2106 : vector<16xi32>, vector<16xi1> -> vector<16xi32>
      %reduce_min3A_2111 = arith.xori %reduce_min3A_2110, %reduce_min3A_2108 : vector<16xi32>
      %reduce_min3A_2112 = vector.extract %reduce_min3A_2111[15] : i32 from vector<16xi32>
      %eq3A_2113 = arith.constant 5 : i32
      %eq3A_2114 = vector.broadcast %eq3A_2113 : i32 to vector<16xi32>
      %eq3A_2115 = arith.cmpi eq, %iota3A_1892, %eq3A_2114 : vector<16xi32>
      %broadcast_in_dim3A_2116 = vector.broadcast %reduce_max3A_2099 : f32 to vector<16xf32>
      %select_n3A_2117 = arith.select %eq3A_2115, %broadcast_in_dim3A_2116, %select_n3A_2079 : vector<16xi1>, vector<16xf32>
      %eq3A_2118 = arith.constant 5 : i32
      %eq3A_2119 = vector.broadcast %eq3A_2118 : i32 to vector<16xi32>
      %eq3A_2120 = arith.cmpi eq, %iota3A_1892, %eq3A_2119 : vector<16xi32>
      %broadcast_in_dim3A_2121 = vector.broadcast %reduce_min3A_2112 : i32 to vector<16xi32>
      %select_n3A_2122 = arith.select %eq3A_2120, %broadcast_in_dim3A_2121, %select_n3A_2084 : vector<16xi1>, vector<16xi32>
      %broadcast_in_dim3A_2123 = arith.constant 0xFF800000 : f32
      %broadcast_in_dim3A_2124 = vector.broadcast %broadcast_in_dim3A_2123 : f32 to vector<16xf32>
      %broadcast_in_dim3A_2125 = arith.constant 1073741824 : i32
      %broadcast_in_dim3A_2126 = vector.broadcast %broadcast_in_dim3A_2125 : i32 to vector<16xi32>
      %scan3A_2127 = arith.constant 0xFF800000 : f32
      %scan3A_2128 = arith.constant 0 : i32
      %scan3A_2129 = arith.constant 24 : i32
      %scan3A_2130 = arith.addi %scan3A_2128, %scan3A_2129 : i32
      %scan3A_2131 = arith.constant 1 : i32
      %scan3A_2132:2 = scf.for %scan3A_2220 = %scan3A_2128 to %scan3A_2130 step %scan3A_2131 iter_args(%scan3A_2221 = %broadcast_in_dim3A_2124, %scan3A_2222 = %broadcast_in_dim3A_2126) -> (vector<16xf32>, vector<16xi32>)  : i32 {
        %mul3A_2223 = arith.constant 16 : i32
        %mul3A_2224 = arith.muli %scan3A_2220, %mul3A_2223 : i32
        %get3A_2225 = arith.index_cast %mul3A_2224 : i32 to index
        %get3A_2226 = tpu.vector_load %arg13[%get3A_2225] {strides = array<i32>} : memref<384xf32, #tpu.memory_space<vmem>>, vector<16xf32>,
        %iota3A_2227 = tpu.iota {dimensions = array<i32: 0>} : vector<16xi32>
        %mul3A_2228 = arith.constant 16 : i32
        %mul3A_2229 = arith.muli %scan3A_2220, %mul3A_2228 : i32
        %add3A_2230 = vector.broadcast %mul3A_2229 : i32 to vector<16xi32>
        %add3A_2231 = arith.addi %iota3A_2227, %add3A_2230 : vector<16xi32>
        %eq3A_2232 = vector.broadcast %reduce_min3A_2112 : i32 to vector<16xi32>
        %eq3A_2233 = arith.cmpi eq, %add3A_2231, %eq3A_2232 : vector<16xi32>
        %broadcast_in_dim3A_2234 = vector.broadcast %scan3A_2127 : f32 to vector<16xf32>
        %select_n3A_2235 = arith.select %eq3A_2233, %broadcast_in_dim3A_2234, %get3A_2226 : vector<16xi1>, vector<16xf32>
        %swap3A_2236 = arith.index_cast %mul3A_2224 : i32 to index
        %swap3A_2237 = tpu.vector_load %arg13[%swap3A_2236] {strides = array<i32>} : memref<384xf32, #tpu.memory_space<vmem>>, vector<16xf32>,
        tpu.vector_store %arg13[%swap3A_2236], %select_n3A_2235 {strides = array<i32>} : memref<384xf32, #tpu.memory_space<vmem>>, vector<16xf32>,
        %gt3A = arith.cmpf ogt, %select_n3A_2235, %scan3A_2221 : vector<16xf32>
        %eq3A_2238 = arith.cmpf oeq, %select_n3A_2235, %scan3A_2221 : vector<16xf32>
        %lt3A_2239 = arith.cmpi slt, %add3A_2231, %scan3A_2222 : vector<16xi32>
        %and3A_2240 = arith.andi %eq3A_2238, %lt3A_2239 : vector<16xi1>
        %or3A = arith.ori %gt3A, %and3A_2240 : vector<16xi1>
        %select_n3A_2241 = arith.select %or3A, %select_n3A_2235, %scan3A_2221 : vector<16xi1>, vector<16xf32>
        %select_n3A_2242 = arith.select %or3A, %add3A_2231, %scan3A_2222 : vector<16xi1>, vector<16xi32>
        scf.yield %select_n3A_2241, %select_n3A_2242 : vector<16xf32>, vector<16xi32>
      }
      %scan3A_2133 = arith.constant 24 : i32
      %reduce_max3A_2134 = arith.constant true
      %reduce_max3A_2135 = vector.broadcast %reduce_max3A_2134 : i1 to vector<16xi1>
      %reduce_max3A_2136 = tpu.scan <max>, %scan3A_2132#0 masked %reduce_max3A_2135 : vector<16xf32>, vector<16xi1> -> vector<16xf32>
      %reduce_max3A_2137 = vector.extract %reduce_max3A_2136[15] : f32 from vector<16xf32>
      %eq3A_2138 = vector.broadcast %reduce_max3A_2137 : f32 to vector<16xf32>
      %eq3A_2139 = arith.cmpf oeq, %scan3A_2132#0, %eq3A_2138 : vector<16xf32>
      %jit3A_2140 = arith.constant 1073741824 : i32
      %broadcast_in_dim3A_2141 = vector.broadcast %jit3A_2140 : i32 to vector<16xi32>
      %select_n3A_2142 = arith.select %eq3A_2139, %scan3A_2132#1, %broadcast_in_dim3A_2141 : vector<16xi1>, vector<16xi32>
      %reduce_min3A_2143 = arith.constant true
      %reduce_min3A_2144 = vector.broadcast %reduce_min3A_2143 : i1 to vector<16xi1>
      %reduce_min3A_2145 = arith.constant -2147483648 : i32
      %reduce_min3A_2146 = vector.broadcast %reduce_min3A_2145 : i32 to vector<16xi32>
      %reduce_min3A_2147 = arith.xori %select_n3A_2142, %reduce_min3A_2146 : vector<16xi32>
      %reduce_min3A_2148 = tpu.scan <min>, %reduce_min3A_2147 masked %reduce_min3A_2144 : vector<16xi32>, vector<16xi1> -> vector<16xi32>
      %reduce_min3A_2149 = arith.xori %reduce_min3A_2148, %reduce_min3A_2146 : vector<16xi32>
      %reduce_min3A_2150 = vector.extract %reduce_min3A_2149[15] : i32 from vector<16xi32>
      %eq3A_2151 = arith.constant 6 : i32
      %eq3A_2152 = vector.broadcast %eq3A_2151 : i32 to vector<16xi32>
      %eq3A_2153 = arith.cmpi eq, %iota3A_1892, %eq3A_2152 : vector<16xi32>
      %broadcast_in_dim3A_2154 = vector.broadcast %reduce_max3A_2137 : f32 to vector<16xf32>
      %select_n3A_2155 = arith.select %eq3A_2153, %broadcast_in_dim3A_2154, %select_n3A_2117 : vector<16xi1>, vector<16xf32>
      %eq3A_2156 = arith.constant 6 : i32
      %eq3A_2157 = vector.broadcast %eq3A_2156 : i32 to vector<16xi32>
      %eq3A_2158 = arith.cmpi eq, %iota3A_1892, %eq3A_2157 : vector<16xi32>
      %broadcast_in_dim3A_2159 = vector.broadcast %reduce_min3A_2150 : i32 to vector<16xi32>
      %select_n3A_2160 = arith.select %eq3A_2158, %broadcast_in_dim3A_2159, %select_n3A_2122 : vector<16xi1>, vector<16xi32>
      %broadcast_in_dim3A_2161 = arith.constant 0xFF800000 : f32
      %broadcast_in_dim3A_2162 = vector.broadcast %broadcast_in_dim3A_2161 : f32 to vector<16xf32>
      %broadcast_in_dim3A_2163 = arith.constant 1073741824 : i32
      %broadcast_in_dim3A_2164 = vector.broadcast %broadcast_in_dim3A_2163 : i32 to vector<16xi32>
      %scan3A_2165 = arith.constant 0xFF800000 : f32
      %scan3A_2166 = arith.constant 0 : i32
      %scan3A_2167 = arith.constant 24 : i32
      %scan3A_2168 = arith.addi %scan3A_2166, %scan3A_2167 : i32
      %scan3A_2169 = arith.constant 1 : i32
      %scan3A_2170:2 = scf.for %scan3A_2220 = %scan3A_2166 to %scan3A_2168 step %scan3A_2169 iter_args(%scan3A_2221 = %broadcast_in_dim3A_2162, %scan3A_2222 = %broadcast_in_dim3A_2164) -> (vector<16xf32>, vector<16xi32>)  : i32 {
        %mul3A_2223 = arith.constant 16 : i32
        %mul3A_2224 = arith.muli %scan3A_2220, %mul3A_2223 : i32
        %get3A_2225 = arith.index_cast %mul3A_2224 : i32 to index
        %get3A_2226 = tpu.vector_load %arg13[%get3A_2225] {strides = array<i32>} : memref<384xf32, #tpu.memory_space<vmem>>, vector<16xf32>,
        %iota3A_2227 = tpu.iota {dimensions = array<i32: 0>} : vector<16xi32>
        %mul3A_2228 = arith.constant 16 : i32
        %mul3A_2229 = arith.muli %scan3A_2220, %mul3A_2228 : i32
        %add3A_2230 = vector.broadcast %mul3A_2229 : i32 to vector<16xi32>
        %add3A_2231 = arith.addi %iota3A_2227, %add3A_2230 : vector<16xi32>
        %eq3A_2232 = vector.broadcast %reduce_min3A_2150 : i32 to vector<16xi32>
        %eq3A_2233 = arith.cmpi eq, %add3A_2231, %eq3A_2232 : vector<16xi32>
        %broadcast_in_dim3A_2234 = vector.broadcast %scan3A_2165 : f32 to vector<16xf32>
        %select_n3A_2235 = arith.select %eq3A_2233, %broadcast_in_dim3A_2234, %get3A_2226 : vector<16xi1>, vector<16xf32>
        %swap3A_2236 = arith.index_cast %mul3A_2224 : i32 to index
        %swap3A_2237 = tpu.vector_load %arg13[%swap3A_2236] {strides = array<i32>} : memref<384xf32, #tpu.memory_space<vmem>>, vector<16xf32>,
        tpu.vector_store %arg13[%swap3A_2236], %select_n3A_2235 {strides = array<i32>} : memref<384xf32, #tpu.memory_space<vmem>>, vector<16xf32>,
        %gt3A = arith.cmpf ogt, %select_n3A_2235, %scan3A_2221 : vector<16xf32>
        %eq3A_2238 = arith.cmpf oeq, %select_n3A_2235, %scan3A_2221 : vector<16xf32>
        %lt3A_2239 = arith.cmpi slt, %add3A_2231, %scan3A_2222 : vector<16xi32>
        %and3A_2240 = arith.andi %eq3A_2238, %lt3A_2239 : vector<16xi1>
        %or3A = arith.ori %gt3A, %and3A_2240 : vector<16xi1>
        %select_n3A_2241 = arith.select %or3A, %select_n3A_2235, %scan3A_2221 : vector<16xi1>, vector<16xf32>
        %select_n3A_2242 = arith.select %or3A, %add3A_2231, %scan3A_2222 : vector<16xi1>, vector<16xi32>
        scf.yield %select_n3A_2241, %select_n3A_2242 : vector<16xf32>, vector<16xi32>
      }
      %scan3A_2171 = arith.constant 24 : i32
      %reduce_max3A_2172 = arith.constant true
      %reduce_max3A_2173 = vector.broadcast %reduce_max3A_2172 : i1 to vector<16xi1>
      %reduce_max3A_2174 = tpu.scan <max>, %scan3A_2170#0 masked %reduce_max3A_2173 : vector<16xf32>, vector<16xi1> -> vector<16xf32>
      %reduce_max3A_2175 = vector.extract %reduce_max3A_2174[15] : f32 from vector<16xf32>
      %eq3A_2176 = vector.broadcast %reduce_max3A_2175 : f32 to vector<16xf32>
      %eq3A_2177 = arith.cmpf oeq, %scan3A_2170#0, %eq3A_2176 : vector<16xf32>
      %jit3A_2178 = arith.constant 1073741824 : i32
      %broadcast_in_dim3A_2179 = vector.broadcast %jit3A_2178 : i32 to vector<16xi32>
      %select_n3A_2180 = arith.select %eq3A_2177, %scan3A_2170#1, %broadcast_in_dim3A_2179 : vector<16xi1>, vector<16xi32>
      %reduce_min3A_2181 = arith.constant true
      %reduce_min3A_2182 = vector.broadcast %reduce_min3A_2181 : i1 to vector<16xi1>
      %reduce_min3A_2183 = arith.constant -2147483648 : i32
      %reduce_min3A_2184 = vector.broadcast %reduce_min3A_2183 : i32 to vector<16xi32>
      %reduce_min3A_2185 = arith.xori %select_n3A_2180, %reduce_min3A_2184 : vector<16xi32>
      %reduce_min3A_2186 = tpu.scan <min>, %reduce_min3A_2185 masked %reduce_min3A_2182 : vector<16xi32>, vector<16xi1> -> vector<16xi32>
      %reduce_min3A_2187 = arith.xori %reduce_min3A_2186, %reduce_min3A_2184 : vector<16xi32>
      %reduce_min3A_2188 = vector.extract %reduce_min3A_2187[15] : i32 from vector<16xi32>
      %eq3A_2189 = arith.constant 7 : i32
      %eq3A_2190 = vector.broadcast %eq3A_2189 : i32 to vector<16xi32>
      %eq3A_2191 = arith.cmpi eq, %iota3A_1892, %eq3A_2190 : vector<16xi32>
      %broadcast_in_dim3A_2192 = vector.broadcast %reduce_max3A_2175 : f32 to vector<16xf32>
      %select_n3A_2193 = arith.select %eq3A_2191, %broadcast_in_dim3A_2192, %select_n3A_2155 : vector<16xi1>, vector<16xf32>
      %eq3A_2194 = arith.constant 7 : i32
      %eq3A_2195 = vector.broadcast %eq3A_2194 : i32 to vector<16xi32>
      %eq3A_2196 = arith.cmpi eq, %iota3A_1892, %eq3A_2195 : vector<16xi32>
      %broadcast_in_dim3A_2197 = vector.broadcast %reduce_min3A_2188 : i32 to vector<16xi32>
      %select_n3A_2198 = arith.select %eq3A_2196, %broadcast_in_dim3A_2197, %select_n3A_2160 : vector<16xi1>, vector<16xi32>
      %reduce_max3A_2199 = arith.constant true
      %reduce_max3A_2200 = vector.broadcast %reduce_max3A_2199 : i1 to vector<16xi1>
      %reduce_max3A_2201 = tpu.scan <max>, %select_n3A_2193 masked %reduce_max3A_2200 : vector<16xf32>, vector<16xi1> -> vector<16xf32>
      %reduce_max3A_2202 = vector.extract %reduce_max3A_2201[15] : f32 from vector<16xf32>
      %lt3A_2203 = arith.constant 8 : i32
      %lt3A_2204 = vector.broadcast %lt3A_2203 : i32 to vector<16xi32>
      %lt3A_2205 = arith.cmpi slt, %iota3A, %lt3A_2204 : vector<16xi32>
      %sub3A_2206 = vector.broadcast %reduce_max3A_2202 : f32 to vector<16xf32>
      %sub3A_2207 = arith.subf %select_n3A_2193, %sub3A_2206 : vector<16xf32>
      %exp3A = math.exp %sub3A_2207 : vector<16xf32>
      %jit3A_2208 = arith.constant 0.000000e+00 : f32
      %broadcast_in_dim3A_2209 = vector.broadcast %jit3A_2208 : f32 to vector<16xf32>
      %select_n3A_2210 = arith.select %lt3A_2205, %exp3A, %broadcast_in_dim3A_2209 : vector<16xi1>, vector<16xf32>
      %reduce_sum3A_2211 = arith.constant true
      %reduce_sum3A_2212 = vector.broadcast %reduce_sum3A_2211 : i1 to vector<16xi1>
      %reduce_sum3A_2213 = tpu.scan <sum>, %select_n3A_2210 masked %reduce_sum3A_2212 : vector<16xf32>, vector<16xi1> -> vector<16xf32>
      %reduce_sum3A_2214 = vector.extract %reduce_sum3A_2213[15] : f32 from vector<16xf32>
      %div3A = vector.broadcast %reduce_sum3A_2214 : f32 to vector<16xf32>
      %div3A_2215 = arith.divf %select_n3A_2210, %div3A : vector<16xf32>
      %swap3A_2216 = arith.constant 0 : index
      %swap3A_2217 = tpu.vector_load %arg14[%swap3A_2216] {strides = array<i32>} : memref<128xf32, #tpu.memory_space<vmem>>, vector<16xf32>,
      tpu.vector_store %arg14[%swap3A_2216], %div3A_2215 {strides = array<i32>} : memref<128xf32, #tpu.memory_space<vmem>>, vector<16xf32>,
      %swap3A_2218 = arith.constant 0 : index
      %swap3A_2219 = tpu.vector_load %arg15[%swap3A_2218] {strides = array<i32>} : memref<128xi32, #tpu.memory_space<vmem>>, vector<16xi32>,
      tpu.vector_store %arg15[%swap3A_2218], %select_n3A_2198 {strides = array<i32>} : memref<128xi32, #tpu.memory_space<vmem>>, vector<16xi32>,
      "tpu.region"() ({
        %run_scoped3A = tpu.sem_alloc : memref<!tpu.dma_semaphore, #tpu.memory_space<semaphore_mem>>
        %dma_start3A = arith.constant 0 : i32
        %dma_start3A_2220 = tpu.memref_slice %arg6[%add3A, %dma_start3A] : memref<4x128xf32, #tpu.memory_space<hbm>> -> memref<1x128xf32, #tpu.memory_space<hbm>>
        %dma_start3A_2221 = tpu.memref_squeeze %dma_start3A_2220 : memref<1x128xf32, #tpu.memory_space<hbm>> -> memref<128xf32, #tpu.memory_space<hbm>>
        %dma_start3A_2222 = arith.constant 0 : i32
        %dma_start3A_2223 = tpu.memref_slice %arg6[%add3A, %dma_start3A_2222] : memref<4x128xf32, #tpu.memory_space<hbm>> -> memref<1x128xf32, #tpu.memory_space<hbm>>
        %dma_start3A_2224 = tpu.memref_squeeze %dma_start3A_2223 : memref<1x128xf32, #tpu.memory_space<hbm>> -> memref<128xf32, #tpu.memory_space<hbm>>
        tpu.enqueue_dma source(%arg14 : memref<128xf32, #tpu.memory_space<vmem>>) target(%dma_start3A_2224 : memref<128xf32, #tpu.memory_space<hbm>>) target_semaphore(%run_scoped3A : memref<!tpu.dma_semaphore, #tpu.memory_space<semaphore_mem>>)
        %dma_wait3A = arith.constant 0 : i32
        %dma_wait3A_2225 = tpu.memref_slice %arg6[%add3A, %dma_wait3A] : memref<4x128xf32, #tpu.memory_space<hbm>> -> memref<1x128xf32, #tpu.memory_space<hbm>>
        %dma_wait3A_2226 = tpu.memref_squeeze %dma_wait3A_2225 : memref<1x128xf32, #tpu.memory_space<hbm>> -> memref<128xf32, #tpu.memory_space<hbm>>
        %dma_wait3A_2227 = arith.constant 0 : i32
        %dma_wait3A_2228 = tpu.memref_slice %arg6[%add3A, %dma_wait3A_2227] : memref<4x128xf32, #tpu.memory_space<hbm>> -> memref<1x128xf32, #tpu.memory_space<hbm>>
        %dma_wait3A_2229 = tpu.memref_squeeze %dma_wait3A_2228 : memref<1x128xf32, #tpu.memory_space<hbm>> -> memref<128xf32, #tpu.memory_space<hbm>>
        tpu.wait_dma2 semaphore(%run_scoped3A : memref<!tpu.dma_semaphore, #tpu.memory_space<semaphore_mem>>) src(%arg14 : memref<128xf32, #tpu.memory_space<vmem>>) dst(%dma_wait3A_2229 : memref<128xf32, #tpu.memory_space<hbm>>)
        tpu.yield
      }) : () -> ()
      "tpu.region"() ({
        %run_scoped3A = tpu.sem_alloc : memref<!tpu.dma_semaphore, #tpu.memory_space<semaphore_mem>>
        %dma_start3A = arith.constant 0 : i32
        %dma_start3A_2220 = tpu.memref_slice %arg7[%add3A, %dma_start3A] : memref<4x128xi32, #tpu.memory_space<hbm>> -> memref<1x128xi32, #tpu.memory_space<hbm>>
        %dma_start3A_2221 = tpu.memref_squeeze %dma_start3A_2220 : memref<1x128xi32, #tpu.memory_space<hbm>> -> memref<128xi32, #tpu.memory_space<hbm>>
        %dma_start3A_2222 = arith.constant 0 : i32
        %dma_start3A_2223 = tpu.memref_slice %arg7[%add3A, %dma_start3A_2222] : memref<4x128xi32, #tpu.memory_space<hbm>> -> memref<1x128xi32, #tpu.memory_space<hbm>>
        %dma_start3A_2224 = tpu.memref_squeeze %dma_start3A_2223 : memref<1x128xi32, #tpu.memory_space<hbm>> -> memref<128xi32, #tpu.memory_space<hbm>>
        tpu.enqueue_dma source(%arg15 : memref<128xi32, #tpu.memory_space<vmem>>) target(%dma_start3A_2224 : memref<128xi32, #tpu.memory_space<hbm>>) target_semaphore(%run_scoped3A : memref<!tpu.dma_semaphore, #tpu.memory_space<semaphore_mem>>)
        %dma_wait3A = arith.constant 0 : i32
        %dma_wait3A_2225 = tpu.memref_slice %arg7[%add3A, %dma_wait3A] : memref<4x128xi32, #tpu.memory_space<hbm>> -> memref<1x128xi32, #tpu.memory_space<hbm>>
        %dma_wait3A_2226 = tpu.memref_squeeze %dma_wait3A_2225 : memref<1x128xi32, #tpu.memory_space<hbm>> -> memref<128xi32, #tpu.memory_space<hbm>>
        %dma_wait3A_2227 = arith.constant 0 : i32
        %dma_wait3A_2228 = tpu.memref_slice %arg7[%add3A, %dma_wait3A_2227] : memref<4x128xi32, #tpu.memory_space<hbm>> -> memref<1x128xi32, #tpu.memory_space<hbm>>
        %dma_wait3A_2229 = tpu.memref_squeeze %dma_wait3A_2228 : memref<1x128xi32, #tpu.memory_space<hbm>> -> memref<128xi32, #tpu.memory_space<hbm>>
        tpu.wait_dma2 semaphore(%run_scoped3A : memref<!tpu.dma_semaphore, #tpu.memory_space<semaphore_mem>>) src(%arg15 : memref<128xi32, #tpu.memory_space<vmem>>) dst(%dma_wait3A_2229 : memref<128xi32, #tpu.memory_space<hbm>>)
        tpu.yield
      }) : () -> ()
    } else {
    }
    %ge3A = arith.constant 4 : i32
    %ge3A_3 = arith.cmpi sge, %add3A, %ge3A : i32
    %lt3A_4 = arith.constant 8 : i32
    %lt3A_5 = arith.cmpi slt, %add3A, %lt3A_4 : i32
    %and3A = arith.andi %ge3A_3, %lt3A_5 : i1
    %convert_element_type3A_6 = arith.extui %and3A : i1 to i32
    %cond3A_7 = arith.constant 0 : i32
    %cond3A_8 = arith.cmpi ne, %convert_element_type3A_6, %cond3A_7 : i32
    scf.if %cond3A_8 {
      %sub3A = arith.constant 4 : i32
      %sub3A_9 = arith.subi %add3A, %sub3A : i32
      "tpu.region"() ({
        %run_scoped3A = tpu.sem_alloc : memref<!tpu.dma_semaphore, #tpu.memory_space<semaphore_mem>>
        tpu.enqueue_dma source(%arg2 : memref<128xf32, #tpu.memory_space<hbm>>) target(%arg10 : memref<128xf32, #tpu.memory_space<vmem>>) target_semaphore(%run_scoped3A : memref<!tpu.dma_semaphore, #tpu.memory_space<semaphore_mem>>)
        tpu.wait_dma2 semaphore(%run_scoped3A : memref<!tpu.dma_semaphore, #tpu.memory_space<semaphore_mem>>) src(%arg2 : memref<128xf32, #tpu.memory_space<hbm>>) dst(%arg10 : memref<128xf32, #tpu.memory_space<vmem>>)
        tpu.yield
      }) : () -> ()
      "tpu.region"() ({
        %run_scoped3A = tpu.sem_alloc : memref<!tpu.dma_semaphore, #tpu.memory_space<semaphore_mem>>
        tpu.enqueue_dma source(%arg3 : memref<3x384xf32, #tpu.memory_space<hbm>>) target(%arg11 : memref<3x384xf32, #tpu.memory_space<vmem>>) target_semaphore(%run_scoped3A : memref<!tpu.dma_semaphore, #tpu.memory_space<semaphore_mem>>)
        tpu.wait_dma2 semaphore(%run_scoped3A : memref<!tpu.dma_semaphore, #tpu.memory_space<semaphore_mem>>) src(%arg3 : memref<3x384xf32, #tpu.memory_space<hbm>>) dst(%arg11 : memref<3x384xf32, #tpu.memory_space<vmem>>)
        tpu.yield
      }) : () -> ()
      "tpu.region"() ({
        %run_scoped3A = tpu.sem_alloc : memref<!tpu.dma_semaphore, #tpu.memory_space<semaphore_mem>>
        %dma_start3A = arith.constant 0 : i32
        %dma_start3A_2222 = tpu.memref_slice %arg5[%sub3A_9, %dma_start3A] : memref<4x384xf32, #tpu.memory_space<hbm>> -> memref<1x384xf32, #tpu.memory_space<hbm>>
        %dma_start3A_2223 = tpu.memref_squeeze %dma_start3A_2222 : memref<1x384xf32, #tpu.memory_space<hbm>> -> memref<384xf32, #tpu.memory_space<hbm>>
        %dma_start3A_2224 = arith.constant 0 : i32
        %dma_start3A_2225 = tpu.memref_slice %arg5[%sub3A_9, %dma_start3A_2224] : memref<4x384xf32, #tpu.memory_space<hbm>> -> memref<1x384xf32, #tpu.memory_space<hbm>>
        %dma_start3A_2226 = tpu.memref_squeeze %dma_start3A_2225 : memref<1x384xf32, #tpu.memory_space<hbm>> -> memref<384xf32, #tpu.memory_space<hbm>>
        tpu.enqueue_dma source(%dma_start3A_2226 : memref<384xf32, #tpu.memory_space<hbm>>) target(%arg12 : memref<384xf32, #tpu.memory_space<vmem>>) target_semaphore(%run_scoped3A : memref<!tpu.dma_semaphore, #tpu.memory_space<semaphore_mem>>)
        %dma_wait3A = arith.constant 0 : i32
        %dma_wait3A_2227 = tpu.memref_slice %arg5[%sub3A_9, %dma_wait3A] : memref<4x384xf32, #tpu.memory_space<hbm>> -> memref<1x384xf32, #tpu.memory_space<hbm>>
        %dma_wait3A_2228 = tpu.memref_squeeze %dma_wait3A_2227 : memref<1x384xf32, #tpu.memory_space<hbm>> -> memref<384xf32, #tpu.memory_space<hbm>>
        %dma_wait3A_2229 = arith.constant 0 : i32
        %dma_wait3A_2230 = tpu.memref_slice %arg5[%sub3A_9, %dma_wait3A_2229] : memref<4x384xf32, #tpu.memory_space<hbm>> -> memref<1x384xf32, #tpu.memory_space<hbm>>
        %dma_wait3A_2231 = tpu.memref_squeeze %dma_wait3A_2230 : memref<1x384xf32, #tpu.memory_space<hbm>> -> memref<384xf32, #tpu.memory_space<hbm>>
        tpu.wait_dma2 semaphore(%run_scoped3A : memref<!tpu.dma_semaphore, #tpu.memory_space<semaphore_mem>>) src(%dma_wait3A_2231 : memref<384xf32, #tpu.memory_space<hbm>>) dst(%arg12 : memref<384xf32, #tpu.memory_space<vmem>>)
        tpu.yield
      }) : () -> ()
      %iota3A = tpu.iota {dimensions = array<i32: 0>} : vector<16xi32>
      %get3A = arith.constant 0 : index
      %get3A_10 = tpu.vector_load %arg10[%get3A] {strides = array<i32>} : memref<128xf32, #tpu.memory_space<vmem>>, vector<16xf32>,
      %mul3A_11 = arith.constant 3 : i32
      %mul3A_12 = arith.muli %mul3A_11, %sub3A_9 : i32
      %add3A_13 = arith.constant 0 : i32
      %add3A_14 = arith.addi %mul3A_12, %add3A_13 : i32
      %eq3A = vector.broadcast %add3A_14 : i32 to vector<16xi32>
      %eq3A_15 = arith.cmpi eq, %iota3A, %eq3A : vector<16xi32>
      %jit3A = arith.constant 0.000000e+00 : f32
      %broadcast_in_dim3A = vector.broadcast %jit3A : f32 to vector<16xf32>
      %select_n3A = arith.select %eq3A_15, %get3A_10, %broadcast_in_dim3A : vector<16xi1>, vector<16xf32>
      %reduce_sum3A = arith.constant true
      %reduce_sum3A_16 = vector.broadcast %reduce_sum3A : i1 to vector<16xi1>
      %reduce_sum3A_17 = tpu.scan <sum>, %select_n3A masked %reduce_sum3A_16 : vector<16xf32>, vector<16xi1> -> vector<16xf32>
      %reduce_sum3A_18 = vector.extract %reduce_sum3A_17[15] : f32 from vector<16xf32>
      %mul3A_19 = arith.constant 1.99298465E-5 : f32
      %mul3A_20 = arith.mulf %reduce_sum3A_18, %mul3A_19 : f32
      %mul3A_21 = arith.constant 3 : i32
      %mul3A_22 = arith.muli %mul3A_21, %sub3A_9 : i32
      %add3A_23 = arith.constant 1 : i32
      %add3A_24 = arith.addi %mul3A_22, %add3A_23 : i32
      %eq3A_25 = vector.broadcast %add3A_24 : i32 to vector<16xi32>
      %eq3A_26 = arith.cmpi eq, %iota3A, %eq3A_25 : vector<16xi32>
      %jit3A_27 = arith.constant 0.000000e+00 : f32
      %broadcast_in_dim3A_28 = vector.broadcast %jit3A_27 : f32 to vector<16xf32>
      %select_n3A_29 = arith.select %eq3A_26, %get3A_10, %broadcast_in_dim3A_28 : vector<16xi1>, vector<16xf32>
      %reduce_sum3A_30 = arith.constant true
      %reduce_sum3A_31 = vector.broadcast %reduce_sum3A_30 : i1 to vector<16xi1>
      %reduce_sum3A_32 = tpu.scan <sum>, %select_n3A_29 masked %reduce_sum3A_31 : vector<16xf32>, vector<16xi1> -> vector<16xf32>
      %reduce_sum3A_33 = vector.extract %reduce_sum3A_32[15] : f32 from vector<16xf32>
      %mul3A_34 = arith.constant 1.99298465E-5 : f32
      %mul3A_35 = arith.mulf %reduce_sum3A_33, %mul3A_34 : f32
      %mul3A_36 = arith.constant 3 : i32
      %mul3A_37 = arith.muli %mul3A_36, %sub3A_9 : i32
      %add3A_38 = arith.constant 2 : i32
      %add3A_39 = arith.addi %mul3A_37, %add3A_38 : i32
      %eq3A_40 = vector.broadcast %add3A_39 : i32 to vector<16xi32>
      %eq3A_41 = arith.cmpi eq, %iota3A, %eq3A_40 : vector<16xi32>
      %jit3A_42 = arith.constant 0.000000e+00 : f32
      %broadcast_in_dim3A_43 = vector.broadcast %jit3A_42 : f32 to vector<16xf32>
      %select_n3A_44 = arith.select %eq3A_41, %get3A_10, %broadcast_in_dim3A_43 : vector<16xi1>, vector<16xf32>
      %reduce_sum3A_45 = arith.constant true
      %reduce_sum3A_46 = vector.broadcast %reduce_sum3A_45 : i1 to vector<16xi1>
      %reduce_sum3A_47 = tpu.scan <sum>, %select_n3A_44 masked %reduce_sum3A_46 : vector<16xf32>, vector<16xi1> -> vector<16xf32>
      %reduce_sum3A_48 = vector.extract %reduce_sum3A_47[15] : f32 from vector<16xf32>
      %mul3A_49 = arith.constant 1.99298465E-5 : f32
      %mul3A_50 = arith.mulf %reduce_sum3A_48, %mul3A_49 : f32
      %get3A_51 = arith.constant 0 : i32
      %get3A_52 = arith.index_cast %get3A_51 : i32 to index
      %get3A_53 = arith.constant 0 : index
      %get3A_54 = tpu.vector_load %arg11[%get3A_52, %get3A_53] {strides = array<i32>} : memref<3x384xf32, #tpu.memory_space<vmem>>, vector<16xf32>,
      %bitcast3A = vector.bitcast %get3A_54 : vector<16xf32> to vector<16xi32>
      %shift_right_logical3A = arith.constant 16 : i32
      %shift_right_logical3A_55 = vector.broadcast %shift_right_logical3A : i32 to vector<16xi32>
      %shift_right_logical3A_56 = arith.shrui %bitcast3A, %shift_right_logical3A_55 : vector<16xi32>
      %and3A_57 = arith.constant 1 : i32
      %and3A_58 = vector.broadcast %and3A_57 : i32 to vector<16xi32>
      %and3A_59 = arith.andi %shift_right_logical3A_56, %and3A_58 : vector<16xi32>
      %add3A_60 = arith.constant 32767 : i32
      %add3A_61 = vector.broadcast %add3A_60 : i32 to vector<16xi32>
      %add3A_62 = arith.addi %bitcast3A, %add3A_61 : vector<16xi32>
      %add3A_63 = arith.addi %add3A_62, %and3A_59 : vector<16xi32>
      %and3A_64 = arith.constant -65536 : i32
      %and3A_65 = vector.broadcast %and3A_64 : i32 to vector<16xi32>
      %and3A_66 = arith.andi %add3A_63, %and3A_65 : vector<16xi32>
      %bitcast3A_67 = vector.bitcast %and3A_66 : vector<16xi32> to vector<16xf32>
      %mul3A_68 = vector.broadcast %mul3A_20 : f32 to vector<16xf32>
      %mul3A_69 = arith.mulf %mul3A_68, %bitcast3A_67 : vector<16xf32>
      %get3A_70 = arith.constant 1 : i32
      %get3A_71 = arith.index_cast %get3A_70 : i32 to index
      %get3A_72 = arith.constant 0 : index
      %get3A_73 = tpu.vector_load %arg11[%get3A_71, %get3A_72] {strides = array<i32>} : memref<3x384xf32, #tpu.memory_space<vmem>>, vector<16xf32>,
      %bitcast3A_74 = vector.bitcast %get3A_73 : vector<16xf32> to vector<16xi32>
      %shift_right_logical3A_75 = arith.constant 16 : i32
      %shift_right_logical3A_76 = vector.broadcast %shift_right_logical3A_75 : i32 to vector<16xi32>
      %shift_right_logical3A_77 = arith.shrui %bitcast3A_74, %shift_right_logical3A_76 : vector<16xi32>
      %and3A_78 = arith.constant 1 : i32
      %and3A_79 = vector.broadcast %and3A_78 : i32 to vector<16xi32>
      %and3A_80 = arith.andi %shift_right_logical3A_77, %and3A_79 : vector<16xi32>
      %add3A_81 = arith.constant 32767 : i32
      %add3A_82 = vector.broadcast %add3A_81 : i32 to vector<16xi32>
      %add3A_83 = arith.addi %bitcast3A_74, %add3A_82 : vector<16xi32>
      %add3A_84 = arith.addi %add3A_83, %and3A_80 : vector<16xi32>
      %and3A_85 = arith.constant -65536 : i32
      %and3A_86 = vector.broadcast %and3A_85 : i32 to vector<16xi32>
      %and3A_87 = arith.andi %add3A_84, %and3A_86 : vector<16xi32>
      %bitcast3A_88 = vector.bitcast %and3A_87 : vector<16xi32> to vector<16xf32>
      %mul3A_89 = vector.broadcast %mul3A_35 : f32 to vector<16xf32>
      %mul3A_90 = arith.mulf %mul3A_89, %bitcast3A_88 : vector<16xf32>
      %add3A_91 = arith.addf %mul3A_69, %mul3A_90 : vector<16xf32>
      %get3A_92 = arith.constant 2 : i32
      %get3A_93 = arith.index_cast %get3A_92 : i32 to index
      %get3A_94 = arith.constant 0 : index
      %get3A_95 = tpu.vector_load %arg11[%get3A_93, %get3A_94] {strides = array<i32>} : memref<3x384xf32, #tpu.memory_space<vmem>>, vector<16xf32>,
      %bitcast3A_96 = vector.bitcast %get3A_95 : vector<16xf32> to vector<16xi32>
      %shift_right_logical3A_97 = arith.constant 16 : i32
      %shift_right_logical3A_98 = vector.broadcast %shift_right_logical3A_97 : i32 to vector<16xi32>
      %shift_right_logical3A_99 = arith.shrui %bitcast3A_96, %shift_right_logical3A_98 : vector<16xi32>
      %and3A_100 = arith.constant 1 : i32
      %and3A_101 = vector.broadcast %and3A_100 : i32 to vector<16xi32>
      %and3A_102 = arith.andi %shift_right_logical3A_99, %and3A_101 : vector<16xi32>
      %add3A_103 = arith.constant 32767 : i32
      %add3A_104 = vector.broadcast %add3A_103 : i32 to vector<16xi32>
      %add3A_105 = arith.addi %bitcast3A_96, %add3A_104 : vector<16xi32>
      %add3A_106 = arith.addi %add3A_105, %and3A_102 : vector<16xi32>
      %and3A_107 = arith.constant -65536 : i32
      %and3A_108 = vector.broadcast %and3A_107 : i32 to vector<16xi32>
      %and3A_109 = arith.andi %add3A_106, %and3A_108 : vector<16xi32>
      %bitcast3A_110 = vector.bitcast %and3A_109 : vector<16xi32> to vector<16xf32>
      %mul3A_111 = vector.broadcast %mul3A_50 : f32 to vector<16xf32>
      %mul3A_112 = arith.mulf %mul3A_111, %bitcast3A_110 : vector<16xf32>
      %add3A_113 = arith.addf %add3A_91, %mul3A_112 : vector<16xf32>
      %get3A_114 = arith.constant 0 : index
      %get3A_115 = tpu.vector_load %arg12[%get3A_114] {strides = array<i32>} : memref<384xf32, #tpu.memory_space<vmem>>, vector<16xf32>,
      %mul3A_116 = arith.constant 1.99298465E-5 : f32
      %mul3A_117 = vector.broadcast %mul3A_116 : f32 to vector<16xf32>
      %mul3A_118 = arith.mulf %get3A_115, %mul3A_117 : vector<16xf32>
      %sub3A_119 = arith.subf %add3A_113, %mul3A_118 : vector<16xf32>
      %abs3A = math.absf %sub3A_119 : vector<16xf32>
      %neg3A = arith.constant 0.000000e+00 : f32
      %neg3A_120 = vector.broadcast %neg3A : f32 to vector<16xf32>
      %neg3A_121 = arith.subf %neg3A_120, %abs3A : vector<16xf32>
      %swap3A = arith.constant 0 : index
      %swap3A_122 = tpu.vector_load %arg13[%swap3A] {strides = array<i32>} : memref<384xf32, #tpu.memory_space<vmem>>, vector<16xf32>,
      tpu.vector_store %arg13[%swap3A], %neg3A_121 {strides = array<i32>} : memref<384xf32, #tpu.memory_space<vmem>>, vector<16xf32>,
      %get3A_123 = arith.constant 0 : i32
      %get3A_124 = arith.index_cast %get3A_123 : i32 to index
      %get3A_125 = arith.constant 16 : index
      %get3A_126 = tpu.vector_load %arg11[%get3A_124, %get3A_125] {strides = array<i32>} : memref<3x384xf32, #tpu.memory_space<vmem>>, vector<16xf32>,
      %bitcast3A_127 = vector.bitcast %get3A_126 : vector<16xf32> to vector<16xi32>
      %shift_right_logical3A_128 = arith.constant 16 : i32
      %shift_right_logical3A_129 = vector.broadcast %shift_right_logical3A_128 : i32 to vector<16xi32>
      %shift_right_logical3A_130 = arith.shrui %bitcast3A_127, %shift_right_logical3A_129 : vector<16xi32>
      %and3A_131 = arith.constant 1 : i32
      %and3A_132 = vector.broadcast %and3A_131 : i32 to vector<16xi32>
      %and3A_133 = arith.andi %shift_right_logical3A_130, %and3A_132 : vector<16xi32>
      %add3A_134 = arith.constant 32767 : i32
      %add3A_135 = vector.broadcast %add3A_134 : i32 to vector<16xi32>
      %add3A_136 = arith.addi %bitcast3A_127, %add3A_135 : vector<16xi32>
      %add3A_137 = arith.addi %add3A_136, %and3A_133 : vector<16xi32>
      %and3A_138 = arith.constant -65536 : i32
      %and3A_139 = vector.broadcast %and3A_138 : i32 to vector<16xi32>
      %and3A_140 = arith.andi %add3A_137, %and3A_139 : vector<16xi32>
      %bitcast3A_141 = vector.bitcast %and3A_140 : vector<16xi32> to vector<16xf32>
      %mul3A_142 = vector.broadcast %mul3A_20 : f32 to vector<16xf32>
      %mul3A_143 = arith.mulf %mul3A_142, %bitcast3A_141 : vector<16xf32>
      %get3A_144 = arith.constant 1 : i32
      %get3A_145 = arith.index_cast %get3A_144 : i32 to index
      %get3A_146 = arith.constant 16 : index
      %get3A_147 = tpu.vector_load %arg11[%get3A_145, %get3A_146] {strides = array<i32>} : memref<3x384xf32, #tpu.memory_space<vmem>>, vector<16xf32>,
      %bitcast3A_148 = vector.bitcast %get3A_147 : vector<16xf32> to vector<16xi32>
      %shift_right_logical3A_149 = arith.constant 16 : i32
      %shift_right_logical3A_150 = vector.broadcast %shift_right_logical3A_149 : i32 to vector<16xi32>
      %shift_right_logical3A_151 = arith.shrui %bitcast3A_148, %shift_right_logical3A_150 : vector<16xi32>
      %and3A_152 = arith.constant 1 : i32
      %and3A_153 = vector.broadcast %and3A_152 : i32 to vector<16xi32>
      %and3A_154 = arith.andi %shift_right_logical3A_151, %and3A_153 : vector<16xi32>
      %add3A_155 = arith.constant 32767 : i32
      %add3A_156 = vector.broadcast %add3A_155 : i32 to vector<16xi32>
      %add3A_157 = arith.addi %bitcast3A_148, %add3A_156 : vector<16xi32>
      %add3A_158 = arith.addi %add3A_157, %and3A_154 : vector<16xi32>
      %and3A_159 = arith.constant -65536 : i32
      %and3A_160 = vector.broadcast %and3A_159 : i32 to vector<16xi32>
      %and3A_161 = arith.andi %add3A_158, %and3A_160 : vector<16xi32>
      %bitcast3A_162 = vector.bitcast %and3A_161 : vector<16xi32> to vector<16xf32>
      %mul3A_163 = vector.broadcast %mul3A_35 : f32 to vector<16xf32>
      %mul3A_164 = arith.mulf %mul3A_163, %bitcast3A_162 : vector<16xf32>
      %add3A_165 = arith.addf %mul3A_143, %mul3A_164 : vector<16xf32>
      %get3A_166 = arith.constant 2 : i32
      %get3A_167 = arith.index_cast %get3A_166 : i32 to index
      %get3A_168 = arith.constant 16 : index
      %get3A_169 = tpu.vector_load %arg11[%get3A_167, %get3A_168] {strides = array<i32>} : memref<3x384xf32, #tpu.memory_space<vmem>>, vector<16xf32>,
      %bitcast3A_170 = vector.bitcast %get3A_169 : vector<16xf32> to vector<16xi32>
      %shift_right_logical3A_171 = arith.constant 16 : i32
      %shift_right_logical3A_172 = vector.broadcast %shift_right_logical3A_171 : i32 to vector<16xi32>
      %shift_right_logical3A_173 = arith.shrui %bitcast3A_170, %shift_right_logical3A_172 : vector<16xi32>
      %and3A_174 = arith.constant 1 : i32
      %and3A_175 = vector.broadcast %and3A_174 : i32 to vector<16xi32>
      %and3A_176 = arith.andi %shift_right_logical3A_173, %and3A_175 : vector<16xi32>
      %add3A_177 = arith.constant 32767 : i32
      %add3A_178 = vector.broadcast %add3A_177 : i32 to vector<16xi32>
      %add3A_179 = arith.addi %bitcast3A_170, %add3A_178 : vector<16xi32>
      %add3A_180 = arith.addi %add3A_179, %and3A_176 : vector<16xi32>
      %and3A_181 = arith.constant -65536 : i32
      %and3A_182 = vector.broadcast %and3A_181 : i32 to vector<16xi32>
      %and3A_183 = arith.andi %add3A_180, %and3A_182 : vector<16xi32>
      %bitcast3A_184 = vector.bitcast %and3A_183 : vector<16xi32> to vector<16xf32>
      %mul3A_185 = vector.broadcast %mul3A_50 : f32 to vector<16xf32>
      %mul3A_186 = arith.mulf %mul3A_185, %bitcast3A_184 : vector<16xf32>
      %add3A_187 = arith.addf %add3A_165, %mul3A_186 : vector<16xf32>
      %get3A_188 = arith.constant 16 : index
      %get3A_189 = tpu.vector_load %arg12[%get3A_188] {strides = array<i32>} : memref<384xf32, #tpu.memory_space<vmem>>, vector<16xf32>,
      %mul3A_190 = arith.constant 1.99298465E-5 : f32
      %mul3A_191 = vector.broadcast %mul3A_190 : f32 to vector<16xf32>
      %mul3A_192 = arith.mulf %get3A_189, %mul3A_191 : vector<16xf32>
      %sub3A_193 = arith.subf %add3A_187, %mul3A_192 : vector<16xf32>
      %abs3A_194 = math.absf %sub3A_193 : vector<16xf32>
      %neg3A_195 = arith.constant 0.000000e+00 : f32
      %neg3A_196 = vector.broadcast %neg3A_195 : f32 to vector<16xf32>
      %neg3A_197 = arith.subf %neg3A_196, %abs3A_194 : vector<16xf32>
      %swap3A_198 = arith.constant 16 : index
      %swap3A_199 = tpu.vector_load %arg13[%swap3A_198] {strides = array<i32>} : memref<384xf32, #tpu.memory_space<vmem>>, vector<16xf32>,
      tpu.vector_store %arg13[%swap3A_198], %neg3A_197 {strides = array<i32>} : memref<384xf32, #tpu.memory_space<vmem>>, vector<16xf32>,
      %get3A_200 = arith.constant 0 : i32
      %get3A_201 = arith.index_cast %get3A_200 : i32 to index
      %get3A_202 = arith.constant 32 : index
      %get3A_203 = tpu.vector_load %arg11[%get3A_201, %get3A_202] {strides = array<i32>} : memref<3x384xf32, #tpu.memory_space<vmem>>, vector<16xf32>,
      %bitcast3A_204 = vector.bitcast %get3A_203 : vector<16xf32> to vector<16xi32>
      %shift_right_logical3A_205 = arith.constant 16 : i32
      %shift_right_logical3A_206 = vector.broadcast %shift_right_logical3A_205 : i32 to vector<16xi32>
      %shift_right_logical3A_207 = arith.shrui %bitcast3A_204, %shift_right_logical3A_206 : vector<16xi32>
      %and3A_208 = arith.constant 1 : i32
      %and3A_209 = vector.broadcast %and3A_208 : i32 to vector<16xi32>
      %and3A_210 = arith.andi %shift_right_logical3A_207, %and3A_209 : vector<16xi32>
      %add3A_211 = arith.constant 32767 : i32
      %add3A_212 = vector.broadcast %add3A_211 : i32 to vector<16xi32>
      %add3A_213 = arith.addi %bitcast3A_204, %add3A_212 : vector<16xi32>
      %add3A_214 = arith.addi %add3A_213, %and3A_210 : vector<16xi32>
      %and3A_215 = arith.constant -65536 : i32
      %and3A_216 = vector.broadcast %and3A_215 : i32 to vector<16xi32>
      %and3A_217 = arith.andi %add3A_214, %and3A_216 : vector<16xi32>
      %bitcast3A_218 = vector.bitcast %and3A_217 : vector<16xi32> to vector<16xf32>
      %mul3A_219 = vector.broadcast %mul3A_20 : f32 to vector<16xf32>
      %mul3A_220 = arith.mulf %mul3A_219, %bitcast3A_218 : vector<16xf32>
      %get3A_221 = arith.constant 1 : i32
      %get3A_222 = arith.index_cast %get3A_221 : i32 to index
      %get3A_223 = arith.constant 32 : index
      %get3A_224 = tpu.vector_load %arg11[%get3A_222, %get3A_223] {strides = array<i32>} : memref<3x384xf32, #tpu.memory_space<vmem>>, vector<16xf32>,
      %bitcast3A_225 = vector.bitcast %get3A_224 : vector<16xf32> to vector<16xi32>
      %shift_right_logical3A_226 = arith.constant 16 : i32
      %shift_right_logical3A_227 = vector.broadcast %shift_right_logical3A_226 : i32 to vector<16xi32>
      %shift_right_logical3A_228 = arith.shrui %bitcast3A_225, %shift_right_logical3A_227 : vector<16xi32>
      %and3A_229 = arith.constant 1 : i32
      %and3A_230 = vector.broadcast %and3A_229 : i32 to vector<16xi32>
      %and3A_231 = arith.andi %shift_right_logical3A_228, %and3A_230 : vector<16xi32>
      %add3A_232 = arith.constant 32767 : i32
      %add3A_233 = vector.broadcast %add3A_232 : i32 to vector<16xi32>
      %add3A_234 = arith.addi %bitcast3A_225, %add3A_233 : vector<16xi32>
      %add3A_235 = arith.addi %add3A_234, %and3A_231 : vector<16xi32>
      %and3A_236 = arith.constant -65536 : i32
      %and3A_237 = vector.broadcast %and3A_236 : i32 to vector<16xi32>
      %and3A_238 = arith.andi %add3A_235, %and3A_237 : vector<16xi32>
      %bitcast3A_239 = vector.bitcast %and3A_238 : vector<16xi32> to vector<16xf32>
      %mul3A_240 = vector.broadcast %mul3A_35 : f32 to vector<16xf32>
      %mul3A_241 = arith.mulf %mul3A_240, %bitcast3A_239 : vector<16xf32>
      %add3A_242 = arith.addf %mul3A_220, %mul3A_241 : vector<16xf32>
      %get3A_243 = arith.constant 2 : i32
      %get3A_244 = arith.index_cast %get3A_243 : i32 to index
      %get3A_245 = arith.constant 32 : index
      %get3A_246 = tpu.vector_load %arg11[%get3A_244, %get3A_245] {strides = array<i32>} : memref<3x384xf32, #tpu.memory_space<vmem>>, vector<16xf32>,
      %bitcast3A_247 = vector.bitcast %get3A_246 : vector<16xf32> to vector<16xi32>
      %shift_right_logical3A_248 = arith.constant 16 : i32
      %shift_right_logical3A_249 = vector.broadcast %shift_right_logical3A_248 : i32 to vector<16xi32>
      %shift_right_logical3A_250 = arith.shrui %bitcast3A_247, %shift_right_logical3A_249 : vector<16xi32>
      %and3A_251 = arith.constant 1 : i32
      %and3A_252 = vector.broadcast %and3A_251 : i32 to vector<16xi32>
      %and3A_253 = arith.andi %shift_right_logical3A_250, %and3A_252 : vector<16xi32>
      %add3A_254 = arith.constant 32767 : i32
      %add3A_255 = vector.broadcast %add3A_254 : i32 to vector<16xi32>
      %add3A_256 = arith.addi %bitcast3A_247, %add3A_255 : vector<16xi32>
      %add3A_257 = arith.addi %add3A_256, %and3A_253 : vector<16xi32>
      %and3A_258 = arith.constant -65536 : i32
      %and3A_259 = vector.broadcast %and3A_258 : i32 to vector<16xi32>
      %and3A_260 = arith.andi %add3A_257, %and3A_259 : vector<16xi32>
      %bitcast3A_261 = vector.bitcast %and3A_260 : vector<16xi32> to vector<16xf32>
      %mul3A_262 = vector.broadcast %mul3A_50 : f32 to vector<16xf32>
      %mul3A_263 = arith.mulf %mul3A_262, %bitcast3A_261 : vector<16xf32>
      %add3A_264 = arith.addf %add3A_242, %mul3A_263 : vector<16xf32>
      %get3A_265 = arith.constant 32 : index
      %get3A_266 = tpu.vector_load %arg12[%get3A_265] {strides = array<i32>} : memref<384xf32, #tpu.memory_space<vmem>>, vector<16xf32>,
      %mul3A_267 = arith.constant 1.99298465E-5 : f32
      %mul3A_268 = vector.broadcast %mul3A_267 : f32 to vector<16xf32>
      %mul3A_269 = arith.mulf %get3A_266, %mul3A_268 : vector<16xf32>
      %sub3A_270 = arith.subf %add3A_264, %mul3A_269 : vector<16xf32>
      %abs3A_271 = math.absf %sub3A_270 : vector<16xf32>
      %neg3A_272 = arith.constant 0.000000e+00 : f32
      %neg3A_273 = vector.broadcast %neg3A_272 : f32 to vector<16xf32>
      %neg3A_274 = arith.subf %neg3A_273, %abs3A_271 : vector<16xf32>
      %swap3A_275 = arith.constant 32 : index
      %swap3A_276 = tpu.vector_load %arg13[%swap3A_275] {strides = array<i32>} : memref<384xf32, #tpu.memory_space<vmem>>, vector<16xf32>,
      tpu.vector_store %arg13[%swap3A_275], %neg3A_274 {strides = array<i32>} : memref<384xf32, #tpu.memory_space<vmem>>, vector<16xf32>,
      %get3A_277 = arith.constant 0 : i32
      %get3A_278 = arith.index_cast %get3A_277 : i32 to index
      %get3A_279 = arith.constant 48 : index
      %get3A_280 = tpu.vector_load %arg11[%get3A_278, %get3A_279] {strides = array<i32>} : memref<3x384xf32, #tpu.memory_space<vmem>>, vector<16xf32>,
      %bitcast3A_281 = vector.bitcast %get3A_280 : vector<16xf32> to vector<16xi32>
      %shift_right_logical3A_282 = arith.constant 16 : i32
      %shift_right_logical3A_283 = vector.broadcast %shift_right_logical3A_282 : i32 to vector<16xi32>
      %shift_right_logical3A_284 = arith.shrui %bitcast3A_281, %shift_right_logical3A_283 : vector<16xi32>
      %and3A_285 = arith.constant 1 : i32
      %and3A_286 = vector.broadcast %and3A_285 : i32 to vector<16xi32>
      %and3A_287 = arith.andi %shift_right_logical3A_284, %and3A_286 : vector<16xi32>
      %add3A_288 = arith.constant 32767 : i32
      %add3A_289 = vector.broadcast %add3A_288 : i32 to vector<16xi32>
      %add3A_290 = arith.addi %bitcast3A_281, %add3A_289 : vector<16xi32>
      %add3A_291 = arith.addi %add3A_290, %and3A_287 : vector<16xi32>
      %and3A_292 = arith.constant -65536 : i32
      %and3A_293 = vector.broadcast %and3A_292 : i32 to vector<16xi32>
      %and3A_294 = arith.andi %add3A_291, %and3A_293 : vector<16xi32>
      %bitcast3A_295 = vector.bitcast %and3A_294 : vector<16xi32> to vector<16xf32>
      %mul3A_296 = vector.broadcast %mul3A_20 : f32 to vector<16xf32>
      %mul3A_297 = arith.mulf %mul3A_296, %bitcast3A_295 : vector<16xf32>
      %get3A_298 = arith.constant 1 : i32
      %get3A_299 = arith.index_cast %get3A_298 : i32 to index
      %get3A_300 = arith.constant 48 : index
      %get3A_301 = tpu.vector_load %arg11[%get3A_299, %get3A_300] {strides = array<i32>} : memref<3x384xf32, #tpu.memory_space<vmem>>, vector<16xf32>,
      %bitcast3A_302 = vector.bitcast %get3A_301 : vector<16xf32> to vector<16xi32>
      %shift_right_logical3A_303 = arith.constant 16 : i32
      %shift_right_logical3A_304 = vector.broadcast %shift_right_logical3A_303 : i32 to vector<16xi32>
      %shift_right_logical3A_305 = arith.shrui %bitcast3A_302, %shift_right_logical3A_304 : vector<16xi32>
      %and3A_306 = arith.constant 1 : i32
      %and3A_307 = vector.broadcast %and3A_306 : i32 to vector<16xi32>
      %and3A_308 = arith.andi %shift_right_logical3A_305, %and3A_307 : vector<16xi32>
      %add3A_309 = arith.constant 32767 : i32
      %add3A_310 = vector.broadcast %add3A_309 : i32 to vector<16xi32>
      %add3A_311 = arith.addi %bitcast3A_302, %add3A_310 : vector<16xi32>
      %add3A_312 = arith.addi %add3A_311, %and3A_308 : vector<16xi32>
      %and3A_313 = arith.constant -65536 : i32
      %and3A_314 = vector.broadcast %and3A_313 : i32 to vector<16xi32>
      %and3A_315 = arith.andi %add3A_312, %and3A_314 : vector<16xi32>
      %bitcast3A_316 = vector.bitcast %and3A_315 : vector<16xi32> to vector<16xf32>
      %mul3A_317 = vector.broadcast %mul3A_35 : f32 to vector<16xf32>
      %mul3A_318 = arith.mulf %mul3A_317, %bitcast3A_316 : vector<16xf32>
      %add3A_319 = arith.addf %mul3A_297, %mul3A_318 : vector<16xf32>
      %get3A_320 = arith.constant 2 : i32
      %get3A_321 = arith.index_cast %get3A_320 : i32 to index
      %get3A_322 = arith.constant 48 : index
      %get3A_323 = tpu.vector_load %arg11[%get3A_321, %get3A_322] {strides = array<i32>} : memref<3x384xf32, #tpu.memory_space<vmem>>, vector<16xf32>,
      %bitcast3A_324 = vector.bitcast %get3A_323 : vector<16xf32> to vector<16xi32>
      %shift_right_logical3A_325 = arith.constant 16 : i32
      %shift_right_logical3A_326 = vector.broadcast %shift_right_logical3A_325 : i32 to vector<16xi32>
      %shift_right_logical3A_327 = arith.shrui %bitcast3A_324, %shift_right_logical3A_326 : vector<16xi32>
      %and3A_328 = arith.constant 1 : i32
      %and3A_329 = vector.broadcast %and3A_328 : i32 to vector<16xi32>
      %and3A_330 = arith.andi %shift_right_logical3A_327, %and3A_329 : vector<16xi32>
      %add3A_331 = arith.constant 32767 : i32
      %add3A_332 = vector.broadcast %add3A_331 : i32 to vector<16xi32>
      %add3A_333 = arith.addi %bitcast3A_324, %add3A_332 : vector<16xi32>
      %add3A_334 = arith.addi %add3A_333, %and3A_330 : vector<16xi32>
      %and3A_335 = arith.constant -65536 : i32
      %and3A_336 = vector.broadcast %and3A_335 : i32 to vector<16xi32>
      %and3A_337 = arith.andi %add3A_334, %and3A_336 : vector<16xi32>
      %bitcast3A_338 = vector.bitcast %and3A_337 : vector<16xi32> to vector<16xf32>
      %mul3A_339 = vector.broadcast %mul3A_50 : f32 to vector<16xf32>
      %mul3A_340 = arith.mulf %mul3A_339, %bitcast3A_338 : vector<16xf32>
      %add3A_341 = arith.addf %add3A_319, %mul3A_340 : vector<16xf32>
      %get3A_342 = arith.constant 48 : index
      %get3A_343 = tpu.vector_load %arg12[%get3A_342] {strides = array<i32>} : memref<384xf32, #tpu.memory_space<vmem>>, vector<16xf32>,
      %mul3A_344 = arith.constant 1.99298465E-5 : f32
      %mul3A_345 = vector.broadcast %mul3A_344 : f32 to vector<16xf32>
      %mul3A_346 = arith.mulf %get3A_343, %mul3A_345 : vector<16xf32>
      %sub3A_347 = arith.subf %add3A_341, %mul3A_346 : vector<16xf32>
      %abs3A_348 = math.absf %sub3A_347 : vector<16xf32>
      %neg3A_349 = arith.constant 0.000000e+00 : f32
      %neg3A_350 = vector.broadcast %neg3A_349 : f32 to vector<16xf32>
      %neg3A_351 = arith.subf %neg3A_350, %abs3A_348 : vector<16xf32>
      %swap3A_352 = arith.constant 48 : index
      %swap3A_353 = tpu.vector_load %arg13[%swap3A_352] {strides = array<i32>} : memref<384xf32, #tpu.memory_space<vmem>>, vector<16xf32>,
      tpu.vector_store %arg13[%swap3A_352], %neg3A_351 {strides = array<i32>} : memref<384xf32, #tpu.memory_space<vmem>>, vector<16xf32>,
      %get3A_354 = arith.constant 0 : i32
      %get3A_355 = arith.index_cast %get3A_354 : i32 to index
      %get3A_356 = arith.constant 64 : index
      %get3A_357 = tpu.vector_load %arg11[%get3A_355, %get3A_356] {strides = array<i32>} : memref<3x384xf32, #tpu.memory_space<vmem>>, vector<16xf32>,
      %bitcast3A_358 = vector.bitcast %get3A_357 : vector<16xf32> to vector<16xi32>
      %shift_right_logical3A_359 = arith.constant 16 : i32
      %shift_right_logical3A_360 = vector.broadcast %shift_right_logical3A_359 : i32 to vector<16xi32>
      %shift_right_logical3A_361 = arith.shrui %bitcast3A_358, %shift_right_logical3A_360 : vector<16xi32>
      %and3A_362 = arith.constant 1 : i32
      %and3A_363 = vector.broadcast %and3A_362 : i32 to vector<16xi32>
      %and3A_364 = arith.andi %shift_right_logical3A_361, %and3A_363 : vector<16xi32>
      %add3A_365 = arith.constant 32767 : i32
      %add3A_366 = vector.broadcast %add3A_365 : i32 to vector<16xi32>
      %add3A_367 = arith.addi %bitcast3A_358, %add3A_366 : vector<16xi32>
      %add3A_368 = arith.addi %add3A_367, %and3A_364 : vector<16xi32>
      %and3A_369 = arith.constant -65536 : i32
      %and3A_370 = vector.broadcast %and3A_369 : i32 to vector<16xi32>
      %and3A_371 = arith.andi %add3A_368, %and3A_370 : vector<16xi32>
      %bitcast3A_372 = vector.bitcast %and3A_371 : vector<16xi32> to vector<16xf32>
      %mul3A_373 = vector.broadcast %mul3A_20 : f32 to vector<16xf32>
      %mul3A_374 = arith.mulf %mul3A_373, %bitcast3A_372 : vector<16xf32>
      %get3A_375 = arith.constant 1 : i32
      %get3A_376 = arith.index_cast %get3A_375 : i32 to index
      %get3A_377 = arith.constant 64 : index
      %get3A_378 = tpu.vector_load %arg11[%get3A_376, %get3A_377] {strides = array<i32>} : memref<3x384xf32, #tpu.memory_space<vmem>>, vector<16xf32>,
      %bitcast3A_379 = vector.bitcast %get3A_378 : vector<16xf32> to vector<16xi32>
      %shift_right_logical3A_380 = arith.constant 16 : i32
      %shift_right_logical3A_381 = vector.broadcast %shift_right_logical3A_380 : i32 to vector<16xi32>
      %shift_right_logical3A_382 = arith.shrui %bitcast3A_379, %shift_right_logical3A_381 : vector<16xi32>
      %and3A_383 = arith.constant 1 : i32
      %and3A_384 = vector.broadcast %and3A_383 : i32 to vector<16xi32>
      %and3A_385 = arith.andi %shift_right_logical3A_382, %and3A_384 : vector<16xi32>
      %add3A_386 = arith.constant 32767 : i32
      %add3A_387 = vector.broadcast %add3A_386 : i32 to vector<16xi32>
      %add3A_388 = arith.addi %bitcast3A_379, %add3A_387 : vector<16xi32>
      %add3A_389 = arith.addi %add3A_388, %and3A_385 : vector<16xi32>
      %and3A_390 = arith.constant -65536 : i32
      %and3A_391 = vector.broadcast %and3A_390 : i32 to vector<16xi32>
      %and3A_392 = arith.andi %add3A_389, %and3A_391 : vector<16xi32>
      %bitcast3A_393 = vector.bitcast %and3A_392 : vector<16xi32> to vector<16xf32>
      %mul3A_394 = vector.broadcast %mul3A_35 : f32 to vector<16xf32>
      %mul3A_395 = arith.mulf %mul3A_394, %bitcast3A_393 : vector<16xf32>
      %add3A_396 = arith.addf %mul3A_374, %mul3A_395 : vector<16xf32>
      %get3A_397 = arith.constant 2 : i32
      %get3A_398 = arith.index_cast %get3A_397 : i32 to index
      %get3A_399 = arith.constant 64 : index
      %get3A_400 = tpu.vector_load %arg11[%get3A_398, %get3A_399] {strides = array<i32>} : memref<3x384xf32, #tpu.memory_space<vmem>>, vector<16xf32>,
      %bitcast3A_401 = vector.bitcast %get3A_400 : vector<16xf32> to vector<16xi32>
      %shift_right_logical3A_402 = arith.constant 16 : i32
      %shift_right_logical3A_403 = vector.broadcast %shift_right_logical3A_402 : i32 to vector<16xi32>
      %shift_right_logical3A_404 = arith.shrui %bitcast3A_401, %shift_right_logical3A_403 : vector<16xi32>
      %and3A_405 = arith.constant 1 : i32
      %and3A_406 = vector.broadcast %and3A_405 : i32 to vector<16xi32>
      %and3A_407 = arith.andi %shift_right_logical3A_404, %and3A_406 : vector<16xi32>
      %add3A_408 = arith.constant 32767 : i32
      %add3A_409 = vector.broadcast %add3A_408 : i32 to vector<16xi32>
      %add3A_410 = arith.addi %bitcast3A_401, %add3A_409 : vector<16xi32>
      %add3A_411 = arith.addi %add3A_410, %and3A_407 : vector<16xi32>
      %and3A_412 = arith.constant -65536 : i32
      %and3A_413 = vector.broadcast %and3A_412 : i32 to vector<16xi32>
      %and3A_414 = arith.andi %add3A_411, %and3A_413 : vector<16xi32>
      %bitcast3A_415 = vector.bitcast %and3A_414 : vector<16xi32> to vector<16xf32>
      %mul3A_416 = vector.broadcast %mul3A_50 : f32 to vector<16xf32>
      %mul3A_417 = arith.mulf %mul3A_416, %bitcast3A_415 : vector<16xf32>
      %add3A_418 = arith.addf %add3A_396, %mul3A_417 : vector<16xf32>
      %get3A_419 = arith.constant 64 : index
      %get3A_420 = tpu.vector_load %arg12[%get3A_419] {strides = array<i32>} : memref<384xf32, #tpu.memory_space<vmem>>, vector<16xf32>,
      %mul3A_421 = arith.constant 1.99298465E-5 : f32
      %mul3A_422 = vector.broadcast %mul3A_421 : f32 to vector<16xf32>
      %mul3A_423 = arith.mulf %get3A_420, %mul3A_422 : vector<16xf32>
      %sub3A_424 = arith.subf %add3A_418, %mul3A_423 : vector<16xf32>
      %abs3A_425 = math.absf %sub3A_424 : vector<16xf32>
      %neg3A_426 = arith.constant 0.000000e+00 : f32
      %neg3A_427 = vector.broadcast %neg3A_426 : f32 to vector<16xf32>
      %neg3A_428 = arith.subf %neg3A_427, %abs3A_425 : vector<16xf32>
      %swap3A_429 = arith.constant 64 : index
      %swap3A_430 = tpu.vector_load %arg13[%swap3A_429] {strides = array<i32>} : memref<384xf32, #tpu.memory_space<vmem>>, vector<16xf32>,
      tpu.vector_store %arg13[%swap3A_429], %neg3A_428 {strides = array<i32>} : memref<384xf32, #tpu.memory_space<vmem>>, vector<16xf32>,
      %get3A_431 = arith.constant 0 : i32
      %get3A_432 = arith.index_cast %get3A_431 : i32 to index
      %get3A_433 = arith.constant 80 : index
      %get3A_434 = tpu.vector_load %arg11[%get3A_432, %get3A_433] {strides = array<i32>} : memref<3x384xf32, #tpu.memory_space<vmem>>, vector<16xf32>,
      %bitcast3A_435 = vector.bitcast %get3A_434 : vector<16xf32> to vector<16xi32>
      %shift_right_logical3A_436 = arith.constant 16 : i32
      %shift_right_logical3A_437 = vector.broadcast %shift_right_logical3A_436 : i32 to vector<16xi32>
      %shift_right_logical3A_438 = arith.shrui %bitcast3A_435, %shift_right_logical3A_437 : vector<16xi32>
      %and3A_439 = arith.constant 1 : i32
      %and3A_440 = vector.broadcast %and3A_439 : i32 to vector<16xi32>
      %and3A_441 = arith.andi %shift_right_logical3A_438, %and3A_440 : vector<16xi32>
      %add3A_442 = arith.constant 32767 : i32
      %add3A_443 = vector.broadcast %add3A_442 : i32 to vector<16xi32>
      %add3A_444 = arith.addi %bitcast3A_435, %add3A_443 : vector<16xi32>
      %add3A_445 = arith.addi %add3A_444, %and3A_441 : vector<16xi32>
      %and3A_446 = arith.constant -65536 : i32
      %and3A_447 = vector.broadcast %and3A_446 : i32 to vector<16xi32>
      %and3A_448 = arith.andi %add3A_445, %and3A_447 : vector<16xi32>
      %bitcast3A_449 = vector.bitcast %and3A_448 : vector<16xi32> to vector<16xf32>
      %mul3A_450 = vector.broadcast %mul3A_20 : f32 to vector<16xf32>
      %mul3A_451 = arith.mulf %mul3A_450, %bitcast3A_449 : vector<16xf32>
      %get3A_452 = arith.constant 1 : i32
      %get3A_453 = arith.index_cast %get3A_452 : i32 to index
      %get3A_454 = arith.constant 80 : index
      %get3A_455 = tpu.vector_load %arg11[%get3A_453, %get3A_454] {strides = array<i32>} : memref<3x384xf32, #tpu.memory_space<vmem>>, vector<16xf32>,
      %bitcast3A_456 = vector.bitcast %get3A_455 : vector<16xf32> to vector<16xi32>
      %shift_right_logical3A_457 = arith.constant 16 : i32
      %shift_right_logical3A_458 = vector.broadcast %shift_right_logical3A_457 : i32 to vector<16xi32>
      %shift_right_logical3A_459 = arith.shrui %bitcast3A_456, %shift_right_logical3A_458 : vector<16xi32>
      %and3A_460 = arith.constant 1 : i32
      %and3A_461 = vector.broadcast %and3A_460 : i32 to vector<16xi32>
      %and3A_462 = arith.andi %shift_right_logical3A_459, %and3A_461 : vector<16xi32>
      %add3A_463 = arith.constant 32767 : i32
      %add3A_464 = vector.broadcast %add3A_463 : i32 to vector<16xi32>
      %add3A_465 = arith.addi %bitcast3A_456, %add3A_464 : vector<16xi32>
      %add3A_466 = arith.addi %add3A_465, %and3A_462 : vector<16xi32>
      %and3A_467 = arith.constant -65536 : i32
      %and3A_468 = vector.broadcast %and3A_467 : i32 to vector<16xi32>
      %and3A_469 = arith.andi %add3A_466, %and3A_468 : vector<16xi32>
      %bitcast3A_470 = vector.bitcast %and3A_469 : vector<16xi32> to vector<16xf32>
      %mul3A_471 = vector.broadcast %mul3A_35 : f32 to vector<16xf32>
      %mul3A_472 = arith.mulf %mul3A_471, %bitcast3A_470 : vector<16xf32>
      %add3A_473 = arith.addf %mul3A_451, %mul3A_472 : vector<16xf32>
      %get3A_474 = arith.constant 2 : i32
      %get3A_475 = arith.index_cast %get3A_474 : i32 to index
      %get3A_476 = arith.constant 80 : index
      %get3A_477 = tpu.vector_load %arg11[%get3A_475, %get3A_476] {strides = array<i32>} : memref<3x384xf32, #tpu.memory_space<vmem>>, vector<16xf32>,
      %bitcast3A_478 = vector.bitcast %get3A_477 : vector<16xf32> to vector<16xi32>
      %shift_right_logical3A_479 = arith.constant 16 : i32
      %shift_right_logical3A_480 = vector.broadcast %shift_right_logical3A_479 : i32 to vector<16xi32>
      %shift_right_logical3A_481 = arith.shrui %bitcast3A_478, %shift_right_logical3A_480 : vector<16xi32>
      %and3A_482 = arith.constant 1 : i32
      %and3A_483 = vector.broadcast %and3A_482 : i32 to vector<16xi32>
      %and3A_484 = arith.andi %shift_right_logical3A_481, %and3A_483 : vector<16xi32>
      %add3A_485 = arith.constant 32767 : i32
      %add3A_486 = vector.broadcast %add3A_485 : i32 to vector<16xi32>
      %add3A_487 = arith.addi %bitcast3A_478, %add3A_486 : vector<16xi32>
      %add3A_488 = arith.addi %add3A_487, %and3A_484 : vector<16xi32>
      %and3A_489 = arith.constant -65536 : i32
      %and3A_490 = vector.broadcast %and3A_489 : i32 to vector<16xi32>
      %and3A_491 = arith.andi %add3A_488, %and3A_490 : vector<16xi32>
      %bitcast3A_492 = vector.bitcast %and3A_491 : vector<16xi32> to vector<16xf32>
      %mul3A_493 = vector.broadcast %mul3A_50 : f32 to vector<16xf32>
      %mul3A_494 = arith.mulf %mul3A_493, %bitcast3A_492 : vector<16xf32>
      %add3A_495 = arith.addf %add3A_473, %mul3A_494 : vector<16xf32>
      %get3A_496 = arith.constant 80 : index
      %get3A_497 = tpu.vector_load %arg12[%get3A_496] {strides = array<i32>} : memref<384xf32, #tpu.memory_space<vmem>>, vector<16xf32>,
      %mul3A_498 = arith.constant 1.99298465E-5 : f32
      %mul3A_499 = vector.broadcast %mul3A_498 : f32 to vector<16xf32>
      %mul3A_500 = arith.mulf %get3A_497, %mul3A_499 : vector<16xf32>
      %sub3A_501 = arith.subf %add3A_495, %mul3A_500 : vector<16xf32>
      %abs3A_502 = math.absf %sub3A_501 : vector<16xf32>
      %neg3A_503 = arith.constant 0.000000e+00 : f32
      %neg3A_504 = vector.broadcast %neg3A_503 : f32 to vector<16xf32>
      %neg3A_505 = arith.subf %neg3A_504, %abs3A_502 : vector<16xf32>
      %swap3A_506 = arith.constant 80 : index
      %swap3A_507 = tpu.vector_load %arg13[%swap3A_506] {strides = array<i32>} : memref<384xf32, #tpu.memory_space<vmem>>, vector<16xf32>,
      tpu.vector_store %arg13[%swap3A_506], %neg3A_505 {strides = array<i32>} : memref<384xf32, #tpu.memory_space<vmem>>, vector<16xf32>,
      %get3A_508 = arith.constant 0 : i32
      %get3A_509 = arith.index_cast %get3A_508 : i32 to index
      %get3A_510 = arith.constant 96 : index
      %get3A_511 = tpu.vector_load %arg11[%get3A_509, %get3A_510] {strides = array<i32>} : memref<3x384xf32, #tpu.memory_space<vmem>>, vector<16xf32>,
      %bitcast3A_512 = vector.bitcast %get3A_511 : vector<16xf32> to vector<16xi32>
      %shift_right_logical3A_513 = arith.constant 16 : i32
      %shift_right_logical3A_514 = vector.broadcast %shift_right_logical3A_513 : i32 to vector<16xi32>
      %shift_right_logical3A_515 = arith.shrui %bitcast3A_512, %shift_right_logical3A_514 : vector<16xi32>
      %and3A_516 = arith.constant 1 : i32
      %and3A_517 = vector.broadcast %and3A_516 : i32 to vector<16xi32>
      %and3A_518 = arith.andi %shift_right_logical3A_515, %and3A_517 : vector<16xi32>
      %add3A_519 = arith.constant 32767 : i32
      %add3A_520 = vector.broadcast %add3A_519 : i32 to vector<16xi32>
      %add3A_521 = arith.addi %bitcast3A_512, %add3A_520 : vector<16xi32>
      %add3A_522 = arith.addi %add3A_521, %and3A_518 : vector<16xi32>
      %and3A_523 = arith.constant -65536 : i32
      %and3A_524 = vector.broadcast %and3A_523 : i32 to vector<16xi32>
      %and3A_525 = arith.andi %add3A_522, %and3A_524 : vector<16xi32>
      %bitcast3A_526 = vector.bitcast %and3A_525 : vector<16xi32> to vector<16xf32>
      %mul3A_527 = vector.broadcast %mul3A_20 : f32 to vector<16xf32>
      %mul3A_528 = arith.mulf %mul3A_527, %bitcast3A_526 : vector<16xf32>
      %get3A_529 = arith.constant 1 : i32
      %get3A_530 = arith.index_cast %get3A_529 : i32 to index
      %get3A_531 = arith.constant 96 : index
      %get3A_532 = tpu.vector_load %arg11[%get3A_530, %get3A_531] {strides = array<i32>} : memref<3x384xf32, #tpu.memory_space<vmem>>, vector<16xf32>,
      %bitcast3A_533 = vector.bitcast %get3A_532 : vector<16xf32> to vector<16xi32>
      %shift_right_logical3A_534 = arith.constant 16 : i32
      %shift_right_logical3A_535 = vector.broadcast %shift_right_logical3A_534 : i32 to vector<16xi32>
      %shift_right_logical3A_536 = arith.shrui %bitcast3A_533, %shift_right_logical3A_535 : vector<16xi32>
      %and3A_537 = arith.constant 1 : i32
      %and3A_538 = vector.broadcast %and3A_537 : i32 to vector<16xi32>
      %and3A_539 = arith.andi %shift_right_logical3A_536, %and3A_538 : vector<16xi32>
      %add3A_540 = arith.constant 32767 : i32
      %add3A_541 = vector.broadcast %add3A_540 : i32 to vector<16xi32>
      %add3A_542 = arith.addi %bitcast3A_533, %add3A_541 : vector<16xi32>
      %add3A_543 = arith.addi %add3A_542, %and3A_539 : vector<16xi32>
      %and3A_544 = arith.constant -65536 : i32
      %and3A_545 = vector.broadcast %and3A_544 : i32 to vector<16xi32>
      %and3A_546 = arith.andi %add3A_543, %and3A_545 : vector<16xi32>
      %bitcast3A_547 = vector.bitcast %and3A_546 : vector<16xi32> to vector<16xf32>
      %mul3A_548 = vector.broadcast %mul3A_35 : f32 to vector<16xf32>
      %mul3A_549 = arith.mulf %mul3A_548, %bitcast3A_547 : vector<16xf32>
      %add3A_550 = arith.addf %mul3A_528, %mul3A_549 : vector<16xf32>
      %get3A_551 = arith.constant 2 : i32
      %get3A_552 = arith.index_cast %get3A_551 : i32 to index
      %get3A_553 = arith.constant 96 : index
      %get3A_554 = tpu.vector_load %arg11[%get3A_552, %get3A_553] {strides = array<i32>} : memref<3x384xf32, #tpu.memory_space<vmem>>, vector<16xf32>,
      %bitcast3A_555 = vector.bitcast %get3A_554 : vector<16xf32> to vector<16xi32>
      %shift_right_logical3A_556 = arith.constant 16 : i32
      %shift_right_logical3A_557 = vector.broadcast %shift_right_logical3A_556 : i32 to vector<16xi32>
      %shift_right_logical3A_558 = arith.shrui %bitcast3A_555, %shift_right_logical3A_557 : vector<16xi32>
      %and3A_559 = arith.constant 1 : i32
      %and3A_560 = vector.broadcast %and3A_559 : i32 to vector<16xi32>
      %and3A_561 = arith.andi %shift_right_logical3A_558, %and3A_560 : vector<16xi32>
      %add3A_562 = arith.constant 32767 : i32
      %add3A_563 = vector.broadcast %add3A_562 : i32 to vector<16xi32>
      %add3A_564 = arith.addi %bitcast3A_555, %add3A_563 : vector<16xi32>
      %add3A_565 = arith.addi %add3A_564, %and3A_561 : vector<16xi32>
      %and3A_566 = arith.constant -65536 : i32
      %and3A_567 = vector.broadcast %and3A_566 : i32 to vector<16xi32>
      %and3A_568 = arith.andi %add3A_565, %and3A_567 : vector<16xi32>
      %bitcast3A_569 = vector.bitcast %and3A_568 : vector<16xi32> to vector<16xf32>
      %mul3A_570 = vector.broadcast %mul3A_50 : f32 to vector<16xf32>
      %mul3A_571 = arith.mulf %mul3A_570, %bitcast3A_569 : vector<16xf32>
      %add3A_572 = arith.addf %add3A_550, %mul3A_571 : vector<16xf32>
      %get3A_573 = arith.constant 96 : index
      %get3A_574 = tpu.vector_load %arg12[%get3A_573] {strides = array<i32>} : memref<384xf32, #tpu.memory_space<vmem>>, vector<16xf32>,
      %mul3A_575 = arith.constant 1.99298465E-5 : f32
      %mul3A_576 = vector.broadcast %mul3A_575 : f32 to vector<16xf32>
      %mul3A_577 = arith.mulf %get3A_574, %mul3A_576 : vector<16xf32>
      %sub3A_578 = arith.subf %add3A_572, %mul3A_577 : vector<16xf32>
      %abs3A_579 = math.absf %sub3A_578 : vector<16xf32>
      %neg3A_580 = arith.constant 0.000000e+00 : f32
      %neg3A_581 = vector.broadcast %neg3A_580 : f32 to vector<16xf32>
      %neg3A_582 = arith.subf %neg3A_581, %abs3A_579 : vector<16xf32>
      %swap3A_583 = arith.constant 96 : index
      %swap3A_584 = tpu.vector_load %arg13[%swap3A_583] {strides = array<i32>} : memref<384xf32, #tpu.memory_space<vmem>>, vector<16xf32>,
      tpu.vector_store %arg13[%swap3A_583], %neg3A_582 {strides = array<i32>} : memref<384xf32, #tpu.memory_space<vmem>>, vector<16xf32>,
      %get3A_585 = arith.constant 0 : i32
      %get3A_586 = arith.index_cast %get3A_585 : i32 to index
      %get3A_587 = arith.constant 112 : index
      %get3A_588 = tpu.vector_load %arg11[%get3A_586, %get3A_587] {strides = array<i32>} : memref<3x384xf32, #tpu.memory_space<vmem>>, vector<16xf32>,
      %bitcast3A_589 = vector.bitcast %get3A_588 : vector<16xf32> to vector<16xi32>
      %shift_right_logical3A_590 = arith.constant 16 : i32
      %shift_right_logical3A_591 = vector.broadcast %shift_right_logical3A_590 : i32 to vector<16xi32>
      %shift_right_logical3A_592 = arith.shrui %bitcast3A_589, %shift_right_logical3A_591 : vector<16xi32>
      %and3A_593 = arith.constant 1 : i32
      %and3A_594 = vector.broadcast %and3A_593 : i32 to vector<16xi32>
      %and3A_595 = arith.andi %shift_right_logical3A_592, %and3A_594 : vector<16xi32>
      %add3A_596 = arith.constant 32767 : i32
      %add3A_597 = vector.broadcast %add3A_596 : i32 to vector<16xi32>
      %add3A_598 = arith.addi %bitcast3A_589, %add3A_597 : vector<16xi32>
      %add3A_599 = arith.addi %add3A_598, %and3A_595 : vector<16xi32>
      %and3A_600 = arith.constant -65536 : i32
      %and3A_601 = vector.broadcast %and3A_600 : i32 to vector<16xi32>
      %and3A_602 = arith.andi %add3A_599, %and3A_601 : vector<16xi32>
      %bitcast3A_603 = vector.bitcast %and3A_602 : vector<16xi32> to vector<16xf32>
      %mul3A_604 = vector.broadcast %mul3A_20 : f32 to vector<16xf32>
      %mul3A_605 = arith.mulf %mul3A_604, %bitcast3A_603 : vector<16xf32>
      %get3A_606 = arith.constant 1 : i32
      %get3A_607 = arith.index_cast %get3A_606 : i32 to index
      %get3A_608 = arith.constant 112 : index
      %get3A_609 = tpu.vector_load %arg11[%get3A_607, %get3A_608] {strides = array<i32>} : memref<3x384xf32, #tpu.memory_space<vmem>>, vector<16xf32>,
      %bitcast3A_610 = vector.bitcast %get3A_609 : vector<16xf32> to vector<16xi32>
      %shift_right_logical3A_611 = arith.constant 16 : i32
      %shift_right_logical3A_612 = vector.broadcast %shift_right_logical3A_611 : i32 to vector<16xi32>
      %shift_right_logical3A_613 = arith.shrui %bitcast3A_610, %shift_right_logical3A_612 : vector<16xi32>
      %and3A_614 = arith.constant 1 : i32
      %and3A_615 = vector.broadcast %and3A_614 : i32 to vector<16xi32>
      %and3A_616 = arith.andi %shift_right_logical3A_613, %and3A_615 : vector<16xi32>
      %add3A_617 = arith.constant 32767 : i32
      %add3A_618 = vector.broadcast %add3A_617 : i32 to vector<16xi32>
      %add3A_619 = arith.addi %bitcast3A_610, %add3A_618 : vector<16xi32>
      %add3A_620 = arith.addi %add3A_619, %and3A_616 : vector<16xi32>
      %and3A_621 = arith.constant -65536 : i32
      %and3A_622 = vector.broadcast %and3A_621 : i32 to vector<16xi32>
      %and3A_623 = arith.andi %add3A_620, %and3A_622 : vector<16xi32>
      %bitcast3A_624 = vector.bitcast %and3A_623 : vector<16xi32> to vector<16xf32>
      %mul3A_625 = vector.broadcast %mul3A_35 : f32 to vector<16xf32>
      %mul3A_626 = arith.mulf %mul3A_625, %bitcast3A_624 : vector<16xf32>
      %add3A_627 = arith.addf %mul3A_605, %mul3A_626 : vector<16xf32>
      %get3A_628 = arith.constant 2 : i32
      %get3A_629 = arith.index_cast %get3A_628 : i32 to index
      %get3A_630 = arith.constant 112 : index
      %get3A_631 = tpu.vector_load %arg11[%get3A_629, %get3A_630] {strides = array<i32>} : memref<3x384xf32, #tpu.memory_space<vmem>>, vector<16xf32>,
      %bitcast3A_632 = vector.bitcast %get3A_631 : vector<16xf32> to vector<16xi32>
      %shift_right_logical3A_633 = arith.constant 16 : i32
      %shift_right_logical3A_634 = vector.broadcast %shift_right_logical3A_633 : i32 to vector<16xi32>
      %shift_right_logical3A_635 = arith.shrui %bitcast3A_632, %shift_right_logical3A_634 : vector<16xi32>
      %and3A_636 = arith.constant 1 : i32
      %and3A_637 = vector.broadcast %and3A_636 : i32 to vector<16xi32>
      %and3A_638 = arith.andi %shift_right_logical3A_635, %and3A_637 : vector<16xi32>
      %add3A_639 = arith.constant 32767 : i32
      %add3A_640 = vector.broadcast %add3A_639 : i32 to vector<16xi32>
      %add3A_641 = arith.addi %bitcast3A_632, %add3A_640 : vector<16xi32>
      %add3A_642 = arith.addi %add3A_641, %and3A_638 : vector<16xi32>
      %and3A_643 = arith.constant -65536 : i32
      %and3A_644 = vector.broadcast %and3A_643 : i32 to vector<16xi32>
      %and3A_645 = arith.andi %add3A_642, %and3A_644 : vector<16xi32>
      %bitcast3A_646 = vector.bitcast %and3A_645 : vector<16xi32> to vector<16xf32>
      %mul3A_647 = vector.broadcast %mul3A_50 : f32 to vector<16xf32>
      %mul3A_648 = arith.mulf %mul3A_647, %bitcast3A_646 : vector<16xf32>
      %add3A_649 = arith.addf %add3A_627, %mul3A_648 : vector<16xf32>
      %get3A_650 = arith.constant 112 : index
      %get3A_651 = tpu.vector_load %arg12[%get3A_650] {strides = array<i32>} : memref<384xf32, #tpu.memory_space<vmem>>, vector<16xf32>,
      %mul3A_652 = arith.constant 1.99298465E-5 : f32
      %mul3A_653 = vector.broadcast %mul3A_652 : f32 to vector<16xf32>
      %mul3A_654 = arith.mulf %get3A_651, %mul3A_653 : vector<16xf32>
      %sub3A_655 = arith.subf %add3A_649, %mul3A_654 : vector<16xf32>
      %abs3A_656 = math.absf %sub3A_655 : vector<16xf32>
      %neg3A_657 = arith.constant 0.000000e+00 : f32
      %neg3A_658 = vector.broadcast %neg3A_657 : f32 to vector<16xf32>
      %neg3A_659 = arith.subf %neg3A_658, %abs3A_656 : vector<16xf32>
      %swap3A_660 = arith.constant 112 : index
      %swap3A_661 = tpu.vector_load %arg13[%swap3A_660] {strides = array<i32>} : memref<384xf32, #tpu.memory_space<vmem>>, vector<16xf32>,
      tpu.vector_store %arg13[%swap3A_660], %neg3A_659 {strides = array<i32>} : memref<384xf32, #tpu.memory_space<vmem>>, vector<16xf32>,
      %get3A_662 = arith.constant 0 : i32
      %get3A_663 = arith.index_cast %get3A_662 : i32 to index
      %get3A_664 = arith.constant 128 : index
      %get3A_665 = tpu.vector_load %arg11[%get3A_663, %get3A_664] {strides = array<i32>} : memref<3x384xf32, #tpu.memory_space<vmem>>, vector<16xf32>,
      %bitcast3A_666 = vector.bitcast %get3A_665 : vector<16xf32> to vector<16xi32>
      %shift_right_logical3A_667 = arith.constant 16 : i32
      %shift_right_logical3A_668 = vector.broadcast %shift_right_logical3A_667 : i32 to vector<16xi32>
      %shift_right_logical3A_669 = arith.shrui %bitcast3A_666, %shift_right_logical3A_668 : vector<16xi32>
      %and3A_670 = arith.constant 1 : i32
      %and3A_671 = vector.broadcast %and3A_670 : i32 to vector<16xi32>
      %and3A_672 = arith.andi %shift_right_logical3A_669, %and3A_671 : vector<16xi32>
      %add3A_673 = arith.constant 32767 : i32
      %add3A_674 = vector.broadcast %add3A_673 : i32 to vector<16xi32>
      %add3A_675 = arith.addi %bitcast3A_666, %add3A_674 : vector<16xi32>
      %add3A_676 = arith.addi %add3A_675, %and3A_672 : vector<16xi32>
      %and3A_677 = arith.constant -65536 : i32
      %and3A_678 = vector.broadcast %and3A_677 : i32 to vector<16xi32>
      %and3A_679 = arith.andi %add3A_676, %and3A_678 : vector<16xi32>
      %bitcast3A_680 = vector.bitcast %and3A_679 : vector<16xi32> to vector<16xf32>
      %mul3A_681 = vector.broadcast %mul3A_20 : f32 to vector<16xf32>
      %mul3A_682 = arith.mulf %mul3A_681, %bitcast3A_680 : vector<16xf32>
      %get3A_683 = arith.constant 1 : i32
      %get3A_684 = arith.index_cast %get3A_683 : i32 to index
      %get3A_685 = arith.constant 128 : index
      %get3A_686 = tpu.vector_load %arg11[%get3A_684, %get3A_685] {strides = array<i32>} : memref<3x384xf32, #tpu.memory_space<vmem>>, vector<16xf32>,
      %bitcast3A_687 = vector.bitcast %get3A_686 : vector<16xf32> to vector<16xi32>
      %shift_right_logical3A_688 = arith.constant 16 : i32
      %shift_right_logical3A_689 = vector.broadcast %shift_right_logical3A_688 : i32 to vector<16xi32>
      %shift_right_logical3A_690 = arith.shrui %bitcast3A_687, %shift_right_logical3A_689 : vector<16xi32>
      %and3A_691 = arith.constant 1 : i32
      %and3A_692 = vector.broadcast %and3A_691 : i32 to vector<16xi32>
      %and3A_693 = arith.andi %shift_right_logical3A_690, %and3A_692 : vector<16xi32>
      %add3A_694 = arith.constant 32767 : i32
      %add3A_695 = vector.broadcast %add3A_694 : i32 to vector<16xi32>
      %add3A_696 = arith.addi %bitcast3A_687, %add3A_695 : vector<16xi32>
      %add3A_697 = arith.addi %add3A_696, %and3A_693 : vector<16xi32>
      %and3A_698 = arith.constant -65536 : i32
      %and3A_699 = vector.broadcast %and3A_698 : i32 to vector<16xi32>
      %and3A_700 = arith.andi %add3A_697, %and3A_699 : vector<16xi32>
      %bitcast3A_701 = vector.bitcast %and3A_700 : vector<16xi32> to vector<16xf32>
      %mul3A_702 = vector.broadcast %mul3A_35 : f32 to vector<16xf32>
      %mul3A_703 = arith.mulf %mul3A_702, %bitcast3A_701 : vector<16xf32>
      %add3A_704 = arith.addf %mul3A_682, %mul3A_703 : vector<16xf32>
      %get3A_705 = arith.constant 2 : i32
      %get3A_706 = arith.index_cast %get3A_705 : i32 to index
      %get3A_707 = arith.constant 128 : index
      %get3A_708 = tpu.vector_load %arg11[%get3A_706, %get3A_707] {strides = array<i32>} : memref<3x384xf32, #tpu.memory_space<vmem>>, vector<16xf32>,
      %bitcast3A_709 = vector.bitcast %get3A_708 : vector<16xf32> to vector<16xi32>
      %shift_right_logical3A_710 = arith.constant 16 : i32
      %shift_right_logical3A_711 = vector.broadcast %shift_right_logical3A_710 : i32 to vector<16xi32>
      %shift_right_logical3A_712 = arith.shrui %bitcast3A_709, %shift_right_logical3A_711 : vector<16xi32>
      %and3A_713 = arith.constant 1 : i32
      %and3A_714 = vector.broadcast %and3A_713 : i32 to vector<16xi32>
      %and3A_715 = arith.andi %shift_right_logical3A_712, %and3A_714 : vector<16xi32>
      %add3A_716 = arith.constant 32767 : i32
      %add3A_717 = vector.broadcast %add3A_716 : i32 to vector<16xi32>
      %add3A_718 = arith.addi %bitcast3A_709, %add3A_717 : vector<16xi32>
      %add3A_719 = arith.addi %add3A_718, %and3A_715 : vector<16xi32>
      %and3A_720 = arith.constant -65536 : i32
      %and3A_721 = vector.broadcast %and3A_720 : i32 to vector<16xi32>
      %and3A_722 = arith.andi %add3A_719, %and3A_721 : vector<16xi32>
      %bitcast3A_723 = vector.bitcast %and3A_722 : vector<16xi32> to vector<16xf32>
      %mul3A_724 = vector.broadcast %mul3A_50 : f32 to vector<16xf32>
      %mul3A_725 = arith.mulf %mul3A_724, %bitcast3A_723 : vector<16xf32>
      %add3A_726 = arith.addf %add3A_704, %mul3A_725 : vector<16xf32>
      %get3A_727 = arith.constant 128 : index
      %get3A_728 = tpu.vector_load %arg12[%get3A_727] {strides = array<i32>} : memref<384xf32, #tpu.memory_space<vmem>>, vector<16xf32>,
      %mul3A_729 = arith.constant 1.99298465E-5 : f32
      %mul3A_730 = vector.broadcast %mul3A_729 : f32 to vector<16xf32>
      %mul3A_731 = arith.mulf %get3A_728, %mul3A_730 : vector<16xf32>
      %sub3A_732 = arith.subf %add3A_726, %mul3A_731 : vector<16xf32>
      %abs3A_733 = math.absf %sub3A_732 : vector<16xf32>
      %neg3A_734 = arith.constant 0.000000e+00 : f32
      %neg3A_735 = vector.broadcast %neg3A_734 : f32 to vector<16xf32>
      %neg3A_736 = arith.subf %neg3A_735, %abs3A_733 : vector<16xf32>
      %swap3A_737 = arith.constant 128 : index
      %swap3A_738 = tpu.vector_load %arg13[%swap3A_737] {strides = array<i32>} : memref<384xf32, #tpu.memory_space<vmem>>, vector<16xf32>,
      tpu.vector_store %arg13[%swap3A_737], %neg3A_736 {strides = array<i32>} : memref<384xf32, #tpu.memory_space<vmem>>, vector<16xf32>,
      %get3A_739 = arith.constant 0 : i32
      %get3A_740 = arith.index_cast %get3A_739 : i32 to index
      %get3A_741 = arith.constant 144 : index
      %get3A_742 = tpu.vector_load %arg11[%get3A_740, %get3A_741] {strides = array<i32>} : memref<3x384xf32, #tpu.memory_space<vmem>>, vector<16xf32>,
      %bitcast3A_743 = vector.bitcast %get3A_742 : vector<16xf32> to vector<16xi32>
      %shift_right_logical3A_744 = arith.constant 16 : i32
      %shift_right_logical3A_745 = vector.broadcast %shift_right_logical3A_744 : i32 to vector<16xi32>
      %shift_right_logical3A_746 = arith.shrui %bitcast3A_743, %shift_right_logical3A_745 : vector<16xi32>
      %and3A_747 = arith.constant 1 : i32
      %and3A_748 = vector.broadcast %and3A_747 : i32 to vector<16xi32>
      %and3A_749 = arith.andi %shift_right_logical3A_746, %and3A_748 : vector<16xi32>
      %add3A_750 = arith.constant 32767 : i32
      %add3A_751 = vector.broadcast %add3A_750 : i32 to vector<16xi32>
      %add3A_752 = arith.addi %bitcast3A_743, %add3A_751 : vector<16xi32>
      %add3A_753 = arith.addi %add3A_752, %and3A_749 : vector<16xi32>
      %and3A_754 = arith.constant -65536 : i32
      %and3A_755 = vector.broadcast %and3A_754 : i32 to vector<16xi32>
      %and3A_756 = arith.andi %add3A_753, %and3A_755 : vector<16xi32>
      %bitcast3A_757 = vector.bitcast %and3A_756 : vector<16xi32> to vector<16xf32>
      %mul3A_758 = vector.broadcast %mul3A_20 : f32 to vector<16xf32>
      %mul3A_759 = arith.mulf %mul3A_758, %bitcast3A_757 : vector<16xf32>
      %get3A_760 = arith.constant 1 : i32
      %get3A_761 = arith.index_cast %get3A_760 : i32 to index
      %get3A_762 = arith.constant 144 : index
      %get3A_763 = tpu.vector_load %arg11[%get3A_761, %get3A_762] {strides = array<i32>} : memref<3x384xf32, #tpu.memory_space<vmem>>, vector<16xf32>,
      %bitcast3A_764 = vector.bitcast %get3A_763 : vector<16xf32> to vector<16xi32>
      %shift_right_logical3A_765 = arith.constant 16 : i32
      %shift_right_logical3A_766 = vector.broadcast %shift_right_logical3A_765 : i32 to vector<16xi32>
      %shift_right_logical3A_767 = arith.shrui %bitcast3A_764, %shift_right_logical3A_766 : vector<16xi32>
      %and3A_768 = arith.constant 1 : i32
      %and3A_769 = vector.broadcast %and3A_768 : i32 to vector<16xi32>
      %and3A_770 = arith.andi %shift_right_logical3A_767, %and3A_769 : vector<16xi32>
      %add3A_771 = arith.constant 32767 : i32
      %add3A_772 = vector.broadcast %add3A_771 : i32 to vector<16xi32>
      %add3A_773 = arith.addi %bitcast3A_764, %add3A_772 : vector<16xi32>
      %add3A_774 = arith.addi %add3A_773, %and3A_770 : vector<16xi32>
      %and3A_775 = arith.constant -65536 : i32
      %and3A_776 = vector.broadcast %and3A_775 : i32 to vector<16xi32>
      %and3A_777 = arith.andi %add3A_774, %and3A_776 : vector<16xi32>
      %bitcast3A_778 = vector.bitcast %and3A_777 : vector<16xi32> to vector<16xf32>
      %mul3A_779 = vector.broadcast %mul3A_35 : f32 to vector<16xf32>
      %mul3A_780 = arith.mulf %mul3A_779, %bitcast3A_778 : vector<16xf32>
      %add3A_781 = arith.addf %mul3A_759, %mul3A_780 : vector<16xf32>
      %get3A_782 = arith.constant 2 : i32
      %get3A_783 = arith.index_cast %get3A_782 : i32 to index
      %get3A_784 = arith.constant 144 : index
      %get3A_785 = tpu.vector_load %arg11[%get3A_783, %get3A_784] {strides = array<i32>} : memref<3x384xf32, #tpu.memory_space<vmem>>, vector<16xf32>,
      %bitcast3A_786 = vector.bitcast %get3A_785 : vector<16xf32> to vector<16xi32>
      %shift_right_logical3A_787 = arith.constant 16 : i32
      %shift_right_logical3A_788 = vector.broadcast %shift_right_logical3A_787 : i32 to vector<16xi32>
      %shift_right_logical3A_789 = arith.shrui %bitcast3A_786, %shift_right_logical3A_788 : vector<16xi32>
      %and3A_790 = arith.constant 1 : i32
      %and3A_791 = vector.broadcast %and3A_790 : i32 to vector<16xi32>
      %and3A_792 = arith.andi %shift_right_logical3A_789, %and3A_791 : vector<16xi32>
      %add3A_793 = arith.constant 32767 : i32
      %add3A_794 = vector.broadcast %add3A_793 : i32 to vector<16xi32>
      %add3A_795 = arith.addi %bitcast3A_786, %add3A_794 : vector<16xi32>
      %add3A_796 = arith.addi %add3A_795, %and3A_792 : vector<16xi32>
      %and3A_797 = arith.constant -65536 : i32
      %and3A_798 = vector.broadcast %and3A_797 : i32 to vector<16xi32>
      %and3A_799 = arith.andi %add3A_796, %and3A_798 : vector<16xi32>
      %bitcast3A_800 = vector.bitcast %and3A_799 : vector<16xi32> to vector<16xf32>
      %mul3A_801 = vector.broadcast %mul3A_50 : f32 to vector<16xf32>
      %mul3A_802 = arith.mulf %mul3A_801, %bitcast3A_800 : vector<16xf32>
      %add3A_803 = arith.addf %add3A_781, %mul3A_802 : vector<16xf32>
      %get3A_804 = arith.constant 144 : index
      %get3A_805 = tpu.vector_load %arg12[%get3A_804] {strides = array<i32>} : memref<384xf32, #tpu.memory_space<vmem>>, vector<16xf32>,
      %mul3A_806 = arith.constant 1.99298465E-5 : f32
      %mul3A_807 = vector.broadcast %mul3A_806 : f32 to vector<16xf32>
      %mul3A_808 = arith.mulf %get3A_805, %mul3A_807 : vector<16xf32>
      %sub3A_809 = arith.subf %add3A_803, %mul3A_808 : vector<16xf32>
      %abs3A_810 = math.absf %sub3A_809 : vector<16xf32>
      %neg3A_811 = arith.constant 0.000000e+00 : f32
      %neg3A_812 = vector.broadcast %neg3A_811 : f32 to vector<16xf32>
      %neg3A_813 = arith.subf %neg3A_812, %abs3A_810 : vector<16xf32>
      %swap3A_814 = arith.constant 144 : index
      %swap3A_815 = tpu.vector_load %arg13[%swap3A_814] {strides = array<i32>} : memref<384xf32, #tpu.memory_space<vmem>>, vector<16xf32>,
      tpu.vector_store %arg13[%swap3A_814], %neg3A_813 {strides = array<i32>} : memref<384xf32, #tpu.memory_space<vmem>>, vector<16xf32>,
      %get3A_816 = arith.constant 0 : i32
      %get3A_817 = arith.index_cast %get3A_816 : i32 to index
      %get3A_818 = arith.constant 160 : index
      %get3A_819 = tpu.vector_load %arg11[%get3A_817, %get3A_818] {strides = array<i32>} : memref<3x384xf32, #tpu.memory_space<vmem>>, vector<16xf32>,
      %bitcast3A_820 = vector.bitcast %get3A_819 : vector<16xf32> to vector<16xi32>
      %shift_right_logical3A_821 = arith.constant 16 : i32
      %shift_right_logical3A_822 = vector.broadcast %shift_right_logical3A_821 : i32 to vector<16xi32>
      %shift_right_logical3A_823 = arith.shrui %bitcast3A_820, %shift_right_logical3A_822 : vector<16xi32>
      %and3A_824 = arith.constant 1 : i32
      %and3A_825 = vector.broadcast %and3A_824 : i32 to vector<16xi32>
      %and3A_826 = arith.andi %shift_right_logical3A_823, %and3A_825 : vector<16xi32>
      %add3A_827 = arith.constant 32767 : i32
      %add3A_828 = vector.broadcast %add3A_827 : i32 to vector<16xi32>
      %add3A_829 = arith.addi %bitcast3A_820, %add3A_828 : vector<16xi32>
      %add3A_830 = arith.addi %add3A_829, %and3A_826 : vector<16xi32>
      %and3A_831 = arith.constant -65536 : i32
      %and3A_832 = vector.broadcast %and3A_831 : i32 to vector<16xi32>
      %and3A_833 = arith.andi %add3A_830, %and3A_832 : vector<16xi32>
      %bitcast3A_834 = vector.bitcast %and3A_833 : vector<16xi32> to vector<16xf32>
      %mul3A_835 = vector.broadcast %mul3A_20 : f32 to vector<16xf32>
      %mul3A_836 = arith.mulf %mul3A_835, %bitcast3A_834 : vector<16xf32>
      %get3A_837 = arith.constant 1 : i32
      %get3A_838 = arith.index_cast %get3A_837 : i32 to index
      %get3A_839 = arith.constant 160 : index
      %get3A_840 = tpu.vector_load %arg11[%get3A_838, %get3A_839] {strides = array<i32>} : memref<3x384xf32, #tpu.memory_space<vmem>>, vector<16xf32>,
      %bitcast3A_841 = vector.bitcast %get3A_840 : vector<16xf32> to vector<16xi32>
      %shift_right_logical3A_842 = arith.constant 16 : i32
      %shift_right_logical3A_843 = vector.broadcast %shift_right_logical3A_842 : i32 to vector<16xi32>
      %shift_right_logical3A_844 = arith.shrui %bitcast3A_841, %shift_right_logical3A_843 : vector<16xi32>
      %and3A_845 = arith.constant 1 : i32
      %and3A_846 = vector.broadcast %and3A_845 : i32 to vector<16xi32>
      %and3A_847 = arith.andi %shift_right_logical3A_844, %and3A_846 : vector<16xi32>
      %add3A_848 = arith.constant 32767 : i32
      %add3A_849 = vector.broadcast %add3A_848 : i32 to vector<16xi32>
      %add3A_850 = arith.addi %bitcast3A_841, %add3A_849 : vector<16xi32>
      %add3A_851 = arith.addi %add3A_850, %and3A_847 : vector<16xi32>
      %and3A_852 = arith.constant -65536 : i32
      %and3A_853 = vector.broadcast %and3A_852 : i32 to vector<16xi32>
      %and3A_854 = arith.andi %add3A_851, %and3A_853 : vector<16xi32>
      %bitcast3A_855 = vector.bitcast %and3A_854 : vector<16xi32> to vector<16xf32>
      %mul3A_856 = vector.broadcast %mul3A_35 : f32 to vector<16xf32>
      %mul3A_857 = arith.mulf %mul3A_856, %bitcast3A_855 : vector<16xf32>
      %add3A_858 = arith.addf %mul3A_836, %mul3A_857 : vector<16xf32>
      %get3A_859 = arith.constant 2 : i32
      %get3A_860 = arith.index_cast %get3A_859 : i32 to index
      %get3A_861 = arith.constant 160 : index
      %get3A_862 = tpu.vector_load %arg11[%get3A_860, %get3A_861] {strides = array<i32>} : memref<3x384xf32, #tpu.memory_space<vmem>>, vector<16xf32>,
      %bitcast3A_863 = vector.bitcast %get3A_862 : vector<16xf32> to vector<16xi32>
      %shift_right_logical3A_864 = arith.constant 16 : i32
      %shift_right_logical3A_865 = vector.broadcast %shift_right_logical3A_864 : i32 to vector<16xi32>
      %shift_right_logical3A_866 = arith.shrui %bitcast3A_863, %shift_right_logical3A_865 : vector<16xi32>
      %and3A_867 = arith.constant 1 : i32
      %and3A_868 = vector.broadcast %and3A_867 : i32 to vector<16xi32>
      %and3A_869 = arith.andi %shift_right_logical3A_866, %and3A_868 : vector<16xi32>
      %add3A_870 = arith.constant 32767 : i32
      %add3A_871 = vector.broadcast %add3A_870 : i32 to vector<16xi32>
      %add3A_872 = arith.addi %bitcast3A_863, %add3A_871 : vector<16xi32>
      %add3A_873 = arith.addi %add3A_872, %and3A_869 : vector<16xi32>
      %and3A_874 = arith.constant -65536 : i32
      %and3A_875 = vector.broadcast %and3A_874 : i32 to vector<16xi32>
      %and3A_876 = arith.andi %add3A_873, %and3A_875 : vector<16xi32>
      %bitcast3A_877 = vector.bitcast %and3A_876 : vector<16xi32> to vector<16xf32>
      %mul3A_878 = vector.broadcast %mul3A_50 : f32 to vector<16xf32>
      %mul3A_879 = arith.mulf %mul3A_878, %bitcast3A_877 : vector<16xf32>
      %add3A_880 = arith.addf %add3A_858, %mul3A_879 : vector<16xf32>
      %get3A_881 = arith.constant 160 : index
      %get3A_882 = tpu.vector_load %arg12[%get3A_881] {strides = array<i32>} : memref<384xf32, #tpu.memory_space<vmem>>, vector<16xf32>,
      %mul3A_883 = arith.constant 1.99298465E-5 : f32
      %mul3A_884 = vector.broadcast %mul3A_883 : f32 to vector<16xf32>
      %mul3A_885 = arith.mulf %get3A_882, %mul3A_884 : vector<16xf32>
      %sub3A_886 = arith.subf %add3A_880, %mul3A_885 : vector<16xf32>
      %abs3A_887 = math.absf %sub3A_886 : vector<16xf32>
      %neg3A_888 = arith.constant 0.000000e+00 : f32
      %neg3A_889 = vector.broadcast %neg3A_888 : f32 to vector<16xf32>
      %neg3A_890 = arith.subf %neg3A_889, %abs3A_887 : vector<16xf32>
      %swap3A_891 = arith.constant 160 : index
      %swap3A_892 = tpu.vector_load %arg13[%swap3A_891] {strides = array<i32>} : memref<384xf32, #tpu.memory_space<vmem>>, vector<16xf32>,
      tpu.vector_store %arg13[%swap3A_891], %neg3A_890 {strides = array<i32>} : memref<384xf32, #tpu.memory_space<vmem>>, vector<16xf32>,
      %get3A_893 = arith.constant 0 : i32
      %get3A_894 = arith.index_cast %get3A_893 : i32 to index
      %get3A_895 = arith.constant 176 : index
      %get3A_896 = tpu.vector_load %arg11[%get3A_894, %get3A_895] {strides = array<i32>} : memref<3x384xf32, #tpu.memory_space<vmem>>, vector<16xf32>,
      %bitcast3A_897 = vector.bitcast %get3A_896 : vector<16xf32> to vector<16xi32>
      %shift_right_logical3A_898 = arith.constant 16 : i32
      %shift_right_logical3A_899 = vector.broadcast %shift_right_logical3A_898 : i32 to vector<16xi32>
      %shift_right_logical3A_900 = arith.shrui %bitcast3A_897, %shift_right_logical3A_899 : vector<16xi32>
      %and3A_901 = arith.constant 1 : i32
      %and3A_902 = vector.broadcast %and3A_901 : i32 to vector<16xi32>
      %and3A_903 = arith.andi %shift_right_logical3A_900, %and3A_902 : vector<16xi32>
      %add3A_904 = arith.constant 32767 : i32
      %add3A_905 = vector.broadcast %add3A_904 : i32 to vector<16xi32>
      %add3A_906 = arith.addi %bitcast3A_897, %add3A_905 : vector<16xi32>
      %add3A_907 = arith.addi %add3A_906, %and3A_903 : vector<16xi32>
      %and3A_908 = arith.constant -65536 : i32
      %and3A_909 = vector.broadcast %and3A_908 : i32 to vector<16xi32>
      %and3A_910 = arith.andi %add3A_907, %and3A_909 : vector<16xi32>
      %bitcast3A_911 = vector.bitcast %and3A_910 : vector<16xi32> to vector<16xf32>
      %mul3A_912 = vector.broadcast %mul3A_20 : f32 to vector<16xf32>
      %mul3A_913 = arith.mulf %mul3A_912, %bitcast3A_911 : vector<16xf32>
      %get3A_914 = arith.constant 1 : i32
      %get3A_915 = arith.index_cast %get3A_914 : i32 to index
      %get3A_916 = arith.constant 176 : index
      %get3A_917 = tpu.vector_load %arg11[%get3A_915, %get3A_916] {strides = array<i32>} : memref<3x384xf32, #tpu.memory_space<vmem>>, vector<16xf32>,
      %bitcast3A_918 = vector.bitcast %get3A_917 : vector<16xf32> to vector<16xi32>
      %shift_right_logical3A_919 = arith.constant 16 : i32
      %shift_right_logical3A_920 = vector.broadcast %shift_right_logical3A_919 : i32 to vector<16xi32>
      %shift_right_logical3A_921 = arith.shrui %bitcast3A_918, %shift_right_logical3A_920 : vector<16xi32>
      %and3A_922 = arith.constant 1 : i32
      %and3A_923 = vector.broadcast %and3A_922 : i32 to vector<16xi32>
      %and3A_924 = arith.andi %shift_right_logical3A_921, %and3A_923 : vector<16xi32>
      %add3A_925 = arith.constant 32767 : i32
      %add3A_926 = vector.broadcast %add3A_925 : i32 to vector<16xi32>
      %add3A_927 = arith.addi %bitcast3A_918, %add3A_926 : vector<16xi32>
      %add3A_928 = arith.addi %add3A_927, %and3A_924 : vector<16xi32>
      %and3A_929 = arith.constant -65536 : i32
      %and3A_930 = vector.broadcast %and3A_929 : i32 to vector<16xi32>
      %and3A_931 = arith.andi %add3A_928, %and3A_930 : vector<16xi32>
      %bitcast3A_932 = vector.bitcast %and3A_931 : vector<16xi32> to vector<16xf32>
      %mul3A_933 = vector.broadcast %mul3A_35 : f32 to vector<16xf32>
      %mul3A_934 = arith.mulf %mul3A_933, %bitcast3A_932 : vector<16xf32>
      %add3A_935 = arith.addf %mul3A_913, %mul3A_934 : vector<16xf32>
      %get3A_936 = arith.constant 2 : i32
      %get3A_937 = arith.index_cast %get3A_936 : i32 to index
      %get3A_938 = arith.constant 176 : index
      %get3A_939 = tpu.vector_load %arg11[%get3A_937, %get3A_938] {strides = array<i32>} : memref<3x384xf32, #tpu.memory_space<vmem>>, vector<16xf32>,
      %bitcast3A_940 = vector.bitcast %get3A_939 : vector<16xf32> to vector<16xi32>
      %shift_right_logical3A_941 = arith.constant 16 : i32
      %shift_right_logical3A_942 = vector.broadcast %shift_right_logical3A_941 : i32 to vector<16xi32>
      %shift_right_logical3A_943 = arith.shrui %bitcast3A_940, %shift_right_logical3A_942 : vector<16xi32>
      %and3A_944 = arith.constant 1 : i32
      %and3A_945 = vector.broadcast %and3A_944 : i32 to vector<16xi32>
      %and3A_946 = arith.andi %shift_right_logical3A_943, %and3A_945 : vector<16xi32>
      %add3A_947 = arith.constant 32767 : i32
      %add3A_948 = vector.broadcast %add3A_947 : i32 to vector<16xi32>
      %add3A_949 = arith.addi %bitcast3A_940, %add3A_948 : vector<16xi32>
      %add3A_950 = arith.addi %add3A_949, %and3A_946 : vector<16xi32>
      %and3A_951 = arith.constant -65536 : i32
      %and3A_952 = vector.broadcast %and3A_951 : i32 to vector<16xi32>
      %and3A_953 = arith.andi %add3A_950, %and3A_952 : vector<16xi32>
      %bitcast3A_954 = vector.bitcast %and3A_953 : vector<16xi32> to vector<16xf32>
      %mul3A_955 = vector.broadcast %mul3A_50 : f32 to vector<16xf32>
      %mul3A_956 = arith.mulf %mul3A_955, %bitcast3A_954 : vector<16xf32>
      %add3A_957 = arith.addf %add3A_935, %mul3A_956 : vector<16xf32>
      %get3A_958 = arith.constant 176 : index
      %get3A_959 = tpu.vector_load %arg12[%get3A_958] {strides = array<i32>} : memref<384xf32, #tpu.memory_space<vmem>>, vector<16xf32>,
      %mul3A_960 = arith.constant 1.99298465E-5 : f32
      %mul3A_961 = vector.broadcast %mul3A_960 : f32 to vector<16xf32>
      %mul3A_962 = arith.mulf %get3A_959, %mul3A_961 : vector<16xf32>
      %sub3A_963 = arith.subf %add3A_957, %mul3A_962 : vector<16xf32>
      %abs3A_964 = math.absf %sub3A_963 : vector<16xf32>
      %neg3A_965 = arith.constant 0.000000e+00 : f32
      %neg3A_966 = vector.broadcast %neg3A_965 : f32 to vector<16xf32>
      %neg3A_967 = arith.subf %neg3A_966, %abs3A_964 : vector<16xf32>
      %swap3A_968 = arith.constant 176 : index
      %swap3A_969 = tpu.vector_load %arg13[%swap3A_968] {strides = array<i32>} : memref<384xf32, #tpu.memory_space<vmem>>, vector<16xf32>,
      tpu.vector_store %arg13[%swap3A_968], %neg3A_967 {strides = array<i32>} : memref<384xf32, #tpu.memory_space<vmem>>, vector<16xf32>,
      %get3A_970 = arith.constant 0 : i32
      %get3A_971 = arith.index_cast %get3A_970 : i32 to index
      %get3A_972 = arith.constant 192 : index
      %get3A_973 = tpu.vector_load %arg11[%get3A_971, %get3A_972] {strides = array<i32>} : memref<3x384xf32, #tpu.memory_space<vmem>>, vector<16xf32>,
      %bitcast3A_974 = vector.bitcast %get3A_973 : vector<16xf32> to vector<16xi32>
      %shift_right_logical3A_975 = arith.constant 16 : i32
      %shift_right_logical3A_976 = vector.broadcast %shift_right_logical3A_975 : i32 to vector<16xi32>
      %shift_right_logical3A_977 = arith.shrui %bitcast3A_974, %shift_right_logical3A_976 : vector<16xi32>
      %and3A_978 = arith.constant 1 : i32
      %and3A_979 = vector.broadcast %and3A_978 : i32 to vector<16xi32>
      %and3A_980 = arith.andi %shift_right_logical3A_977, %and3A_979 : vector<16xi32>
      %add3A_981 = arith.constant 32767 : i32
      %add3A_982 = vector.broadcast %add3A_981 : i32 to vector<16xi32>
      %add3A_983 = arith.addi %bitcast3A_974, %add3A_982 : vector<16xi32>
      %add3A_984 = arith.addi %add3A_983, %and3A_980 : vector<16xi32>
      %and3A_985 = arith.constant -65536 : i32
      %and3A_986 = vector.broadcast %and3A_985 : i32 to vector<16xi32>
      %and3A_987 = arith.andi %add3A_984, %and3A_986 : vector<16xi32>
      %bitcast3A_988 = vector.bitcast %and3A_987 : vector<16xi32> to vector<16xf32>
      %mul3A_989 = vector.broadcast %mul3A_20 : f32 to vector<16xf32>
      %mul3A_990 = arith.mulf %mul3A_989, %bitcast3A_988 : vector<16xf32>
      %get3A_991 = arith.constant 1 : i32
      %get3A_992 = arith.index_cast %get3A_991 : i32 to index
      %get3A_993 = arith.constant 192 : index
      %get3A_994 = tpu.vector_load %arg11[%get3A_992, %get3A_993] {strides = array<i32>} : memref<3x384xf32, #tpu.memory_space<vmem>>, vector<16xf32>,
      %bitcast3A_995 = vector.bitcast %get3A_994 : vector<16xf32> to vector<16xi32>
      %shift_right_logical3A_996 = arith.constant 16 : i32
      %shift_right_logical3A_997 = vector.broadcast %shift_right_logical3A_996 : i32 to vector<16xi32>
      %shift_right_logical3A_998 = arith.shrui %bitcast3A_995, %shift_right_logical3A_997 : vector<16xi32>
      %and3A_999 = arith.constant 1 : i32
      %and3A_1000 = vector.broadcast %and3A_999 : i32 to vector<16xi32>
      %and3A_1001 = arith.andi %shift_right_logical3A_998, %and3A_1000 : vector<16xi32>
      %add3A_1002 = arith.constant 32767 : i32
      %add3A_1003 = vector.broadcast %add3A_1002 : i32 to vector<16xi32>
      %add3A_1004 = arith.addi %bitcast3A_995, %add3A_1003 : vector<16xi32>
      %add3A_1005 = arith.addi %add3A_1004, %and3A_1001 : vector<16xi32>
      %and3A_1006 = arith.constant -65536 : i32
      %and3A_1007 = vector.broadcast %and3A_1006 : i32 to vector<16xi32>
      %and3A_1008 = arith.andi %add3A_1005, %and3A_1007 : vector<16xi32>
      %bitcast3A_1009 = vector.bitcast %and3A_1008 : vector<16xi32> to vector<16xf32>
      %mul3A_1010 = vector.broadcast %mul3A_35 : f32 to vector<16xf32>
      %mul3A_1011 = arith.mulf %mul3A_1010, %bitcast3A_1009 : vector<16xf32>
      %add3A_1012 = arith.addf %mul3A_990, %mul3A_1011 : vector<16xf32>
      %get3A_1013 = arith.constant 2 : i32
      %get3A_1014 = arith.index_cast %get3A_1013 : i32 to index
      %get3A_1015 = arith.constant 192 : index
      %get3A_1016 = tpu.vector_load %arg11[%get3A_1014, %get3A_1015] {strides = array<i32>} : memref<3x384xf32, #tpu.memory_space<vmem>>, vector<16xf32>,
      %bitcast3A_1017 = vector.bitcast %get3A_1016 : vector<16xf32> to vector<16xi32>
      %shift_right_logical3A_1018 = arith.constant 16 : i32
      %shift_right_logical3A_1019 = vector.broadcast %shift_right_logical3A_1018 : i32 to vector<16xi32>
      %shift_right_logical3A_1020 = arith.shrui %bitcast3A_1017, %shift_right_logical3A_1019 : vector<16xi32>
      %and3A_1021 = arith.constant 1 : i32
      %and3A_1022 = vector.broadcast %and3A_1021 : i32 to vector<16xi32>
      %and3A_1023 = arith.andi %shift_right_logical3A_1020, %and3A_1022 : vector<16xi32>
      %add3A_1024 = arith.constant 32767 : i32
      %add3A_1025 = vector.broadcast %add3A_1024 : i32 to vector<16xi32>
      %add3A_1026 = arith.addi %bitcast3A_1017, %add3A_1025 : vector<16xi32>
      %add3A_1027 = arith.addi %add3A_1026, %and3A_1023 : vector<16xi32>
      %and3A_1028 = arith.constant -65536 : i32
      %and3A_1029 = vector.broadcast %and3A_1028 : i32 to vector<16xi32>
      %and3A_1030 = arith.andi %add3A_1027, %and3A_1029 : vector<16xi32>
      %bitcast3A_1031 = vector.bitcast %and3A_1030 : vector<16xi32> to vector<16xf32>
      %mul3A_1032 = vector.broadcast %mul3A_50 : f32 to vector<16xf32>
      %mul3A_1033 = arith.mulf %mul3A_1032, %bitcast3A_1031 : vector<16xf32>
      %add3A_1034 = arith.addf %add3A_1012, %mul3A_1033 : vector<16xf32>
      %get3A_1035 = arith.constant 192 : index
      %get3A_1036 = tpu.vector_load %arg12[%get3A_1035] {strides = array<i32>} : memref<384xf32, #tpu.memory_space<vmem>>, vector<16xf32>,
      %mul3A_1037 = arith.constant 1.99298465E-5 : f32
      %mul3A_1038 = vector.broadcast %mul3A_1037 : f32 to vector<16xf32>
      %mul3A_1039 = arith.mulf %get3A_1036, %mul3A_1038 : vector<16xf32>
      %sub3A_1040 = arith.subf %add3A_1034, %mul3A_1039 : vector<16xf32>
      %abs3A_1041 = math.absf %sub3A_1040 : vector<16xf32>
      %neg3A_1042 = arith.constant 0.000000e+00 : f32
      %neg3A_1043 = vector.broadcast %neg3A_1042 : f32 to vector<16xf32>
      %neg3A_1044 = arith.subf %neg3A_1043, %abs3A_1041 : vector<16xf32>
      %swap3A_1045 = arith.constant 192 : index
      %swap3A_1046 = tpu.vector_load %arg13[%swap3A_1045] {strides = array<i32>} : memref<384xf32, #tpu.memory_space<vmem>>, vector<16xf32>,
      tpu.vector_store %arg13[%swap3A_1045], %neg3A_1044 {strides = array<i32>} : memref<384xf32, #tpu.memory_space<vmem>>, vector<16xf32>,
      %get3A_1047 = arith.constant 0 : i32
      %get3A_1048 = arith.index_cast %get3A_1047 : i32 to index
      %get3A_1049 = arith.constant 208 : index
      %get3A_1050 = tpu.vector_load %arg11[%get3A_1048, %get3A_1049] {strides = array<i32>} : memref<3x384xf32, #tpu.memory_space<vmem>>, vector<16xf32>,
      %bitcast3A_1051 = vector.bitcast %get3A_1050 : vector<16xf32> to vector<16xi32>
      %shift_right_logical3A_1052 = arith.constant 16 : i32
      %shift_right_logical3A_1053 = vector.broadcast %shift_right_logical3A_1052 : i32 to vector<16xi32>
      %shift_right_logical3A_1054 = arith.shrui %bitcast3A_1051, %shift_right_logical3A_1053 : vector<16xi32>
      %and3A_1055 = arith.constant 1 : i32
      %and3A_1056 = vector.broadcast %and3A_1055 : i32 to vector<16xi32>
      %and3A_1057 = arith.andi %shift_right_logical3A_1054, %and3A_1056 : vector<16xi32>
      %add3A_1058 = arith.constant 32767 : i32
      %add3A_1059 = vector.broadcast %add3A_1058 : i32 to vector<16xi32>
      %add3A_1060 = arith.addi %bitcast3A_1051, %add3A_1059 : vector<16xi32>
      %add3A_1061 = arith.addi %add3A_1060, %and3A_1057 : vector<16xi32>
      %and3A_1062 = arith.constant -65536 : i32
      %and3A_1063 = vector.broadcast %and3A_1062 : i32 to vector<16xi32>
      %and3A_1064 = arith.andi %add3A_1061, %and3A_1063 : vector<16xi32>
      %bitcast3A_1065 = vector.bitcast %and3A_1064 : vector<16xi32> to vector<16xf32>
      %mul3A_1066 = vector.broadcast %mul3A_20 : f32 to vector<16xf32>
      %mul3A_1067 = arith.mulf %mul3A_1066, %bitcast3A_1065 : vector<16xf32>
      %get3A_1068 = arith.constant 1 : i32
      %get3A_1069 = arith.index_cast %get3A_1068 : i32 to index
      %get3A_1070 = arith.constant 208 : index
      %get3A_1071 = tpu.vector_load %arg11[%get3A_1069, %get3A_1070] {strides = array<i32>} : memref<3x384xf32, #tpu.memory_space<vmem>>, vector<16xf32>,
      %bitcast3A_1072 = vector.bitcast %get3A_1071 : vector<16xf32> to vector<16xi32>
      %shift_right_logical3A_1073 = arith.constant 16 : i32
      %shift_right_logical3A_1074 = vector.broadcast %shift_right_logical3A_1073 : i32 to vector<16xi32>
      %shift_right_logical3A_1075 = arith.shrui %bitcast3A_1072, %shift_right_logical3A_1074 : vector<16xi32>
      %and3A_1076 = arith.constant 1 : i32
      %and3A_1077 = vector.broadcast %and3A_1076 : i32 to vector<16xi32>
      %and3A_1078 = arith.andi %shift_right_logical3A_1075, %and3A_1077 : vector<16xi32>
      %add3A_1079 = arith.constant 32767 : i32
      %add3A_1080 = vector.broadcast %add3A_1079 : i32 to vector<16xi32>
      %add3A_1081 = arith.addi %bitcast3A_1072, %add3A_1080 : vector<16xi32>
      %add3A_1082 = arith.addi %add3A_1081, %and3A_1078 : vector<16xi32>
      %and3A_1083 = arith.constant -65536 : i32
      %and3A_1084 = vector.broadcast %and3A_1083 : i32 to vector<16xi32>
      %and3A_1085 = arith.andi %add3A_1082, %and3A_1084 : vector<16xi32>
      %bitcast3A_1086 = vector.bitcast %and3A_1085 : vector<16xi32> to vector<16xf32>
      %mul3A_1087 = vector.broadcast %mul3A_35 : f32 to vector<16xf32>
      %mul3A_1088 = arith.mulf %mul3A_1087, %bitcast3A_1086 : vector<16xf32>
      %add3A_1089 = arith.addf %mul3A_1067, %mul3A_1088 : vector<16xf32>
      %get3A_1090 = arith.constant 2 : i32
      %get3A_1091 = arith.index_cast %get3A_1090 : i32 to index
      %get3A_1092 = arith.constant 208 : index
      %get3A_1093 = tpu.vector_load %arg11[%get3A_1091, %get3A_1092] {strides = array<i32>} : memref<3x384xf32, #tpu.memory_space<vmem>>, vector<16xf32>,
      %bitcast3A_1094 = vector.bitcast %get3A_1093 : vector<16xf32> to vector<16xi32>
      %shift_right_logical3A_1095 = arith.constant 16 : i32
      %shift_right_logical3A_1096 = vector.broadcast %shift_right_logical3A_1095 : i32 to vector<16xi32>
      %shift_right_logical3A_1097 = arith.shrui %bitcast3A_1094, %shift_right_logical3A_1096 : vector<16xi32>
      %and3A_1098 = arith.constant 1 : i32
      %and3A_1099 = vector.broadcast %and3A_1098 : i32 to vector<16xi32>
      %and3A_1100 = arith.andi %shift_right_logical3A_1097, %and3A_1099 : vector<16xi32>
      %add3A_1101 = arith.constant 32767 : i32
      %add3A_1102 = vector.broadcast %add3A_1101 : i32 to vector<16xi32>
      %add3A_1103 = arith.addi %bitcast3A_1094, %add3A_1102 : vector<16xi32>
      %add3A_1104 = arith.addi %add3A_1103, %and3A_1100 : vector<16xi32>
      %and3A_1105 = arith.constant -65536 : i32
      %and3A_1106 = vector.broadcast %and3A_1105 : i32 to vector<16xi32>
      %and3A_1107 = arith.andi %add3A_1104, %and3A_1106 : vector<16xi32>
      %bitcast3A_1108 = vector.bitcast %and3A_1107 : vector<16xi32> to vector<16xf32>
      %mul3A_1109 = vector.broadcast %mul3A_50 : f32 to vector<16xf32>
      %mul3A_1110 = arith.mulf %mul3A_1109, %bitcast3A_1108 : vector<16xf32>
      %add3A_1111 = arith.addf %add3A_1089, %mul3A_1110 : vector<16xf32>
      %get3A_1112 = arith.constant 208 : index
      %get3A_1113 = tpu.vector_load %arg12[%get3A_1112] {strides = array<i32>} : memref<384xf32, #tpu.memory_space<vmem>>, vector<16xf32>,
      %mul3A_1114 = arith.constant 1.99298465E-5 : f32
      %mul3A_1115 = vector.broadcast %mul3A_1114 : f32 to vector<16xf32>
      %mul3A_1116 = arith.mulf %get3A_1113, %mul3A_1115 : vector<16xf32>
      %sub3A_1117 = arith.subf %add3A_1111, %mul3A_1116 : vector<16xf32>
      %abs3A_1118 = math.absf %sub3A_1117 : vector<16xf32>
      %neg3A_1119 = arith.constant 0.000000e+00 : f32
      %neg3A_1120 = vector.broadcast %neg3A_1119 : f32 to vector<16xf32>
      %neg3A_1121 = arith.subf %neg3A_1120, %abs3A_1118 : vector<16xf32>
      %swap3A_1122 = arith.constant 208 : index
      %swap3A_1123 = tpu.vector_load %arg13[%swap3A_1122] {strides = array<i32>} : memref<384xf32, #tpu.memory_space<vmem>>, vector<16xf32>,
      tpu.vector_store %arg13[%swap3A_1122], %neg3A_1121 {strides = array<i32>} : memref<384xf32, #tpu.memory_space<vmem>>, vector<16xf32>,
      %get3A_1124 = arith.constant 0 : i32
      %get3A_1125 = arith.index_cast %get3A_1124 : i32 to index
      %get3A_1126 = arith.constant 224 : index
      %get3A_1127 = tpu.vector_load %arg11[%get3A_1125, %get3A_1126] {strides = array<i32>} : memref<3x384xf32, #tpu.memory_space<vmem>>, vector<16xf32>,
      %bitcast3A_1128 = vector.bitcast %get3A_1127 : vector<16xf32> to vector<16xi32>
      %shift_right_logical3A_1129 = arith.constant 16 : i32
      %shift_right_logical3A_1130 = vector.broadcast %shift_right_logical3A_1129 : i32 to vector<16xi32>
      %shift_right_logical3A_1131 = arith.shrui %bitcast3A_1128, %shift_right_logical3A_1130 : vector<16xi32>
      %and3A_1132 = arith.constant 1 : i32
      %and3A_1133 = vector.broadcast %and3A_1132 : i32 to vector<16xi32>
      %and3A_1134 = arith.andi %shift_right_logical3A_1131, %and3A_1133 : vector<16xi32>
      %add3A_1135 = arith.constant 32767 : i32
      %add3A_1136 = vector.broadcast %add3A_1135 : i32 to vector<16xi32>
      %add3A_1137 = arith.addi %bitcast3A_1128, %add3A_1136 : vector<16xi32>
      %add3A_1138 = arith.addi %add3A_1137, %and3A_1134 : vector<16xi32>
      %and3A_1139 = arith.constant -65536 : i32
      %and3A_1140 = vector.broadcast %and3A_1139 : i32 to vector<16xi32>
      %and3A_1141 = arith.andi %add3A_1138, %and3A_1140 : vector<16xi32>
      %bitcast3A_1142 = vector.bitcast %and3A_1141 : vector<16xi32> to vector<16xf32>
      %mul3A_1143 = vector.broadcast %mul3A_20 : f32 to vector<16xf32>
      %mul3A_1144 = arith.mulf %mul3A_1143, %bitcast3A_1142 : vector<16xf32>
      %get3A_1145 = arith.constant 1 : i32
      %get3A_1146 = arith.index_cast %get3A_1145 : i32 to index
      %get3A_1147 = arith.constant 224 : index
      %get3A_1148 = tpu.vector_load %arg11[%get3A_1146, %get3A_1147] {strides = array<i32>} : memref<3x384xf32, #tpu.memory_space<vmem>>, vector<16xf32>,
      %bitcast3A_1149 = vector.bitcast %get3A_1148 : vector<16xf32> to vector<16xi32>
      %shift_right_logical3A_1150 = arith.constant 16 : i32
      %shift_right_logical3A_1151 = vector.broadcast %shift_right_logical3A_1150 : i32 to vector<16xi32>
      %shift_right_logical3A_1152 = arith.shrui %bitcast3A_1149, %shift_right_logical3A_1151 : vector<16xi32>
      %and3A_1153 = arith.constant 1 : i32
      %and3A_1154 = vector.broadcast %and3A_1153 : i32 to vector<16xi32>
      %and3A_1155 = arith.andi %shift_right_logical3A_1152, %and3A_1154 : vector<16xi32>
      %add3A_1156 = arith.constant 32767 : i32
      %add3A_1157 = vector.broadcast %add3A_1156 : i32 to vector<16xi32>
      %add3A_1158 = arith.addi %bitcast3A_1149, %add3A_1157 : vector<16xi32>
      %add3A_1159 = arith.addi %add3A_1158, %and3A_1155 : vector<16xi32>
      %and3A_1160 = arith.constant -65536 : i32
      %and3A_1161 = vector.broadcast %and3A_1160 : i32 to vector<16xi32>
      %and3A_1162 = arith.andi %add3A_1159, %and3A_1161 : vector<16xi32>
      %bitcast3A_1163 = vector.bitcast %and3A_1162 : vector<16xi32> to vector<16xf32>
      %mul3A_1164 = vector.broadcast %mul3A_35 : f32 to vector<16xf32>
      %mul3A_1165 = arith.mulf %mul3A_1164, %bitcast3A_1163 : vector<16xf32>
      %add3A_1166 = arith.addf %mul3A_1144, %mul3A_1165 : vector<16xf32>
      %get3A_1167 = arith.constant 2 : i32
      %get3A_1168 = arith.index_cast %get3A_1167 : i32 to index
      %get3A_1169 = arith.constant 224 : index
      %get3A_1170 = tpu.vector_load %arg11[%get3A_1168, %get3A_1169] {strides = array<i32>} : memref<3x384xf32, #tpu.memory_space<vmem>>, vector<16xf32>,
      %bitcast3A_1171 = vector.bitcast %get3A_1170 : vector<16xf32> to vector<16xi32>
      %shift_right_logical3A_1172 = arith.constant 16 : i32
      %shift_right_logical3A_1173 = vector.broadcast %shift_right_logical3A_1172 : i32 to vector<16xi32>
      %shift_right_logical3A_1174 = arith.shrui %bitcast3A_1171, %shift_right_logical3A_1173 : vector<16xi32>
      %and3A_1175 = arith.constant 1 : i32
      %and3A_1176 = vector.broadcast %and3A_1175 : i32 to vector<16xi32>
      %and3A_1177 = arith.andi %shift_right_logical3A_1174, %and3A_1176 : vector<16xi32>
      %add3A_1178 = arith.constant 32767 : i32
      %add3A_1179 = vector.broadcast %add3A_1178 : i32 to vector<16xi32>
      %add3A_1180 = arith.addi %bitcast3A_1171, %add3A_1179 : vector<16xi32>
      %add3A_1181 = arith.addi %add3A_1180, %and3A_1177 : vector<16xi32>
      %and3A_1182 = arith.constant -65536 : i32
      %and3A_1183 = vector.broadcast %and3A_1182 : i32 to vector<16xi32>
      %and3A_1184 = arith.andi %add3A_1181, %and3A_1183 : vector<16xi32>
      %bitcast3A_1185 = vector.bitcast %and3A_1184 : vector<16xi32> to vector<16xf32>
      %mul3A_1186 = vector.broadcast %mul3A_50 : f32 to vector<16xf32>
      %mul3A_1187 = arith.mulf %mul3A_1186, %bitcast3A_1185 : vector<16xf32>
      %add3A_1188 = arith.addf %add3A_1166, %mul3A_1187 : vector<16xf32>
      %get3A_1189 = arith.constant 224 : index
      %get3A_1190 = tpu.vector_load %arg12[%get3A_1189] {strides = array<i32>} : memref<384xf32, #tpu.memory_space<vmem>>, vector<16xf32>,
      %mul3A_1191 = arith.constant 1.99298465E-5 : f32
      %mul3A_1192 = vector.broadcast %mul3A_1191 : f32 to vector<16xf32>
      %mul3A_1193 = arith.mulf %get3A_1190, %mul3A_1192 : vector<16xf32>
      %sub3A_1194 = arith.subf %add3A_1188, %mul3A_1193 : vector<16xf32>
      %abs3A_1195 = math.absf %sub3A_1194 : vector<16xf32>
      %neg3A_1196 = arith.constant 0.000000e+00 : f32
      %neg3A_1197 = vector.broadcast %neg3A_1196 : f32 to vector<16xf32>
      %neg3A_1198 = arith.subf %neg3A_1197, %abs3A_1195 : vector<16xf32>
      %swap3A_1199 = arith.constant 224 : index
      %swap3A_1200 = tpu.vector_load %arg13[%swap3A_1199] {strides = array<i32>} : memref<384xf32, #tpu.memory_space<vmem>>, vector<16xf32>,
      tpu.vector_store %arg13[%swap3A_1199], %neg3A_1198 {strides = array<i32>} : memref<384xf32, #tpu.memory_space<vmem>>, vector<16xf32>,
      %get3A_1201 = arith.constant 0 : i32
      %get3A_1202 = arith.index_cast %get3A_1201 : i32 to index
      %get3A_1203 = arith.constant 240 : index
      %get3A_1204 = tpu.vector_load %arg11[%get3A_1202, %get3A_1203] {strides = array<i32>} : memref<3x384xf32, #tpu.memory_space<vmem>>, vector<16xf32>,
      %bitcast3A_1205 = vector.bitcast %get3A_1204 : vector<16xf32> to vector<16xi32>
      %shift_right_logical3A_1206 = arith.constant 16 : i32
      %shift_right_logical3A_1207 = vector.broadcast %shift_right_logical3A_1206 : i32 to vector<16xi32>
      %shift_right_logical3A_1208 = arith.shrui %bitcast3A_1205, %shift_right_logical3A_1207 : vector<16xi32>
      %and3A_1209 = arith.constant 1 : i32
      %and3A_1210 = vector.broadcast %and3A_1209 : i32 to vector<16xi32>
      %and3A_1211 = arith.andi %shift_right_logical3A_1208, %and3A_1210 : vector<16xi32>
      %add3A_1212 = arith.constant 32767 : i32
      %add3A_1213 = vector.broadcast %add3A_1212 : i32 to vector<16xi32>
      %add3A_1214 = arith.addi %bitcast3A_1205, %add3A_1213 : vector<16xi32>
      %add3A_1215 = arith.addi %add3A_1214, %and3A_1211 : vector<16xi32>
      %and3A_1216 = arith.constant -65536 : i32
      %and3A_1217 = vector.broadcast %and3A_1216 : i32 to vector<16xi32>
      %and3A_1218 = arith.andi %add3A_1215, %and3A_1217 : vector<16xi32>
      %bitcast3A_1219 = vector.bitcast %and3A_1218 : vector<16xi32> to vector<16xf32>
      %mul3A_1220 = vector.broadcast %mul3A_20 : f32 to vector<16xf32>
      %mul3A_1221 = arith.mulf %mul3A_1220, %bitcast3A_1219 : vector<16xf32>
      %get3A_1222 = arith.constant 1 : i32
      %get3A_1223 = arith.index_cast %get3A_1222 : i32 to index
      %get3A_1224 = arith.constant 240 : index
      %get3A_1225 = tpu.vector_load %arg11[%get3A_1223, %get3A_1224] {strides = array<i32>} : memref<3x384xf32, #tpu.memory_space<vmem>>, vector<16xf32>,
      %bitcast3A_1226 = vector.bitcast %get3A_1225 : vector<16xf32> to vector<16xi32>
      %shift_right_logical3A_1227 = arith.constant 16 : i32
      %shift_right_logical3A_1228 = vector.broadcast %shift_right_logical3A_1227 : i32 to vector<16xi32>
      %shift_right_logical3A_1229 = arith.shrui %bitcast3A_1226, %shift_right_logical3A_1228 : vector<16xi32>
      %and3A_1230 = arith.constant 1 : i32
      %and3A_1231 = vector.broadcast %and3A_1230 : i32 to vector<16xi32>
      %and3A_1232 = arith.andi %shift_right_logical3A_1229, %and3A_1231 : vector<16xi32>
      %add3A_1233 = arith.constant 32767 : i32
      %add3A_1234 = vector.broadcast %add3A_1233 : i32 to vector<16xi32>
      %add3A_1235 = arith.addi %bitcast3A_1226, %add3A_1234 : vector<16xi32>
      %add3A_1236 = arith.addi %add3A_1235, %and3A_1232 : vector<16xi32>
      %and3A_1237 = arith.constant -65536 : i32
      %and3A_1238 = vector.broadcast %and3A_1237 : i32 to vector<16xi32>
      %and3A_1239 = arith.andi %add3A_1236, %and3A_1238 : vector<16xi32>
      %bitcast3A_1240 = vector.bitcast %and3A_1239 : vector<16xi32> to vector<16xf32>
      %mul3A_1241 = vector.broadcast %mul3A_35 : f32 to vector<16xf32>
      %mul3A_1242 = arith.mulf %mul3A_1241, %bitcast3A_1240 : vector<16xf32>
      %add3A_1243 = arith.addf %mul3A_1221, %mul3A_1242 : vector<16xf32>
      %get3A_1244 = arith.constant 2 : i32
      %get3A_1245 = arith.index_cast %get3A_1244 : i32 to index
      %get3A_1246 = arith.constant 240 : index
      %get3A_1247 = tpu.vector_load %arg11[%get3A_1245, %get3A_1246] {strides = array<i32>} : memref<3x384xf32, #tpu.memory_space<vmem>>, vector<16xf32>,
      %bitcast3A_1248 = vector.bitcast %get3A_1247 : vector<16xf32> to vector<16xi32>
      %shift_right_logical3A_1249 = arith.constant 16 : i32
      %shift_right_logical3A_1250 = vector.broadcast %shift_right_logical3A_1249 : i32 to vector<16xi32>
      %shift_right_logical3A_1251 = arith.shrui %bitcast3A_1248, %shift_right_logical3A_1250 : vector<16xi32>
      %and3A_1252 = arith.constant 1 : i32
      %and3A_1253 = vector.broadcast %and3A_1252 : i32 to vector<16xi32>
      %and3A_1254 = arith.andi %shift_right_logical3A_1251, %and3A_1253 : vector<16xi32>
      %add3A_1255 = arith.constant 32767 : i32
      %add3A_1256 = vector.broadcast %add3A_1255 : i32 to vector<16xi32>
      %add3A_1257 = arith.addi %bitcast3A_1248, %add3A_1256 : vector<16xi32>
      %add3A_1258 = arith.addi %add3A_1257, %and3A_1254 : vector<16xi32>
      %and3A_1259 = arith.constant -65536 : i32
      %and3A_1260 = vector.broadcast %and3A_1259 : i32 to vector<16xi32>
      %and3A_1261 = arith.andi %add3A_1258, %and3A_1260 : vector<16xi32>
      %bitcast3A_1262 = vector.bitcast %and3A_1261 : vector<16xi32> to vector<16xf32>
      %mul3A_1263 = vector.broadcast %mul3A_50 : f32 to vector<16xf32>
      %mul3A_1264 = arith.mulf %mul3A_1263, %bitcast3A_1262 : vector<16xf32>
      %add3A_1265 = arith.addf %add3A_1243, %mul3A_1264 : vector<16xf32>
      %get3A_1266 = arith.constant 240 : index
      %get3A_1267 = tpu.vector_load %arg12[%get3A_1266] {strides = array<i32>} : memref<384xf32, #tpu.memory_space<vmem>>, vector<16xf32>,
      %mul3A_1268 = arith.constant 1.99298465E-5 : f32
      %mul3A_1269 = vector.broadcast %mul3A_1268 : f32 to vector<16xf32>
      %mul3A_1270 = arith.mulf %get3A_1267, %mul3A_1269 : vector<16xf32>
      %sub3A_1271 = arith.subf %add3A_1265, %mul3A_1270 : vector<16xf32>
      %abs3A_1272 = math.absf %sub3A_1271 : vector<16xf32>
      %neg3A_1273 = arith.constant 0.000000e+00 : f32
      %neg3A_1274 = vector.broadcast %neg3A_1273 : f32 to vector<16xf32>
      %neg3A_1275 = arith.subf %neg3A_1274, %abs3A_1272 : vector<16xf32>
      %swap3A_1276 = arith.constant 240 : index
      %swap3A_1277 = tpu.vector_load %arg13[%swap3A_1276] {strides = array<i32>} : memref<384xf32, #tpu.memory_space<vmem>>, vector<16xf32>,
      tpu.vector_store %arg13[%swap3A_1276], %neg3A_1275 {strides = array<i32>} : memref<384xf32, #tpu.memory_space<vmem>>, vector<16xf32>,
      %get3A_1278 = arith.constant 0 : i32
      %get3A_1279 = arith.index_cast %get3A_1278 : i32 to index
      %get3A_1280 = arith.constant 256 : index
      %get3A_1281 = tpu.vector_load %arg11[%get3A_1279, %get3A_1280] {strides = array<i32>} : memref<3x384xf32, #tpu.memory_space<vmem>>, vector<16xf32>,
      %bitcast3A_1282 = vector.bitcast %get3A_1281 : vector<16xf32> to vector<16xi32>
      %shift_right_logical3A_1283 = arith.constant 16 : i32
      %shift_right_logical3A_1284 = vector.broadcast %shift_right_logical3A_1283 : i32 to vector<16xi32>
      %shift_right_logical3A_1285 = arith.shrui %bitcast3A_1282, %shift_right_logical3A_1284 : vector<16xi32>
      %and3A_1286 = arith.constant 1 : i32
      %and3A_1287 = vector.broadcast %and3A_1286 : i32 to vector<16xi32>
      %and3A_1288 = arith.andi %shift_right_logical3A_1285, %and3A_1287 : vector<16xi32>
      %add3A_1289 = arith.constant 32767 : i32
      %add3A_1290 = vector.broadcast %add3A_1289 : i32 to vector<16xi32>
      %add3A_1291 = arith.addi %bitcast3A_1282, %add3A_1290 : vector<16xi32>
      %add3A_1292 = arith.addi %add3A_1291, %and3A_1288 : vector<16xi32>
      %and3A_1293 = arith.constant -65536 : i32
      %and3A_1294 = vector.broadcast %and3A_1293 : i32 to vector<16xi32>
      %and3A_1295 = arith.andi %add3A_1292, %and3A_1294 : vector<16xi32>
      %bitcast3A_1296 = vector.bitcast %and3A_1295 : vector<16xi32> to vector<16xf32>
      %mul3A_1297 = vector.broadcast %mul3A_20 : f32 to vector<16xf32>
      %mul3A_1298 = arith.mulf %mul3A_1297, %bitcast3A_1296 : vector<16xf32>
      %get3A_1299 = arith.constant 1 : i32
      %get3A_1300 = arith.index_cast %get3A_1299 : i32 to index
      %get3A_1301 = arith.constant 256 : index
      %get3A_1302 = tpu.vector_load %arg11[%get3A_1300, %get3A_1301] {strides = array<i32>} : memref<3x384xf32, #tpu.memory_space<vmem>>, vector<16xf32>,
      %bitcast3A_1303 = vector.bitcast %get3A_1302 : vector<16xf32> to vector<16xi32>
      %shift_right_logical3A_1304 = arith.constant 16 : i32
      %shift_right_logical3A_1305 = vector.broadcast %shift_right_logical3A_1304 : i32 to vector<16xi32>
      %shift_right_logical3A_1306 = arith.shrui %bitcast3A_1303, %shift_right_logical3A_1305 : vector<16xi32>
      %and3A_1307 = arith.constant 1 : i32
      %and3A_1308 = vector.broadcast %and3A_1307 : i32 to vector<16xi32>
      %and3A_1309 = arith.andi %shift_right_logical3A_1306, %and3A_1308 : vector<16xi32>
      %add3A_1310 = arith.constant 32767 : i32
      %add3A_1311 = vector.broadcast %add3A_1310 : i32 to vector<16xi32>
      %add3A_1312 = arith.addi %bitcast3A_1303, %add3A_1311 : vector<16xi32>
      %add3A_1313 = arith.addi %add3A_1312, %and3A_1309 : vector<16xi32>
      %and3A_1314 = arith.constant -65536 : i32
      %and3A_1315 = vector.broadcast %and3A_1314 : i32 to vector<16xi32>
      %and3A_1316 = arith.andi %add3A_1313, %and3A_1315 : vector<16xi32>
      %bitcast3A_1317 = vector.bitcast %and3A_1316 : vector<16xi32> to vector<16xf32>
      %mul3A_1318 = vector.broadcast %mul3A_35 : f32 to vector<16xf32>
      %mul3A_1319 = arith.mulf %mul3A_1318, %bitcast3A_1317 : vector<16xf32>
      %add3A_1320 = arith.addf %mul3A_1298, %mul3A_1319 : vector<16xf32>
      %get3A_1321 = arith.constant 2 : i32
      %get3A_1322 = arith.index_cast %get3A_1321 : i32 to index
      %get3A_1323 = arith.constant 256 : index
      %get3A_1324 = tpu.vector_load %arg11[%get3A_1322, %get3A_1323] {strides = array<i32>} : memref<3x384xf32, #tpu.memory_space<vmem>>, vector<16xf32>,
      %bitcast3A_1325 = vector.bitcast %get3A_1324 : vector<16xf32> to vector<16xi32>
      %shift_right_logical3A_1326 = arith.constant 16 : i32
      %shift_right_logical3A_1327 = vector.broadcast %shift_right_logical3A_1326 : i32 to vector<16xi32>
      %shift_right_logical3A_1328 = arith.shrui %bitcast3A_1325, %shift_right_logical3A_1327 : vector<16xi32>
      %and3A_1329 = arith.constant 1 : i32
      %and3A_1330 = vector.broadcast %and3A_1329 : i32 to vector<16xi32>
      %and3A_1331 = arith.andi %shift_right_logical3A_1328, %and3A_1330 : vector<16xi32>
      %add3A_1332 = arith.constant 32767 : i32
      %add3A_1333 = vector.broadcast %add3A_1332 : i32 to vector<16xi32>
      %add3A_1334 = arith.addi %bitcast3A_1325, %add3A_1333 : vector<16xi32>
      %add3A_1335 = arith.addi %add3A_1334, %and3A_1331 : vector<16xi32>
      %and3A_1336 = arith.constant -65536 : i32
      %and3A_1337 = vector.broadcast %and3A_1336 : i32 to vector<16xi32>
      %and3A_1338 = arith.andi %add3A_1335, %and3A_1337 : vector<16xi32>
      %bitcast3A_1339 = vector.bitcast %and3A_1338 : vector<16xi32> to vector<16xf32>
      %mul3A_1340 = vector.broadcast %mul3A_50 : f32 to vector<16xf32>
      %mul3A_1341 = arith.mulf %mul3A_1340, %bitcast3A_1339 : vector<16xf32>
      %add3A_1342 = arith.addf %add3A_1320, %mul3A_1341 : vector<16xf32>
      %get3A_1343 = arith.constant 256 : index
      %get3A_1344 = tpu.vector_load %arg12[%get3A_1343] {strides = array<i32>} : memref<384xf32, #tpu.memory_space<vmem>>, vector<16xf32>,
      %mul3A_1345 = arith.constant 1.99298465E-5 : f32
      %mul3A_1346 = vector.broadcast %mul3A_1345 : f32 to vector<16xf32>
      %mul3A_1347 = arith.mulf %get3A_1344, %mul3A_1346 : vector<16xf32>
      %sub3A_1348 = arith.subf %add3A_1342, %mul3A_1347 : vector<16xf32>
      %abs3A_1349 = math.absf %sub3A_1348 : vector<16xf32>
      %neg3A_1350 = arith.constant 0.000000e+00 : f32
      %neg3A_1351 = vector.broadcast %neg3A_1350 : f32 to vector<16xf32>
      %neg3A_1352 = arith.subf %neg3A_1351, %abs3A_1349 : vector<16xf32>
      %swap3A_1353 = arith.constant 256 : index
      %swap3A_1354 = tpu.vector_load %arg13[%swap3A_1353] {strides = array<i32>} : memref<384xf32, #tpu.memory_space<vmem>>, vector<16xf32>,
      tpu.vector_store %arg13[%swap3A_1353], %neg3A_1352 {strides = array<i32>} : memref<384xf32, #tpu.memory_space<vmem>>, vector<16xf32>,
      %get3A_1355 = arith.constant 0 : i32
      %get3A_1356 = arith.index_cast %get3A_1355 : i32 to index
      %get3A_1357 = arith.constant 272 : index
      %get3A_1358 = tpu.vector_load %arg11[%get3A_1356, %get3A_1357] {strides = array<i32>} : memref<3x384xf32, #tpu.memory_space<vmem>>, vector<16xf32>,
      %bitcast3A_1359 = vector.bitcast %get3A_1358 : vector<16xf32> to vector<16xi32>
      %shift_right_logical3A_1360 = arith.constant 16 : i32
      %shift_right_logical3A_1361 = vector.broadcast %shift_right_logical3A_1360 : i32 to vector<16xi32>
      %shift_right_logical3A_1362 = arith.shrui %bitcast3A_1359, %shift_right_logical3A_1361 : vector<16xi32>
      %and3A_1363 = arith.constant 1 : i32
      %and3A_1364 = vector.broadcast %and3A_1363 : i32 to vector<16xi32>
      %and3A_1365 = arith.andi %shift_right_logical3A_1362, %and3A_1364 : vector<16xi32>
      %add3A_1366 = arith.constant 32767 : i32
      %add3A_1367 = vector.broadcast %add3A_1366 : i32 to vector<16xi32>
      %add3A_1368 = arith.addi %bitcast3A_1359, %add3A_1367 : vector<16xi32>
      %add3A_1369 = arith.addi %add3A_1368, %and3A_1365 : vector<16xi32>
      %and3A_1370 = arith.constant -65536 : i32
      %and3A_1371 = vector.broadcast %and3A_1370 : i32 to vector<16xi32>
      %and3A_1372 = arith.andi %add3A_1369, %and3A_1371 : vector<16xi32>
      %bitcast3A_1373 = vector.bitcast %and3A_1372 : vector<16xi32> to vector<16xf32>
      %mul3A_1374 = vector.broadcast %mul3A_20 : f32 to vector<16xf32>
      %mul3A_1375 = arith.mulf %mul3A_1374, %bitcast3A_1373 : vector<16xf32>
      %get3A_1376 = arith.constant 1 : i32
      %get3A_1377 = arith.index_cast %get3A_1376 : i32 to index
      %get3A_1378 = arith.constant 272 : index
      %get3A_1379 = tpu.vector_load %arg11[%get3A_1377, %get3A_1378] {strides = array<i32>} : memref<3x384xf32, #tpu.memory_space<vmem>>, vector<16xf32>,
      %bitcast3A_1380 = vector.bitcast %get3A_1379 : vector<16xf32> to vector<16xi32>
      %shift_right_logical3A_1381 = arith.constant 16 : i32
      %shift_right_logical3A_1382 = vector.broadcast %shift_right_logical3A_1381 : i32 to vector<16xi32>
      %shift_right_logical3A_1383 = arith.shrui %bitcast3A_1380, %shift_right_logical3A_1382 : vector<16xi32>
      %and3A_1384 = arith.constant 1 : i32
      %and3A_1385 = vector.broadcast %and3A_1384 : i32 to vector<16xi32>
      %and3A_1386 = arith.andi %shift_right_logical3A_1383, %and3A_1385 : vector<16xi32>
      %add3A_1387 = arith.constant 32767 : i32
      %add3A_1388 = vector.broadcast %add3A_1387 : i32 to vector<16xi32>
      %add3A_1389 = arith.addi %bitcast3A_1380, %add3A_1388 : vector<16xi32>
      %add3A_1390 = arith.addi %add3A_1389, %and3A_1386 : vector<16xi32>
      %and3A_1391 = arith.constant -65536 : i32
      %and3A_1392 = vector.broadcast %and3A_1391 : i32 to vector<16xi32>
      %and3A_1393 = arith.andi %add3A_1390, %and3A_1392 : vector<16xi32>
      %bitcast3A_1394 = vector.bitcast %and3A_1393 : vector<16xi32> to vector<16xf32>
      %mul3A_1395 = vector.broadcast %mul3A_35 : f32 to vector<16xf32>
      %mul3A_1396 = arith.mulf %mul3A_1395, %bitcast3A_1394 : vector<16xf32>
      %add3A_1397 = arith.addf %mul3A_1375, %mul3A_1396 : vector<16xf32>
      %get3A_1398 = arith.constant 2 : i32
      %get3A_1399 = arith.index_cast %get3A_1398 : i32 to index
      %get3A_1400 = arith.constant 272 : index
      %get3A_1401 = tpu.vector_load %arg11[%get3A_1399, %get3A_1400] {strides = array<i32>} : memref<3x384xf32, #tpu.memory_space<vmem>>, vector<16xf32>,
      %bitcast3A_1402 = vector.bitcast %get3A_1401 : vector<16xf32> to vector<16xi32>
      %shift_right_logical3A_1403 = arith.constant 16 : i32
      %shift_right_logical3A_1404 = vector.broadcast %shift_right_logical3A_1403 : i32 to vector<16xi32>
      %shift_right_logical3A_1405 = arith.shrui %bitcast3A_1402, %shift_right_logical3A_1404 : vector<16xi32>
      %and3A_1406 = arith.constant 1 : i32
      %and3A_1407 = vector.broadcast %and3A_1406 : i32 to vector<16xi32>
      %and3A_1408 = arith.andi %shift_right_logical3A_1405, %and3A_1407 : vector<16xi32>
      %add3A_1409 = arith.constant 32767 : i32
      %add3A_1410 = vector.broadcast %add3A_1409 : i32 to vector<16xi32>
      %add3A_1411 = arith.addi %bitcast3A_1402, %add3A_1410 : vector<16xi32>
      %add3A_1412 = arith.addi %add3A_1411, %and3A_1408 : vector<16xi32>
      %and3A_1413 = arith.constant -65536 : i32
      %and3A_1414 = vector.broadcast %and3A_1413 : i32 to vector<16xi32>
      %and3A_1415 = arith.andi %add3A_1412, %and3A_1414 : vector<16xi32>
      %bitcast3A_1416 = vector.bitcast %and3A_1415 : vector<16xi32> to vector<16xf32>
      %mul3A_1417 = vector.broadcast %mul3A_50 : f32 to vector<16xf32>
      %mul3A_1418 = arith.mulf %mul3A_1417, %bitcast3A_1416 : vector<16xf32>
      %add3A_1419 = arith.addf %add3A_1397, %mul3A_1418 : vector<16xf32>
      %get3A_1420 = arith.constant 272 : index
      %get3A_1421 = tpu.vector_load %arg12[%get3A_1420] {strides = array<i32>} : memref<384xf32, #tpu.memory_space<vmem>>, vector<16xf32>,
      %mul3A_1422 = arith.constant 1.99298465E-5 : f32
      %mul3A_1423 = vector.broadcast %mul3A_1422 : f32 to vector<16xf32>
      %mul3A_1424 = arith.mulf %get3A_1421, %mul3A_1423 : vector<16xf32>
      %sub3A_1425 = arith.subf %add3A_1419, %mul3A_1424 : vector<16xf32>
      %abs3A_1426 = math.absf %sub3A_1425 : vector<16xf32>
      %neg3A_1427 = arith.constant 0.000000e+00 : f32
      %neg3A_1428 = vector.broadcast %neg3A_1427 : f32 to vector<16xf32>
      %neg3A_1429 = arith.subf %neg3A_1428, %abs3A_1426 : vector<16xf32>
      %swap3A_1430 = arith.constant 272 : index
      %swap3A_1431 = tpu.vector_load %arg13[%swap3A_1430] {strides = array<i32>} : memref<384xf32, #tpu.memory_space<vmem>>, vector<16xf32>,
      tpu.vector_store %arg13[%swap3A_1430], %neg3A_1429 {strides = array<i32>} : memref<384xf32, #tpu.memory_space<vmem>>, vector<16xf32>,
      %get3A_1432 = arith.constant 0 : i32
      %get3A_1433 = arith.index_cast %get3A_1432 : i32 to index
      %get3A_1434 = arith.constant 288 : index
      %get3A_1435 = tpu.vector_load %arg11[%get3A_1433, %get3A_1434] {strides = array<i32>} : memref<3x384xf32, #tpu.memory_space<vmem>>, vector<16xf32>,
      %bitcast3A_1436 = vector.bitcast %get3A_1435 : vector<16xf32> to vector<16xi32>
      %shift_right_logical3A_1437 = arith.constant 16 : i32
      %shift_right_logical3A_1438 = vector.broadcast %shift_right_logical3A_1437 : i32 to vector<16xi32>
      %shift_right_logical3A_1439 = arith.shrui %bitcast3A_1436, %shift_right_logical3A_1438 : vector<16xi32>
      %and3A_1440 = arith.constant 1 : i32
      %and3A_1441 = vector.broadcast %and3A_1440 : i32 to vector<16xi32>
      %and3A_1442 = arith.andi %shift_right_logical3A_1439, %and3A_1441 : vector<16xi32>
      %add3A_1443 = arith.constant 32767 : i32
      %add3A_1444 = vector.broadcast %add3A_1443 : i32 to vector<16xi32>
      %add3A_1445 = arith.addi %bitcast3A_1436, %add3A_1444 : vector<16xi32>
      %add3A_1446 = arith.addi %add3A_1445, %and3A_1442 : vector<16xi32>
      %and3A_1447 = arith.constant -65536 : i32
      %and3A_1448 = vector.broadcast %and3A_1447 : i32 to vector<16xi32>
      %and3A_1449 = arith.andi %add3A_1446, %and3A_1448 : vector<16xi32>
      %bitcast3A_1450 = vector.bitcast %and3A_1449 : vector<16xi32> to vector<16xf32>
      %mul3A_1451 = vector.broadcast %mul3A_20 : f32 to vector<16xf32>
      %mul3A_1452 = arith.mulf %mul3A_1451, %bitcast3A_1450 : vector<16xf32>
      %get3A_1453 = arith.constant 1 : i32
      %get3A_1454 = arith.index_cast %get3A_1453 : i32 to index
      %get3A_1455 = arith.constant 288 : index
      %get3A_1456 = tpu.vector_load %arg11[%get3A_1454, %get3A_1455] {strides = array<i32>} : memref<3x384xf32, #tpu.memory_space<vmem>>, vector<16xf32>,
      %bitcast3A_1457 = vector.bitcast %get3A_1456 : vector<16xf32> to vector<16xi32>
      %shift_right_logical3A_1458 = arith.constant 16 : i32
      %shift_right_logical3A_1459 = vector.broadcast %shift_right_logical3A_1458 : i32 to vector<16xi32>
      %shift_right_logical3A_1460 = arith.shrui %bitcast3A_1457, %shift_right_logical3A_1459 : vector<16xi32>
      %and3A_1461 = arith.constant 1 : i32
      %and3A_1462 = vector.broadcast %and3A_1461 : i32 to vector<16xi32>
      %and3A_1463 = arith.andi %shift_right_logical3A_1460, %and3A_1462 : vector<16xi32>
      %add3A_1464 = arith.constant 32767 : i32
      %add3A_1465 = vector.broadcast %add3A_1464 : i32 to vector<16xi32>
      %add3A_1466 = arith.addi %bitcast3A_1457, %add3A_1465 : vector<16xi32>
      %add3A_1467 = arith.addi %add3A_1466, %and3A_1463 : vector<16xi32>
      %and3A_1468 = arith.constant -65536 : i32
      %and3A_1469 = vector.broadcast %and3A_1468 : i32 to vector<16xi32>
      %and3A_1470 = arith.andi %add3A_1467, %and3A_1469 : vector<16xi32>
      %bitcast3A_1471 = vector.bitcast %and3A_1470 : vector<16xi32> to vector<16xf32>
      %mul3A_1472 = vector.broadcast %mul3A_35 : f32 to vector<16xf32>
      %mul3A_1473 = arith.mulf %mul3A_1472, %bitcast3A_1471 : vector<16xf32>
      %add3A_1474 = arith.addf %mul3A_1452, %mul3A_1473 : vector<16xf32>
      %get3A_1475 = arith.constant 2 : i32
      %get3A_1476 = arith.index_cast %get3A_1475 : i32 to index
      %get3A_1477 = arith.constant 288 : index
      %get3A_1478 = tpu.vector_load %arg11[%get3A_1476, %get3A_1477] {strides = array<i32>} : memref<3x384xf32, #tpu.memory_space<vmem>>, vector<16xf32>,
      %bitcast3A_1479 = vector.bitcast %get3A_1478 : vector<16xf32> to vector<16xi32>
      %shift_right_logical3A_1480 = arith.constant 16 : i32
      %shift_right_logical3A_1481 = vector.broadcast %shift_right_logical3A_1480 : i32 to vector<16xi32>
      %shift_right_logical3A_1482 = arith.shrui %bitcast3A_1479, %shift_right_logical3A_1481 : vector<16xi32>
      %and3A_1483 = arith.constant 1 : i32
      %and3A_1484 = vector.broadcast %and3A_1483 : i32 to vector<16xi32>
      %and3A_1485 = arith.andi %shift_right_logical3A_1482, %and3A_1484 : vector<16xi32>
      %add3A_1486 = arith.constant 32767 : i32
      %add3A_1487 = vector.broadcast %add3A_1486 : i32 to vector<16xi32>
      %add3A_1488 = arith.addi %bitcast3A_1479, %add3A_1487 : vector<16xi32>
      %add3A_1489 = arith.addi %add3A_1488, %and3A_1485 : vector<16xi32>
      %and3A_1490 = arith.constant -65536 : i32
      %and3A_1491 = vector.broadcast %and3A_1490 : i32 to vector<16xi32>
      %and3A_1492 = arith.andi %add3A_1489, %and3A_1491 : vector<16xi32>
      %bitcast3A_1493 = vector.bitcast %and3A_1492 : vector<16xi32> to vector<16xf32>
      %mul3A_1494 = vector.broadcast %mul3A_50 : f32 to vector<16xf32>
      %mul3A_1495 = arith.mulf %mul3A_1494, %bitcast3A_1493 : vector<16xf32>
      %add3A_1496 = arith.addf %add3A_1474, %mul3A_1495 : vector<16xf32>
      %get3A_1497 = arith.constant 288 : index
      %get3A_1498 = tpu.vector_load %arg12[%get3A_1497] {strides = array<i32>} : memref<384xf32, #tpu.memory_space<vmem>>, vector<16xf32>,
      %mul3A_1499 = arith.constant 1.99298465E-5 : f32
      %mul3A_1500 = vector.broadcast %mul3A_1499 : f32 to vector<16xf32>
      %mul3A_1501 = arith.mulf %get3A_1498, %mul3A_1500 : vector<16xf32>
      %sub3A_1502 = arith.subf %add3A_1496, %mul3A_1501 : vector<16xf32>
      %abs3A_1503 = math.absf %sub3A_1502 : vector<16xf32>
      %neg3A_1504 = arith.constant 0.000000e+00 : f32
      %neg3A_1505 = vector.broadcast %neg3A_1504 : f32 to vector<16xf32>
      %neg3A_1506 = arith.subf %neg3A_1505, %abs3A_1503 : vector<16xf32>
      %swap3A_1507 = arith.constant 288 : index
      %swap3A_1508 = tpu.vector_load %arg13[%swap3A_1507] {strides = array<i32>} : memref<384xf32, #tpu.memory_space<vmem>>, vector<16xf32>,
      tpu.vector_store %arg13[%swap3A_1507], %neg3A_1506 {strides = array<i32>} : memref<384xf32, #tpu.memory_space<vmem>>, vector<16xf32>,
      %get3A_1509 = arith.constant 0 : i32
      %get3A_1510 = arith.index_cast %get3A_1509 : i32 to index
      %get3A_1511 = arith.constant 304 : index
      %get3A_1512 = tpu.vector_load %arg11[%get3A_1510, %get3A_1511] {strides = array<i32>} : memref<3x384xf32, #tpu.memory_space<vmem>>, vector<16xf32>,
      %bitcast3A_1513 = vector.bitcast %get3A_1512 : vector<16xf32> to vector<16xi32>
      %shift_right_logical3A_1514 = arith.constant 16 : i32
      %shift_right_logical3A_1515 = vector.broadcast %shift_right_logical3A_1514 : i32 to vector<16xi32>
      %shift_right_logical3A_1516 = arith.shrui %bitcast3A_1513, %shift_right_logical3A_1515 : vector<16xi32>
      %and3A_1517 = arith.constant 1 : i32
      %and3A_1518 = vector.broadcast %and3A_1517 : i32 to vector<16xi32>
      %and3A_1519 = arith.andi %shift_right_logical3A_1516, %and3A_1518 : vector<16xi32>
      %add3A_1520 = arith.constant 32767 : i32
      %add3A_1521 = vector.broadcast %add3A_1520 : i32 to vector<16xi32>
      %add3A_1522 = arith.addi %bitcast3A_1513, %add3A_1521 : vector<16xi32>
      %add3A_1523 = arith.addi %add3A_1522, %and3A_1519 : vector<16xi32>
      %and3A_1524 = arith.constant -65536 : i32
      %and3A_1525 = vector.broadcast %and3A_1524 : i32 to vector<16xi32>
      %and3A_1526 = arith.andi %add3A_1523, %and3A_1525 : vector<16xi32>
      %bitcast3A_1527 = vector.bitcast %and3A_1526 : vector<16xi32> to vector<16xf32>
      %mul3A_1528 = vector.broadcast %mul3A_20 : f32 to vector<16xf32>
      %mul3A_1529 = arith.mulf %mul3A_1528, %bitcast3A_1527 : vector<16xf32>
      %get3A_1530 = arith.constant 1 : i32
      %get3A_1531 = arith.index_cast %get3A_1530 : i32 to index
      %get3A_1532 = arith.constant 304 : index
      %get3A_1533 = tpu.vector_load %arg11[%get3A_1531, %get3A_1532] {strides = array<i32>} : memref<3x384xf32, #tpu.memory_space<vmem>>, vector<16xf32>,
      %bitcast3A_1534 = vector.bitcast %get3A_1533 : vector<16xf32> to vector<16xi32>
      %shift_right_logical3A_1535 = arith.constant 16 : i32
      %shift_right_logical3A_1536 = vector.broadcast %shift_right_logical3A_1535 : i32 to vector<16xi32>
      %shift_right_logical3A_1537 = arith.shrui %bitcast3A_1534, %shift_right_logical3A_1536 : vector<16xi32>
      %and3A_1538 = arith.constant 1 : i32
      %and3A_1539 = vector.broadcast %and3A_1538 : i32 to vector<16xi32>
      %and3A_1540 = arith.andi %shift_right_logical3A_1537, %and3A_1539 : vector<16xi32>
      %add3A_1541 = arith.constant 32767 : i32
      %add3A_1542 = vector.broadcast %add3A_1541 : i32 to vector<16xi32>
      %add3A_1543 = arith.addi %bitcast3A_1534, %add3A_1542 : vector<16xi32>
      %add3A_1544 = arith.addi %add3A_1543, %and3A_1540 : vector<16xi32>
      %and3A_1545 = arith.constant -65536 : i32
      %and3A_1546 = vector.broadcast %and3A_1545 : i32 to vector<16xi32>
      %and3A_1547 = arith.andi %add3A_1544, %and3A_1546 : vector<16xi32>
      %bitcast3A_1548 = vector.bitcast %and3A_1547 : vector<16xi32> to vector<16xf32>
      %mul3A_1549 = vector.broadcast %mul3A_35 : f32 to vector<16xf32>
      %mul3A_1550 = arith.mulf %mul3A_1549, %bitcast3A_1548 : vector<16xf32>
      %add3A_1551 = arith.addf %mul3A_1529, %mul3A_1550 : vector<16xf32>
      %get3A_1552 = arith.constant 2 : i32
      %get3A_1553 = arith.index_cast %get3A_1552 : i32 to index
      %get3A_1554 = arith.constant 304 : index
      %get3A_1555 = tpu.vector_load %arg11[%get3A_1553, %get3A_1554] {strides = array<i32>} : memref<3x384xf32, #tpu.memory_space<vmem>>, vector<16xf32>,
      %bitcast3A_1556 = vector.bitcast %get3A_1555 : vector<16xf32> to vector<16xi32>
      %shift_right_logical3A_1557 = arith.constant 16 : i32
      %shift_right_logical3A_1558 = vector.broadcast %shift_right_logical3A_1557 : i32 to vector<16xi32>
      %shift_right_logical3A_1559 = arith.shrui %bitcast3A_1556, %shift_right_logical3A_1558 : vector<16xi32>
      %and3A_1560 = arith.constant 1 : i32
      %and3A_1561 = vector.broadcast %and3A_1560 : i32 to vector<16xi32>
      %and3A_1562 = arith.andi %shift_right_logical3A_1559, %and3A_1561 : vector<16xi32>
      %add3A_1563 = arith.constant 32767 : i32
      %add3A_1564 = vector.broadcast %add3A_1563 : i32 to vector<16xi32>
      %add3A_1565 = arith.addi %bitcast3A_1556, %add3A_1564 : vector<16xi32>
      %add3A_1566 = arith.addi %add3A_1565, %and3A_1562 : vector<16xi32>
      %and3A_1567 = arith.constant -65536 : i32
      %and3A_1568 = vector.broadcast %and3A_1567 : i32 to vector<16xi32>
      %and3A_1569 = arith.andi %add3A_1566, %and3A_1568 : vector<16xi32>
      %bitcast3A_1570 = vector.bitcast %and3A_1569 : vector<16xi32> to vector<16xf32>
      %mul3A_1571 = vector.broadcast %mul3A_50 : f32 to vector<16xf32>
      %mul3A_1572 = arith.mulf %mul3A_1571, %bitcast3A_1570 : vector<16xf32>
      %add3A_1573 = arith.addf %add3A_1551, %mul3A_1572 : vector<16xf32>
      %get3A_1574 = arith.constant 304 : index
      %get3A_1575 = tpu.vector_load %arg12[%get3A_1574] {strides = array<i32>} : memref<384xf32, #tpu.memory_space<vmem>>, vector<16xf32>,
      %mul3A_1576 = arith.constant 1.99298465E-5 : f32
      %mul3A_1577 = vector.broadcast %mul3A_1576 : f32 to vector<16xf32>
      %mul3A_1578 = arith.mulf %get3A_1575, %mul3A_1577 : vector<16xf32>
      %sub3A_1579 = arith.subf %add3A_1573, %mul3A_1578 : vector<16xf32>
      %abs3A_1580 = math.absf %sub3A_1579 : vector<16xf32>
      %neg3A_1581 = arith.constant 0.000000e+00 : f32
      %neg3A_1582 = vector.broadcast %neg3A_1581 : f32 to vector<16xf32>
      %neg3A_1583 = arith.subf %neg3A_1582, %abs3A_1580 : vector<16xf32>
      %swap3A_1584 = arith.constant 304 : index
      %swap3A_1585 = tpu.vector_load %arg13[%swap3A_1584] {strides = array<i32>} : memref<384xf32, #tpu.memory_space<vmem>>, vector<16xf32>,
      tpu.vector_store %arg13[%swap3A_1584], %neg3A_1583 {strides = array<i32>} : memref<384xf32, #tpu.memory_space<vmem>>, vector<16xf32>,
      %get3A_1586 = arith.constant 0 : i32
      %get3A_1587 = arith.index_cast %get3A_1586 : i32 to index
      %get3A_1588 = arith.constant 320 : index
      %get3A_1589 = tpu.vector_load %arg11[%get3A_1587, %get3A_1588] {strides = array<i32>} : memref<3x384xf32, #tpu.memory_space<vmem>>, vector<16xf32>,
      %bitcast3A_1590 = vector.bitcast %get3A_1589 : vector<16xf32> to vector<16xi32>
      %shift_right_logical3A_1591 = arith.constant 16 : i32
      %shift_right_logical3A_1592 = vector.broadcast %shift_right_logical3A_1591 : i32 to vector<16xi32>
      %shift_right_logical3A_1593 = arith.shrui %bitcast3A_1590, %shift_right_logical3A_1592 : vector<16xi32>
      %and3A_1594 = arith.constant 1 : i32
      %and3A_1595 = vector.broadcast %and3A_1594 : i32 to vector<16xi32>
      %and3A_1596 = arith.andi %shift_right_logical3A_1593, %and3A_1595 : vector<16xi32>
      %add3A_1597 = arith.constant 32767 : i32
      %add3A_1598 = vector.broadcast %add3A_1597 : i32 to vector<16xi32>
      %add3A_1599 = arith.addi %bitcast3A_1590, %add3A_1598 : vector<16xi32>
      %add3A_1600 = arith.addi %add3A_1599, %and3A_1596 : vector<16xi32>
      %and3A_1601 = arith.constant -65536 : i32
      %and3A_1602 = vector.broadcast %and3A_1601 : i32 to vector<16xi32>
      %and3A_1603 = arith.andi %add3A_1600, %and3A_1602 : vector<16xi32>
      %bitcast3A_1604 = vector.bitcast %and3A_1603 : vector<16xi32> to vector<16xf32>
      %mul3A_1605 = vector.broadcast %mul3A_20 : f32 to vector<16xf32>
      %mul3A_1606 = arith.mulf %mul3A_1605, %bitcast3A_1604 : vector<16xf32>
      %get3A_1607 = arith.constant 1 : i32
      %get3A_1608 = arith.index_cast %get3A_1607 : i32 to index
      %get3A_1609 = arith.constant 320 : index
      %get3A_1610 = tpu.vector_load %arg11[%get3A_1608, %get3A_1609] {strides = array<i32>} : memref<3x384xf32, #tpu.memory_space<vmem>>, vector<16xf32>,
      %bitcast3A_1611 = vector.bitcast %get3A_1610 : vector<16xf32> to vector<16xi32>
      %shift_right_logical3A_1612 = arith.constant 16 : i32
      %shift_right_logical3A_1613 = vector.broadcast %shift_right_logical3A_1612 : i32 to vector<16xi32>
      %shift_right_logical3A_1614 = arith.shrui %bitcast3A_1611, %shift_right_logical3A_1613 : vector<16xi32>
      %and3A_1615 = arith.constant 1 : i32
      %and3A_1616 = vector.broadcast %and3A_1615 : i32 to vector<16xi32>
      %and3A_1617 = arith.andi %shift_right_logical3A_1614, %and3A_1616 : vector<16xi32>
      %add3A_1618 = arith.constant 32767 : i32
      %add3A_1619 = vector.broadcast %add3A_1618 : i32 to vector<16xi32>
      %add3A_1620 = arith.addi %bitcast3A_1611, %add3A_1619 : vector<16xi32>
      %add3A_1621 = arith.addi %add3A_1620, %and3A_1617 : vector<16xi32>
      %and3A_1622 = arith.constant -65536 : i32
      %and3A_1623 = vector.broadcast %and3A_1622 : i32 to vector<16xi32>
      %and3A_1624 = arith.andi %add3A_1621, %and3A_1623 : vector<16xi32>
      %bitcast3A_1625 = vector.bitcast %and3A_1624 : vector<16xi32> to vector<16xf32>
      %mul3A_1626 = vector.broadcast %mul3A_35 : f32 to vector<16xf32>
      %mul3A_1627 = arith.mulf %mul3A_1626, %bitcast3A_1625 : vector<16xf32>
      %add3A_1628 = arith.addf %mul3A_1606, %mul3A_1627 : vector<16xf32>
      %get3A_1629 = arith.constant 2 : i32
      %get3A_1630 = arith.index_cast %get3A_1629 : i32 to index
      %get3A_1631 = arith.constant 320 : index
      %get3A_1632 = tpu.vector_load %arg11[%get3A_1630, %get3A_1631] {strides = array<i32>} : memref<3x384xf32, #tpu.memory_space<vmem>>, vector<16xf32>,
      %bitcast3A_1633 = vector.bitcast %get3A_1632 : vector<16xf32> to vector<16xi32>
      %shift_right_logical3A_1634 = arith.constant 16 : i32
      %shift_right_logical3A_1635 = vector.broadcast %shift_right_logical3A_1634 : i32 to vector<16xi32>
      %shift_right_logical3A_1636 = arith.shrui %bitcast3A_1633, %shift_right_logical3A_1635 : vector<16xi32>
      %and3A_1637 = arith.constant 1 : i32
      %and3A_1638 = vector.broadcast %and3A_1637 : i32 to vector<16xi32>
      %and3A_1639 = arith.andi %shift_right_logical3A_1636, %and3A_1638 : vector<16xi32>
      %add3A_1640 = arith.constant 32767 : i32
      %add3A_1641 = vector.broadcast %add3A_1640 : i32 to vector<16xi32>
      %add3A_1642 = arith.addi %bitcast3A_1633, %add3A_1641 : vector<16xi32>
      %add3A_1643 = arith.addi %add3A_1642, %and3A_1639 : vector<16xi32>
      %and3A_1644 = arith.constant -65536 : i32
      %and3A_1645 = vector.broadcast %and3A_1644 : i32 to vector<16xi32>
      %and3A_1646 = arith.andi %add3A_1643, %and3A_1645 : vector<16xi32>
      %bitcast3A_1647 = vector.bitcast %and3A_1646 : vector<16xi32> to vector<16xf32>
      %mul3A_1648 = vector.broadcast %mul3A_50 : f32 to vector<16xf32>
      %mul3A_1649 = arith.mulf %mul3A_1648, %bitcast3A_1647 : vector<16xf32>
      %add3A_1650 = arith.addf %add3A_1628, %mul3A_1649 : vector<16xf32>
      %get3A_1651 = arith.constant 320 : index
      %get3A_1652 = tpu.vector_load %arg12[%get3A_1651] {strides = array<i32>} : memref<384xf32, #tpu.memory_space<vmem>>, vector<16xf32>,
      %mul3A_1653 = arith.constant 1.99298465E-5 : f32
      %mul3A_1654 = vector.broadcast %mul3A_1653 : f32 to vector<16xf32>
      %mul3A_1655 = arith.mulf %get3A_1652, %mul3A_1654 : vector<16xf32>
      %sub3A_1656 = arith.subf %add3A_1650, %mul3A_1655 : vector<16xf32>
      %abs3A_1657 = math.absf %sub3A_1656 : vector<16xf32>
      %neg3A_1658 = arith.constant 0.000000e+00 : f32
      %neg3A_1659 = vector.broadcast %neg3A_1658 : f32 to vector<16xf32>
      %neg3A_1660 = arith.subf %neg3A_1659, %abs3A_1657 : vector<16xf32>
      %swap3A_1661 = arith.constant 320 : index
      %swap3A_1662 = tpu.vector_load %arg13[%swap3A_1661] {strides = array<i32>} : memref<384xf32, #tpu.memory_space<vmem>>, vector<16xf32>,
      tpu.vector_store %arg13[%swap3A_1661], %neg3A_1660 {strides = array<i32>} : memref<384xf32, #tpu.memory_space<vmem>>, vector<16xf32>,
      %get3A_1663 = arith.constant 0 : i32
      %get3A_1664 = arith.index_cast %get3A_1663 : i32 to index
      %get3A_1665 = arith.constant 336 : index
      %get3A_1666 = tpu.vector_load %arg11[%get3A_1664, %get3A_1665] {strides = array<i32>} : memref<3x384xf32, #tpu.memory_space<vmem>>, vector<16xf32>,
      %bitcast3A_1667 = vector.bitcast %get3A_1666 : vector<16xf32> to vector<16xi32>
      %shift_right_logical3A_1668 = arith.constant 16 : i32
      %shift_right_logical3A_1669 = vector.broadcast %shift_right_logical3A_1668 : i32 to vector<16xi32>
      %shift_right_logical3A_1670 = arith.shrui %bitcast3A_1667, %shift_right_logical3A_1669 : vector<16xi32>
      %and3A_1671 = arith.constant 1 : i32
      %and3A_1672 = vector.broadcast %and3A_1671 : i32 to vector<16xi32>
      %and3A_1673 = arith.andi %shift_right_logical3A_1670, %and3A_1672 : vector<16xi32>
      %add3A_1674 = arith.constant 32767 : i32
      %add3A_1675 = vector.broadcast %add3A_1674 : i32 to vector<16xi32>
      %add3A_1676 = arith.addi %bitcast3A_1667, %add3A_1675 : vector<16xi32>
      %add3A_1677 = arith.addi %add3A_1676, %and3A_1673 : vector<16xi32>
      %and3A_1678 = arith.constant -65536 : i32
      %and3A_1679 = vector.broadcast %and3A_1678 : i32 to vector<16xi32>
      %and3A_1680 = arith.andi %add3A_1677, %and3A_1679 : vector<16xi32>
      %bitcast3A_1681 = vector.bitcast %and3A_1680 : vector<16xi32> to vector<16xf32>
      %mul3A_1682 = vector.broadcast %mul3A_20 : f32 to vector<16xf32>
      %mul3A_1683 = arith.mulf %mul3A_1682, %bitcast3A_1681 : vector<16xf32>
      %get3A_1684 = arith.constant 1 : i32
      %get3A_1685 = arith.index_cast %get3A_1684 : i32 to index
      %get3A_1686 = arith.constant 336 : index
      %get3A_1687 = tpu.vector_load %arg11[%get3A_1685, %get3A_1686] {strides = array<i32>} : memref<3x384xf32, #tpu.memory_space<vmem>>, vector<16xf32>,
      %bitcast3A_1688 = vector.bitcast %get3A_1687 : vector<16xf32> to vector<16xi32>
      %shift_right_logical3A_1689 = arith.constant 16 : i32
      %shift_right_logical3A_1690 = vector.broadcast %shift_right_logical3A_1689 : i32 to vector<16xi32>
      %shift_right_logical3A_1691 = arith.shrui %bitcast3A_1688, %shift_right_logical3A_1690 : vector<16xi32>
      %and3A_1692 = arith.constant 1 : i32
      %and3A_1693 = vector.broadcast %and3A_1692 : i32 to vector<16xi32>
      %and3A_1694 = arith.andi %shift_right_logical3A_1691, %and3A_1693 : vector<16xi32>
      %add3A_1695 = arith.constant 32767 : i32
      %add3A_1696 = vector.broadcast %add3A_1695 : i32 to vector<16xi32>
      %add3A_1697 = arith.addi %bitcast3A_1688, %add3A_1696 : vector<16xi32>
      %add3A_1698 = arith.addi %add3A_1697, %and3A_1694 : vector<16xi32>
      %and3A_1699 = arith.constant -65536 : i32
      %and3A_1700 = vector.broadcast %and3A_1699 : i32 to vector<16xi32>
      %and3A_1701 = arith.andi %add3A_1698, %and3A_1700 : vector<16xi32>
      %bitcast3A_1702 = vector.bitcast %and3A_1701 : vector<16xi32> to vector<16xf32>
      %mul3A_1703 = vector.broadcast %mul3A_35 : f32 to vector<16xf32>
      %mul3A_1704 = arith.mulf %mul3A_1703, %bitcast3A_1702 : vector<16xf32>
      %add3A_1705 = arith.addf %mul3A_1683, %mul3A_1704 : vector<16xf32>
      %get3A_1706 = arith.constant 2 : i32
      %get3A_1707 = arith.index_cast %get3A_1706 : i32 to index
      %get3A_1708 = arith.constant 336 : index
      %get3A_1709 = tpu.vector_load %arg11[%get3A_1707, %get3A_1708] {strides = array<i32>} : memref<3x384xf32, #tpu.memory_space<vmem>>, vector<16xf32>,
      %bitcast3A_1710 = vector.bitcast %get3A_1709 : vector<16xf32> to vector<16xi32>
      %shift_right_logical3A_1711 = arith.constant 16 : i32
      %shift_right_logical3A_1712 = vector.broadcast %shift_right_logical3A_1711 : i32 to vector<16xi32>
      %shift_right_logical3A_1713 = arith.shrui %bitcast3A_1710, %shift_right_logical3A_1712 : vector<16xi32>
      %and3A_1714 = arith.constant 1 : i32
      %and3A_1715 = vector.broadcast %and3A_1714 : i32 to vector<16xi32>
      %and3A_1716 = arith.andi %shift_right_logical3A_1713, %and3A_1715 : vector<16xi32>
      %add3A_1717 = arith.constant 32767 : i32
      %add3A_1718 = vector.broadcast %add3A_1717 : i32 to vector<16xi32>
      %add3A_1719 = arith.addi %bitcast3A_1710, %add3A_1718 : vector<16xi32>
      %add3A_1720 = arith.addi %add3A_1719, %and3A_1716 : vector<16xi32>
      %and3A_1721 = arith.constant -65536 : i32
      %and3A_1722 = vector.broadcast %and3A_1721 : i32 to vector<16xi32>
      %and3A_1723 = arith.andi %add3A_1720, %and3A_1722 : vector<16xi32>
      %bitcast3A_1724 = vector.bitcast %and3A_1723 : vector<16xi32> to vector<16xf32>
      %mul3A_1725 = vector.broadcast %mul3A_50 : f32 to vector<16xf32>
      %mul3A_1726 = arith.mulf %mul3A_1725, %bitcast3A_1724 : vector<16xf32>
      %add3A_1727 = arith.addf %add3A_1705, %mul3A_1726 : vector<16xf32>
      %get3A_1728 = arith.constant 336 : index
      %get3A_1729 = tpu.vector_load %arg12[%get3A_1728] {strides = array<i32>} : memref<384xf32, #tpu.memory_space<vmem>>, vector<16xf32>,
      %mul3A_1730 = arith.constant 1.99298465E-5 : f32
      %mul3A_1731 = vector.broadcast %mul3A_1730 : f32 to vector<16xf32>
      %mul3A_1732 = arith.mulf %get3A_1729, %mul3A_1731 : vector<16xf32>
      %sub3A_1733 = arith.subf %add3A_1727, %mul3A_1732 : vector<16xf32>
      %abs3A_1734 = math.absf %sub3A_1733 : vector<16xf32>
      %neg3A_1735 = arith.constant 0.000000e+00 : f32
      %neg3A_1736 = vector.broadcast %neg3A_1735 : f32 to vector<16xf32>
      %neg3A_1737 = arith.subf %neg3A_1736, %abs3A_1734 : vector<16xf32>
      %swap3A_1738 = arith.constant 336 : index
      %swap3A_1739 = tpu.vector_load %arg13[%swap3A_1738] {strides = array<i32>} : memref<384xf32, #tpu.memory_space<vmem>>, vector<16xf32>,
      tpu.vector_store %arg13[%swap3A_1738], %neg3A_1737 {strides = array<i32>} : memref<384xf32, #tpu.memory_space<vmem>>, vector<16xf32>,
      %get3A_1740 = arith.constant 0 : i32
      %get3A_1741 = arith.index_cast %get3A_1740 : i32 to index
      %get3A_1742 = arith.constant 352 : index
      %get3A_1743 = tpu.vector_load %arg11[%get3A_1741, %get3A_1742] {strides = array<i32>} : memref<3x384xf32, #tpu.memory_space<vmem>>, vector<16xf32>,
      %bitcast3A_1744 = vector.bitcast %get3A_1743 : vector<16xf32> to vector<16xi32>
      %shift_right_logical3A_1745 = arith.constant 16 : i32
      %shift_right_logical3A_1746 = vector.broadcast %shift_right_logical3A_1745 : i32 to vector<16xi32>
      %shift_right_logical3A_1747 = arith.shrui %bitcast3A_1744, %shift_right_logical3A_1746 : vector<16xi32>
      %and3A_1748 = arith.constant 1 : i32
      %and3A_1749 = vector.broadcast %and3A_1748 : i32 to vector<16xi32>
      %and3A_1750 = arith.andi %shift_right_logical3A_1747, %and3A_1749 : vector<16xi32>
      %add3A_1751 = arith.constant 32767 : i32
      %add3A_1752 = vector.broadcast %add3A_1751 : i32 to vector<16xi32>
      %add3A_1753 = arith.addi %bitcast3A_1744, %add3A_1752 : vector<16xi32>
      %add3A_1754 = arith.addi %add3A_1753, %and3A_1750 : vector<16xi32>
      %and3A_1755 = arith.constant -65536 : i32
      %and3A_1756 = vector.broadcast %and3A_1755 : i32 to vector<16xi32>
      %and3A_1757 = arith.andi %add3A_1754, %and3A_1756 : vector<16xi32>
      %bitcast3A_1758 = vector.bitcast %and3A_1757 : vector<16xi32> to vector<16xf32>
      %mul3A_1759 = vector.broadcast %mul3A_20 : f32 to vector<16xf32>
      %mul3A_1760 = arith.mulf %mul3A_1759, %bitcast3A_1758 : vector<16xf32>
      %get3A_1761 = arith.constant 1 : i32
      %get3A_1762 = arith.index_cast %get3A_1761 : i32 to index
      %get3A_1763 = arith.constant 352 : index
      %get3A_1764 = tpu.vector_load %arg11[%get3A_1762, %get3A_1763] {strides = array<i32>} : memref<3x384xf32, #tpu.memory_space<vmem>>, vector<16xf32>,
      %bitcast3A_1765 = vector.bitcast %get3A_1764 : vector<16xf32> to vector<16xi32>
      %shift_right_logical3A_1766 = arith.constant 16 : i32
      %shift_right_logical3A_1767 = vector.broadcast %shift_right_logical3A_1766 : i32 to vector<16xi32>
      %shift_right_logical3A_1768 = arith.shrui %bitcast3A_1765, %shift_right_logical3A_1767 : vector<16xi32>
      %and3A_1769 = arith.constant 1 : i32
      %and3A_1770 = vector.broadcast %and3A_1769 : i32 to vector<16xi32>
      %and3A_1771 = arith.andi %shift_right_logical3A_1768, %and3A_1770 : vector<16xi32>
      %add3A_1772 = arith.constant 32767 : i32
      %add3A_1773 = vector.broadcast %add3A_1772 : i32 to vector<16xi32>
      %add3A_1774 = arith.addi %bitcast3A_1765, %add3A_1773 : vector<16xi32>
      %add3A_1775 = arith.addi %add3A_1774, %and3A_1771 : vector<16xi32>
      %and3A_1776 = arith.constant -65536 : i32
      %and3A_1777 = vector.broadcast %and3A_1776 : i32 to vector<16xi32>
      %and3A_1778 = arith.andi %add3A_1775, %and3A_1777 : vector<16xi32>
      %bitcast3A_1779 = vector.bitcast %and3A_1778 : vector<16xi32> to vector<16xf32>
      %mul3A_1780 = vector.broadcast %mul3A_35 : f32 to vector<16xf32>
      %mul3A_1781 = arith.mulf %mul3A_1780, %bitcast3A_1779 : vector<16xf32>
      %add3A_1782 = arith.addf %mul3A_1760, %mul3A_1781 : vector<16xf32>
      %get3A_1783 = arith.constant 2 : i32
      %get3A_1784 = arith.index_cast %get3A_1783 : i32 to index
      %get3A_1785 = arith.constant 352 : index
      %get3A_1786 = tpu.vector_load %arg11[%get3A_1784, %get3A_1785] {strides = array<i32>} : memref<3x384xf32, #tpu.memory_space<vmem>>, vector<16xf32>,
      %bitcast3A_1787 = vector.bitcast %get3A_1786 : vector<16xf32> to vector<16xi32>
      %shift_right_logical3A_1788 = arith.constant 16 : i32
      %shift_right_logical3A_1789 = vector.broadcast %shift_right_logical3A_1788 : i32 to vector<16xi32>
      %shift_right_logical3A_1790 = arith.shrui %bitcast3A_1787, %shift_right_logical3A_1789 : vector<16xi32>
      %and3A_1791 = arith.constant 1 : i32
      %and3A_1792 = vector.broadcast %and3A_1791 : i32 to vector<16xi32>
      %and3A_1793 = arith.andi %shift_right_logical3A_1790, %and3A_1792 : vector<16xi32>
      %add3A_1794 = arith.constant 32767 : i32
      %add3A_1795 = vector.broadcast %add3A_1794 : i32 to vector<16xi32>
      %add3A_1796 = arith.addi %bitcast3A_1787, %add3A_1795 : vector<16xi32>
      %add3A_1797 = arith.addi %add3A_1796, %and3A_1793 : vector<16xi32>
      %and3A_1798 = arith.constant -65536 : i32
      %and3A_1799 = vector.broadcast %and3A_1798 : i32 to vector<16xi32>
      %and3A_1800 = arith.andi %add3A_1797, %and3A_1799 : vector<16xi32>
      %bitcast3A_1801 = vector.bitcast %and3A_1800 : vector<16xi32> to vector<16xf32>
      %mul3A_1802 = vector.broadcast %mul3A_50 : f32 to vector<16xf32>
      %mul3A_1803 = arith.mulf %mul3A_1802, %bitcast3A_1801 : vector<16xf32>
      %add3A_1804 = arith.addf %add3A_1782, %mul3A_1803 : vector<16xf32>
      %get3A_1805 = arith.constant 352 : index
      %get3A_1806 = tpu.vector_load %arg12[%get3A_1805] {strides = array<i32>} : memref<384xf32, #tpu.memory_space<vmem>>, vector<16xf32>,
      %mul3A_1807 = arith.constant 1.99298465E-5 : f32
      %mul3A_1808 = vector.broadcast %mul3A_1807 : f32 to vector<16xf32>
      %mul3A_1809 = arith.mulf %get3A_1806, %mul3A_1808 : vector<16xf32>
      %sub3A_1810 = arith.subf %add3A_1804, %mul3A_1809 : vector<16xf32>
      %abs3A_1811 = math.absf %sub3A_1810 : vector<16xf32>
      %neg3A_1812 = arith.constant 0.000000e+00 : f32
      %neg3A_1813 = vector.broadcast %neg3A_1812 : f32 to vector<16xf32>
      %neg3A_1814 = arith.subf %neg3A_1813, %abs3A_1811 : vector<16xf32>
      %swap3A_1815 = arith.constant 352 : index
      %swap3A_1816 = tpu.vector_load %arg13[%swap3A_1815] {strides = array<i32>} : memref<384xf32, #tpu.memory_space<vmem>>, vector<16xf32>,
      tpu.vector_store %arg13[%swap3A_1815], %neg3A_1814 {strides = array<i32>} : memref<384xf32, #tpu.memory_space<vmem>>, vector<16xf32>,
      %get3A_1817 = arith.constant 0 : i32
      %get3A_1818 = arith.index_cast %get3A_1817 : i32 to index
      %get3A_1819 = arith.constant 368 : index
      %get3A_1820 = tpu.vector_load %arg11[%get3A_1818, %get3A_1819] {strides = array<i32>} : memref<3x384xf32, #tpu.memory_space<vmem>>, vector<16xf32>,
      %bitcast3A_1821 = vector.bitcast %get3A_1820 : vector<16xf32> to vector<16xi32>
      %shift_right_logical3A_1822 = arith.constant 16 : i32
      %shift_right_logical3A_1823 = vector.broadcast %shift_right_logical3A_1822 : i32 to vector<16xi32>
      %shift_right_logical3A_1824 = arith.shrui %bitcast3A_1821, %shift_right_logical3A_1823 : vector<16xi32>
      %and3A_1825 = arith.constant 1 : i32
      %and3A_1826 = vector.broadcast %and3A_1825 : i32 to vector<16xi32>
      %and3A_1827 = arith.andi %shift_right_logical3A_1824, %and3A_1826 : vector<16xi32>
      %add3A_1828 = arith.constant 32767 : i32
      %add3A_1829 = vector.broadcast %add3A_1828 : i32 to vector<16xi32>
      %add3A_1830 = arith.addi %bitcast3A_1821, %add3A_1829 : vector<16xi32>
      %add3A_1831 = arith.addi %add3A_1830, %and3A_1827 : vector<16xi32>
      %and3A_1832 = arith.constant -65536 : i32
      %and3A_1833 = vector.broadcast %and3A_1832 : i32 to vector<16xi32>
      %and3A_1834 = arith.andi %add3A_1831, %and3A_1833 : vector<16xi32>
      %bitcast3A_1835 = vector.bitcast %and3A_1834 : vector<16xi32> to vector<16xf32>
      %mul3A_1836 = vector.broadcast %mul3A_20 : f32 to vector<16xf32>
      %mul3A_1837 = arith.mulf %mul3A_1836, %bitcast3A_1835 : vector<16xf32>
      %get3A_1838 = arith.constant 1 : i32
      %get3A_1839 = arith.index_cast %get3A_1838 : i32 to index
      %get3A_1840 = arith.constant 368 : index
      %get3A_1841 = tpu.vector_load %arg11[%get3A_1839, %get3A_1840] {strides = array<i32>} : memref<3x384xf32, #tpu.memory_space<vmem>>, vector<16xf32>,
      %bitcast3A_1842 = vector.bitcast %get3A_1841 : vector<16xf32> to vector<16xi32>
      %shift_right_logical3A_1843 = arith.constant 16 : i32
      %shift_right_logical3A_1844 = vector.broadcast %shift_right_logical3A_1843 : i32 to vector<16xi32>
      %shift_right_logical3A_1845 = arith.shrui %bitcast3A_1842, %shift_right_logical3A_1844 : vector<16xi32>
      %and3A_1846 = arith.constant 1 : i32
      %and3A_1847 = vector.broadcast %and3A_1846 : i32 to vector<16xi32>
      %and3A_1848 = arith.andi %shift_right_logical3A_1845, %and3A_1847 : vector<16xi32>
      %add3A_1849 = arith.constant 32767 : i32
      %add3A_1850 = vector.broadcast %add3A_1849 : i32 to vector<16xi32>
      %add3A_1851 = arith.addi %bitcast3A_1842, %add3A_1850 : vector<16xi32>
      %add3A_1852 = arith.addi %add3A_1851, %and3A_1848 : vector<16xi32>
      %and3A_1853 = arith.constant -65536 : i32
      %and3A_1854 = vector.broadcast %and3A_1853 : i32 to vector<16xi32>
      %and3A_1855 = arith.andi %add3A_1852, %and3A_1854 : vector<16xi32>
      %bitcast3A_1856 = vector.bitcast %and3A_1855 : vector<16xi32> to vector<16xf32>
      %mul3A_1857 = vector.broadcast %mul3A_35 : f32 to vector<16xf32>
      %mul3A_1858 = arith.mulf %mul3A_1857, %bitcast3A_1856 : vector<16xf32>
      %add3A_1859 = arith.addf %mul3A_1837, %mul3A_1858 : vector<16xf32>
      %get3A_1860 = arith.constant 2 : i32
      %get3A_1861 = arith.index_cast %get3A_1860 : i32 to index
      %get3A_1862 = arith.constant 368 : index
      %get3A_1863 = tpu.vector_load %arg11[%get3A_1861, %get3A_1862] {strides = array<i32>} : memref<3x384xf32, #tpu.memory_space<vmem>>, vector<16xf32>,
      %bitcast3A_1864 = vector.bitcast %get3A_1863 : vector<16xf32> to vector<16xi32>
      %shift_right_logical3A_1865 = arith.constant 16 : i32
      %shift_right_logical3A_1866 = vector.broadcast %shift_right_logical3A_1865 : i32 to vector<16xi32>
      %shift_right_logical3A_1867 = arith.shrui %bitcast3A_1864, %shift_right_logical3A_1866 : vector<16xi32>
      %and3A_1868 = arith.constant 1 : i32
      %and3A_1869 = vector.broadcast %and3A_1868 : i32 to vector<16xi32>
      %and3A_1870 = arith.andi %shift_right_logical3A_1867, %and3A_1869 : vector<16xi32>
      %add3A_1871 = arith.constant 32767 : i32
      %add3A_1872 = vector.broadcast %add3A_1871 : i32 to vector<16xi32>
      %add3A_1873 = arith.addi %bitcast3A_1864, %add3A_1872 : vector<16xi32>
      %add3A_1874 = arith.addi %add3A_1873, %and3A_1870 : vector<16xi32>
      %and3A_1875 = arith.constant -65536 : i32
      %and3A_1876 = vector.broadcast %and3A_1875 : i32 to vector<16xi32>
      %and3A_1877 = arith.andi %add3A_1874, %and3A_1876 : vector<16xi32>
      %bitcast3A_1878 = vector.bitcast %and3A_1877 : vector<16xi32> to vector<16xf32>
      %mul3A_1879 = vector.broadcast %mul3A_50 : f32 to vector<16xf32>
      %mul3A_1880 = arith.mulf %mul3A_1879, %bitcast3A_1878 : vector<16xf32>
      %add3A_1881 = arith.addf %add3A_1859, %mul3A_1880 : vector<16xf32>
      %get3A_1882 = arith.constant 368 : index
      %get3A_1883 = tpu.vector_load %arg12[%get3A_1882] {strides = array<i32>} : memref<384xf32, #tpu.memory_space<vmem>>, vector<16xf32>,
      %mul3A_1884 = arith.constant 1.99298465E-5 : f32
      %mul3A_1885 = vector.broadcast %mul3A_1884 : f32 to vector<16xf32>
      %mul3A_1886 = arith.mulf %get3A_1883, %mul3A_1885 : vector<16xf32>
      %sub3A_1887 = arith.subf %add3A_1881, %mul3A_1886 : vector<16xf32>
      %abs3A_1888 = math.absf %sub3A_1887 : vector<16xf32>
      %neg3A_1889 = arith.constant 0.000000e+00 : f32
      %neg3A_1890 = vector.broadcast %neg3A_1889 : f32 to vector<16xf32>
      %neg3A_1891 = arith.subf %neg3A_1890, %abs3A_1888 : vector<16xf32>
      %swap3A_1892 = arith.constant 368 : index
      %swap3A_1893 = tpu.vector_load %arg13[%swap3A_1892] {strides = array<i32>} : memref<384xf32, #tpu.memory_space<vmem>>, vector<16xf32>,
      tpu.vector_store %arg13[%swap3A_1892], %neg3A_1891 {strides = array<i32>} : memref<384xf32, #tpu.memory_space<vmem>>, vector<16xf32>,
      %iota3A_1894 = tpu.iota {dimensions = array<i32: 0>} : vector<16xi32>
      %broadcast_in_dim3A_1895 = arith.constant 0xFF800000 : f32
      %broadcast_in_dim3A_1896 = vector.broadcast %broadcast_in_dim3A_1895 : f32 to vector<16xf32>
      %broadcast_in_dim3A_1897 = arith.constant 0 : i32
      %broadcast_in_dim3A_1898 = vector.broadcast %broadcast_in_dim3A_1897 : i32 to vector<16xi32>
      %broadcast_in_dim3A_1899 = arith.constant 0xFF800000 : f32
      %broadcast_in_dim3A_1900 = vector.broadcast %broadcast_in_dim3A_1899 : f32 to vector<16xf32>
      %broadcast_in_dim3A_1901 = arith.constant 1073741824 : i32
      %broadcast_in_dim3A_1902 = vector.broadcast %broadcast_in_dim3A_1901 : i32 to vector<16xi32>
      %scan3A = arith.constant -1 : i32
      %scan3A_1903 = arith.constant 0xFF800000 : f32
      %scan3A_1904 = arith.constant 0 : i32
      %scan3A_1905 = arith.constant 24 : i32
      %scan3A_1906 = arith.addi %scan3A_1904, %scan3A_1905 : i32
      %scan3A_1907 = arith.constant 1 : i32
      %scan3A_1908:2 = scf.for %scan3A_2222 = %scan3A_1904 to %scan3A_1906 step %scan3A_1907 iter_args(%scan3A_2223 = %broadcast_in_dim3A_1900, %scan3A_2224 = %broadcast_in_dim3A_1902) -> (vector<16xf32>, vector<16xi32>)  : i32 {
        %mul3A_2225 = arith.constant 16 : i32
        %mul3A_2226 = arith.muli %scan3A_2222, %mul3A_2225 : i32
        %get3A_2227 = arith.index_cast %mul3A_2226 : i32 to index
        %get3A_2228 = tpu.vector_load %arg13[%get3A_2227] {strides = array<i32>} : memref<384xf32, #tpu.memory_space<vmem>>, vector<16xf32>,
        %iota3A_2229 = tpu.iota {dimensions = array<i32: 0>} : vector<16xi32>
        %mul3A_2230 = arith.constant 16 : i32
        %mul3A_2231 = arith.muli %scan3A_2222, %mul3A_2230 : i32
        %add3A_2232 = vector.broadcast %mul3A_2231 : i32 to vector<16xi32>
        %add3A_2233 = arith.addi %iota3A_2229, %add3A_2232 : vector<16xi32>
        %eq3A_2234 = vector.broadcast %scan3A : i32 to vector<16xi32>
        %eq3A_2235 = arith.cmpi eq, %add3A_2233, %eq3A_2234 : vector<16xi32>
        %broadcast_in_dim3A_2236 = vector.broadcast %scan3A_1903 : f32 to vector<16xf32>
        %select_n3A_2237 = arith.select %eq3A_2235, %broadcast_in_dim3A_2236, %get3A_2228 : vector<16xi1>, vector<16xf32>
        %swap3A_2238 = arith.index_cast %mul3A_2226 : i32 to index
        %swap3A_2239 = tpu.vector_load %arg13[%swap3A_2238] {strides = array<i32>} : memref<384xf32, #tpu.memory_space<vmem>>, vector<16xf32>,
        tpu.vector_store %arg13[%swap3A_2238], %select_n3A_2237 {strides = array<i32>} : memref<384xf32, #tpu.memory_space<vmem>>, vector<16xf32>,
        %gt3A = arith.cmpf ogt, %select_n3A_2237, %scan3A_2223 : vector<16xf32>
        %eq3A_2240 = arith.cmpf oeq, %select_n3A_2237, %scan3A_2223 : vector<16xf32>
        %lt3A_2241 = arith.cmpi slt, %add3A_2233, %scan3A_2224 : vector<16xi32>
        %and3A_2242 = arith.andi %eq3A_2240, %lt3A_2241 : vector<16xi1>
        %or3A = arith.ori %gt3A, %and3A_2242 : vector<16xi1>
        %select_n3A_2243 = arith.select %or3A, %select_n3A_2237, %scan3A_2223 : vector<16xi1>, vector<16xf32>
        %select_n3A_2244 = arith.select %or3A, %add3A_2233, %scan3A_2224 : vector<16xi1>, vector<16xi32>
        scf.yield %select_n3A_2243, %select_n3A_2244 : vector<16xf32>, vector<16xi32>
      }
      %scan3A_1909 = arith.constant 24 : i32
      %reduce_max3A = arith.constant true
      %reduce_max3A_1910 = vector.broadcast %reduce_max3A : i1 to vector<16xi1>
      %reduce_max3A_1911 = tpu.scan <max>, %scan3A_1908#0 masked %reduce_max3A_1910 : vector<16xf32>, vector<16xi1> -> vector<16xf32>
      %reduce_max3A_1912 = vector.extract %reduce_max3A_1911[15] : f32 from vector<16xf32>
      %eq3A_1913 = vector.broadcast %reduce_max3A_1912 : f32 to vector<16xf32>
      %eq3A_1914 = arith.cmpf oeq, %scan3A_1908#0, %eq3A_1913 : vector<16xf32>
      %jit3A_1915 = arith.constant 1073741824 : i32
      %broadcast_in_dim3A_1916 = vector.broadcast %jit3A_1915 : i32 to vector<16xi32>
      %select_n3A_1917 = arith.select %eq3A_1914, %scan3A_1908#1, %broadcast_in_dim3A_1916 : vector<16xi1>, vector<16xi32>
      %reduce_min3A = arith.constant true
      %reduce_min3A_1918 = vector.broadcast %reduce_min3A : i1 to vector<16xi1>
      %reduce_min3A_1919 = arith.constant -2147483648 : i32
      %reduce_min3A_1920 = vector.broadcast %reduce_min3A_1919 : i32 to vector<16xi32>
      %reduce_min3A_1921 = arith.xori %select_n3A_1917, %reduce_min3A_1920 : vector<16xi32>
      %reduce_min3A_1922 = tpu.scan <min>, %reduce_min3A_1921 masked %reduce_min3A_1918 : vector<16xi32>, vector<16xi1> -> vector<16xi32>
      %reduce_min3A_1923 = arith.xori %reduce_min3A_1922, %reduce_min3A_1920 : vector<16xi32>
      %reduce_min3A_1924 = vector.extract %reduce_min3A_1923[15] : i32 from vector<16xi32>
      %eq3A_1925 = arith.constant 0 : i32
      %eq3A_1926 = vector.broadcast %eq3A_1925 : i32 to vector<16xi32>
      %eq3A_1927 = arith.cmpi eq, %iota3A_1894, %eq3A_1926 : vector<16xi32>
      %broadcast_in_dim3A_1928 = vector.broadcast %reduce_max3A_1912 : f32 to vector<16xf32>
      %select_n3A_1929 = arith.select %eq3A_1927, %broadcast_in_dim3A_1928, %broadcast_in_dim3A_1896 : vector<16xi1>, vector<16xf32>
      %eq3A_1930 = arith.constant 0 : i32
      %eq3A_1931 = vector.broadcast %eq3A_1930 : i32 to vector<16xi32>
      %eq3A_1932 = arith.cmpi eq, %iota3A_1894, %eq3A_1931 : vector<16xi32>
      %broadcast_in_dim3A_1933 = vector.broadcast %reduce_min3A_1924 : i32 to vector<16xi32>
      %select_n3A_1934 = arith.select %eq3A_1932, %broadcast_in_dim3A_1933, %broadcast_in_dim3A_1898 : vector<16xi1>, vector<16xi32>
      %broadcast_in_dim3A_1935 = arith.constant 0xFF800000 : f32
      %broadcast_in_dim3A_1936 = vector.broadcast %broadcast_in_dim3A_1935 : f32 to vector<16xf32>
      %broadcast_in_dim3A_1937 = arith.constant 1073741824 : i32
      %broadcast_in_dim3A_1938 = vector.broadcast %broadcast_in_dim3A_1937 : i32 to vector<16xi32>
      %scan3A_1939 = arith.constant 0xFF800000 : f32
      %scan3A_1940 = arith.constant 0 : i32
      %scan3A_1941 = arith.constant 24 : i32
      %scan3A_1942 = arith.addi %scan3A_1940, %scan3A_1941 : i32
      %scan3A_1943 = arith.constant 1 : i32
      %scan3A_1944:2 = scf.for %scan3A_2222 = %scan3A_1940 to %scan3A_1942 step %scan3A_1943 iter_args(%scan3A_2223 = %broadcast_in_dim3A_1936, %scan3A_2224 = %broadcast_in_dim3A_1938) -> (vector<16xf32>, vector<16xi32>)  : i32 {
        %mul3A_2225 = arith.constant 16 : i32
        %mul3A_2226 = arith.muli %scan3A_2222, %mul3A_2225 : i32
        %get3A_2227 = arith.index_cast %mul3A_2226 : i32 to index
        %get3A_2228 = tpu.vector_load %arg13[%get3A_2227] {strides = array<i32>} : memref<384xf32, #tpu.memory_space<vmem>>, vector<16xf32>,
        %iota3A_2229 = tpu.iota {dimensions = array<i32: 0>} : vector<16xi32>
        %mul3A_2230 = arith.constant 16 : i32
        %mul3A_2231 = arith.muli %scan3A_2222, %mul3A_2230 : i32
        %add3A_2232 = vector.broadcast %mul3A_2231 : i32 to vector<16xi32>
        %add3A_2233 = arith.addi %iota3A_2229, %add3A_2232 : vector<16xi32>
        %eq3A_2234 = vector.broadcast %reduce_min3A_1924 : i32 to vector<16xi32>
        %eq3A_2235 = arith.cmpi eq, %add3A_2233, %eq3A_2234 : vector<16xi32>
        %broadcast_in_dim3A_2236 = vector.broadcast %scan3A_1939 : f32 to vector<16xf32>
        %select_n3A_2237 = arith.select %eq3A_2235, %broadcast_in_dim3A_2236, %get3A_2228 : vector<16xi1>, vector<16xf32>
        %swap3A_2238 = arith.index_cast %mul3A_2226 : i32 to index
        %swap3A_2239 = tpu.vector_load %arg13[%swap3A_2238] {strides = array<i32>} : memref<384xf32, #tpu.memory_space<vmem>>, vector<16xf32>,
        tpu.vector_store %arg13[%swap3A_2238], %select_n3A_2237 {strides = array<i32>} : memref<384xf32, #tpu.memory_space<vmem>>, vector<16xf32>,
        %gt3A = arith.cmpf ogt, %select_n3A_2237, %scan3A_2223 : vector<16xf32>
        %eq3A_2240 = arith.cmpf oeq, %select_n3A_2237, %scan3A_2223 : vector<16xf32>
        %lt3A_2241 = arith.cmpi slt, %add3A_2233, %scan3A_2224 : vector<16xi32>
        %and3A_2242 = arith.andi %eq3A_2240, %lt3A_2241 : vector<16xi1>
        %or3A = arith.ori %gt3A, %and3A_2242 : vector<16xi1>
        %select_n3A_2243 = arith.select %or3A, %select_n3A_2237, %scan3A_2223 : vector<16xi1>, vector<16xf32>
        %select_n3A_2244 = arith.select %or3A, %add3A_2233, %scan3A_2224 : vector<16xi1>, vector<16xi32>
        scf.yield %select_n3A_2243, %select_n3A_2244 : vector<16xf32>, vector<16xi32>
      }
      %scan3A_1945 = arith.constant 24 : i32
      %reduce_max3A_1946 = arith.constant true
      %reduce_max3A_1947 = vector.broadcast %reduce_max3A_1946 : i1 to vector<16xi1>
      %reduce_max3A_1948 = tpu.scan <max>, %scan3A_1944#0 masked %reduce_max3A_1947 : vector<16xf32>, vector<16xi1> -> vector<16xf32>
      %reduce_max3A_1949 = vector.extract %reduce_max3A_1948[15] : f32 from vector<16xf32>
      %eq3A_1950 = vector.broadcast %reduce_max3A_1949 : f32 to vector<16xf32>
      %eq3A_1951 = arith.cmpf oeq, %scan3A_1944#0, %eq3A_1950 : vector<16xf32>
      %jit3A_1952 = arith.constant 1073741824 : i32
      %broadcast_in_dim3A_1953 = vector.broadcast %jit3A_1952 : i32 to vector<16xi32>
      %select_n3A_1954 = arith.select %eq3A_1951, %scan3A_1944#1, %broadcast_in_dim3A_1953 : vector<16xi1>, vector<16xi32>
      %reduce_min3A_1955 = arith.constant true
      %reduce_min3A_1956 = vector.broadcast %reduce_min3A_1955 : i1 to vector<16xi1>
      %reduce_min3A_1957 = arith.constant -2147483648 : i32
      %reduce_min3A_1958 = vector.broadcast %reduce_min3A_1957 : i32 to vector<16xi32>
      %reduce_min3A_1959 = arith.xori %select_n3A_1954, %reduce_min3A_1958 : vector<16xi32>
      %reduce_min3A_1960 = tpu.scan <min>, %reduce_min3A_1959 masked %reduce_min3A_1956 : vector<16xi32>, vector<16xi1> -> vector<16xi32>
      %reduce_min3A_1961 = arith.xori %reduce_min3A_1960, %reduce_min3A_1958 : vector<16xi32>
      %reduce_min3A_1962 = vector.extract %reduce_min3A_1961[15] : i32 from vector<16xi32>
      %eq3A_1963 = arith.constant 1 : i32
      %eq3A_1964 = vector.broadcast %eq3A_1963 : i32 to vector<16xi32>
      %eq3A_1965 = arith.cmpi eq, %iota3A_1894, %eq3A_1964 : vector<16xi32>
      %broadcast_in_dim3A_1966 = vector.broadcast %reduce_max3A_1949 : f32 to vector<16xf32>
      %select_n3A_1967 = arith.select %eq3A_1965, %broadcast_in_dim3A_1966, %select_n3A_1929 : vector<16xi1>, vector<16xf32>
      %eq3A_1968 = arith.constant 1 : i32
      %eq3A_1969 = vector.broadcast %eq3A_1968 : i32 to vector<16xi32>
      %eq3A_1970 = arith.cmpi eq, %iota3A_1894, %eq3A_1969 : vector<16xi32>
      %broadcast_in_dim3A_1971 = vector.broadcast %reduce_min3A_1962 : i32 to vector<16xi32>
      %select_n3A_1972 = arith.select %eq3A_1970, %broadcast_in_dim3A_1971, %select_n3A_1934 : vector<16xi1>, vector<16xi32>
      %broadcast_in_dim3A_1973 = arith.constant 0xFF800000 : f32
      %broadcast_in_dim3A_1974 = vector.broadcast %broadcast_in_dim3A_1973 : f32 to vector<16xf32>
      %broadcast_in_dim3A_1975 = arith.constant 1073741824 : i32
      %broadcast_in_dim3A_1976 = vector.broadcast %broadcast_in_dim3A_1975 : i32 to vector<16xi32>
      %scan3A_1977 = arith.constant 0xFF800000 : f32
      %scan3A_1978 = arith.constant 0 : i32
      %scan3A_1979 = arith.constant 24 : i32
      %scan3A_1980 = arith.addi %scan3A_1978, %scan3A_1979 : i32
      %scan3A_1981 = arith.constant 1 : i32
      %scan3A_1982:2 = scf.for %scan3A_2222 = %scan3A_1978 to %scan3A_1980 step %scan3A_1981 iter_args(%scan3A_2223 = %broadcast_in_dim3A_1974, %scan3A_2224 = %broadcast_in_dim3A_1976) -> (vector<16xf32>, vector<16xi32>)  : i32 {
        %mul3A_2225 = arith.constant 16 : i32
        %mul3A_2226 = arith.muli %scan3A_2222, %mul3A_2225 : i32
        %get3A_2227 = arith.index_cast %mul3A_2226 : i32 to index
        %get3A_2228 = tpu.vector_load %arg13[%get3A_2227] {strides = array<i32>} : memref<384xf32, #tpu.memory_space<vmem>>, vector<16xf32>,
        %iota3A_2229 = tpu.iota {dimensions = array<i32: 0>} : vector<16xi32>
        %mul3A_2230 = arith.constant 16 : i32
        %mul3A_2231 = arith.muli %scan3A_2222, %mul3A_2230 : i32
        %add3A_2232 = vector.broadcast %mul3A_2231 : i32 to vector<16xi32>
        %add3A_2233 = arith.addi %iota3A_2229, %add3A_2232 : vector<16xi32>
        %eq3A_2234 = vector.broadcast %reduce_min3A_1962 : i32 to vector<16xi32>
        %eq3A_2235 = arith.cmpi eq, %add3A_2233, %eq3A_2234 : vector<16xi32>
        %broadcast_in_dim3A_2236 = vector.broadcast %scan3A_1977 : f32 to vector<16xf32>
        %select_n3A_2237 = arith.select %eq3A_2235, %broadcast_in_dim3A_2236, %get3A_2228 : vector<16xi1>, vector<16xf32>
        %swap3A_2238 = arith.index_cast %mul3A_2226 : i32 to index
        %swap3A_2239 = tpu.vector_load %arg13[%swap3A_2238] {strides = array<i32>} : memref<384xf32, #tpu.memory_space<vmem>>, vector<16xf32>,
        tpu.vector_store %arg13[%swap3A_2238], %select_n3A_2237 {strides = array<i32>} : memref<384xf32, #tpu.memory_space<vmem>>, vector<16xf32>,
        %gt3A = arith.cmpf ogt, %select_n3A_2237, %scan3A_2223 : vector<16xf32>
        %eq3A_2240 = arith.cmpf oeq, %select_n3A_2237, %scan3A_2223 : vector<16xf32>
        %lt3A_2241 = arith.cmpi slt, %add3A_2233, %scan3A_2224 : vector<16xi32>
        %and3A_2242 = arith.andi %eq3A_2240, %lt3A_2241 : vector<16xi1>
        %or3A = arith.ori %gt3A, %and3A_2242 : vector<16xi1>
        %select_n3A_2243 = arith.select %or3A, %select_n3A_2237, %scan3A_2223 : vector<16xi1>, vector<16xf32>
        %select_n3A_2244 = arith.select %or3A, %add3A_2233, %scan3A_2224 : vector<16xi1>, vector<16xi32>
        scf.yield %select_n3A_2243, %select_n3A_2244 : vector<16xf32>, vector<16xi32>
      }
      %scan3A_1983 = arith.constant 24 : i32
      %reduce_max3A_1984 = arith.constant true
      %reduce_max3A_1985 = vector.broadcast %reduce_max3A_1984 : i1 to vector<16xi1>
      %reduce_max3A_1986 = tpu.scan <max>, %scan3A_1982#0 masked %reduce_max3A_1985 : vector<16xf32>, vector<16xi1> -> vector<16xf32>
      %reduce_max3A_1987 = vector.extract %reduce_max3A_1986[15] : f32 from vector<16xf32>
      %eq3A_1988 = vector.broadcast %reduce_max3A_1987 : f32 to vector<16xf32>
      %eq3A_1989 = arith.cmpf oeq, %scan3A_1982#0, %eq3A_1988 : vector<16xf32>
      %jit3A_1990 = arith.constant 1073741824 : i32
      %broadcast_in_dim3A_1991 = vector.broadcast %jit3A_1990 : i32 to vector<16xi32>
      %select_n3A_1992 = arith.select %eq3A_1989, %scan3A_1982#1, %broadcast_in_dim3A_1991 : vector<16xi1>, vector<16xi32>
      %reduce_min3A_1993 = arith.constant true
      %reduce_min3A_1994 = vector.broadcast %reduce_min3A_1993 : i1 to vector<16xi1>
      %reduce_min3A_1995 = arith.constant -2147483648 : i32
      %reduce_min3A_1996 = vector.broadcast %reduce_min3A_1995 : i32 to vector<16xi32>
      %reduce_min3A_1997 = arith.xori %select_n3A_1992, %reduce_min3A_1996 : vector<16xi32>
      %reduce_min3A_1998 = tpu.scan <min>, %reduce_min3A_1997 masked %reduce_min3A_1994 : vector<16xi32>, vector<16xi1> -> vector<16xi32>
      %reduce_min3A_1999 = arith.xori %reduce_min3A_1998, %reduce_min3A_1996 : vector<16xi32>
      %reduce_min3A_2000 = vector.extract %reduce_min3A_1999[15] : i32 from vector<16xi32>
      %eq3A_2001 = arith.constant 2 : i32
      %eq3A_2002 = vector.broadcast %eq3A_2001 : i32 to vector<16xi32>
      %eq3A_2003 = arith.cmpi eq, %iota3A_1894, %eq3A_2002 : vector<16xi32>
      %broadcast_in_dim3A_2004 = vector.broadcast %reduce_max3A_1987 : f32 to vector<16xf32>
      %select_n3A_2005 = arith.select %eq3A_2003, %broadcast_in_dim3A_2004, %select_n3A_1967 : vector<16xi1>, vector<16xf32>
      %eq3A_2006 = arith.constant 2 : i32
      %eq3A_2007 = vector.broadcast %eq3A_2006 : i32 to vector<16xi32>
      %eq3A_2008 = arith.cmpi eq, %iota3A_1894, %eq3A_2007 : vector<16xi32>
      %broadcast_in_dim3A_2009 = vector.broadcast %reduce_min3A_2000 : i32 to vector<16xi32>
      %select_n3A_2010 = arith.select %eq3A_2008, %broadcast_in_dim3A_2009, %select_n3A_1972 : vector<16xi1>, vector<16xi32>
      %broadcast_in_dim3A_2011 = arith.constant 0xFF800000 : f32
      %broadcast_in_dim3A_2012 = vector.broadcast %broadcast_in_dim3A_2011 : f32 to vector<16xf32>
      %broadcast_in_dim3A_2013 = arith.constant 1073741824 : i32
      %broadcast_in_dim3A_2014 = vector.broadcast %broadcast_in_dim3A_2013 : i32 to vector<16xi32>
      %scan3A_2015 = arith.constant 0xFF800000 : f32
      %scan3A_2016 = arith.constant 0 : i32
      %scan3A_2017 = arith.constant 24 : i32
      %scan3A_2018 = arith.addi %scan3A_2016, %scan3A_2017 : i32
      %scan3A_2019 = arith.constant 1 : i32
      %scan3A_2020:2 = scf.for %scan3A_2222 = %scan3A_2016 to %scan3A_2018 step %scan3A_2019 iter_args(%scan3A_2223 = %broadcast_in_dim3A_2012, %scan3A_2224 = %broadcast_in_dim3A_2014) -> (vector<16xf32>, vector<16xi32>)  : i32 {
        %mul3A_2225 = arith.constant 16 : i32
        %mul3A_2226 = arith.muli %scan3A_2222, %mul3A_2225 : i32
        %get3A_2227 = arith.index_cast %mul3A_2226 : i32 to index
        %get3A_2228 = tpu.vector_load %arg13[%get3A_2227] {strides = array<i32>} : memref<384xf32, #tpu.memory_space<vmem>>, vector<16xf32>,
        %iota3A_2229 = tpu.iota {dimensions = array<i32: 0>} : vector<16xi32>
        %mul3A_2230 = arith.constant 16 : i32
        %mul3A_2231 = arith.muli %scan3A_2222, %mul3A_2230 : i32
        %add3A_2232 = vector.broadcast %mul3A_2231 : i32 to vector<16xi32>
        %add3A_2233 = arith.addi %iota3A_2229, %add3A_2232 : vector<16xi32>
        %eq3A_2234 = vector.broadcast %reduce_min3A_2000 : i32 to vector<16xi32>
        %eq3A_2235 = arith.cmpi eq, %add3A_2233, %eq3A_2234 : vector<16xi32>
        %broadcast_in_dim3A_2236 = vector.broadcast %scan3A_2015 : f32 to vector<16xf32>
        %select_n3A_2237 = arith.select %eq3A_2235, %broadcast_in_dim3A_2236, %get3A_2228 : vector<16xi1>, vector<16xf32>
        %swap3A_2238 = arith.index_cast %mul3A_2226 : i32 to index
        %swap3A_2239 = tpu.vector_load %arg13[%swap3A_2238] {strides = array<i32>} : memref<384xf32, #tpu.memory_space<vmem>>, vector<16xf32>,
        tpu.vector_store %arg13[%swap3A_2238], %select_n3A_2237 {strides = array<i32>} : memref<384xf32, #tpu.memory_space<vmem>>, vector<16xf32>,
        %gt3A = arith.cmpf ogt, %select_n3A_2237, %scan3A_2223 : vector<16xf32>
        %eq3A_2240 = arith.cmpf oeq, %select_n3A_2237, %scan3A_2223 : vector<16xf32>
        %lt3A_2241 = arith.cmpi slt, %add3A_2233, %scan3A_2224 : vector<16xi32>
        %and3A_2242 = arith.andi %eq3A_2240, %lt3A_2241 : vector<16xi1>
        %or3A = arith.ori %gt3A, %and3A_2242 : vector<16xi1>
        %select_n3A_2243 = arith.select %or3A, %select_n3A_2237, %scan3A_2223 : vector<16xi1>, vector<16xf32>
        %select_n3A_2244 = arith.select %or3A, %add3A_2233, %scan3A_2224 : vector<16xi1>, vector<16xi32>
        scf.yield %select_n3A_2243, %select_n3A_2244 : vector<16xf32>, vector<16xi32>
      }
      %scan3A_2021 = arith.constant 24 : i32
      %reduce_max3A_2022 = arith.constant true
      %reduce_max3A_2023 = vector.broadcast %reduce_max3A_2022 : i1 to vector<16xi1>
      %reduce_max3A_2024 = tpu.scan <max>, %scan3A_2020#0 masked %reduce_max3A_2023 : vector<16xf32>, vector<16xi1> -> vector<16xf32>
      %reduce_max3A_2025 = vector.extract %reduce_max3A_2024[15] : f32 from vector<16xf32>
      %eq3A_2026 = vector.broadcast %reduce_max3A_2025 : f32 to vector<16xf32>
      %eq3A_2027 = arith.cmpf oeq, %scan3A_2020#0, %eq3A_2026 : vector<16xf32>
      %jit3A_2028 = arith.constant 1073741824 : i32
      %broadcast_in_dim3A_2029 = vector.broadcast %jit3A_2028 : i32 to vector<16xi32>
      %select_n3A_2030 = arith.select %eq3A_2027, %scan3A_2020#1, %broadcast_in_dim3A_2029 : vector<16xi1>, vector<16xi32>
      %reduce_min3A_2031 = arith.constant true
      %reduce_min3A_2032 = vector.broadcast %reduce_min3A_2031 : i1 to vector<16xi1>
      %reduce_min3A_2033 = arith.constant -2147483648 : i32
      %reduce_min3A_2034 = vector.broadcast %reduce_min3A_2033 : i32 to vector<16xi32>
      %reduce_min3A_2035 = arith.xori %select_n3A_2030, %reduce_min3A_2034 : vector<16xi32>
      %reduce_min3A_2036 = tpu.scan <min>, %reduce_min3A_2035 masked %reduce_min3A_2032 : vector<16xi32>, vector<16xi1> -> vector<16xi32>
      %reduce_min3A_2037 = arith.xori %reduce_min3A_2036, %reduce_min3A_2034 : vector<16xi32>
      %reduce_min3A_2038 = vector.extract %reduce_min3A_2037[15] : i32 from vector<16xi32>
      %eq3A_2039 = arith.constant 3 : i32
      %eq3A_2040 = vector.broadcast %eq3A_2039 : i32 to vector<16xi32>
      %eq3A_2041 = arith.cmpi eq, %iota3A_1894, %eq3A_2040 : vector<16xi32>
      %broadcast_in_dim3A_2042 = vector.broadcast %reduce_max3A_2025 : f32 to vector<16xf32>
      %select_n3A_2043 = arith.select %eq3A_2041, %broadcast_in_dim3A_2042, %select_n3A_2005 : vector<16xi1>, vector<16xf32>
      %eq3A_2044 = arith.constant 3 : i32
      %eq3A_2045 = vector.broadcast %eq3A_2044 : i32 to vector<16xi32>
      %eq3A_2046 = arith.cmpi eq, %iota3A_1894, %eq3A_2045 : vector<16xi32>
      %broadcast_in_dim3A_2047 = vector.broadcast %reduce_min3A_2038 : i32 to vector<16xi32>
      %select_n3A_2048 = arith.select %eq3A_2046, %broadcast_in_dim3A_2047, %select_n3A_2010 : vector<16xi1>, vector<16xi32>
      %broadcast_in_dim3A_2049 = arith.constant 0xFF800000 : f32
      %broadcast_in_dim3A_2050 = vector.broadcast %broadcast_in_dim3A_2049 : f32 to vector<16xf32>
      %broadcast_in_dim3A_2051 = arith.constant 1073741824 : i32
      %broadcast_in_dim3A_2052 = vector.broadcast %broadcast_in_dim3A_2051 : i32 to vector<16xi32>
      %scan3A_2053 = arith.constant 0xFF800000 : f32
      %scan3A_2054 = arith.constant 0 : i32
      %scan3A_2055 = arith.constant 24 : i32
      %scan3A_2056 = arith.addi %scan3A_2054, %scan3A_2055 : i32
      %scan3A_2057 = arith.constant 1 : i32
      %scan3A_2058:2 = scf.for %scan3A_2222 = %scan3A_2054 to %scan3A_2056 step %scan3A_2057 iter_args(%scan3A_2223 = %broadcast_in_dim3A_2050, %scan3A_2224 = %broadcast_in_dim3A_2052) -> (vector<16xf32>, vector<16xi32>)  : i32 {
        %mul3A_2225 = arith.constant 16 : i32
        %mul3A_2226 = arith.muli %scan3A_2222, %mul3A_2225 : i32
        %get3A_2227 = arith.index_cast %mul3A_2226 : i32 to index
        %get3A_2228 = tpu.vector_load %arg13[%get3A_2227] {strides = array<i32>} : memref<384xf32, #tpu.memory_space<vmem>>, vector<16xf32>,
        %iota3A_2229 = tpu.iota {dimensions = array<i32: 0>} : vector<16xi32>
        %mul3A_2230 = arith.constant 16 : i32
        %mul3A_2231 = arith.muli %scan3A_2222, %mul3A_2230 : i32
        %add3A_2232 = vector.broadcast %mul3A_2231 : i32 to vector<16xi32>
        %add3A_2233 = arith.addi %iota3A_2229, %add3A_2232 : vector<16xi32>
        %eq3A_2234 = vector.broadcast %reduce_min3A_2038 : i32 to vector<16xi32>
        %eq3A_2235 = arith.cmpi eq, %add3A_2233, %eq3A_2234 : vector<16xi32>
        %broadcast_in_dim3A_2236 = vector.broadcast %scan3A_2053 : f32 to vector<16xf32>
        %select_n3A_2237 = arith.select %eq3A_2235, %broadcast_in_dim3A_2236, %get3A_2228 : vector<16xi1>, vector<16xf32>
        %swap3A_2238 = arith.index_cast %mul3A_2226 : i32 to index
        %swap3A_2239 = tpu.vector_load %arg13[%swap3A_2238] {strides = array<i32>} : memref<384xf32, #tpu.memory_space<vmem>>, vector<16xf32>,
        tpu.vector_store %arg13[%swap3A_2238], %select_n3A_2237 {strides = array<i32>} : memref<384xf32, #tpu.memory_space<vmem>>, vector<16xf32>,
        %gt3A = arith.cmpf ogt, %select_n3A_2237, %scan3A_2223 : vector<16xf32>
        %eq3A_2240 = arith.cmpf oeq, %select_n3A_2237, %scan3A_2223 : vector<16xf32>
        %lt3A_2241 = arith.cmpi slt, %add3A_2233, %scan3A_2224 : vector<16xi32>
        %and3A_2242 = arith.andi %eq3A_2240, %lt3A_2241 : vector<16xi1>
        %or3A = arith.ori %gt3A, %and3A_2242 : vector<16xi1>
        %select_n3A_2243 = arith.select %or3A, %select_n3A_2237, %scan3A_2223 : vector<16xi1>, vector<16xf32>
        %select_n3A_2244 = arith.select %or3A, %add3A_2233, %scan3A_2224 : vector<16xi1>, vector<16xi32>
        scf.yield %select_n3A_2243, %select_n3A_2244 : vector<16xf32>, vector<16xi32>
      }
      %scan3A_2059 = arith.constant 24 : i32
      %reduce_max3A_2060 = arith.constant true
      %reduce_max3A_2061 = vector.broadcast %reduce_max3A_2060 : i1 to vector<16xi1>
      %reduce_max3A_2062 = tpu.scan <max>, %scan3A_2058#0 masked %reduce_max3A_2061 : vector<16xf32>, vector<16xi1> -> vector<16xf32>
      %reduce_max3A_2063 = vector.extract %reduce_max3A_2062[15] : f32 from vector<16xf32>
      %eq3A_2064 = vector.broadcast %reduce_max3A_2063 : f32 to vector<16xf32>
      %eq3A_2065 = arith.cmpf oeq, %scan3A_2058#0, %eq3A_2064 : vector<16xf32>
      %jit3A_2066 = arith.constant 1073741824 : i32
      %broadcast_in_dim3A_2067 = vector.broadcast %jit3A_2066 : i32 to vector<16xi32>
      %select_n3A_2068 = arith.select %eq3A_2065, %scan3A_2058#1, %broadcast_in_dim3A_2067 : vector<16xi1>, vector<16xi32>
      %reduce_min3A_2069 = arith.constant true
      %reduce_min3A_2070 = vector.broadcast %reduce_min3A_2069 : i1 to vector<16xi1>
      %reduce_min3A_2071 = arith.constant -2147483648 : i32
      %reduce_min3A_2072 = vector.broadcast %reduce_min3A_2071 : i32 to vector<16xi32>
      %reduce_min3A_2073 = arith.xori %select_n3A_2068, %reduce_min3A_2072 : vector<16xi32>
      %reduce_min3A_2074 = tpu.scan <min>, %reduce_min3A_2073 masked %reduce_min3A_2070 : vector<16xi32>, vector<16xi1> -> vector<16xi32>
      %reduce_min3A_2075 = arith.xori %reduce_min3A_2074, %reduce_min3A_2072 : vector<16xi32>
      %reduce_min3A_2076 = vector.extract %reduce_min3A_2075[15] : i32 from vector<16xi32>
      %eq3A_2077 = arith.constant 4 : i32
      %eq3A_2078 = vector.broadcast %eq3A_2077 : i32 to vector<16xi32>
      %eq3A_2079 = arith.cmpi eq, %iota3A_1894, %eq3A_2078 : vector<16xi32>
      %broadcast_in_dim3A_2080 = vector.broadcast %reduce_max3A_2063 : f32 to vector<16xf32>
      %select_n3A_2081 = arith.select %eq3A_2079, %broadcast_in_dim3A_2080, %select_n3A_2043 : vector<16xi1>, vector<16xf32>
      %eq3A_2082 = arith.constant 4 : i32
      %eq3A_2083 = vector.broadcast %eq3A_2082 : i32 to vector<16xi32>
      %eq3A_2084 = arith.cmpi eq, %iota3A_1894, %eq3A_2083 : vector<16xi32>
      %broadcast_in_dim3A_2085 = vector.broadcast %reduce_min3A_2076 : i32 to vector<16xi32>
      %select_n3A_2086 = arith.select %eq3A_2084, %broadcast_in_dim3A_2085, %select_n3A_2048 : vector<16xi1>, vector<16xi32>
      %broadcast_in_dim3A_2087 = arith.constant 0xFF800000 : f32
      %broadcast_in_dim3A_2088 = vector.broadcast %broadcast_in_dim3A_2087 : f32 to vector<16xf32>
      %broadcast_in_dim3A_2089 = arith.constant 1073741824 : i32
      %broadcast_in_dim3A_2090 = vector.broadcast %broadcast_in_dim3A_2089 : i32 to vector<16xi32>
      %scan3A_2091 = arith.constant 0xFF800000 : f32
      %scan3A_2092 = arith.constant 0 : i32
      %scan3A_2093 = arith.constant 24 : i32
      %scan3A_2094 = arith.addi %scan3A_2092, %scan3A_2093 : i32
      %scan3A_2095 = arith.constant 1 : i32
      %scan3A_2096:2 = scf.for %scan3A_2222 = %scan3A_2092 to %scan3A_2094 step %scan3A_2095 iter_args(%scan3A_2223 = %broadcast_in_dim3A_2088, %scan3A_2224 = %broadcast_in_dim3A_2090) -> (vector<16xf32>, vector<16xi32>)  : i32 {
        %mul3A_2225 = arith.constant 16 : i32
        %mul3A_2226 = arith.muli %scan3A_2222, %mul3A_2225 : i32
        %get3A_2227 = arith.index_cast %mul3A_2226 : i32 to index
        %get3A_2228 = tpu.vector_load %arg13[%get3A_2227] {strides = array<i32>} : memref<384xf32, #tpu.memory_space<vmem>>, vector<16xf32>,
        %iota3A_2229 = tpu.iota {dimensions = array<i32: 0>} : vector<16xi32>
        %mul3A_2230 = arith.constant 16 : i32
        %mul3A_2231 = arith.muli %scan3A_2222, %mul3A_2230 : i32
        %add3A_2232 = vector.broadcast %mul3A_2231 : i32 to vector<16xi32>
        %add3A_2233 = arith.addi %iota3A_2229, %add3A_2232 : vector<16xi32>
        %eq3A_2234 = vector.broadcast %reduce_min3A_2076 : i32 to vector<16xi32>
        %eq3A_2235 = arith.cmpi eq, %add3A_2233, %eq3A_2234 : vector<16xi32>
        %broadcast_in_dim3A_2236 = vector.broadcast %scan3A_2091 : f32 to vector<16xf32>
        %select_n3A_2237 = arith.select %eq3A_2235, %broadcast_in_dim3A_2236, %get3A_2228 : vector<16xi1>, vector<16xf32>
        %swap3A_2238 = arith.index_cast %mul3A_2226 : i32 to index
        %swap3A_2239 = tpu.vector_load %arg13[%swap3A_2238] {strides = array<i32>} : memref<384xf32, #tpu.memory_space<vmem>>, vector<16xf32>,
        tpu.vector_store %arg13[%swap3A_2238], %select_n3A_2237 {strides = array<i32>} : memref<384xf32, #tpu.memory_space<vmem>>, vector<16xf32>,
        %gt3A = arith.cmpf ogt, %select_n3A_2237, %scan3A_2223 : vector<16xf32>
        %eq3A_2240 = arith.cmpf oeq, %select_n3A_2237, %scan3A_2223 : vector<16xf32>
        %lt3A_2241 = arith.cmpi slt, %add3A_2233, %scan3A_2224 : vector<16xi32>
        %and3A_2242 = arith.andi %eq3A_2240, %lt3A_2241 : vector<16xi1>
        %or3A = arith.ori %gt3A, %and3A_2242 : vector<16xi1>
        %select_n3A_2243 = arith.select %or3A, %select_n3A_2237, %scan3A_2223 : vector<16xi1>, vector<16xf32>
        %select_n3A_2244 = arith.select %or3A, %add3A_2233, %scan3A_2224 : vector<16xi1>, vector<16xi32>
        scf.yield %select_n3A_2243, %select_n3A_2244 : vector<16xf32>, vector<16xi32>
      }
      %scan3A_2097 = arith.constant 24 : i32
      %reduce_max3A_2098 = arith.constant true
      %reduce_max3A_2099 = vector.broadcast %reduce_max3A_2098 : i1 to vector<16xi1>
      %reduce_max3A_2100 = tpu.scan <max>, %scan3A_2096#0 masked %reduce_max3A_2099 : vector<16xf32>, vector<16xi1> -> vector<16xf32>
      %reduce_max3A_2101 = vector.extract %reduce_max3A_2100[15] : f32 from vector<16xf32>
      %eq3A_2102 = vector.broadcast %reduce_max3A_2101 : f32 to vector<16xf32>
      %eq3A_2103 = arith.cmpf oeq, %scan3A_2096#0, %eq3A_2102 : vector<16xf32>
      %jit3A_2104 = arith.constant 1073741824 : i32
      %broadcast_in_dim3A_2105 = vector.broadcast %jit3A_2104 : i32 to vector<16xi32>
      %select_n3A_2106 = arith.select %eq3A_2103, %scan3A_2096#1, %broadcast_in_dim3A_2105 : vector<16xi1>, vector<16xi32>
      %reduce_min3A_2107 = arith.constant true
      %reduce_min3A_2108 = vector.broadcast %reduce_min3A_2107 : i1 to vector<16xi1>
      %reduce_min3A_2109 = arith.constant -2147483648 : i32
      %reduce_min3A_2110 = vector.broadcast %reduce_min3A_2109 : i32 to vector<16xi32>
      %reduce_min3A_2111 = arith.xori %select_n3A_2106, %reduce_min3A_2110 : vector<16xi32>
      %reduce_min3A_2112 = tpu.scan <min>, %reduce_min3A_2111 masked %reduce_min3A_2108 : vector<16xi32>, vector<16xi1> -> vector<16xi32>
      %reduce_min3A_2113 = arith.xori %reduce_min3A_2112, %reduce_min3A_2110 : vector<16xi32>
      %reduce_min3A_2114 = vector.extract %reduce_min3A_2113[15] : i32 from vector<16xi32>
      %eq3A_2115 = arith.constant 5 : i32
      %eq3A_2116 = vector.broadcast %eq3A_2115 : i32 to vector<16xi32>
      %eq3A_2117 = arith.cmpi eq, %iota3A_1894, %eq3A_2116 : vector<16xi32>
      %broadcast_in_dim3A_2118 = vector.broadcast %reduce_max3A_2101 : f32 to vector<16xf32>
      %select_n3A_2119 = arith.select %eq3A_2117, %broadcast_in_dim3A_2118, %select_n3A_2081 : vector<16xi1>, vector<16xf32>
      %eq3A_2120 = arith.constant 5 : i32
      %eq3A_2121 = vector.broadcast %eq3A_2120 : i32 to vector<16xi32>
      %eq3A_2122 = arith.cmpi eq, %iota3A_1894, %eq3A_2121 : vector<16xi32>
      %broadcast_in_dim3A_2123 = vector.broadcast %reduce_min3A_2114 : i32 to vector<16xi32>
      %select_n3A_2124 = arith.select %eq3A_2122, %broadcast_in_dim3A_2123, %select_n3A_2086 : vector<16xi1>, vector<16xi32>
      %broadcast_in_dim3A_2125 = arith.constant 0xFF800000 : f32
      %broadcast_in_dim3A_2126 = vector.broadcast %broadcast_in_dim3A_2125 : f32 to vector<16xf32>
      %broadcast_in_dim3A_2127 = arith.constant 1073741824 : i32
      %broadcast_in_dim3A_2128 = vector.broadcast %broadcast_in_dim3A_2127 : i32 to vector<16xi32>
      %scan3A_2129 = arith.constant 0xFF800000 : f32
      %scan3A_2130 = arith.constant 0 : i32
      %scan3A_2131 = arith.constant 24 : i32
      %scan3A_2132 = arith.addi %scan3A_2130, %scan3A_2131 : i32
      %scan3A_2133 = arith.constant 1 : i32
      %scan3A_2134:2 = scf.for %scan3A_2222 = %scan3A_2130 to %scan3A_2132 step %scan3A_2133 iter_args(%scan3A_2223 = %broadcast_in_dim3A_2126, %scan3A_2224 = %broadcast_in_dim3A_2128) -> (vector<16xf32>, vector<16xi32>)  : i32 {
        %mul3A_2225 = arith.constant 16 : i32
        %mul3A_2226 = arith.muli %scan3A_2222, %mul3A_2225 : i32
        %get3A_2227 = arith.index_cast %mul3A_2226 : i32 to index
        %get3A_2228 = tpu.vector_load %arg13[%get3A_2227] {strides = array<i32>} : memref<384xf32, #tpu.memory_space<vmem>>, vector<16xf32>,
        %iota3A_2229 = tpu.iota {dimensions = array<i32: 0>} : vector<16xi32>
        %mul3A_2230 = arith.constant 16 : i32
        %mul3A_2231 = arith.muli %scan3A_2222, %mul3A_2230 : i32
        %add3A_2232 = vector.broadcast %mul3A_2231 : i32 to vector<16xi32>
        %add3A_2233 = arith.addi %iota3A_2229, %add3A_2232 : vector<16xi32>
        %eq3A_2234 = vector.broadcast %reduce_min3A_2114 : i32 to vector<16xi32>
        %eq3A_2235 = arith.cmpi eq, %add3A_2233, %eq3A_2234 : vector<16xi32>
        %broadcast_in_dim3A_2236 = vector.broadcast %scan3A_2129 : f32 to vector<16xf32>
        %select_n3A_2237 = arith.select %eq3A_2235, %broadcast_in_dim3A_2236, %get3A_2228 : vector<16xi1>, vector<16xf32>
        %swap3A_2238 = arith.index_cast %mul3A_2226 : i32 to index
        %swap3A_2239 = tpu.vector_load %arg13[%swap3A_2238] {strides = array<i32>} : memref<384xf32, #tpu.memory_space<vmem>>, vector<16xf32>,
        tpu.vector_store %arg13[%swap3A_2238], %select_n3A_2237 {strides = array<i32>} : memref<384xf32, #tpu.memory_space<vmem>>, vector<16xf32>,
        %gt3A = arith.cmpf ogt, %select_n3A_2237, %scan3A_2223 : vector<16xf32>
        %eq3A_2240 = arith.cmpf oeq, %select_n3A_2237, %scan3A_2223 : vector<16xf32>
        %lt3A_2241 = arith.cmpi slt, %add3A_2233, %scan3A_2224 : vector<16xi32>
        %and3A_2242 = arith.andi %eq3A_2240, %lt3A_2241 : vector<16xi1>
        %or3A = arith.ori %gt3A, %and3A_2242 : vector<16xi1>
        %select_n3A_2243 = arith.select %or3A, %select_n3A_2237, %scan3A_2223 : vector<16xi1>, vector<16xf32>
        %select_n3A_2244 = arith.select %or3A, %add3A_2233, %scan3A_2224 : vector<16xi1>, vector<16xi32>
        scf.yield %select_n3A_2243, %select_n3A_2244 : vector<16xf32>, vector<16xi32>
      }
      %scan3A_2135 = arith.constant 24 : i32
      %reduce_max3A_2136 = arith.constant true
      %reduce_max3A_2137 = vector.broadcast %reduce_max3A_2136 : i1 to vector<16xi1>
      %reduce_max3A_2138 = tpu.scan <max>, %scan3A_2134#0 masked %reduce_max3A_2137 : vector<16xf32>, vector<16xi1> -> vector<16xf32>
      %reduce_max3A_2139 = vector.extract %reduce_max3A_2138[15] : f32 from vector<16xf32>
      %eq3A_2140 = vector.broadcast %reduce_max3A_2139 : f32 to vector<16xf32>
      %eq3A_2141 = arith.cmpf oeq, %scan3A_2134#0, %eq3A_2140 : vector<16xf32>
      %jit3A_2142 = arith.constant 1073741824 : i32
      %broadcast_in_dim3A_2143 = vector.broadcast %jit3A_2142 : i32 to vector<16xi32>
      %select_n3A_2144 = arith.select %eq3A_2141, %scan3A_2134#1, %broadcast_in_dim3A_2143 : vector<16xi1>, vector<16xi32>
      %reduce_min3A_2145 = arith.constant true
      %reduce_min3A_2146 = vector.broadcast %reduce_min3A_2145 : i1 to vector<16xi1>
      %reduce_min3A_2147 = arith.constant -2147483648 : i32
      %reduce_min3A_2148 = vector.broadcast %reduce_min3A_2147 : i32 to vector<16xi32>
      %reduce_min3A_2149 = arith.xori %select_n3A_2144, %reduce_min3A_2148 : vector<16xi32>
      %reduce_min3A_2150 = tpu.scan <min>, %reduce_min3A_2149 masked %reduce_min3A_2146 : vector<16xi32>, vector<16xi1> -> vector<16xi32>
      %reduce_min3A_2151 = arith.xori %reduce_min3A_2150, %reduce_min3A_2148 : vector<16xi32>
      %reduce_min3A_2152 = vector.extract %reduce_min3A_2151[15] : i32 from vector<16xi32>
      %eq3A_2153 = arith.constant 6 : i32
      %eq3A_2154 = vector.broadcast %eq3A_2153 : i32 to vector<16xi32>
      %eq3A_2155 = arith.cmpi eq, %iota3A_1894, %eq3A_2154 : vector<16xi32>
      %broadcast_in_dim3A_2156 = vector.broadcast %reduce_max3A_2139 : f32 to vector<16xf32>
      %select_n3A_2157 = arith.select %eq3A_2155, %broadcast_in_dim3A_2156, %select_n3A_2119 : vector<16xi1>, vector<16xf32>
      %eq3A_2158 = arith.constant 6 : i32
      %eq3A_2159 = vector.broadcast %eq3A_2158 : i32 to vector<16xi32>
      %eq3A_2160 = arith.cmpi eq, %iota3A_1894, %eq3A_2159 : vector<16xi32>
      %broadcast_in_dim3A_2161 = vector.broadcast %reduce_min3A_2152 : i32 to vector<16xi32>
      %select_n3A_2162 = arith.select %eq3A_2160, %broadcast_in_dim3A_2161, %select_n3A_2124 : vector<16xi1>, vector<16xi32>
      %broadcast_in_dim3A_2163 = arith.constant 0xFF800000 : f32
      %broadcast_in_dim3A_2164 = vector.broadcast %broadcast_in_dim3A_2163 : f32 to vector<16xf32>
      %broadcast_in_dim3A_2165 = arith.constant 1073741824 : i32
      %broadcast_in_dim3A_2166 = vector.broadcast %broadcast_in_dim3A_2165 : i32 to vector<16xi32>
      %scan3A_2167 = arith.constant 0xFF800000 : f32
      %scan3A_2168 = arith.constant 0 : i32
      %scan3A_2169 = arith.constant 24 : i32
      %scan3A_2170 = arith.addi %scan3A_2168, %scan3A_2169 : i32
      %scan3A_2171 = arith.constant 1 : i32
      %scan3A_2172:2 = scf.for %scan3A_2222 = %scan3A_2168 to %scan3A_2170 step %scan3A_2171 iter_args(%scan3A_2223 = %broadcast_in_dim3A_2164, %scan3A_2224 = %broadcast_in_dim3A_2166) -> (vector<16xf32>, vector<16xi32>)  : i32 {
        %mul3A_2225 = arith.constant 16 : i32
        %mul3A_2226 = arith.muli %scan3A_2222, %mul3A_2225 : i32
        %get3A_2227 = arith.index_cast %mul3A_2226 : i32 to index
        %get3A_2228 = tpu.vector_load %arg13[%get3A_2227] {strides = array<i32>} : memref<384xf32, #tpu.memory_space<vmem>>, vector<16xf32>,
        %iota3A_2229 = tpu.iota {dimensions = array<i32: 0>} : vector<16xi32>
        %mul3A_2230 = arith.constant 16 : i32
        %mul3A_2231 = arith.muli %scan3A_2222, %mul3A_2230 : i32
        %add3A_2232 = vector.broadcast %mul3A_2231 : i32 to vector<16xi32>
        %add3A_2233 = arith.addi %iota3A_2229, %add3A_2232 : vector<16xi32>
        %eq3A_2234 = vector.broadcast %reduce_min3A_2152 : i32 to vector<16xi32>
        %eq3A_2235 = arith.cmpi eq, %add3A_2233, %eq3A_2234 : vector<16xi32>
        %broadcast_in_dim3A_2236 = vector.broadcast %scan3A_2167 : f32 to vector<16xf32>
        %select_n3A_2237 = arith.select %eq3A_2235, %broadcast_in_dim3A_2236, %get3A_2228 : vector<16xi1>, vector<16xf32>
        %swap3A_2238 = arith.index_cast %mul3A_2226 : i32 to index
        %swap3A_2239 = tpu.vector_load %arg13[%swap3A_2238] {strides = array<i32>} : memref<384xf32, #tpu.memory_space<vmem>>, vector<16xf32>,
        tpu.vector_store %arg13[%swap3A_2238], %select_n3A_2237 {strides = array<i32>} : memref<384xf32, #tpu.memory_space<vmem>>, vector<16xf32>,
        %gt3A = arith.cmpf ogt, %select_n3A_2237, %scan3A_2223 : vector<16xf32>
        %eq3A_2240 = arith.cmpf oeq, %select_n3A_2237, %scan3A_2223 : vector<16xf32>
        %lt3A_2241 = arith.cmpi slt, %add3A_2233, %scan3A_2224 : vector<16xi32>
        %and3A_2242 = arith.andi %eq3A_2240, %lt3A_2241 : vector<16xi1>
        %or3A = arith.ori %gt3A, %and3A_2242 : vector<16xi1>
        %select_n3A_2243 = arith.select %or3A, %select_n3A_2237, %scan3A_2223 : vector<16xi1>, vector<16xf32>
        %select_n3A_2244 = arith.select %or3A, %add3A_2233, %scan3A_2224 : vector<16xi1>, vector<16xi32>
        scf.yield %select_n3A_2243, %select_n3A_2244 : vector<16xf32>, vector<16xi32>
      }
      %scan3A_2173 = arith.constant 24 : i32
      %reduce_max3A_2174 = arith.constant true
      %reduce_max3A_2175 = vector.broadcast %reduce_max3A_2174 : i1 to vector<16xi1>
      %reduce_max3A_2176 = tpu.scan <max>, %scan3A_2172#0 masked %reduce_max3A_2175 : vector<16xf32>, vector<16xi1> -> vector<16xf32>
      %reduce_max3A_2177 = vector.extract %reduce_max3A_2176[15] : f32 from vector<16xf32>
      %eq3A_2178 = vector.broadcast %reduce_max3A_2177 : f32 to vector<16xf32>
      %eq3A_2179 = arith.cmpf oeq, %scan3A_2172#0, %eq3A_2178 : vector<16xf32>
      %jit3A_2180 = arith.constant 1073741824 : i32
      %broadcast_in_dim3A_2181 = vector.broadcast %jit3A_2180 : i32 to vector<16xi32>
      %select_n3A_2182 = arith.select %eq3A_2179, %scan3A_2172#1, %broadcast_in_dim3A_2181 : vector<16xi1>, vector<16xi32>
      %reduce_min3A_2183 = arith.constant true
      %reduce_min3A_2184 = vector.broadcast %reduce_min3A_2183 : i1 to vector<16xi1>
      %reduce_min3A_2185 = arith.constant -2147483648 : i32
      %reduce_min3A_2186 = vector.broadcast %reduce_min3A_2185 : i32 to vector<16xi32>
      %reduce_min3A_2187 = arith.xori %select_n3A_2182, %reduce_min3A_2186 : vector<16xi32>
      %reduce_min3A_2188 = tpu.scan <min>, %reduce_min3A_2187 masked %reduce_min3A_2184 : vector<16xi32>, vector<16xi1> -> vector<16xi32>
      %reduce_min3A_2189 = arith.xori %reduce_min3A_2188, %reduce_min3A_2186 : vector<16xi32>
      %reduce_min3A_2190 = vector.extract %reduce_min3A_2189[15] : i32 from vector<16xi32>
      %eq3A_2191 = arith.constant 7 : i32
      %eq3A_2192 = vector.broadcast %eq3A_2191 : i32 to vector<16xi32>
      %eq3A_2193 = arith.cmpi eq, %iota3A_1894, %eq3A_2192 : vector<16xi32>
      %broadcast_in_dim3A_2194 = vector.broadcast %reduce_max3A_2177 : f32 to vector<16xf32>
      %select_n3A_2195 = arith.select %eq3A_2193, %broadcast_in_dim3A_2194, %select_n3A_2157 : vector<16xi1>, vector<16xf32>
      %eq3A_2196 = arith.constant 7 : i32
      %eq3A_2197 = vector.broadcast %eq3A_2196 : i32 to vector<16xi32>
      %eq3A_2198 = arith.cmpi eq, %iota3A_1894, %eq3A_2197 : vector<16xi32>
      %broadcast_in_dim3A_2199 = vector.broadcast %reduce_min3A_2190 : i32 to vector<16xi32>
      %select_n3A_2200 = arith.select %eq3A_2198, %broadcast_in_dim3A_2199, %select_n3A_2162 : vector<16xi1>, vector<16xi32>
      %reduce_max3A_2201 = arith.constant true
      %reduce_max3A_2202 = vector.broadcast %reduce_max3A_2201 : i1 to vector<16xi1>
      %reduce_max3A_2203 = tpu.scan <max>, %select_n3A_2195 masked %reduce_max3A_2202 : vector<16xf32>, vector<16xi1> -> vector<16xf32>
      %reduce_max3A_2204 = vector.extract %reduce_max3A_2203[15] : f32 from vector<16xf32>
      %lt3A_2205 = arith.constant 8 : i32
      %lt3A_2206 = vector.broadcast %lt3A_2205 : i32 to vector<16xi32>
      %lt3A_2207 = arith.cmpi slt, %iota3A, %lt3A_2206 : vector<16xi32>
      %sub3A_2208 = vector.broadcast %reduce_max3A_2204 : f32 to vector<16xf32>
      %sub3A_2209 = arith.subf %select_n3A_2195, %sub3A_2208 : vector<16xf32>
      %exp3A = math.exp %sub3A_2209 : vector<16xf32>
      %jit3A_2210 = arith.constant 0.000000e+00 : f32
      %broadcast_in_dim3A_2211 = vector.broadcast %jit3A_2210 : f32 to vector<16xf32>
      %select_n3A_2212 = arith.select %lt3A_2207, %exp3A, %broadcast_in_dim3A_2211 : vector<16xi1>, vector<16xf32>
      %reduce_sum3A_2213 = arith.constant true
      %reduce_sum3A_2214 = vector.broadcast %reduce_sum3A_2213 : i1 to vector<16xi1>
      %reduce_sum3A_2215 = tpu.scan <sum>, %select_n3A_2212 masked %reduce_sum3A_2214 : vector<16xf32>, vector<16xi1> -> vector<16xf32>
      %reduce_sum3A_2216 = vector.extract %reduce_sum3A_2215[15] : f32 from vector<16xf32>
      %div3A = vector.broadcast %reduce_sum3A_2216 : f32 to vector<16xf32>
      %div3A_2217 = arith.divf %select_n3A_2212, %div3A : vector<16xf32>
      %swap3A_2218 = arith.constant 0 : index
      %swap3A_2219 = tpu.vector_load %arg14[%swap3A_2218] {strides = array<i32>} : memref<128xf32, #tpu.memory_space<vmem>>, vector<16xf32>,
      tpu.vector_store %arg14[%swap3A_2218], %div3A_2217 {strides = array<i32>} : memref<128xf32, #tpu.memory_space<vmem>>, vector<16xf32>,
      %swap3A_2220 = arith.constant 0 : index
      %swap3A_2221 = tpu.vector_load %arg15[%swap3A_2220] {strides = array<i32>} : memref<128xi32, #tpu.memory_space<vmem>>, vector<16xi32>,
      tpu.vector_store %arg15[%swap3A_2220], %select_n3A_2200 {strides = array<i32>} : memref<128xi32, #tpu.memory_space<vmem>>, vector<16xi32>,
      "tpu.region"() ({
        %run_scoped3A = tpu.sem_alloc : memref<!tpu.dma_semaphore, #tpu.memory_space<semaphore_mem>>
        %dma_start3A = arith.constant 0 : i32
        %dma_start3A_2222 = tpu.memref_slice %arg8[%sub3A_9, %dma_start3A] : memref<4x128xf32, #tpu.memory_space<hbm>> -> memref<1x128xf32, #tpu.memory_space<hbm>>
        %dma_start3A_2223 = tpu.memref_squeeze %dma_start3A_2222 : memref<1x128xf32, #tpu.memory_space<hbm>> -> memref<128xf32, #tpu.memory_space<hbm>>
        %dma_start3A_2224 = arith.constant 0 : i32
        %dma_start3A_2225 = tpu.memref_slice %arg8[%sub3A_9, %dma_start3A_2224] : memref<4x128xf32, #tpu.memory_space<hbm>> -> memref<1x128xf32, #tpu.memory_space<hbm>>
        %dma_start3A_2226 = tpu.memref_squeeze %dma_start3A_2225 : memref<1x128xf32, #tpu.memory_space<hbm>> -> memref<128xf32, #tpu.memory_space<hbm>>
        tpu.enqueue_dma source(%arg14 : memref<128xf32, #tpu.memory_space<vmem>>) target(%dma_start3A_2226 : memref<128xf32, #tpu.memory_space<hbm>>) target_semaphore(%run_scoped3A : memref<!tpu.dma_semaphore, #tpu.memory_space<semaphore_mem>>)
        %dma_wait3A = arith.constant 0 : i32
        %dma_wait3A_2227 = tpu.memref_slice %arg8[%sub3A_9, %dma_wait3A] : memref<4x128xf32, #tpu.memory_space<hbm>> -> memref<1x128xf32, #tpu.memory_space<hbm>>
        %dma_wait3A_2228 = tpu.memref_squeeze %dma_wait3A_2227 : memref<1x128xf32, #tpu.memory_space<hbm>> -> memref<128xf32, #tpu.memory_space<hbm>>
        %dma_wait3A_2229 = arith.constant 0 : i32
        %dma_wait3A_2230 = tpu.memref_slice %arg8[%sub3A_9, %dma_wait3A_2229] : memref<4x128xf32, #tpu.memory_space<hbm>> -> memref<1x128xf32, #tpu.memory_space<hbm>>
        %dma_wait3A_2231 = tpu.memref_squeeze %dma_wait3A_2230 : memref<1x128xf32, #tpu.memory_space<hbm>> -> memref<128xf32, #tpu.memory_space<hbm>>
        tpu.wait_dma2 semaphore(%run_scoped3A : memref<!tpu.dma_semaphore, #tpu.memory_space<semaphore_mem>>) src(%arg14 : memref<128xf32, #tpu.memory_space<vmem>>) dst(%dma_wait3A_2231 : memref<128xf32, #tpu.memory_space<hbm>>)
        tpu.yield
      }) : () -> ()
      "tpu.region"() ({
        %run_scoped3A = tpu.sem_alloc : memref<!tpu.dma_semaphore, #tpu.memory_space<semaphore_mem>>
        %dma_start3A = arith.constant 0 : i32
        %dma_start3A_2222 = tpu.memref_slice %arg9[%sub3A_9, %dma_start3A] : memref<4x128xi32, #tpu.memory_space<hbm>> -> memref<1x128xi32, #tpu.memory_space<hbm>>
        %dma_start3A_2223 = tpu.memref_squeeze %dma_start3A_2222 : memref<1x128xi32, #tpu.memory_space<hbm>> -> memref<128xi32, #tpu.memory_space<hbm>>
        %dma_start3A_2224 = arith.constant 0 : i32
        %dma_start3A_2225 = tpu.memref_slice %arg9[%sub3A_9, %dma_start3A_2224] : memref<4x128xi32, #tpu.memory_space<hbm>> -> memref<1x128xi32, #tpu.memory_space<hbm>>
        %dma_start3A_2226 = tpu.memref_squeeze %dma_start3A_2225 : memref<1x128xi32, #tpu.memory_space<hbm>> -> memref<128xi32, #tpu.memory_space<hbm>>
        tpu.enqueue_dma source(%arg15 : memref<128xi32, #tpu.memory_space<vmem>>) target(%dma_start3A_2226 : memref<128xi32, #tpu.memory_space<hbm>>) target_semaphore(%run_scoped3A : memref<!tpu.dma_semaphore, #tpu.memory_space<semaphore_mem>>)
        %dma_wait3A = arith.constant 0 : i32
        %dma_wait3A_2227 = tpu.memref_slice %arg9[%sub3A_9, %dma_wait3A] : memref<4x128xi32, #tpu.memory_space<hbm>> -> memref<1x128xi32, #tpu.memory_space<hbm>>
        %dma_wait3A_2228 = tpu.memref_squeeze %dma_wait3A_2227 : memref<1x128xi32, #tpu.memory_space<hbm>> -> memref<128xi32, #tpu.memory_space<hbm>>
        %dma_wait3A_2229 = arith.constant 0 : i32
        %dma_wait3A_2230 = tpu.memref_slice %arg9[%sub3A_9, %dma_wait3A_2229] : memref<4x128xi32, #tpu.memory_space<hbm>> -> memref<1x128xi32, #tpu.memory_space<hbm>>
        %dma_wait3A_2231 = tpu.memref_squeeze %dma_wait3A_2230 : memref<1x128xi32, #tpu.memory_space<hbm>> -> memref<128xi32, #tpu.memory_space<hbm>>
        tpu.wait_dma2 semaphore(%run_scoped3A : memref<!tpu.dma_semaphore, #tpu.memory_space<semaphore_mem>>) src(%arg15 : memref<128xi32, #tpu.memory_space<vmem>>) dst(%dma_wait3A_2231 : memref<128xi32, #tpu.memory_space<hbm>>)
        tpu.yield
      }) : () -> ()
    } else {
    }
    return
  }
}

module attributes {stable_mosaic.version = 14 : i64} {
  func.func @_frpool_body(%arg0: i32, %arg1: i32, %arg2: memref<12x7168xf32, #tpu.memory_space<vmem>>, %arg3: memref<12x1xf32, #tpu.memory_space<vmem>>) attributes {dimension_semantics = [#tpu.dimension_semantics<arbitrary>, #tpu.dimension_semantics<arbitrary>], iteration_bounds = array<i64: 1, 7>, scalar_prefetch = 0 : i64, scratch_operands = 0 : i64, tpu.core_type = #tpu.core_type<tc>, window_params = [{transform_indices = @transform_0, window_bounds = array<i64: 12, 7168>}, {pipeline_mode = #tpu.pipeline_mode<synchronous>, transform_indices = @transform_1, window_bounds = array<i64: 12, 1>}]} {
    %get3A = arith.constant 0 : index
    %get3A_0 = arith.constant 0 : index
    %get3A_1 = vector.load %arg2[%get3A, %get3A_0] : memref<12x7168xf32, #tpu.memory_space<vmem>>, vector<12x7168xf32>
    %convert_element_type3A = arith.truncf %get3A_1 : vector<12x7168xf32> to vector<12x7168xbf16>
    %convert_element_type3A_2 = arith.extf %convert_element_type3A : vector<12x7168xbf16> to vector<12x7168xf32>
    %reduce_sum3A = arith.constant dense<0.000000e+00> : vector<12xf32>
    %reduce_sum3A_3 = vector.multi_reduction <add>, %convert_element_type3A_2, %reduce_sum3A [1] : vector<12x7168xf32> to vector<12xf32>
    %broadcast_in_dim3A = vector.shape_cast %reduce_sum3A_3 : vector<12xf32> to vector<12x1xf32>
    %eq3A = arith.constant 0 : i32
    %eq3A_4 = arith.cmpi eq, %arg1, %eq3A : i32
    %convert_element_type3A_5 = arith.extui %eq3A_4 : i1 to i32
    %cond3A = arith.constant 0 : i32
    %cond3A_6 = arith.cmpi ne, %convert_element_type3A_5, %cond3A : i32
    scf.if %cond3A_6 {
      %swap3A = arith.constant 0 : index
      %swap3A_11 = arith.constant 0 : index
      %swap3A_12 = vector.load %arg3[%swap3A, %swap3A_11] : memref<12x1xf32, #tpu.memory_space<vmem>>, vector<12x1xf32>
      tpu.vector_store %arg3[%swap3A, %swap3A_11], %broadcast_in_dim3A {strides = array<i32>} : memref<12x1xf32, #tpu.memory_space<vmem>>, vector<12x1xf32>,
    } else {
    }
    %ne3A = arith.constant 0 : i32
    %ne3A_7 = arith.cmpi ne, %arg1, %ne3A : i32
    %convert_element_type3A_8 = arith.extui %ne3A_7 : i1 to i32
    %cond3A_9 = arith.constant 0 : i32
    %cond3A_10 = arith.cmpi ne, %convert_element_type3A_8, %cond3A_9 : i32
    scf.if %cond3A_10 {
      %get3A_11 = arith.constant 0 : index
      %get3A_12 = arith.constant 0 : index
      %get3A_13 = vector.load %arg3[%get3A_11, %get3A_12] : memref<12x1xf32, #tpu.memory_space<vmem>>, vector<12x1xf32>
      %add3A = arith.addf %get3A_13, %broadcast_in_dim3A : vector<12x1xf32>
      %swap3A = arith.constant 0 : index
      %swap3A_14 = arith.constant 0 : index
      %swap3A_15 = vector.load %arg3[%swap3A, %swap3A_14] : memref<12x1xf32, #tpu.memory_space<vmem>>, vector<12x1xf32>
      tpu.vector_store %arg3[%swap3A, %swap3A_14], %add3A {strides = array<i32>} : memref<12x1xf32, #tpu.memory_space<vmem>>, vector<12x1xf32>,
    } else {
    }
    return
  }
  func.func @transform_0(%arg0: i32, %arg1: i32) -> (i32, i32) {
    %c0_i32 = arith.constant 0 : i32
    %c0_i32_0 = arith.constant 0 : i32
    return %c0_i32, %arg1 : i32, i32
  }
  func.func @transform_1(%arg0: i32, %arg1: i32) -> (i32, i32) {
    %c0_i32 = arith.constant 0 : i32
    %c0_i32_0 = arith.constant 0 : i32
    %c0_i32_1 = arith.constant 0 : i32
    return %c0_i32, %c0_i32_0 : i32, i32
  }
}

module attributes {stable_mosaic.version = 14 : i64} {
  func.func @_pool_body(%arg0: i32, %arg1: i32, %arg2: memref<1x3584x384xf32, #tpu.memory_space<vmem>>, %arg3: memref<1x3584x384xf32, #tpu.memory_space<vmem>>, %arg4: memref<4x384xf32, #tpu.memory_space<vmem>>, %arg5: memref<4x384xf32, #tpu.memory_space<vmem>>) attributes {dimension_semantics = [#tpu.dimension_semantics<arbitrary>, #tpu.dimension_semantics<arbitrary>], iteration_bounds = array<i64: 4, 14>, scalar_prefetch = 0 : i64, scratch_operands = 0 : i64, tpu.core_type = #tpu.core_type<tc>, window_params = [{transform_indices = @transform_0, window_bounds = array<i64: 1, 3584, 384>}, {transform_indices = @transform_1, window_bounds = array<i64: 1, 3584, 384>}, {pipeline_mode = #tpu.pipeline_mode<synchronous>, transform_indices = @transform_2, window_bounds = array<i64: 4, 384>}, {pipeline_mode = #tpu.pipeline_mode<synchronous>, transform_indices = @transform_3, window_bounds = array<i64: 4, 384>}]} {
    %get3A = arith.constant 0 : index
    %get3A_0 = arith.constant 0 : index
    %get3A_1 = arith.constant 0 : index
    %get3A_2 = vector.load %arg2[%get3A, %get3A_0, %get3A_1] : memref<1x3584x384xf32, #tpu.memory_space<vmem>>, vector<1x3584x384xf32>
    %reduce_sum3A = arith.constant dense<0.000000e+00> : vector<1x384xf32>
    %reduce_sum3A_3 = vector.multi_reduction <add>, %get3A_2, %reduce_sum3A [1] : vector<1x3584x384xf32> to vector<1x384xf32>
    %get3A_4 = arith.constant 0 : index
    %get3A_5 = arith.constant 0 : index
    %get3A_6 = arith.constant 0 : index
    %get3A_7 = vector.load %arg3[%get3A_4, %get3A_5, %get3A_6] : memref<1x3584x384xf32, #tpu.memory_space<vmem>>, vector<1x3584x384xf32>
    %reduce_sum3A_8 = arith.constant dense<0.000000e+00> : vector<1x384xf32>
    %reduce_sum3A_9 = vector.multi_reduction <add>, %get3A_7, %reduce_sum3A_8 [1] : vector<1x3584x384xf32> to vector<1x384xf32>
    %eq3A = arith.constant 0 : i32
    %eq3A_10 = arith.cmpi eq, %arg1, %eq3A : i32
    %convert_element_type3A = arith.extui %eq3A_10 : i1 to i32
    %cond3A = arith.constant 0 : i32
    %cond3A_11 = arith.cmpi ne, %convert_element_type3A, %cond3A : i32
    scf.if %cond3A_11 {
      %swap3A = arith.index_cast %arg0 : i32 to index
      %swap3A_16 = arith.constant 0 : index
      %swap3A_17 = vector.load %arg4[%swap3A, %swap3A_16] : memref<4x384xf32, #tpu.memory_space<vmem>>, vector<1x384xf32>
      tpu.vector_store %arg4[%swap3A, %swap3A_16], %reduce_sum3A_3 {strides = array<i32>} : memref<4x384xf32, #tpu.memory_space<vmem>>, vector<1x384xf32>,
      %swap3A_18 = arith.index_cast %arg0 : i32 to index
      %swap3A_19 = arith.constant 0 : index
      %swap3A_20 = vector.load %arg5[%swap3A_18, %swap3A_19] : memref<4x384xf32, #tpu.memory_space<vmem>>, vector<1x384xf32>
      tpu.vector_store %arg5[%swap3A_18, %swap3A_19], %reduce_sum3A_9 {strides = array<i32>} : memref<4x384xf32, #tpu.memory_space<vmem>>, vector<1x384xf32>,
    } else {
    }
    %ne3A = arith.constant 0 : i32
    %ne3A_12 = arith.cmpi ne, %arg1, %ne3A : i32
    %convert_element_type3A_13 = arith.extui %ne3A_12 : i1 to i32
    %cond3A_14 = arith.constant 0 : i32
    %cond3A_15 = arith.cmpi ne, %convert_element_type3A_13, %cond3A_14 : i32
    scf.if %cond3A_15 {
      %get3A_16 = arith.index_cast %arg0 : i32 to index
      %get3A_17 = arith.constant 0 : index
      %get3A_18 = vector.load %arg4[%get3A_16, %get3A_17] : memref<4x384xf32, #tpu.memory_space<vmem>>, vector<1x384xf32>
      %add3A = arith.addf %get3A_18, %reduce_sum3A_3 : vector<1x384xf32>
      %swap3A = arith.index_cast %arg0 : i32 to index
      %swap3A_19 = arith.constant 0 : index
      %swap3A_20 = vector.load %arg4[%swap3A, %swap3A_19] : memref<4x384xf32, #tpu.memory_space<vmem>>, vector<1x384xf32>
      tpu.vector_store %arg4[%swap3A, %swap3A_19], %add3A {strides = array<i32>} : memref<4x384xf32, #tpu.memory_space<vmem>>, vector<1x384xf32>,
      %get3A_21 = arith.index_cast %arg0 : i32 to index
      %get3A_22 = arith.constant 0 : index
      %get3A_23 = vector.load %arg5[%get3A_21, %get3A_22] : memref<4x384xf32, #tpu.memory_space<vmem>>, vector<1x384xf32>
      %add3A_24 = arith.addf %get3A_23, %reduce_sum3A_9 : vector<1x384xf32>
      %swap3A_25 = arith.index_cast %arg0 : i32 to index
      %swap3A_26 = arith.constant 0 : index
      %swap3A_27 = vector.load %arg5[%swap3A_25, %swap3A_26] : memref<4x384xf32, #tpu.memory_space<vmem>>, vector<1x384xf32>
      tpu.vector_store %arg5[%swap3A_25, %swap3A_26], %add3A_24 {strides = array<i32>} : memref<4x384xf32, #tpu.memory_space<vmem>>, vector<1x384xf32>,
    } else {
    }
    return
  }
  func.func @transform_0(%arg0: i32, %arg1: i32) -> (i32, i32, i32) {
    %c0_i32 = arith.constant 0 : i32
    %c0_i32_0 = arith.constant 0 : i32
    return %arg0, %arg1, %c0_i32 : i32, i32, i32
  }
  func.func @transform_1(%arg0: i32, %arg1: i32) -> (i32, i32, i32) {
    %c0_i32 = arith.constant 0 : i32
    %c0_i32_0 = arith.constant 0 : i32
    return %arg0, %arg1, %c0_i32 : i32, i32, i32
  }
  func.func @transform_2(%arg0: i32, %arg1: i32) -> (i32, i32) {
    %c0_i32 = arith.constant 0 : i32
    %c0_i32_0 = arith.constant 0 : i32
    %c0_i32_1 = arith.constant 0 : i32
    return %c0_i32, %c0_i32_0 : i32, i32
  }
  func.func @transform_3(%arg0: i32, %arg1: i32) -> (i32, i32) {
    %c0_i32 = arith.constant 0 : i32
    %c0_i32_0 = arith.constant 0 : i32
    %c0_i32_1 = arith.constant 0 : i32
    return %c0_i32, %c0_i32_0 : i32, i32
  }
}

</mosaic_0001>

<sc_bundles>
// kernel: kernel.5.cloned.1.call-start
scs
__scs_entry_jumppad:
0x0: {  	(pc) =	sbr.rel $0x88, $3  }
0x1: {  	(tag) =	ssettag $0x0;
	lr =	simm.s32 $0x1  }
0x2: {  	[smem:$0x3F9D] =	sst lr;
	_ =	strace $0xD0000000  }
0x3: {  	_ = 	snop  }
0x4: {  	_ = 	snop  }
0x5: {  	_ = 	snop  }
0x6: {  	_ = 	snop  }
0x7: {  	_ = 	snop  }
__scs_overlays_trampoline_lowered:
0x8: {  	[smem:$0x3FAC] =	sst s0  }
0x9: {  	[smem:$0x3FAD] =	sst s1  }
0xa: {  	[smem:$0x3FAE] =	sst s2  }
0xb: {  	[smem:$0x3FAF] =	sst s3  }
0xc: {  	[smem:$0x3FB0] =	sst s4  }
0xd: {  	[smem:$0x3FB1] =	sst s5  }
0xe: {  	[smem:$0x3FB2] =	sst s6  }
0xf: {  	[smem:$0x3FB3] =	sst s7  }
0x10: {  	[smem:$0x3FB4] =	sst s8  }
0x11: {  	[smem:$0x3FB5] =	sst s9;
	s0 =	simm.s32 @!p0 $0x0  }
0x12: {  	s1 =	sld [smem:$0x3F9B];
	s0 =	simm.s32 @p0 $0x1  }
0x13: {  	[smem:$0x3FB6] =	sst s0;
	s0 =	simm.s32 @!p1 $0x0  }
0x14: {  	s2 =	sld [smem:$0x3F9A];
	s0 =	simm.s32 @p1 $0x1  }
0x15: {  	[smem:$0x3FB7] =	sst s0;
	s0 =	simm.s32 @!p2 $0x0  }
0x16: {  	s3 =	sld [smem:$0x3FDB];
	s0 =	simm.s32 @p2 $0x1  }
0x17: {  	s4 =	simm.s32 $0x1BF5;
	[smem:$0x3FB9] =	sst s0  }
0x18: {  	s0 =	sld [smem:$0x3F9C];
	_ =	swait.ge [sflag:s4], $0x0  }
0x19: {  	s7 =	sld [smem:$0x3F9D]  }
0x1a: {  	s8 =	sadd.s32 $0xFFFFE003, lr  }
0x1b: {  	s9 =	sadd.s32 $0xFFFFFEF7, lr;
	s5 =	simm.s32 $0xFFFFFFFF;
	p2 =	slt.u32 s8, $0xFFFFF086  }
0x1c: {  	p1 =	slt.u32 s9, $0xF7A;
	s5 =	simm.s32 @!p2 $0x0  }
0x1d: {  	s5 =	simm.s32 @p1 $0x1;
	p0 =	seq.s32 s7, s2  }
0x1e: {  	s7 =	smul.u32 @!p0 $0xF7A, s2;
	p2 =	seq.s32 @!p0 s5, $0x0  }
0x1f: {  	s9 =	smul.u32 $0xF7A, s1;
	s8 =	simm.s32 @!p0 $0x1BF5;
	p2 =	por !p2, p0  }
0x20: {  	[sflag:s8] =	ssyncset.s32 @!p0 $0xFFFFF086;
	s6 =	sadd.s32 @!p0 s3, s7;
	s7 =	simm.s32 @!p0 $0x108  }
0x21: {  	s3 =	sadd.s32 s3, s9;
	s6 =	sadd.s32 @!p0 $0x88, s6;
	s7 =	simm.s32 @p2 $0x1082  }
0x22: {  	[simem:s7], [sflag:s8] =	dma.local @!p0 [hbm:s6], $0xF7A  }
0x23: {  	s9 =	sor.u32 $0xD0000000, s2;
	s6 =	simm.s32 $0x108;
	_ =	swait.ge @!p0 [sflag:s8], $0x0  }
0x24: {  	s3 =	sadd.s32 $0x88, s3;
	s6 =	simm.s32 @!p1 $0x1082;
	[sflag:s4] =	ssyncset.s32 $0xFFFFF086  }
0x25: {  	[simem:s6], [sflag:s4] =	dma.local [hbm:s3], $0xF7A  }
0x26: {  	[smem:$0x3F9D] =	sst s1;
	(tag) =	ssettag s2;
	_ =	strace s9  }
0x27: {  	s1 =	sld [smem:$0x3FAD]  }
0x28: {  	s2 =	sld [smem:$0x3FAE]  }
0x29: {  	s4 =	sld [smem:$0x3FB0]  }
0x2a: {  	p0 =	seq.s32 s5, $0x0;
	s5 =	sld [smem:$0x3FB1]  }
0x2b: {  	s6 =	sld [smem:$0x3FB2]  }
0x2c: {  	s7 =	sld [smem:$0x3FB3]  }
0x2d: {  	s3 =	simm.s32 $0x108;
	s8 =	sld [smem:$0x3FB4]  }
0x2e: {  	s3 =	simm.s32 @!p0 $0x1082;
	s9 =	sld [smem:$0x3FB5]  }
0x2f: {  	lr =	sadd.s32 s0, s3;
	s0 =	sld [smem:$0x3FAC]  }
0x30: {  	s3 =	sld [smem:$0x3FAF]  }
0x31: {  	[smem:$0x3FB8] =	sst s10  }
0x32: {  	s10 =	sld [smem:$0x3FB6];
	_ =	sdelay $0x3  }
0x33: {  	p0 =	seq.s32 s10, $0x1;
	s10 =	sld [smem:$0x3FB8];
	_ =	sdelay $0x3  }
0x34: {  	[smem:$0x3FB8] =	sst s10  }
0x35: {  	s10 =	sld [smem:$0x3FB7];
	_ =	sdelay $0x3  }
0x36: {  	p1 =	seq.s32 s10, $0x1;
	s10 =	sld [smem:$0x3FB8];
	_ =	sdelay $0x3  }
0x37: {  	[smem:$0x3FB8] =	sst s10  }
0x38: {  	s10 =	sld [smem:$0x3FB9]  }
0x39: {  	_ = 	snop;
	(pc) =	sbr.ind lr, $3  }
0x3a: {  	_ = 	snop  }
0x3b: {  	_ = 	snop  }
0x3c: {  	p2 =	seq.s32 s10, $0x1;
	s10 =	sld [smem:$0x3FB8]  }
0x3d: {  	_ =	shalt  }
0x3e: {  	_ =	shalt  }
0x3f: {  	_ =	shalt  }
0x40: {  	_ =	shalt  }
0x41: {  	_ =	shalt  }
0x42: {  	_ =	shalt  }
0x43: {  	_ =	shalt  }
0x44: {  	_ =	shalt  }
0x45: {  	_ =	shalt  }
0x46: {  	_ =	shalt  }
0x47: {  	_ =	shalt  }
0x48: {  	_ =	shalt  }
0x49: {  	_ =	shalt  }
0x4a: {  	_ =	shalt  }
0x4b: {  	_ =	shalt  }
0x4c: {  	_ =	shalt  }
0x4d: {  	_ =	shalt  }
0x4e: {  	_ =	shalt  }
0x4f: {  	_ =	shalt  }
0x50: {  	_ =	shalt  }
0x51: {  	_ =	shalt  }
0x52: {  	_ =	shalt  }
0x53: {  	_ =	shalt  }
0x54: {  	_ =	shalt  }
0x55: {  	_ =	shalt  }
0x56: {  	_ =	shalt  }
0x57: {  	_ =	shalt  }
0x58: {  	_ =	shalt  }
0x59: {  	_ =	shalt  }
0x5a: {  	_ =	shalt  }
0x5b: {  	_ =	shalt  }
0x5c: {  	_ =	shalt  }
0x5d: {  	_ =	shalt  }
0x5e: {  	_ =	shalt  }
0x5f: {  	_ =	shalt  }
0x60: {  	_ =	shalt  }
0x61: {  	_ =	shalt  }
0x62: {  	_ =	shalt  }
0x63: {  	_ =	shalt  }
0x64: {  	_ =	shalt  }
0x65: {  	_ =	shalt  }
0x66: {  	_ =	shalt  }
0x67: {  	_ =	shalt  }
0x68: {  	_ =	shalt  }
0x69: {  	_ =	shalt  }
0x6a: {  	_ =	shalt  }
0x6b: {  	_ =	shalt  }
0x6c: {  	_ =	shalt  }
0x6d: {  	_ =	shalt  }
0x6e: {  	_ =	shalt  }
0x6f: {  	_ =	shalt  }
0x70: {  	_ =	shalt  }
0x71: {  	_ =	shalt  }
0x72: {  	_ =	shalt  }
0x73: {  	_ =	shalt  }
0x74: {  	_ =	shalt  }
0x75: {  	_ =	shalt  }
0x76: {  	_ =	shalt  }
0x77: {  	_ =	shalt  }
0x78: {  	_ =	shalt  }
0x79: {  	_ =	shalt  }
0x7a: {  	_ =	shalt  }
0x7b: {  	_ =	shalt  }
0x7c: {  	_ =	shalt  }
0x7d: {  	_ =	shalt  }
0x7e: {  	_ =	shalt  }
0x7f: {  	_ =	shalt  }
0x80: {  	_ =	shalt  }
0x81: {  	_ =	shalt  }
0x82: {  	_ =	shalt  }
0x83: {  	_ =	shalt  }
0x84: {  	_ =	shalt  }
0x85: {  	_ =	shalt  }
0x86: {  	_ =	shalt  }
0x87: {  	_ =	shalt  }
.Lfunc_end0:
.L_simem_size_0:
called_computation_lowered:
.L_overlay_start_0:
0x88: {  	s2 =	sld [smem:$0x3FD9]  }
0x89: {  	s3 =	sld [smem:$0x3FFE];
	_ =	sdelay $0x1  }
0x8a: {  	s1 =	srdreg.scid  }
0x8b: {  	s0 =	sand.u32 $0x1, s1  }
0x8c: {  	s14 =	sshll.u32 s0, $0xA;
	s2 =	sadd.s32 s3, s2  }
0x8d: {  	s2 =	sadd.s32 s2, s14  }
0x8e: {  	[smem:$0x3FC4] =	sst s2  }
0x8f: {  	_ = 	snop  }
0x90: {  	s2 =	sld [smem:$0x3FD0];
	_ =	sdelay $0x2  }
0x91: {  	s4 =	simm.s32 $0xA;
	s5 =	simm.s32 $0x10;
	s15 =	sld [smem:$0x3FC6]  }
0x92: {  	[smem:s5], [sflag:s4] =	dma.local [hbm:s2], $0x1  }
0x93: {  	_ =	swait.eq [sflag:s4], $0x1  }
0x94: {  	s16 =	sld [smem:$0x10]  }
0x95: {  	s17 =	sld [smem:$0x11];
	[sflag:s4] =	ssyncset.done $0x0  }
0x96: {  	s6 =	sld [smem:$0x12];
	[sflag:s4] =	ssyncadd.s32 $0xFFFFFFFF  }
0x97: {  	s18 =	sld [smem:$0x13];
	(tm) =	ssettm $0x1  }
0x98: {  	s7 =	sld [smem:$0x3FFB];
	_ =	sdelay $0x3  }
0x99: {  	_ =	strace s7  }
0x9a: {  	s7 =	sld [smem:$0x3FFC];
	_ =	sdelay $0x3  }
0x9b: {  	_ =	strace s7  }
0x9c: {  	s7 =	sld [smem:$0x3FFD];
	_ =	sdelay $0x3  }
0x9d: {  	_ =	strace s7  }
0x9e: {  	_ =	strace $0x8FFFFFFF  }
0x9f: {  	s19 =	sld [smem:$0x3FDB];
	_ =	sdelay $0x1  }
0xa0: {  	s8 =	simm.s32 $_scs_section_size  }
0xa1: {  	s9 =	simm.s32 $_size__tile_overlayer_lowered;
	s10 =	simm.s32 $_tile_overlayer_lowered  }
0xa2: {  	s22 =	simm.s32 $0x1BFF;
	s21 =	sshll.u32 s10, $0x1;
	s7 =	sadd.s32 s8, s19  }
0xa3: {  	s11 =	simm.s32 $0x0;
	s20 =	sshll.u32 s9, $0x1;
	s9 =	sadd.s32 s21, s7  }
0xa4: {  	[timem:s11], [sflag:s22] =	dma.local [hbm:s9], s20  }
0xa5: {  	_ =	swait.ge [sflag:s22], s20  }
0xa6: {  	s8 =	ssub.s32 $0x0, s20;
	[sflag:s22] =	ssyncset.done $0x0  }
0xa7: {  	[sflag:s22] =	ssyncadd.s32 s8;
	_ =	sdelay $0x1  }
0xa8: {  	s23 =	simm.s32 $0x1B8B  }
0xa9: {  	_ =	swait.ge [sflag:s23], $0x1  }
0xaa: {  	[sflag:s23] =	ssyncset.done $0x0  }
0xab: {  	s25 =	simm.s32 $0x1B8E;
	s24 =	sld [smem:$0x3FFE];
	[sflag:s23] =	ssyncadd.s32 $0xFFFFFFFF  }
0xac: {  	s26 =	simm.s32 $execute0_lowered;
	[smem:$0x3FD2] =	sst s25  }
0xad: {  	s9 =	sshll.u32 s26, $0x1;
	_ =	strace $0x80000046;
	[dreg:$0x1] =	wrdreg $0xFFFFFFFF  }
0xae: {  	s28 =	simm.s32 $_size_execute0_lowered;
	s7 =	sadd.s32 s7, s9;
	[dreg:$0x0] =	wrdreg $0x0  }
0xaf: {  	s9 =	sshll.u32 s28, $0x1;
	[dreg:$0x2] =	wrdreg s7  }
0xb0: {  	[dreg:$0x3] =	wrdreg s9  }
0xb1: {  	[dreg:$0x4] =	wrdreg $0xC0  }
0xb2: {  	_ =	task [dreg:s11], $0x5FFFF  }
0xb3: {  	[dreg:$0x1] =	wrdreg $0xFFFFFFFF  }
0xb4: {  	[dreg:$0x0] =	wrdreg $0x60  }
0xb5: {  	[dreg:$0x2] =	wrdreg s24  }
0xb6: {  	[dreg:$0x3] =	wrdreg s15  }
0xb7: {  	[dreg:$0x4] =	wrdreg s16  }
0xb8: {  	[dreg:$0x5] =	wrdreg s17  }
0xb9: {  	[dreg:$0x6] =	wrdreg s6  }
0xba: {  	[dreg:$0x7] =	wrdreg s18  }
0xbb: {  	[dreg:$0x8] =	wrdreg $0x9  }
0xbc: {  	_ =	task.clear_ibuf [dreg:s11], $0x9FFFF;
	_ =	strace $0x90000046  }
0xbd: {  	s29 =	simm.s32 $0x9;
	_ =	strace $0x80000048  }
0xbe: {  	_ =	swait.ge [sflag:s29], $0x1  }
0xbf: {  	[sflag:s29] =	ssyncadd.s32 $0xFFFFFFFF  }
0xc0: {  	_ =	strace $0x90000048  }
0xc1: {  	_ =	sfence  }
0xc2: {  	s30 =	sld [smem:$0x0];
	_ =	sdelay $0x2  }
0xc3: {  	s31 =	sshll.u32 s1, $0xD;
	s1 =	sshrl.u32 s1, $0x2  }
0xc4: {  	s3 =	sand.u32 $0x4000, s31;
	s1 =	sadd.s32 s1, s30  }
0xc5: {  	s0 =	sor.u32 s3, s0;
	s1 =	sshll.u32 s1, $0x11  }
0xc6: {  	s0 =	sor.u32 s1, s0  }
0xc7: {  	s0 =	sadd.s32 $0x8F2B, s0  }
0xc8: {  	[sflag:s0] =	ssyncadd.remote.s32 $0x1  }
0xc9: {  	_ =	sfence.sel $0xFFFF  }
0xca: {  	[dreg:$0x0] =	wrdreg $0xFFFFFFFF;
	(pc) =	sbr.abs _section_cstart, $3  }
0xcb: {  	[dreg:$0x1] =	wrdreg $0xFFFFFFFF  }
0xcc: {  	_ =	task.clear_ibuf [dreg:s11], $0x2FFFF;
	_ =	strace $0x9FFFFFFF  }
0xcd: {  	(tm) =	ssettm $0x7FFFFFFF  }
tec
execute0_lowered:
.L_overlay_start_1:
0x0: {  	(tag) =	ssettag $0x1  }
0x1: {  	s5 =	rddreg [dreg:$0x0]  }
0x2: {  	s1 =	rddreg [dreg:$0x1]  }
0x3: {  	s6 =	rddreg [dreg:$0x2]  }
0x4: {  	s7 =	rddreg [dreg:$0x3]  }
0x5: {  	s9 =	rddreg [dreg:$0x4]  }
0x6: {  	s10 =	rddreg [dreg:$0x5]  }
0x7: {  	s0 =	rddreg [dreg:$0x6];
	s4 =	srdreg.scid  }
0x8: {  	s2 =	stileid.u32;
	s3 =	simm.s32 $0x0;
	s17 =	simm.s32 $0xA00  }
0x9: {  	s8 =	sand.u32 $0x1, s4;
	s26 =	sshll.u32 s2, $0x1;
	[smem:$0x7FF] =	sst s3  }
0xa: {  	s4 =	sadd.s32 $0xA00, s5;
	s18 =	sand.u32 $0xE, s2;
	p0 =	sgt.u32 s2, $0x1  }
0xb: {  	s11 =	sor.u32 s8, s26;
	_ =	strace $0x80000047;
	s8 =	ssub.s32 $0x2, s8  }
0xc: {  	p1 =	sne.s32 s18, $0x2;
	s18 =	simm.s32 $0x0;
	s12 =	sshll.u32 s11, $0x4  }
0xd: {  	s15 =	sshrl.u32 s8, $0x1;
	s11 =	smul.u32 $0x3, s11;
	s13 =	sadd.s32 s12, s5  }
0xe: {  	s14 =	sadd.s32 $0xFFFFFFC0, s12;
	s15 =	ssub.s32 s8, s15;
	s6 =	sadd.s32 s6, s12  }
0xf: {  	v2 =	vlaneseq.u32;
	vm3 =	vcmask $0x300;
	vm4 =	vcmask $0x320;
	s7 =	sadd.s32 s7, s12;
	s12 =	simm.s32 $0x1;
	s16 =	sadd.s32 s14, s5  }
.Ltmp0:
0x10: {  	vm5 =	vcmask $0x720;
	vm6 =	vcmask $0xB20;
	vm7 =	vcmask $0xF20;
	s5 =	sadd.s32 $0xC00, s13;
	s28 =	sadd.s32 $0x1, s11;
	(pc) =	sbr.rel .LBB2_1-.Ltmp0, $4  }
0x11: {  	vm8 =	vcmask $0x1320;
	vm9 =	vcmask $0x1720;
	vm10 =	vcmask $0x1B20;
	s29 =	sadd.s32 $0x2, s11;
	s30 =	sadd.s32 $0xFFFFFFF4, s11;
	s31 =	sadd.s32 $0xFFFFFFF5, s11  }
0x12: {  	v4 =	vmov s11;
	s11 =	sadd.s32 $0xFFFFFFF6, s11;
	s9 =	sadd.s32 s9, s14;
	s10 =	sadd.s32 s10, s14;
	v5 =	vmov s28;
	v6 =	vmov s29  }
0x13: {  	s13 =	simm.s32 $0x80;
	s14 =	simm.s32 $0x200;
	s8 =	sadd.s32 $0xE00, s16;
	v0 =	vmov s30;
	v1 =	vmov s31;
	v3 =	vmov s11  }
0x14: {  	s11 =	smax.u32 s15, $0x1;
	vm2 =	veq.s32 v4, v2;
	s15 =	simm.s32 $0x680;
	s16 =	simm.s32 $0x980;
	vm0 =	veq.s32 v6, v2;
	vm1 =	veq.s32 v5, v2  }
.LBB2_36:
0x15: {  	v23 =	vor.u32 s20, v2  }
0x16: {  	vm11 =	vmor vm11, vm12;
	vm12 =	veq.s32 v23, v16  }
0x17: {  	v19 =	vsel vm11, v21, v19;
	v18 =	vsel vm11, v18, v20;
	v57 =	vsel vm12, $0xFF800000, v22  }
0x18: {  	vm12 =	vlt.s32 v23, v18;
	vm11 =	veq.f32 v57, v19  }
0x19: {  	vm13 =	vgt.f32 v57, v19;
	vm11 =	vmand vm12, vm11  }
0x1a: {  	vm11 =	vmor vm13, vm11  }
0x1b: {  	v19 =	vsel vm11, v57, v19  }
0x1c: {  	(xrf0) =	vmax.scan.msk.f32 $0xffff, v19;
	_ =	sdelay $0x2  }
0x1d: {  	vm12 =	vmmov $0x1  }
0x1e: {  	v5 =	vnsel vm12, $0xFF800000, v5  }
0x1f: {  	v5 =	vsel vm4, v5, v7  }
0x20: {  	v5 =	vsel vm5, v5, v9;
	v58, _, _ =	vpop (xrf0)  }
0x21: {  	v5 =	vsel vm6, v5, v11;
	v7 =	vbroadcast v58, $0xF  }
0x22: {  	v59 =	vsel vm11, v23, v18;
	v5 =	vsel vm7, v5, v13  }
0x23: {  	v9 =	vxor.u32 $0x80000000, v59;
	v5 =	vsel vm8, v5, v15;
	vm11 =	veq.f32 v19, v7  }
0x24: {  	v5 =	vsel vm9, v5, v17;
	v9 =	vnsel vm11, $0xC0000000, v9  }
0x25: {  	v5 =	vsel vm10, v5, v7;
	(xrf0) =	vmin.scan.msk.u32 $0xffff, v9  }
0x26: {  	(xrf0) =	vmax.scan.msk.f32 $0xffff, v5;
	_ =	sdelay $0x4  }
0x27: {  	v60, _, _ =	vpop (xrf0)  }
0x28: {  	v61, _, _ =	vpop (xrf0)  }
0x29: {  	v9 =	vbroadcast v61, $0xF;
	_ =	sdelay $0x1  }
0x2a: {  	v5 =	vsub.f32 v5, v9;
	_ =	sdelay $0x1  }
0x2b: {  	v5 =	vmul.f32 $1.442695020e+00, v5;
	_ =	sdelay $0x1  }
0x2c: {  	(erf) = vpow2.f32 v5;
	_ =	sdelay $0x8  }
0x2d: {  	vm11 =	vmmov $0xff;
	v5 =	vpop (erf)  }
0x2e: {  	v5 =	vnsel vm11, $0x0, v5  }
0x2f: {  	(xrf2) =	vadd.scan.msk.f32 $0xffff, v5;
	_ =	sdelay $0x5  }
0x30: {  	(v2sf) =	vpush v60, $0xF;
	_ =	sdelay $0x3  }
0x31: {  	v62, _, _ =	vpop (xrf2)  }
0x32: {  	v7 =	vbroadcast v62, $0xF;
	_ =	sdelay $0x1  }
0x33: {  	(erf) = vrcp.f32 v7;
	_ =	sdelay $0x2  }
0x34: {  	v4 =	vnsel vm3, $0x0, v4  }
0x35: {  	v4 =	vsel vm4, v4, v6  }
0x36: {  	v4 =	vsel vm5, v4, v8  }
0x37: {  	v4 =	vsel vm6, v4, v10  }
0x38: {  	v4 =	vsel vm7, v4, v12  }
0x39: {  	v4 =	vsel vm8, v4, v14;
	s30 =	spop (v2sf)  }
0x3a: {  	v4 =	vsel vm9, v4, v16;
	s31 =	sxor.u32 $0x80000000, s30;
	vm11 =	veq.s32 v2, $0x7;
	v63 =	vpop (erf)  }
0x3b: {  	[tilespmem:s19+$0x0] =	vst v57;
	v4 =	vsel vm11, s31, v4;
	v5 =	vmul.f32 v63, v5  }
0x3c: {  	[tilespmem:$0xA00] =	vst v4  }
0x3d: {  	[tilespmem:$0x980] =	vst v5  }
0x3e: {  	[hbm4b:s9+s3] =	stream.linear.scatter [tilespmem:s16], [sflag:$0x1], $0x80, $0x38;
	[tilespmem:$0xA80] =	vst v63  }
0x3f: {  	_ =	swait.ge [sflag:s12], $0x80  }
0x40: {  	[sflag:s12] =	ssyncset.done $0x0  }
0x41: {  	[sflag:s12] =	ssyncadd.s32 $0xFFFFFF80  }
0x42: {  	[hbm4b:s10+s3] =	stream.linear.scatter [tilespmem:s17], [sflag:$0x1], $0x80, $0x38;
	[tilespmem:$0xA80] =	vst v63  }
0x43: {  	_ =	swait.ge [sflag:s12], $0x80  }
0x44: {  	[sflag:s12] =	ssyncset.done $0x0  }
0x45: {  	[sflag:s12] =	ssyncadd.s32 $0xFFFFFF80  }
.LBB2_37:
0x46: {  	s18 =	sadd.s32 $0x1, s18  }
0x47: {  	p2 =	sne.s32 s18, s11  }
.Ltmp1:
0x48: {  	_ = 	snop;
	(pc) =	sbr.rel @!p2 .LBB2_38-.Ltmp1, $1  }
0x49: {  	_ =	sdelay $0x3  }
.LBB2_1:
.Ltmp2:
0x4a: {  	(pc) =	sbr.rel @p0 .LBB2_19-.Ltmp2, $1  }
0x4b: {  	_ =	sdelay $0x3  }
0x4c: {  	s19 =	simm.s32 $0x0  }
0x4d: {  	[tilespmem:s19], [sflag:$0x1] =	stream.linear.gather [hbm4b:s4+s19], $0x80, $0x38;
	[tilespmem:$0xA80] =	vst v63  }
0x4e: {  	_ =	swait.ge [sflag:s12], $0x80  }
0x4f: {  	[sflag:s12] =	ssyncset.done $0x0  }
0x50: {  	[sflag:s12] =	ssyncadd.s32 $0xFFFFFF80  }
0x51: {  	[tilespmem:s13], [sflag:$0x1] =	stream.linear.gather [hbm4b:s1+s19], $0x600, $0x38;
	[tilespmem:$0xA80] =	vst v63  }
0x52: {  	_ =	swait.ge [sflag:s12], $0x600  }
0x53: {  	[sflag:s12] =	ssyncset.done $0x0  }
0x54: {  	[sflag:s12] =	ssyncadd.s32 $0xFFFFFA00  }
0x55: {  	[tilespmem:s15], [sflag:$0x1] =	stream.strided.gather [hbm4b:s5+s13], $0x180, s14, s13, $0x38;
	[tilespmem:$0xA80] =	vst v63  }
0x56: {  	_ =	swait.ge [sflag:s12], $0x180  }
0x57: {  	[sflag:s12] =	ssyncset.done $0x0  }
0x58: {  	[sflag:s12] =	ssyncadd.s32 $0xFFFFFE80  }
0x59: {  	v4 =	vld [tilespmem:$0x0];
	_ =	sdelay $0x2  }
0x5a: {  	v10 =	vld [tilespmem:$0x110]  }
0x5b: {  	v16 =	vld [tilespmem:$0x120]  }
0x5c: {  	v13 =	vld [tilespmem:$0x690];
	v5 =	vnsel vm2, $0x0, v4  }
0x5d: {  	v20 =	vld [tilespmem:$0x6A0];
	(xrf2) =	vadd.scan.msk.f32 $0xffff, v5;
	v5 =	vnsel vm1, $0x0, v4  }
0x5e: {  	v21 =	vld [tilespmem:$0xB0];
	(xrf2) =	vadd.scan.msk.f32 $0xffff, v5  }
0x5f: {  	v22 =	vld [tilespmem:$0x130]  }
0x60: {  	v27 =	vld [tilespmem:$0xC0];
	v4 =	vnsel vm0, $0x0, v4  }
0x61: {  	v30 =	vld [tilespmem:$0x140];
	(xrf2) =	vadd.scan.msk.f32 $0xffff, v4  }
0x62: {  	v14 =	vld [tilespmem:$0xD0]  }
0x63: {  	v33 =	vld [tilespmem:$0x150]  }
0x64: {  	v38 =	vld [tilespmem:$0xE0]  }
0x65: {  	v42 =	vld [tilespmem:$0x6C0]  }
0x66: {  	v43 =	vld [tilespmem:$0x6D0]  }
0x67: {  	v46 =	vld [tilespmem:$0x1E0];
	v4, _, _ =	vpop (xrf2)  }
0x68: {  	v48 =	vld [tilespmem:$0xF0];
	v5, _, _ =	vpop (xrf2);
	(v2sf) =	vpush v4, $0xF  }
0x69: {  	v49 =	vld [tilespmem:$0x170];
	v11 =	vshrl.u32 v10, $0x10;
	v17 =	vshrl.u32 v16, $0x10;
	(v2sf) =	vpush v5, $0xF  }
0x6a: {  	v56 =	vld [tilespmem:$0x6E0];
	v18 =	vmul.f32 $1.992984650e-05, v13;
	v23 =	vmul.f32 $1.992984650e-05, v20;
	v24 =	vshrl.u32 v21, $0x10  }
0x6b: {  	v60 =	vld [tilespmem:$0x1F0];
	v25 =	vshrl.u32 v22, $0x10;
	v32 =	vshrl.u32 v27, $0x10;
	v34 =	vshrl.u32 v30, $0x10;
	v4, _, _ =	vpop (xrf2)  }
0x6c: {  	v36 =	vshrl.u32 v14, $0x10;
	v37 =	vshrl.u32 v33, $0x10;
	v5 =	vld [tilespmem:$0x100];
	(v2sf) =	vpush v4, $0xF  }
0x6d: {  	v44 =	vshrl.u32 v38, $0x10;
	v52 =	vmul.f32 $1.992984650e-05, v42;
	v53 =	vmul.f32 $1.992984650e-05, v43;
	v4 =	vld [tilespmem:$0x80]  }
0x6e: {  	v55 =	vshrl.u32 v46, $0x10;
	v57 =	vshrl.u32 v48, $0x10;
	v58 =	vshrl.u32 v49, $0x10  }
0x6f: {  	v6 =	vld [tilespmem:$0x180];
	v11 =	vand.u32 $0x1, v11;
	v26 =	vand.u32 $0x1, v25;
	v59 =	vand.u32 $0x1, v58  }
0x70: {  	v25 =	vshrl.u32 v60, $0x10;
	v61 =	vadd.s32 v11, v10;
	v11 =	vand.u32 $0x1, v36  }
0x71: {  	v9 =	vld [tilespmem:$0x90];
	v28 =	vadd.s32 v26, v22;
	v26 =	vmul.f32 $1.992984650e-05, v56;
	v11 =	vadd.s32 v11, v14  }
0x72: {  	v11 =	vadd.s32 $0x7FFF, v11;
	v8 =	vshrl.u32 v5, $0x10;
	v7 =	vshrl.u32 v4, $0x10  }
0x73: {  	v11 =	vand.u32 $0xFFFF0000, v11;
	v8 =	vand.u32 $0x1, v8;
	v7 =	vand.u32 $0x1, v7  }
0x74: {  	v5 =	vadd.s32 v8, v5;
	v8 =	vld [tilespmem:$0x190];
	v4 =	vadd.s32 v7, v4;
	v7 =	vshrl.u32 v6, $0x10  }
0x75: {  	v5 =	vadd.s32 $0x7FFF, v5;
	v4 =	vadd.s32 $0x7FFF, v4;
	v7 =	vand.u32 $0x1, v7  }
0x76: {  	v5 =	vand.u32 $0xFFFF0000, v5;
	v6 =	vadd.s32 v7, v6;
	v7 =	vshrl.u32 v9, $0x10  }
0x77: {  	v4 =	vand.u32 $0xFFFF0000, v4;
	v6 =	vadd.s32 $0x7FFF, v6;
	v7 =	vand.u32 $0x1, v7;
	s20 =	spop (v2sf)  }
0x78: {  	v7 =	vadd.s32 v7, v9;
	v9 =	vadd.s32 $0x7FFF, v61;
	v61 =	vadd.s32 v59, v49;
	v49 =	vld [tilespmem:$0x320];
	s21 =	spop (v2sf);
	s20 =	smul.f32 $1.992984650e-05, s20  }
0x79: {  	v6 =	vand.u32 $0xFFFF0000, v6;
	v62 =	vshrl.u32 v8, $0x10;
	v7 =	vadd.s32 $0x7FFF, v7;
	s21 =	smul.f32 $1.992984650e-05, s21  }
0x7a: {  	v35 =	vld [tilespmem:$0x1C0];
	v10 =	vand.u32 $0x1, v62;
	v9 =	vand.u32 $0xFFFF0000, v9;
	v7 =	vand.u32 $0xFFFF0000, v7  }
0x7b: {  	v12 =	vld [tilespmem:$0x680];
	v8 =	vadd.s32 v10, v8;
	s22 =	spop (v2sf);
	v4 =	vmul.f32 s20, v4;
	v5 =	vmul.f32 s21, v5  }
0x7c: {  	v63 =	vld [tilespmem:$0xA0];
	v8 =	vadd.s32 $0x7FFF, v8;
	s22 =	smul.f32 $1.992984650e-05, s22;
	v7 =	vmul.f32 s20, v7;
	v9 =	vmul.f32 s21, v9  }
0x7d: {  	v11 =	vmul.f32 s20, v11;
	v56 =	vshrl.u32 v49, $0x10;
	v4 =	vadd.f32 v5, v4  }
0x7e: {  	v5 =	vmul.f32 s22, v6;
	v6 =	vand.u32 $0xFFFF0000, v8;
	v8 =	vld [tilespmem:$0x1A0];
	v7 =	vadd.f32 v9, v7  }
0x7f: {  	v9 =	vand.u32 $0x1, v17;
	v17 =	vshrl.u32 v35, $0x10;
	v6 =	vmul.f32 s22, v6  }
0x80: {  	v9 =	vadd.s32 v9, v16;
	v39 =	vand.u32 $0x1, v17;
	v4 =	vadd.f32 v5, v4  }
0x81: {  	v5 =	vmul.f32 $1.992984650e-05, v12;
	v6 =	vadd.f32 v6, v7;
	v7 =	vshrl.u32 v63, $0x10  }
0x82: {  	v40 =	vld [tilespmem:$0x160];
	v9 =	vadd.s32 $0x7FFF, v9;
	v12 =	vadd.s32 v39, v35;
	v7 =	vand.u32 $0x1, v7  }
0x83: {  	v9 =	vand.u32 $0xFFFF0000, v9;
	v7 =	vadd.s32 v7, v63;
	v19 =	vshrl.u32 v8, $0x10  }
0x84: {  	v43 =	vld [tilespmem:$0x700];
	v12 =	vadd.s32 $0x7FFF, v12;
	v7 =	vadd.s32 $0x7FFF, v7;
	v10 =	vand.u32 $0x1, v19  }
0x85: {  	v9 =	vmul.f32 s21, v9;
	v7 =	vand.u32 $0xFFFF0000, v7;
	v8 =	vadd.s32 v10, v8  }
0x86: {  	v4 =	vsub.f32 v4, v5;
	v7 =	vmul.f32 s20, v7;
	v8 =	vadd.s32 $0x7FFF, v8  }
0x87: {  	v6 =	vsub.f32 v6, v18;
	v18 =	vshrl.u32 v40, $0x10;
	v5 =	vand.u32 $0xFFFF0000, v8;
	v8 =	vld [tilespmem:$0x1B0]  }
0x88: {  	v4 =	vand.u32 $0x7FFFFFFF, v4;
	v7 =	vadd.f32 v9, v7;
	v5 =	vmul.f32 s22, v5  }
0x89: {  	v45 =	vand.u32 $0x1, v18;
	v18 =	vmul.f32 $1.992984650e-05, v43;
	v6 =	vand.u32 $0x7FFFFFFF, v6  }
0x8a: {  	v7 =	vadd.f32 v5, v7;
	v5 =	vsub.f32 $0.0e+00, v6;
	v6 =	vand.u32 $0x1, v24  }
0x8b: {  	v4 =	vsub.f32 $0.0e+00, v4;
	v9 =	vadd.s32 $0x7FFF, v28;
	v6 =	vadd.s32 v6, v21  }
0x8c: {  	v31 =	vld [tilespmem:$0x6B0];
	v9 =	vand.u32 $0xFFFF0000, v9;
	v6 =	vadd.s32 $0x7FFF, v6;
	v29 =	vshrl.u32 v8, $0x10  }
0x8d: {  	v63 =	vld [tilespmem:$0x300];
	v9 =	vmul.f32 s21, v9;
	v6 =	vand.u32 $0xFFFF0000, v6;
	v10 =	vand.u32 $0x1, v29  }
0x8e: {  	v7 =	vsub.f32 v7, v23;
	v6 =	vmul.f32 s20, v6;
	v8 =	vadd.s32 v10, v8  }
0x8f: {  	v47 =	vadd.s32 v45, v40;
	v28 =	vand.u32 $0x1, v25;
	v8 =	vadd.s32 $0x7FFF, v8  }
0x90: {  	v62 =	vld [tilespmem:$0x280];
	v7 =	vand.u32 $0x7FFFFFFF, v7;
	v9 =	vadd.f32 v9, v6;
	v6 =	vand.u32 $0xFFFF0000, v8  }
0x91: {  	v10 =	vmul.f32 $1.992984650e-05, v31;
	v8 =	vand.u32 $0x1, v32;
	v15 =	vmul.f32 s22, v6  }
0x92: {  	v31 =	vshrl.u32 v63, $0x10;
	v8 =	vadd.s32 v8, v27;
	v6 =	vsub.f32 $0.0e+00, v7  }
0x93: {  	v29 =	vld [tilespmem:$0x380];
	v7 =	vadd.s32 $0x7FFF, v8;
	v8 =	vand.u32 $0x1, v34;
	v9 =	vadd.f32 v15, v9  }
0x94: {  	v32 =	vld [tilespmem:$0x6F0];
	v7 =	vand.u32 $0xFFFF0000, v7;
	v8 =	vadd.s32 v8, v30;
	v15 =	vand.u32 $0x1, v37  }
0x95: {  	v30 =	vshrl.u32 v62, $0x10;
	v7 =	vmul.f32 s20, v7;
	v8 =	vadd.s32 $0x7FFF, v8  }
0x96: {  	v13 =	vadd.s32 v15, v33;
	v15 =	vand.u32 $0x1, v44;
	v8 =	vand.u32 $0xFFFF0000, v8  }
0x97: {  	v13 =	vadd.s32 $0x7FFF, v13;
	v9 =	vsub.f32 v9, v10;
	v14 =	vadd.s32 v15, v38  }
0x98: {  	v42 =	vld [tilespmem:$0x390];
	v15 =	vadd.s32 $0x7FFF, v47;
	v10 =	vadd.s32 v28, v60;
	v38 =	vshrl.u32 v29, $0x10  }
0x99: {  	v37 =	vld [tilespmem:$0x310];
	v40 =	vmul.f32 $1.992984650e-05, v32;
	v8 =	vmul.f32 s21, v8;
	v13 =	vand.u32 $0xFFFF0000, v13  }
0x9a: {  	v16 =	vld [tilespmem:$0x1D0];
	v14 =	vadd.s32 $0x7FFF, v14;
	v15 =	vand.u32 $0xFFFF0000, v15;
	v10 =	vadd.s32 $0x7FFF, v10  }
0x9b: {  	v33 =	vld [tilespmem:$0x290];
	v13 =	vmul.f32 s21, v13;
	v14 =	vand.u32 $0xFFFF0000, v14;
	v51 =	vmul.f32 s21, v15  }
0x9c: {  	v28 =	vld [tilespmem:$0x340];
	v15 =	vand.u32 $0x1, v57;
	v10 =	vand.u32 $0xFFFF0000, v10;
	v7 =	vadd.f32 v8, v7  }
0x9d: {  	v8 =	vand.u32 $0xFFFF0000, v12;
	v50 =	vmul.f32 s20, v14;
	v15 =	vadd.s32 v15, v48  }
0x9e: {  	v34 =	vmul.f32 s22, v10;
	v45 =	vshrl.u32 v37, $0x10;
	v41 =	vmul.f32 s22, v8  }
0x9f: {  	v11 =	vadd.f32 v13, v11;
	v8 =	vshrl.u32 v16, $0x10;
	v15 =	vadd.s32 $0x7FFF, v15  }
0xa0: {  	v44 =	vshrl.u32 v33, $0x10;
	v8 =	vand.u32 $0x1, v8;
	v54 =	vadd.f32 v51, v50  }
0xa1: {  	v15 =	vand.u32 $0xFFFF0000, v15;
	v50 =	vshrl.u32 v42, $0x10;
	v25 =	vshrl.u32 v28, $0x10  }
0xa2: {  	v8 =	vadd.s32 v8, v16;
	v7 =	vadd.f32 v41, v7;
	v16 =	vadd.s32 $0x7FFF, v61  }
0xa3: {  	v22 =	vmul.f32 s20, v15;
	v15 =	vand.u32 $0x1, v30;
	v17 =	vand.u32 $0x1, v50  }
0xa4: {  	v57 =	vld [tilespmem:$0x3A0];
	v8 =	vadd.s32 $0x7FFF, v8;
	v16 =	vand.u32 $0xFFFF0000, v16;
	v15 =	vadd.s32 v15, v62  }
0xa5: {  	v8 =	vand.u32 $0xFFFF0000, v8;
	v23 =	vmul.f32 s21, v16;
	v16 =	vand.u32 $0x1, v31  }
0xa6: {  	v35 =	vadd.s32 $0x7FFF, v15;
	v19 =	vmul.f32 s22, v8;
	v8 =	vand.u32 $0x7FFFFFFF, v9  }
0xa7: {  	v9 =	vand.u32 $0x1, v55;
	v16 =	vadd.s32 v16, v63;
	v10 =	vand.u32 $0xFFFF0000, v35  }
0xa8: {  	v9 =	vadd.s32 v9, v46;
	v27 =	vadd.f32 v23, v22;
	v36 =	vadd.s32 $0x7FFF, v16  }
0xa9: {  	v32 =	vld [tilespmem:$0x730];
	v21 =	vmul.f32 s20, v10;
	v23 =	vshrl.u32 v57, $0x10;
	v11 =	vadd.f32 v19, v11  }
0xaa: {  	v55 =	vld [tilespmem:$0x330];
	v9 =	vadd.s32 $0x7FFF, v9;
	v15 =	vand.u32 $0xFFFF0000, v36;
	v19 =	vand.u32 $0x1, v44  }
0xab: {  	v35 =	vld [tilespmem:$0x3C0];
	v9 =	vand.u32 $0xFFFF0000, v9;
	v15 =	vmul.f32 s21, v15;
	v39 =	vadd.f32 v34, v27  }
0xac: {  	v46 =	vld [tilespmem:$0x2A0];
	v47 =	vadd.s32 v19, v33;
	v27 =	vand.u32 $0x1, v23;
	v34 =	vand.u32 $0x1, v25  }
0xad: {  	v22 =	vld [tilespmem:$0x3B0];
	v20 =	vmul.f32 s22, v9;
	v9 =	vsub.f32 v7, v52;
	v7 =	vsub.f32 v11, v53  }
0xae: {  	v13 =	vadd.s32 $0x7FFF, v47;
	v36 =	vadd.s32 v34, v28;
	v41 =	vadd.f32 v15, v21  }
0xaf: {  	v44 =	vld [tilespmem:$0x740];
	v11 =	vsub.f32 v39, v40;
	v13 =	vand.u32 $0xFFFF0000, v13;
	v15 =	vadd.s32 v17, v42  }
0xb0: {  	v62 =	vshrl.u32 v55, $0x10;
	v42 =	vmul.f32 $1.992984650e-05, v32;
	v43 =	vshrl.u32 v35, $0x10  }
0xb1: {  	v24 =	vadd.f32 v20, v54;
	v20 =	vand.u32 $0x1, v38;
	v13 =	vmul.f32 s20, v13  }
0xb2: {  	v63 =	vld [tilespmem:$0x2C0];
	v51 =	vshrl.u32 v46, $0x10;
	v53 =	vadd.s32 $0x7FFF, v15;
	v31 =	vshrl.u32 v22, $0x10  }
0xb3: {  	v9 =	vand.u32 $0x7FFFFFFF, v9;
	v7 =	vand.u32 $0x7FFFFFFF, v7;
	v12 =	vadd.s32 v20, v29  }
0xb4: {  	v52 =	vld [tilespmem:$0x2B0];
	v20 =	vand.u32 $0x1, v45;
	v54 =	vand.u32 $0x1, v51;
	v51 =	vmul.f32 $1.992984650e-05, v44  }
0xb5: {  	v47 =	vld [tilespmem:$0x3D0];
	v9 =	vsub.f32 $0.0e+00, v9;
	v7 =	vsub.f32 $0.0e+00, v7;
	v11 =	vand.u32 $0x7FFFFFFF, v11  }
0xb6: {  	v10 =	vsub.f32 v24, v26;
	v12 =	vadd.s32 $0x7FFF, v12;
	v16 =	vadd.s32 v20, v37  }
0xb7: {  	v15 =	vadd.s32 v54, v46;
	v20 =	vand.u32 $0x1, v56;
	v24 =	vshrl.u32 v63, $0x10  }
0xb8: {  	v60 =	vld [tilespmem:$0x710];
	v11 =	vsub.f32 $0.0e+00, v11;
	v12 =	vand.u32 $0xFFFF0000, v12;
	v48 =	vadd.s32 $0x7FFF, v16  }
0xb9: {  	v15 =	vadd.s32 $0x7FFF, v15;
	v16 =	vadd.s32 v20, v49;
	v61 =	vshrl.u32 v52, $0x10  }
0xba: {  	v20 =	vand.u32 $0x1, v62;
	v33 =	vand.u32 $0x1, v24;
	v50 =	vshrl.u32 v47, $0x10  }
0xbb: {  	v38 =	vld [tilespmem:$0x350];
	v12 =	vmul.f32 s22, v12;
	v14 =	vand.u32 $0xFFFF0000, v48;
	v15 =	vand.u32 $0xFFFF0000, v15  }
0xbc: {  	v59 =	vadd.s32 $0x7FFF, v16;
	v17 =	vadd.s32 v20, v55;
	v20 =	vadd.s32 v27, v57  }
0xbd: {  	v30 =	vld [tilespmem:$0x720];
	v16 =	vmul.f32 $1.992984650e-05, v60;
	v19 =	vadd.s32 v33, v63;
	v10 =	vand.u32 $0x7FFFFFFF, v10  }
0xbe: {  	v37 =	vld [tilespmem:$0x2D0];
	v14 =	vmul.f32 s21, v14;
	v58 =	vmul.f32 s20, v15;
	v15 =	vand.u32 $0xFFFF0000, v59  }
0xbf: {  	v56 =	vld [tilespmem:$0x750];
	v17 =	vadd.s32 $0x7FFF, v17;
	v20 =	vadd.s32 $0x7FFF, v20;
	v19 =	vadd.s32 $0x7FFF, v19  }
0xc0: {  	v49 =	vld [tilespmem:$0x360];
	v46 =	vshrl.u32 v38, $0x10;
	v10 =	vsub.f32 $0.0e+00, v10;
	v12 =	vadd.f32 v12, v41  }
0xc1: {  	v62 =	vld [tilespmem:$0x3F0];
	v15 =	vmul.f32 s21, v15;
	v17 =	vand.u32 $0xFFFF0000, v17;
	v29 =	vand.u32 $0xFFFF0000, v20  }
0xc2: {  	v48 =	vld [tilespmem:$0x2E0];
	v19 =	vand.u32 $0xFFFF0000, v19;
	v41 =	vmul.f32 $1.992984650e-05, v30;
	v13 =	vadd.f32 v14, v13  }
0xc3: {  	v57 =	vld [tilespmem:$0x2F0];
	v14 =	vand.u32 $0xFFFF0000, v53;
	v17 =	vmul.f32 s21, v17;
	v39 =	vmul.f32 s20, v19  }
0xc4: {  	v27 =	vld [tilespmem:$0x480];
	v19 =	vand.u32 $0x1, v43;
	v45 =	vshrl.u32 v37, $0x10;
	v60 =	vmul.f32 $1.992984650e-05, v56  }
0xc5: {  	v14 =	vmul.f32 s22, v14;
	v12 =	vsub.f32 v12, v18;
	v18 =	vand.u32 $0x1, v61  }
0xc6: {  	v19 =	vadd.s32 v19, v35;
	v21 =	vand.u32 $0x1, v45;
	v55 =	vshrl.u32 v49, $0x10  }
0xc7: {  	v34 =	vshrl.u32 v62, $0x10;
	v18 =	vadd.s32 v18, v52;
	v19 =	vadd.s32 $0x7FFF, v19  }
0xc8: {  	v21 =	vadd.s32 v21, v37;
	v54 =	vshrl.u32 v48, $0x10;
	v28 =	vshrl.u32 v57, $0x10  }
0xc9: {  	v53 =	vld [tilespmem:$0x3E0];
	v24 =	vand.u32 $0x1, v34;
	v35 =	vshrl.u32 v27, $0x10;
	v13 =	vadd.f32 v14, v13  }
0xca: {  	v18 =	vadd.s32 $0x7FFF, v18;
	v14 =	vadd.f32 v15, v58;
	v15 =	vmul.f32 s22, v29  }
0xcb: {  	v19 =	vand.u32 $0xFFFF0000, v19;
	v21 =	vadd.s32 $0x7FFF, v21;
	v25 =	vand.u32 $0x1, v28  }
0xcc: {  	v58 =	vld [tilespmem:$0x370];
	v12 =	vand.u32 $0x7FFFFFFF, v12;
	v18 =	vand.u32 $0xFFFF0000, v18;
	v19 =	vmul.f32 s22, v19  }
0xcd: {  	[tilespmem:$0x800] =	vst v4;
	v28 =	vld [tilespmem:$0x590];
	v21 =	vand.u32 $0xFFFF0000, v21;
	v30 =	vadd.s32 v25, v57;
	v4 =	vsub.f32 $0.0e+00, v12  }
0xce: {  	v57 =	vld [tilespmem:$0x5A0];
	v18 =	vmul.f32 s20, v18;
	v14 =	vadd.f32 v15, v14;
	v26 =	vshrl.u32 v53, $0x10  }
0xcf: {  	v13 =	vsub.f32 v13, v16;
	v21 =	vmul.f32 s20, v21;
	v26 =	vand.u32 $0x1, v26  }
0xd0: {  	v17 =	vadd.f32 v17, v18;
	v18 =	vand.u32 $0x1, v31;
	v14 =	vsub.f32 v14, v41  }
0xd1: {  	v59 =	vadd.s32 v26, v53;
	v18 =	vadd.s32 v18, v22;
	v22 =	vadd.s32 $0x7FFF, v36  }
0xd2: {  	v33 =	vld [tilespmem:$0x500];
	v29 =	vshrl.u32 v58, $0x10;
	v53 =	vshrl.u32 v28, $0x10;
	v18 =	vadd.s32 $0x7FFF, v18  }
0xd3: {  	v41 =	vld [tilespmem:$0x580];
	v22 =	vand.u32 $0xFFFF0000, v22;
	v26 =	vand.u32 $0x1, v29;
	v34 =	vshrl.u32 v57, $0x10  }
0xd4: {  	[tilespmem:$0x820] =	vst v6;
	v6 =	vand.u32 $0x7FFFFFFF, v14;
	v18 =	vand.u32 $0xFFFF0000, v18;
	v40 =	vmul.f32 s21, v22  }
0xd5: {  	v36 =	vld [tilespmem:$0x490];
	v22 =	vand.u32 $0x1, v46;
	v31 =	vadd.s32 v26, v58;
	v6 =	vsub.f32 $0.0e+00, v6  }
0xd6: {  	v18 =	vmul.f32 s22, v18;
	v22 =	vadd.s32 v22, v38;
	v32 =	vadd.s32 $0x7FFF, v31  }
0xd7: {  	v38 =	vand.u32 $0x1, v35;
	v16 =	vadd.f32 v40, v39;
	v22 =	vadd.s32 $0x7FFF, v22  }
0xd8: {  	v20 =	vand.u32 $0xFFFF0000, v32;
	v40 =	vshrl.u32 v33, $0x10;
	v29 =	vshrl.u32 v41, $0x10  }
0xd9: {  	v17 =	vadd.f32 v18, v17;
	v22 =	vand.u32 $0xFFFF0000, v22;
	v18 =	vadd.s32 $0x7FFF, v59  }
0xda: {  	v20 =	vmul.f32 s21, v20;
	v26 =	vand.u32 $0x1, v40;
	v46 =	vshrl.u32 v36, $0x10  }
0xdb: {  	v22 =	vmul.f32 s21, v22;
	v16 =	vadd.f32 v19, v16;
	v18 =	vand.u32 $0xFFFF0000, v18  }
0xdc: {  	v35 =	vld [tilespmem:$0x7A0];
	v19 =	vadd.s32 $0x7FFF, v30;
	v23 =	vand.u32 $0x1, v46;
	v15 =	vsub.f32 v17, v42  }
0xdd: {  	v39 =	vld [tilespmem:$0x510];
	v17 =	vand.u32 $0x1, v50;
	v18 =	vmul.f32 s22, v18;
	v19 =	vand.u32 $0xFFFF0000, v19  }
0xde: {  	v42 =	vadd.s32 v26, v33;
	v23 =	vadd.s32 v23, v36;
	v52 =	vadd.f32 v22, v21  }
0xdf: {  	v17 =	vadd.s32 v17, v47;
	v21 =	vand.u32 $0x1, v54;
	v22 =	vand.u32 $0x1, v55  }
0xe0: {  	v59 =	vld [tilespmem:$0x4B0];
	v16 =	vsub.f32 v16, v51;
	v19 =	vmul.f32 s20, v19;
	v44 =	vadd.s32 $0x7FFF, v42  }
0xe1: {  	v63 =	vld [tilespmem:$0x760];
	v23 =	vadd.s32 $0x7FFF, v23;
	v42 =	vmul.f32 $1.992984650e-05, v35;
	v17 =	vadd.s32 $0x7FFF, v17  }
0xe2: {  	v50 =	vld [tilespmem:$0x520];
	v21 =	vadd.s32 v21, v48;
	v22 =	vadd.s32 v22, v49;
	v47 =	vshrl.u32 v39, $0x10  }
0xe3: {  	v40 =	vld [tilespmem:$0x540];
	v49 =	vand.u32 $0x1, v29;
	v23 =	vand.u32 $0xFFFF0000, v23;
	v17 =	vand.u32 $0xFFFF0000, v17  }
0xe4: {  	v54 =	vld [tilespmem:$0x790];
	v21 =	vadd.s32 $0x7FFF, v21;
	v22 =	vadd.s32 $0x7FFF, v22;
	v19 =	vadd.f32 v20, v19  }
0xe5: {  	v26 =	vand.u32 $0x1, v47;
	v23 =	vmul.f32 s20, v23;
	v36 =	vshrl.u32 v59, $0x10  }
0xe6: {  	v48 =	vld [tilespmem:$0x4A0];
	v17 =	vmul.f32 s22, v17;
	v21 =	vand.u32 $0xFFFF0000, v21;
	v22 =	vand.u32 $0xFFFF0000, v22  }
0xe7: {  	v21 =	vmul.f32 s20, v21;
	v22 =	vmul.f32 s21, v22;
	v31 =	vshrl.u32 v50, $0x10  }
0xe8: {  	v46 =	vshrl.u32 v40, $0x10;
	v17 =	vadd.f32 v17, v52;
	v56 =	vand.u32 $0x1, v31  }
0xe9: {  	v33 =	vmul.f32 $1.992984650e-05, v54;
	v61 =	vadd.f32 v22, v21;
	v22 =	vmul.f32 $1.992984650e-05, v63  }
0xea: {  	v21 =	vadd.s32 v24, v62;
	v24 =	vadd.s32 v26, v39;
	v26 =	vadd.s32 v49, v41  }
0xeb: {  	v32 =	vld [tilespmem:$0x5D0];
	v30 =	vshrl.u32 v48, $0x10;
	v58 =	vadd.s32 v56, v50;
	v17 =	vsub.f32 v17, v60  }
0xec: {  	v37 =	vadd.s32 $0x7FFF, v21;
	v21 =	vadd.s32 v38, v27;
	v24 =	vadd.s32 $0x7FFF, v24  }
0xed: {  	v45 =	vld [tilespmem:$0x770];
	v26 =	vadd.s32 $0x7FFF, v26;
	v55 =	vand.u32 $0x1, v30;
	v27 =	vand.u32 $0x1, v36  }
0xee: {  	v47 =	vld [tilespmem:$0x4D0];
	v18 =	vadd.f32 v18, v61;
	v20 =	vand.u32 $0xFFFF0000, v37;
	v21 =	vadd.s32 $0x7FFF, v21  }
0xef: {  	v52 =	vld [tilespmem:$0x780];
	v24 =	vand.u32 $0xFFFF0000, v24;
	v51 =	vand.u32 $0xFFFF0000, v26;
	v25 =	vadd.s32 v55, v48  }
0xf0: {  	v27 =	vadd.s32 v27, v59;
	v55 =	vshrl.u32 v32, $0x10;
	v20 =	vmul.f32 s22, v20  }
0xf1: {  	v39 =	vld [tilespmem:$0x4C0];
	v21 =	vand.u32 $0xFFFF0000, v21;
	v24 =	vmul.f32 s21, v24;
	v25 =	vadd.s32 $0x7FFF, v25  }
0xf2: {  	v56 =	vld [tilespmem:$0x7C0];
	v27 =	vadd.s32 $0x7FFF, v27;
	v18 =	vsub.f32 v18, v22;
	v43 =	vmul.f32 s20, v21  }
0xf3: {  	v60 =	vld [tilespmem:$0x530];
	v21 =	vand.u32 $0xFFFF0000, v44;
	v22 =	vmul.f32 $1.992984650e-05, v45;
	v25 =	vand.u32 $0xFFFF0000, v25  }
0xf4: {  	v38 =	vld [tilespmem:$0x5B0];
	v63 =	vmul.f32 $1.992984650e-05, v52;
	v27 =	vand.u32 $0xFFFF0000, v27;
	v52 =	vshrl.u32 v47, $0x10  }
0xf5: {  	v19 =	vadd.f32 v20, v19;
	v21 =	vmul.f32 s21, v21;
	v23 =	vadd.f32 v24, v23  }
0xf6: {  	v48 =	vld [tilespmem:$0x550];
	v24 =	vand.u32 $0x1, v53;
	v61 =	vmul.f32 s20, v25;
	v25 =	vand.u32 $0x1, v34  }
0xf7: {  	v27 =	vmul.f32 s20, v27;
	v45 =	vshrl.u32 v39, $0x10;
	v29 =	vmul.f32 $1.992984650e-05, v56  }
0xf8: {  	v24 =	vadd.s32 v24, v28;
	v28 =	vadd.s32 $0x7FFF, v58;
	v37 =	vshrl.u32 v60, $0x10  }
0xf9: {  	v25 =	vadd.s32 v25, v57;
	v41 =	vshrl.u32 v38, $0x10;
	v20 =	vadd.f32 v21, v43  }
0xfa: {  	v44 =	vld [tilespmem:$0x5C0];
	v21 =	vmul.f32 s22, v51;
	v24 =	vadd.s32 $0x7FFF, v24;
	v28 =	vand.u32 $0xFFFF0000, v28  }
0xfb: {  	v19 =	vsub.f32 v19, v22;
	v25 =	vadd.s32 $0x7FFF, v25;
	v53 =	vshrl.u32 v48, $0x10  }
0xfc: {  	v24 =	vand.u32 $0xFFFF0000, v24;
	v62 =	vmul.f32 s21, v28;
	v28 =	vand.u32 $0x1, v37  }
0xfd: {  	v25 =	vand.u32 $0xFFFF0000, v25;
	v26 =	vand.u32 $0x1, v53;
	v24 =	vmul.f32 s22, v24  }
0xfe: {  	v57 =	vld [tilespmem:$0x7D0];
	v20 =	vadd.f32 v21, v20;
	v28 =	vadd.s32 v28, v60;
	v25 =	vmul.f32 s22, v25  }
0xff: {  	v49 =	vshrl.u32 v44, $0x10;
	v26 =	vadd.s32 v26, v48;
	v48 =	vand.u32 $0x7FFFFFFF, v17  }
0x100: {  	v22 =	vadd.f32 v62, v61;
	v28 =	vadd.s32 $0x7FFF, v28;
	v31 =	vand.u32 $0x1, v49  }
0x101: {  	v36 =	vld [tilespmem:$0x570];
	v26 =	vadd.s32 $0x7FFF, v26;
	v23 =	vadd.f32 v24, v23;
	v28 =	vand.u32 $0xFFFF0000, v28  }
0x102: {  	v21 =	vsub.f32 v20, v63;
	v50 =	vadd.s32 v31, v44;
	v26 =	vand.u32 $0xFFFF0000, v26  }
0x103: {  	v62 =	vmul.f32 $1.992984650e-05, v57;
	v28 =	vmul.f32 s21, v28;
	v22 =	vadd.f32 v25, v22  }
0x104: {  	v60 =	vld [tilespmem:$0x560];
	v25 =	vand.u32 $0x1, v52;
	v26 =	vmul.f32 s21, v26;
	v52 =	vand.u32 $0x7FFFFFFF, v18  }
0x105: {  	v20 =	vsub.f32 v23, v33;
	v23 =	vand.u32 $0x1, v41;
	v33 =	vsub.f32 $0.0e+00, v8  }
0x106: {  	v25 =	vadd.s32 v25, v47;
	v41 =	vshrl.u32 v36, $0x10;
	v47 =	vand.u32 $0x7FFFFFFF, v16  }
0x107: {  	v61 =	vld [tilespmem:$0x5E0];
	v43 =	vadd.f32 v28, v27;
	v23 =	vadd.s32 v23, v38;
	v27 =	vand.u32 $0x1, v45  }
0x108: {  	v28 =	vand.u32 $0x1, v46;
	v8 =	vsub.f32 v22, v42;
	v22 =	vadd.s32 $0x7FFF, v50  }
0x109: {  	v25 =	vadd.s32 $0x7FFF, v25;
	v35 =	vshrl.u32 v60, $0x10;
	v42 =	vand.u32 $0x7FFFFFFF, v13  }
0x10a: {  	[tilespmem:$0x850] =	vst v7;
	v63 =	vld [tilespmem:$0x4F0];
	v46 =	vand.u32 $0x7FFFFFFF, v15;
	v7 =	vsub.f32 $0.0e+00, v47;
	v50 =	vsub.f32 $0.0e+00, v48  }
0x10b: {  	v23 =	vadd.s32 $0x7FFF, v23;
	v27 =	vadd.s32 v27, v39;
	v28 =	vadd.s32 v28, v40  }
0x10c: {  	v22 =	vand.u32 $0xFFFF0000, v22;
	v25 =	vand.u32 $0xFFFF0000, v25;
	v37 =	vshrl.u32 v61, $0x10  }
0x10d: {  	[tilespmem:$0x810] =	vst v5;
	v5 =	vsub.f32 $0.0e+00, v42;
	v14 =	vsub.f32 $0.0e+00, v46;
	v23 =	vand.u32 $0xFFFF0000, v23  }
0x10e: {  	v27 =	vadd.s32 $0x7FFF, v27;
	v28 =	vadd.s32 $0x7FFF, v28;
	v22 =	vmul.f32 s22, v22  }
0x10f: {  	v25 =	vmul.f32 s20, v25;
	v38 =	vand.u32 $0x1, v37;
	v40 =	vshrl.u32 v63, $0x10  }
0x110: {  	v54 =	vld [tilespmem:$0x7B0];
	[tilespmem:$0x8C0] =	vst v7;
	v7 =	vsub.f32 $0.0e+00, v52;
	v8 =	vand.u32 $0x7FFFFFFF, v8;
	v23 =	vmul.f32 s22, v23  }
0x111: {  	v39 =	vld [tilespmem:$0x5F0];
	v27 =	vand.u32 $0xFFFF0000, v27;
	v28 =	vand.u32 $0xFFFF0000, v28;
	v8 =	vsub.f32 $0.0e+00, v8  }
0x112: {  	v58 =	vld [tilespmem:$0x4E0];
	v27 =	vmul.f32 s20, v27;
	v28 =	vmul.f32 s21, v28;
	v25 =	vadd.f32 v26, v25  }
0x113: {  	v26 =	vadd.s32 v38, v61;
	v61 =	vand.u32 $0x7FFFFFFF, v20;
	v23 =	vadd.f32 v23, v43  }
0x114: {  	[tilespmem:$0x890] =	vst v5;
	v43 =	vand.u32 $0x1, v41;
	v5 =	vadd.s32 $0x7FFF, v26;
	v51 =	vadd.f32 v28, v27  }
0x115: {  	v28 =	vand.u32 $0x1, v55;
	v27 =	vmul.f32 $1.992984650e-05, v54;
	v44 =	vadd.s32 v43, v36  }
0x116: {  	v45 =	vshrl.u32 v39, $0x10;
	v5 =	vand.u32 $0xFFFF0000, v5;
	v28 =	vadd.s32 v28, v32  }
0x117: {  	v32 =	vshrl.u32 v58, $0x10;
	v13 =	vand.u32 $0x1, v45;
	v28 =	vadd.s32 $0x7FFF, v28  }
0x118: {  	v12 =	vadd.s32 $0x7FFF, v44;
	v5 =	vmul.f32 s22, v5;
	v59 =	vand.u32 $0xFFFF0000, v28  }
0x119: {  	v22 =	vadd.f32 v22, v51;
	v23 =	vsub.f32 v23, v27;
	v24 =	vmul.f32 s22, v59  }
0x11a: {  	v34 =	vand.u32 $0x1, v32;
	v27 =	vand.u32 $0x1, v35;
	v13 =	vadd.s32 v13, v39  }
0x11b: {  	[tilespmem:$0x840] =	vst v9;
	v27 =	vadd.s32 v27, v60;
	v24 =	vadd.f32 v24, v25;
	v25 =	vadd.s32 v34, v58  }
0x11c: {  	[tilespmem:$0x870] =	vst v11;
	v12 =	vand.u32 $0xFFFF0000, v12;
	v53 =	vadd.s32 $0x7FFF, v27;
	v49 =	vadd.s32 $0x7FFF, v25  }
0x11d: {  	[tilespmem:$0x860] =	vst v10;
	v28 =	vand.u32 $0x1, v40;
	v54 =	vand.u32 $0xFFFF0000, v53;
	v51 =	vand.u32 $0xFFFF0000, v49  }
0x11e: {  	[tilespmem:$0x880] =	vst v4;
	v28 =	vadd.s32 v28, v63;
	v4 =	vmul.f32 s21, v54;
	v15 =	vmul.f32 s20, v51  }
0x11f: {  	[tilespmem:$0x8A0] =	vst v6;
	v6 =	vld [tilespmem:$0x7E0];
	v12 =	vmul.f32 s21, v12;
	v13 =	vadd.s32 $0x7FFF, v13;
	v55 =	vadd.s32 $0x7FFF, v28  }
0x120: {  	[tilespmem:$0x830] =	vst v33;
	v60 =	vand.u32 $0x7FFFFFFF, v21;
	v56 =	vand.u32 $0xFFFF0000, v55;
	v58 =	vld [tilespmem:$0x7F0];
	v4 =	vadd.f32 v4, v15  }
0x121: {  	[tilespmem:$0x8D0] =	vst v50;
	v22 =	vsub.f32 v22, v29;
	v59 =	vand.u32 $0x7FFFFFFF, v19;
	v11 =	vmul.f32 s20, v56  }
0x122: {  	[tilespmem:$0x8B0] =	vst v14;
	v57 =	vand.u32 $0xFFFF0000, v13;
	v4 =	vadd.f32 v5, v4;
	v5 =	vsub.f32 $0.0e+00, v59  }
0x123: {  	[tilespmem:$0x8E0] =	vst v7;
	v9 =	vsub.f32 $0.0e+00, v60;
	v11 =	vadd.f32 v12, v11;
	v12 =	vmul.f32 s22, v57  }
0x124: {  	v6 =	vmul.f32 $1.992984650e-05, v6;
	v24 =	vsub.f32 v24, v62;
	[tilespmem:$0x8F0] =	vst v5;
	v5 =	vsub.f32 $0.0e+00, v61  }
0x125: {  	[tilespmem:$0x920] =	vst v8;
	v62 =	vand.u32 $0x7FFFFFFF, v23;
	v7 =	vadd.f32 v12, v11;
	v63 =	vmul.f32 $1.992984650e-05, v58  }
0x126: {  	v4 =	vsub.f32 v4, v6;
	v6 =	vand.u32 $0x7FFFFFFF, v22;
	[tilespmem:$0x910] =	vst v5;
	v5 =	vsub.f32 $0.0e+00, v62  }
0x127: {  	[tilespmem:$0x900] =	vst v9;
	v8 =	vand.u32 $0x7FFFFFFF, v24;
	v7 =	vsub.f32 v7, v63;
	v6 =	vsub.f32 $0.0e+00, v6  }
0x128: {  	v4 =	vand.u32 $0x7FFFFFFF, v4;
	[tilespmem:$0x930] =	vst v5;
	v5 =	vsub.f32 $0.0e+00, v8  }
0x129: {  	[tilespmem:$0x940] =	vst v6;
	v4 =	vsub.f32 $0.0e+00, v4;
	v6 =	vand.u32 $0x7FFFFFFF, v7  }
0x12a: {  	[tilespmem:$0x950] =	vst v5;
	v5 =	vsub.f32 $0.0e+00, v6  }
0x12b: {  	[tilespmem:$0x960] =	vst v4  }
0x12c: {  	s31 =	simm.s32 $0x800;
	[tilespmem:$0x970] =	vst v5  }
0x12d: {  	v7 =	vld [tilespmem:s31+$0x0];
	_ =	sdelay $0x3  }
0x12e: {  	v4 =	vimm.s32 $0x40000000;
	v6 =	vor.u32 s19, v2;
	v5 =	vimm.f32 $-Inf  }
0x12f: {  	s20 =	simm.s32 $0x810;
	s19 =	simm.s32 $0x10;
	vm12 =	vlt.s32 v6, v4;
	vm11 =	veq.f32 v7, v5  }
.LBB2_3:
0x130: {  	v8 =	vld [tilespmem:s20+$0x0];
	p2 =	sne.s32 s19, $0x170;
	vm13 =	vgt.f32 v7, v5;
	vm11 =	vmand vm12, vm11;
	s21 =	smov.u32 s19;
	s19 =	sadd.s32 $0x10, s19  }
.Ltmp3:
0x131: {  	vm11 =	vmor vm13, vm11;
	(pc) =	sbr.rel @p2 .LBB2_3-.Ltmp3, $3  }
0x132: {  	v5 =	vsel vm11, v7, v5;
	v4 =	vsel vm11, v6, v4;
	_ =	sdelay $0x1  }
0x133: {  	v6 =	vor.u32 s21, v2  }
0x134: {  	s20 =	sadd.s32 $0x10, s20;
	vm12 =	vlt.s32 v6, v4;
	vm11 =	veq.f32 v8, v5;
	v7 =	vmov v8  }
0x135: {  	vm13 =	vgt.f32 v7, v5;
	vm11 =	vmand vm12, vm11  }
0x136: {  	vm11 =	vmor vm13, vm11  }
0x137: {  	v7 =	vsel vm11, v7, v5  }
0x138: {  	(xrf0) =	vmax.scan.msk.f32 $0xffff, v7;
	_ =	sdelay $0x5  }
0x139: {  	v5, _, _ =	vpop (xrf0)  }
0x13a: {  	v5 =	vbroadcast v5, $0xF  }
0x13b: {  	v4 =	vsel vm11, v6, v4  }
0x13c: {  	v4 =	vxor.u32 $0x80000000, v4;
	vm11 =	veq.f32 v7, v5  }
0x13d: {  	v4 =	vnsel vm11, $0xC0000000, v4  }
0x13e: {  	(xrf0) =	vmin.scan.msk.u32 $0xffff, v4;
	_ =	sdelay $0x5  }
0x13f: {  	v4, _, _ =	vpop (xrf0)  }
0x140: {  	(v2sf) =	vpush v4, $0xF;
	_ =	sdelay $0xc  }
0x141: {  	s19 =	simm.s32 $0x800  }
0x142: {  	v9 =	vld [tilespmem:s19+$0x0]  }
0x143: {  	s20 =	spop (v2sf)  }
0x144: {  	s21 =	simm.s32 $0x0;
	s20 =	sxor.u32 $0x80000000, s20  }
0x145: {  	v6 =	vor.u32 s21, v2;
	v4 =	vmov s20  }
0x146: {  	vm11 =	veq.s32 v6, v4  }
0x147: {  	v8 =	vimm.s32 $0x40000000;
	v7 =	vimm.f32 $-Inf;
	v9 =	vsel vm11, $0xFF800000, v9  }
0x148: {  	vm13 =	vlt.s32 v6, v8;
	[tilespmem:s19+$0x0] =	vst v9;
	vm12 =	veq.f32 v9, v7;
	s19 =	simm.s32 $0x810  }
0x149: {  	s21 =	simm.s32 $0x20;
	s20 =	simm.s32 $0x10;
	vm11 =	vgt.f32 v9, v7;
	v10 =	vld [tilespmem:s19+$0x0];
	vm12 =	vmand vm13, vm12  }
.LBB2_5:
0x14a: {  	p2 =	sne.s32 s21, $0x170;
	vm11 =	vmor vm11, vm12  }
0x14b: {  	v7 =	vsel vm11, v9, v7;
	v8 =	vsel vm11, v6, v8  }
.Ltmp4:
0x14c: {  	v6 =	vor.u32 s20, v2;
	s20 =	smov.u32 s21;
	(pc) =	sbr.rel @p2 .LBB2_5-.Ltmp4, $4  }
0x14d: {  	vm11 =	veq.s32 v6, v4  }
0x14e: {  	v9 =	vsel vm11, $0xFF800000, v10  }
0x14f: {  	vm13 =	vlt.s32 v6, v8;
	[tilespmem:s19+$0x0] =	vst v9;
	vm12 =	veq.f32 v9, v7;
	s19 =	sadd.s32 $0x10, s19  }
0x150: {  	s21 =	sadd.s32 $0x10, s21;
	vm11 =	vgt.f32 v9, v7;
	v10 =	vld [tilespmem:s19+$0x0];
	vm12 =	vmand vm13, vm12  }
0x151: {  	_ =	sdelay $0x1  }
0x152: {  	v11 =	vor.u32 s20, v2  }
0x153: {  	vm11 =	vmor vm11, vm12;
	vm12 =	veq.s32 v11, v4  }
0x154: {  	v7 =	vsel vm11, v9, v7;
	v6 =	vsel vm11, v6, v8;
	v8 =	vsel vm12, $0xFF800000, v10  }
0x155: {  	vm12 =	vlt.s32 v11, v6;
	vm11 =	veq.f32 v8, v7  }
0x156: {  	vm13 =	vgt.f32 v8, v7;
	vm11 =	vmand vm12, vm11  }
0x157: {  	vm11 =	vmor vm13, vm11  }
0x158: {  	v9 =	vsel vm11, v8, v7  }
0x159: {  	(xrf0) =	vmax.scan.msk.f32 $0xffff, v9;
	_ =	sdelay $0x5  }
0x15a: {  	v7, _, _ =	vpop (xrf0)  }
0x15b: {  	v7 =	vbroadcast v7, $0xF  }
0x15c: {  	v6 =	vsel vm11, v11, v6  }
0x15d: {  	v6 =	vxor.u32 $0x80000000, v6;
	vm11 =	veq.f32 v9, v7  }
0x15e: {  	v6 =	vnsel vm11, $0xC0000000, v6  }
0x15f: {  	(xrf0) =	vmin.scan.msk.u32 $0xffff, v6;
	_ =	sdelay $0x5  }
0x160: {  	v6, _, _ =	vpop (xrf0)  }
0x161: {  	(v2sf) =	vpush v6, $0xF;
	_ =	sdelay $0xc  }
0x162: {  	s30 =	simm.s32 $0x800;
	[tilespmem:s19+$0x0] =	vst v8  }
0x163: {  	v11 =	vld [tilespmem:s30+$0x0]  }
0x164: {  	s31 =	spop (v2sf)  }
0x165: {  	s21 =	simm.s32 $0x0;
	s20 =	sxor.u32 $0x80000000, s31  }
0x166: {  	v8 =	vor.u32 s21, v2;
	v6 =	vmov s20  }
0x167: {  	vm11 =	veq.s32 v8, v6  }
0x168: {  	v10 =	vimm.s32 $0x40000000;
	v9 =	vimm.f32 $-Inf;
	v11 =	vsel vm11, $0xFF800000, v11  }
0x169: {  	s19 =	simm.s32 $0x810;
	vm13 =	vlt.s32 v8, v10;
	[tilespmem:s30+$0x0] =	vst v11;
	vm12 =	veq.f32 v11, v9  }
0x16a: {  	s21 =	simm.s32 $0x20;
	s20 =	simm.s32 $0x10;
	vm11 =	vgt.f32 v11, v9;
	v12 =	vld [tilespmem:s19+$0x0];
	vm12 =	vmand vm13, vm12  }
.LBB2_7:
0x16b: {  	p2 =	sne.s32 s21, $0x170;
	vm11 =	vmor vm11, vm12  }
0x16c: {  	v9 =	vsel vm11, v11, v9;
	v10 =	vsel vm11, v8, v10  }
.Ltmp5:
0x16d: {  	v8 =	vor.u32 s20, v2;
	s20 =	smov.u32 s21;
	(pc) =	sbr.rel @p2 .LBB2_7-.Ltmp5, $4  }
0x16e: {  	vm11 =	veq.s32 v8, v6  }
0x16f: {  	v11 =	vsel vm11, $0xFF800000, v12  }
0x170: {  	vm13 =	vlt.s32 v8, v10;
	[tilespmem:s19+$0x0] =	vst v11;
	vm12 =	veq.f32 v11, v9;
	s19 =	sadd.s32 $0x10, s19  }
0x171: {  	s21 =	sadd.s32 $0x10, s21;
	vm11 =	vgt.f32 v11, v9;
	v12 =	vld [tilespmem:s19+$0x0];
	vm12 =	vmand vm13, vm12  }
0x172: {  	_ =	sdelay $0x1  }
0x173: {  	v13 =	vor.u32 s20, v2  }
0x174: {  	vm11 =	vmor vm11, vm12;
	vm12 =	veq.s32 v13, v6  }
0x175: {  	v9 =	vsel vm11, v11, v9;
	v8 =	vsel vm11, v8, v10;
	v10 =	vsel vm12, $0xFF800000, v12  }
0x176: {  	vm12 =	vlt.s32 v13, v8;
	vm11 =	veq.f32 v10, v9  }
0x177: {  	vm13 =	vgt.f32 v10, v9;
	vm11 =	vmand vm12, vm11  }
0x178: {  	vm11 =	vmor vm13, vm11  }
0x179: {  	v11 =	vsel vm11, v10, v9  }
0x17a: {  	(xrf0) =	vmax.scan.msk.f32 $0xffff, v11;
	_ =	sdelay $0x5  }
0x17b: {  	v9, _, _ =	vpop (xrf0)  }
0x17c: {  	v9 =	vbroadcast v9, $0xF  }
0x17d: {  	v8 =	vsel vm11, v13, v8  }
0x17e: {  	v8 =	vxor.u32 $0x80000000, v8;
	vm11 =	veq.f32 v11, v9  }
0x17f: {  	v8 =	vnsel vm11, $0xC0000000, v8  }
0x180: {  	(xrf0) =	vmin.scan.msk.u32 $0xffff, v8;
	_ =	sdelay $0x5  }
0x181: {  	v8, _, _ =	vpop (xrf0)  }
0x182: {  	(v2sf) =	vpush v8, $0xF;
	_ =	sdelay $0xc  }
0x183: {  	s30 =	simm.s32 $0x800;
	[tilespmem:s19+$0x0] =	vst v10  }
0x184: {  	v13 =	vld [tilespmem:s30+$0x0]  }
0x185: {  	s31 =	spop (v2sf)  }
0x186: {  	s21 =	simm.s32 $0x0;
	s20 =	sxor.u32 $0x80000000, s31  }
0x187: {  	v10 =	vor.u32 s21, v2;
	v8 =	vmov s20  }
0x188: {  	vm11 =	veq.s32 v10, v8  }
0x189: {  	v12 =	vimm.s32 $0x40000000;
	v11 =	vimm.f32 $-Inf;
	v13 =	vsel vm11, $0xFF800000, v13  }
0x18a: {  	s19 =	simm.s32 $0x810;
	vm13 =	vlt.s32 v10, v12;
	[tilespmem:s30+$0x0] =	vst v13;
	vm12 =	veq.f32 v13, v11  }
0x18b: {  	s21 =	simm.s32 $0x20;
	s20 =	simm.s32 $0x10;
	vm11 =	vgt.f32 v13, v11;
	v14 =	vld [tilespmem:s19+$0x0];
	vm12 =	vmand vm13, vm12  }
.LBB2_9:
0x18c: {  	p2 =	sne.s32 s21, $0x170;
	vm11 =	vmor vm11, vm12  }
0x18d: {  	v11 =	vsel vm11, v13, v11;
	v12 =	vsel vm11, v10, v12  }
.Ltmp6:
0x18e: {  	v10 =	vor.u32 s20, v2;
	s20 =	smov.u32 s21;
	(pc) =	sbr.rel @p2 .LBB2_9-.Ltmp6, $4  }
0x18f: {  	vm11 =	veq.s32 v10, v8  }
0x190: {  	v13 =	vsel vm11, $0xFF800000, v14  }
0x191: {  	vm13 =	vlt.s32 v10, v12;
	[tilespmem:s19+$0x0] =	vst v13;
	vm12 =	veq.f32 v13, v11;
	s19 =	sadd.s32 $0x10, s19  }
0x192: {  	s21 =	sadd.s32 $0x10, s21;
	vm11 =	vgt.f32 v13, v11;
	v14 =	vld [tilespmem:s19+$0x0];
	vm12 =	vmand vm13, vm12  }
0x193: {  	_ =	sdelay $0x1  }
0x194: {  	v15 =	vor.u32 s20, v2  }
0x195: {  	vm11 =	vmor vm11, vm12;
	vm12 =	veq.s32 v15, v8  }
0x196: {  	v11 =	vsel vm11, v13, v11;
	v10 =	vsel vm11, v10, v12;
	v12 =	vsel vm12, $0xFF800000, v14  }
0x197: {  	vm12 =	vlt.s32 v15, v10;
	vm11 =	veq.f32 v12, v11  }
0x198: {  	vm13 =	vgt.f32 v12, v11;
	vm11 =	vmand vm12, vm11  }
0x199: {  	vm11 =	vmor vm13, vm11  }
0x19a: {  	v13 =	vsel vm11, v12, v11  }
0x19b: {  	(xrf0) =	vmax.scan.msk.f32 $0xffff, v13;
	_ =	sdelay $0x5  }
0x19c: {  	v11, _, _ =	vpop (xrf0)  }
0x19d: {  	v11 =	vbroadcast v11, $0xF  }
0x19e: {  	v10 =	vsel vm11, v15, v10  }
0x19f: {  	v10 =	vxor.u32 $0x80000000, v10;
	vm11 =	veq.f32 v13, v11  }
0x1a0: {  	v10 =	vnsel vm11, $0xC0000000, v10  }
0x1a1: {  	(xrf0) =	vmin.scan.msk.u32 $0xffff, v10;
	_ =	sdelay $0x5  }
0x1a2: {  	v10, _, _ =	vpop (xrf0)  }
0x1a3: {  	(v2sf) =	vpush v10, $0xF;
	_ =	sdelay $0xc  }
0x1a4: {  	s30 =	simm.s32 $0x800;
	[tilespmem:s19+$0x0] =	vst v12  }
0x1a5: {  	v15 =	vld [tilespmem:s30+$0x0]  }
0x1a6: {  	s31 =	spop (v2sf)  }
0x1a7: {  	s21 =	simm.s32 $0x0;
	s20 =	sxor.u32 $0x80000000, s31  }
0x1a8: {  	v12 =	vor.u32 s21, v2;
	v10 =	vmov s20  }
0x1a9: {  	vm11 =	veq.s32 v12, v10  }
0x1aa: {  	v14 =	vimm.s32 $0x40000000;
	v13 =	vimm.f32 $-Inf;
	v15 =	vsel vm11, $0xFF800000, v15  }
0x1ab: {  	s19 =	simm.s32 $0x810;
	vm13 =	vlt.s32 v12, v14;
	[tilespmem:s30+$0x0] =	vst v15;
	vm12 =	veq.f32 v15, v13  }
0x1ac: {  	s21 =	simm.s32 $0x20;
	s20 =	simm.s32 $0x10;
	vm11 =	vgt.f32 v15, v13;
	v16 =	vld [tilespmem:s19+$0x0];
	vm12 =	vmand vm13, vm12  }
.LBB2_11:
0x1ad: {  	p2 =	sne.s32 s21, $0x170;
	vm11 =	vmor vm11, vm12  }
0x1ae: {  	v13 =	vsel vm11, v15, v13;
	v14 =	vsel vm11, v12, v14  }
.Ltmp7:
0x1af: {  	v12 =	vor.u32 s20, v2;
	s20 =	smov.u32 s21;
	(pc) =	sbr.rel @p2 .LBB2_11-.Ltmp7, $4  }
0x1b0: {  	vm11 =	veq.s32 v12, v10  }
0x1b1: {  	v15 =	vsel vm11, $0xFF800000, v16  }
0x1b2: {  	vm13 =	vlt.s32 v12, v14;
	[tilespmem:s19+$0x0] =	vst v15;
	vm12 =	veq.f32 v15, v13;
	s19 =	sadd.s32 $0x10, s19  }
0x1b3: {  	s21 =	sadd.s32 $0x10, s21;
	vm11 =	vgt.f32 v15, v13;
	v16 =	vld [tilespmem:s19+$0x0];
	vm12 =	vmand vm13, vm12  }
0x1b4: {  	_ =	sdelay $0x1  }
0x1b5: {  	v17 =	vor.u32 s20, v2  }
0x1b6: {  	vm11 =	vmor vm11, vm12;
	vm12 =	veq.s32 v17, v10  }
0x1b7: {  	v13 =	vsel vm11, v15, v13;
	v12 =	vsel vm11, v12, v14;
	v14 =	vsel vm12, $0xFF800000, v16  }
0x1b8: {  	vm12 =	vlt.s32 v17, v12;
	vm11 =	veq.f32 v14, v13  }
0x1b9: {  	vm13 =	vgt.f32 v14, v13;
	vm11 =	vmand vm12, vm11  }
0x1ba: {  	vm11 =	vmor vm13, vm11  }
0x1bb: {  	v15 =	vsel vm11, v14, v13  }
0x1bc: {  	(xrf0) =	vmax.scan.msk.f32 $0xffff, v15;
	_ =	sdelay $0x5  }
0x1bd: {  	v13, _, _ =	vpop (xrf0)  }
0x1be: {  	v13 =	vbroadcast v13, $0xF  }
0x1bf: {  	v12 =	vsel vm11, v17, v12  }
0x1c0: {  	v12 =	vxor.u32 $0x80000000, v12;
	vm11 =	veq.f32 v15, v13  }
0x1c1: {  	v12 =	vnsel vm11, $0xC0000000, v12  }
0x1c2: {  	(xrf0) =	vmin.scan.msk.u32 $0xffff, v12;
	_ =	sdelay $0x5  }
0x1c3: {  	v12, _, _ =	vpop (xrf0)  }
0x1c4: {  	(v2sf) =	vpush v12, $0xF;
	_ =	sdelay $0xc  }
0x1c5: {  	s30 =	simm.s32 $0x800;
	[tilespmem:s19+$0x0] =	vst v14  }
0x1c6: {  	v17 =	vld [tilespmem:s30+$0x0]  }
0x1c7: {  	s31 =	spop (v2sf)  }
0x1c8: {  	s21 =	simm.s32 $0x0;
	s20 =	sxor.u32 $0x80000000, s31  }
0x1c9: {  	v14 =	vor.u32 s21, v2;
	v12 =	vmov s20  }
0x1ca: {  	vm11 =	veq.s32 v14, v12  }
0x1cb: {  	v16 =	vimm.s32 $0x40000000;
	v15 =	vimm.f32 $-Inf;
	v17 =	vsel vm11, $0xFF800000, v17  }
0x1cc: {  	s19 =	simm.s32 $0x810;
	vm13 =	vlt.s32 v14, v16;
	[tilespmem:s30+$0x0] =	vst v17;
	vm12 =	veq.f32 v17, v15  }
0x1cd: {  	s21 =	simm.s32 $0x20;
	s20 =	simm.s32 $0x10;
	vm11 =	vgt.f32 v17, v15;
	v18 =	vld [tilespmem:s19+$0x0];
	vm12 =	vmand vm13, vm12  }
.LBB2_13:
0x1ce: {  	p2 =	sne.s32 s21, $0x170;
	vm11 =	vmor vm11, vm12  }
0x1cf: {  	v15 =	vsel vm11, v17, v15;
	v16 =	vsel vm11, v14, v16  }
.Ltmp8:
0x1d0: {  	v14 =	vor.u32 s20, v2;
	s20 =	smov.u32 s21;
	(pc) =	sbr.rel @p2 .LBB2_13-.Ltmp8, $4  }
0x1d1: {  	vm11 =	veq.s32 v14, v12  }
0x1d2: {  	v17 =	vsel vm11, $0xFF800000, v18  }
0x1d3: {  	vm13 =	vlt.s32 v14, v16;
	[tilespmem:s19+$0x0] =	vst v17;
	vm12 =	veq.f32 v17, v15;
	s19 =	sadd.s32 $0x10, s19  }
0x1d4: {  	s21 =	sadd.s32 $0x10, s21;
	vm11 =	vgt.f32 v17, v15;
	v18 =	vld [tilespmem:s19+$0x0];
	vm12 =	vmand vm13, vm12  }
0x1d5: {  	_ =	sdelay $0x1  }
0x1d6: {  	v19 =	vor.u32 s20, v2  }
0x1d7: {  	vm11 =	vmor vm11, vm12;
	vm12 =	veq.s32 v19, v12  }
0x1d8: {  	v15 =	vsel vm11, v17, v15;
	v14 =	vsel vm11, v14, v16;
	v16 =	vsel vm12, $0xFF800000, v18  }
0x1d9: {  	vm12 =	vlt.s32 v19, v14;
	vm11 =	veq.f32 v16, v15  }
0x1da: {  	vm13 =	vgt.f32 v16, v15;
	vm11 =	vmand vm12, vm11  }
0x1db: {  	vm11 =	vmor vm13, vm11  }
0x1dc: {  	v17 =	vsel vm11, v16, v15  }
0x1dd: {  	(xrf0) =	vmax.scan.msk.f32 $0xffff, v17;
	_ =	sdelay $0x5  }
0x1de: {  	v15, _, _ =	vpop (xrf0)  }
0x1df: {  	v15 =	vbroadcast v15, $0xF  }
0x1e0: {  	v14 =	vsel vm11, v19, v14  }
0x1e1: {  	v14 =	vxor.u32 $0x80000000, v14;
	vm11 =	veq.f32 v17, v15  }
0x1e2: {  	v14 =	vnsel vm11, $0xC0000000, v14  }
0x1e3: {  	(xrf0) =	vmin.scan.msk.u32 $0xffff, v14;
	_ =	sdelay $0x5  }
0x1e4: {  	v14, _, _ =	vpop (xrf0)  }
0x1e5: {  	(v2sf) =	vpush v14, $0xF;
	_ =	sdelay $0xc  }
0x1e6: {  	s30 =	simm.s32 $0x800;
	[tilespmem:s19+$0x0] =	vst v16  }
0x1e7: {  	v19 =	vld [tilespmem:s30+$0x0]  }
0x1e8: {  	s31 =	spop (v2sf)  }
0x1e9: {  	s21 =	simm.s32 $0x0;
	s20 =	sxor.u32 $0x80000000, s31  }
0x1ea: {  	v16 =	vor.u32 s21, v2;
	v14 =	vmov s20  }
0x1eb: {  	vm11 =	veq.s32 v16, v14  }
0x1ec: {  	v18 =	vimm.s32 $0x40000000;
	v17 =	vimm.f32 $-Inf;
	v19 =	vsel vm11, $0xFF800000, v19  }
0x1ed: {  	s19 =	simm.s32 $0x810;
	vm13 =	vlt.s32 v16, v18;
	[tilespmem:s30+$0x0] =	vst v19;
	vm12 =	veq.f32 v19, v17  }
0x1ee: {  	s21 =	simm.s32 $0x20;
	s20 =	simm.s32 $0x10;
	vm11 =	vgt.f32 v19, v17;
	v20 =	vld [tilespmem:s19+$0x0];
	vm12 =	vmand vm13, vm12  }
.LBB2_15:
0x1ef: {  	p2 =	sne.s32 s21, $0x170;
	vm11 =	vmor vm11, vm12  }
0x1f0: {  	v17 =	vsel vm11, v19, v17;
	v18 =	vsel vm11, v16, v18  }
.Ltmp9:
0x1f1: {  	v16 =	vor.u32 s20, v2;
	s20 =	smov.u32 s21;
	(pc) =	sbr.rel @p2 .LBB2_15-.Ltmp9, $4  }
0x1f2: {  	vm11 =	veq.s32 v16, v14  }
0x1f3: {  	v19 =	vsel vm11, $0xFF800000, v20  }
0x1f4: {  	vm13 =	vlt.s32 v16, v18;
	[tilespmem:s19+$0x0] =	vst v19;
	vm12 =	veq.f32 v19, v17;
	s19 =	sadd.s32 $0x10, s19  }
0x1f5: {  	s21 =	sadd.s32 $0x10, s21;
	vm11 =	vgt.f32 v19, v17;
	v20 =	vld [tilespmem:s19+$0x0];
	vm12 =	vmand vm13, vm12  }
0x1f6: {  	_ =	sdelay $0x1  }
0x1f7: {  	v21 =	vor.u32 s20, v2  }
0x1f8: {  	vm11 =	vmor vm11, vm12;
	vm12 =	veq.s32 v21, v14  }
0x1f9: {  	v17 =	vsel vm11, v19, v17;
	v16 =	vsel vm11, v16, v18;
	v18 =	vsel vm12, $0xFF800000, v20  }
0x1fa: {  	vm12 =	vlt.s32 v21, v16;
	vm11 =	veq.f32 v18, v17  }
0x1fb: {  	vm13 =	vgt.f32 v18, v17;
	vm11 =	vmand vm12, vm11  }
0x1fc: {  	vm11 =	vmor vm13, vm11  }
0x1fd: {  	v19 =	vsel vm11, v18, v17  }
0x1fe: {  	(xrf0) =	vmax.scan.msk.f32 $0xffff, v19;
	_ =	sdelay $0x5  }
0x1ff: {  	v17, _, _ =	vpop (xrf0)  }
0x200: {  	v17 =	vbroadcast v17, $0xF  }
0x201: {  	v16 =	vsel vm11, v21, v16  }
0x202: {  	v16 =	vxor.u32 $0x80000000, v16;
	vm11 =	veq.f32 v19, v17  }
0x203: {  	v16 =	vnsel vm11, $0xC0000000, v16  }
0x204: {  	(xrf0) =	vmin.scan.msk.u32 $0xffff, v16;
	_ =	sdelay $0x5  }
0x205: {  	v16, _, _ =	vpop (xrf0)  }
0x206: {  	(v2sf) =	vpush v16, $0xF;
	_ =	sdelay $0xc  }
0x207: {  	s30 =	simm.s32 $0x800;
	[tilespmem:s19+$0x0] =	vst v18  }
0x208: {  	v21 =	vld [tilespmem:s30+$0x0]  }
0x209: {  	s31 =	spop (v2sf)  }
0x20a: {  	s21 =	simm.s32 $0x0;
	s20 =	sxor.u32 $0x80000000, s31  }
0x20b: {  	v18 =	vor.u32 s21, v2;
	v16 =	vmov s20  }
0x20c: {  	vm11 =	veq.s32 v18, v16  }
0x20d: {  	v20 =	vimm.s32 $0x40000000;
	v19 =	vimm.f32 $-Inf;
	v21 =	vsel vm11, $0xFF800000, v21  }
0x20e: {  	s19 =	simm.s32 $0x810;
	vm13 =	vlt.s32 v18, v20;
	[tilespmem:s30+$0x0] =	vst v21;
	vm12 =	veq.f32 v21, v19  }
0x20f: {  	s21 =	simm.s32 $0x20;
	s20 =	simm.s32 $0x10;
	vm11 =	vgt.f32 v21, v19;
	v22 =	vld [tilespmem:s19+$0x0];
	vm12 =	vmand vm13, vm12  }
.LBB2_17:
0x210: {  	p2 =	sne.s32 s21, $0x170;
	vm11 =	vmor vm11, vm12  }
0x211: {  	v19 =	vsel vm11, v21, v19;
	v20 =	vsel vm11, v18, v20  }
.Ltmp10:
0x212: {  	v18 =	vor.u32 s20, v2;
	s20 =	smov.u32 s21;
	(pc) =	sbr.rel @p2 .LBB2_17-.Ltmp10, $4  }
0x213: {  	vm11 =	veq.s32 v18, v16  }
0x214: {  	v21 =	vsel vm11, $0xFF800000, v22  }
0x215: {  	vm13 =	vlt.s32 v18, v20;
	[tilespmem:s19+$0x0] =	vst v21;
	vm12 =	veq.f32 v21, v19;
	s19 =	sadd.s32 $0x10, s19  }
0x216: {  	s21 =	sadd.s32 $0x10, s21;
	vm11 =	vgt.f32 v21, v19;
	v22 =	vld [tilespmem:s19+$0x0];
	vm12 =	vmand vm13, vm12  }
0x217: {  	_ =	sdelay $0x1  }
0x218: {  	v23 =	vor.u32 s20, v2  }
0x219: {  	vm11 =	vmor vm11, vm12;
	vm12 =	veq.s32 v23, v16  }
0x21a: {  	v19 =	vsel vm11, v21, v19;
	v18 =	vsel vm11, v18, v20;
	v57 =	vsel vm12, $0xFF800000, v22  }
0x21b: {  	vm12 =	vlt.s32 v23, v18;
	vm11 =	veq.f32 v57, v19  }
0x21c: {  	vm13 =	vgt.f32 v57, v19;
	vm11 =	vmand vm12, vm11  }
0x21d: {  	vm11 =	vmor vm13, vm11  }
0x21e: {  	v19 =	vsel vm11, v57, v19  }
0x21f: {  	(xrf0) =	vmax.scan.msk.f32 $0xffff, v19;
	_ =	sdelay $0x2  }
0x220: {  	vm12 =	vmmov $0x1  }
0x221: {  	v5 =	vnsel vm12, $0xFF800000, v5  }
0x222: {  	v5 =	vsel vm4, v5, v7  }
0x223: {  	v5 =	vsel vm5, v5, v9;
	v58, _, _ =	vpop (xrf0)  }
0x224: {  	v5 =	vsel vm6, v5, v11;
	v7 =	vbroadcast v58, $0xF  }
0x225: {  	v59 =	vsel vm11, v23, v18;
	v5 =	vsel vm7, v5, v13  }
0x226: {  	v9 =	vxor.u32 $0x80000000, v59;
	v5 =	vsel vm8, v5, v15;
	vm11 =	veq.f32 v19, v7  }
0x227: {  	v5 =	vsel vm9, v5, v17;
	v9 =	vnsel vm11, $0xC0000000, v9  }
0x228: {  	v5 =	vsel vm10, v5, v7;
	(xrf0) =	vmin.scan.msk.u32 $0xffff, v9  }
0x229: {  	(xrf0) =	vmax.scan.msk.f32 $0xffff, v5;
	_ =	sdelay $0x4  }
0x22a: {  	v60, _, _ =	vpop (xrf0)  }
0x22b: {  	v61, _, _ =	vpop (xrf0)  }
0x22c: {  	v9 =	vbroadcast v61, $0xF;
	_ =	sdelay $0x1  }
0x22d: {  	v5 =	vsub.f32 v5, v9;
	_ =	sdelay $0x1  }
0x22e: {  	v5 =	vmul.f32 $1.442695020e+00, v5;
	_ =	sdelay $0x1  }
0x22f: {  	(erf) = vpow2.f32 v5;
	_ =	sdelay $0x8  }
0x230: {  	vm11 =	vmmov $0xff;
	v5 =	vpop (erf)  }
0x231: {  	v5 =	vnsel vm11, $0x0, v5  }
0x232: {  	(xrf2) =	vadd.scan.msk.f32 $0xffff, v5;
	_ =	sdelay $0x5  }
0x233: {  	(v2sf) =	vpush v60, $0xF;
	_ =	sdelay $0x3  }
0x234: {  	v62, _, _ =	vpop (xrf2)  }
0x235: {  	v7 =	vbroadcast v62, $0xF;
	_ =	sdelay $0x1  }
0x236: {  	(erf) = vrcp.f32 v7;
	_ =	sdelay $0x2  }
0x237: {  	v4 =	vnsel vm3, $0x0, v4  }
0x238: {  	v4 =	vsel vm4, v4, v6  }
0x239: {  	v4 =	vsel vm5, v4, v8  }
0x23a: {  	v4 =	vsel vm6, v4, v10  }
0x23b: {  	v4 =	vsel vm7, v4, v12  }
0x23c: {  	v4 =	vsel vm8, v4, v14;
	s30 =	spop (v2sf)  }
0x23d: {  	v4 =	vsel vm9, v4, v16;
	s31 =	sxor.u32 $0x80000000, s30;
	vm11 =	veq.s32 v2, $0x7;
	v63 =	vpop (erf)  }
0x23e: {  	[tilespmem:s19+$0x0] =	vst v57;
	v4 =	vsel vm11, s31, v4;
	v5 =	vmul.f32 v63, v5  }
0x23f: {  	[tilespmem:$0xA00] =	vst v4  }
0x240: {  	[tilespmem:$0x980] =	vst v5  }
0x241: {  	[hbm4b:s6+s3] =	stream.linear.scatter [tilespmem:s16], [sflag:$0x1], $0x80, $0x38;
	[tilespmem:$0xA80] =	vst v63  }
0x242: {  	_ =	swait.ge [sflag:s12], $0x80  }
0x243: {  	[sflag:s12] =	ssyncset.done $0x0  }
0x244: {  	[sflag:s12] =	ssyncadd.s32 $0xFFFFFF80  }
0x245: {  	[hbm4b:s7+s3] =	stream.linear.scatter [tilespmem:s17], [sflag:$0x1], $0x80, $0x38;
	[tilespmem:$0xA80] =	vst v63  }
0x246: {  	_ =	swait.ge [sflag:s12], $0x80  }
0x247: {  	[sflag:s12] =	ssyncset.done $0x0  }
0x248: {  	[sflag:s12] =	ssyncadd.s32 $0xFFFFFF80  }
.LBB2_19:
.Ltmp11:
0x249: {  	(pc) =	sbr.rel @p1 .LBB2_37-.Ltmp11, $1  }
0x24a: {  	_ =	sdelay $0x3  }
0x24b: {  	s19 =	simm.s32 $0x0  }
0x24c: {  	[tilespmem:s19], [sflag:$0x1] =	stream.linear.gather [hbm4b:s4+s19], $0x80, $0x38;
	[tilespmem:$0xA80] =	vst v63  }
0x24d: {  	_ =	swait.ge [sflag:s12], $0x80  }
0x24e: {  	[sflag:s12] =	ssyncset.done $0x0  }
0x24f: {  	[sflag:s12] =	ssyncadd.s32 $0xFFFFFF80  }
0x250: {  	[tilespmem:s13], [sflag:$0x1] =	stream.linear.gather [hbm4b:s1+s19], $0x600, $0x38;
	[tilespmem:$0xA80] =	vst v63  }
0x251: {  	_ =	swait.ge [sflag:s12], $0x600  }
0x252: {  	[sflag:s12] =	ssyncset.done $0x0  }
0x253: {  	[sflag:s12] =	ssyncadd.s32 $0xFFFFFA00  }
0x254: {  	[tilespmem:s15], [sflag:$0x1] =	stream.strided.gather [hbm4b:s8+s13], $0x180, s14, s13, $0x38;
	[tilespmem:$0xA80] =	vst v63  }
0x255: {  	_ =	swait.ge [sflag:s12], $0x180  }
0x256: {  	[sflag:s12] =	ssyncset.done $0x0  }
0x257: {  	[sflag:s12] =	ssyncadd.s32 $0xFFFFFE80  }
0x258: {  	v4 =	vld [tilespmem:$0x0];
	_ =	sdelay $0x2  }
0x259: {  	v10 =	vld [tilespmem:$0x110]  }
0x25a: {  	vm11 =	veq.s32 v0, v2;
	v16 =	vld [tilespmem:$0x120]  }
0x25b: {  	vm12 =	veq.s32 v1, v2;
	v13 =	vld [tilespmem:$0x690];
	v5 =	vnsel vm11, $0x0, v4  }
0x25c: {  	v20 =	vld [tilespmem:$0x6A0];
	(xrf2) =	vadd.scan.msk.f32 $0xffff, v5;
	v5 =	vnsel vm12, $0x0, v4  }
0x25d: {  	v21 =	vld [tilespmem:$0xB0];
	(xrf2) =	vadd.scan.msk.f32 $0xffff, v5  }
0x25e: {  	v22 =	vld [tilespmem:$0x130];
	vm11 =	veq.s32 v3, v2  }
0x25f: {  	v27 =	vld [tilespmem:$0xC0];
	v4 =	vnsel vm11, $0x0, v4  }
0x260: {  	v30 =	vld [tilespmem:$0x140];
	(xrf2) =	vadd.scan.msk.f32 $0xffff, v4  }
0x261: {  	v14 =	vld [tilespmem:$0xD0]  }
0x262: {  	v33 =	vld [tilespmem:$0x150]  }
0x263: {  	v38 =	vld [tilespmem:$0xE0]  }
0x264: {  	v42 =	vld [tilespmem:$0x6C0]  }
0x265: {  	v43 =	vld [tilespmem:$0x6D0]  }
0x266: {  	v46 =	vld [tilespmem:$0x1E0];
	v4, _, _ =	vpop (xrf2)  }
0x267: {  	v48 =	vld [tilespmem:$0xF0];
	v5, _, _ =	vpop (xrf2);
	(v2sf) =	vpush v4, $0xF  }
0x268: {  	v49 =	vld [tilespmem:$0x170];
	v11 =	vshrl.u32 v10, $0x10;
	v17 =	vshrl.u32 v16, $0x10;
	(v2sf) =	vpush v5, $0xF  }
0x269: {  	v56 =	vld [tilespmem:$0x6E0];
	v18 =	vmul.f32 $1.992984650e-05, v13;
	v23 =	vmul.f32 $1.992984650e-05, v20;
	v24 =	vshrl.u32 v21, $0x10  }
0x26a: {  	v60 =	vld [tilespmem:$0x1F0];
	v25 =	vshrl.u32 v22, $0x10;
	v32 =	vshrl.u32 v27, $0x10;
	v34 =	vshrl.u32 v30, $0x10;
	v4, _, _ =	vpop (xrf2)  }
0x26b: {  	v36 =	vshrl.u32 v14, $0x10;
	v37 =	vshrl.u32 v33, $0x10;
	v5 =	vld [tilespmem:$0x100];
	(v2sf) =	vpush v4, $0xF  }
0x26c: {  	v44 =	vshrl.u32 v38, $0x10;
	v52 =	vmul.f32 $1.992984650e-05, v42;
	v53 =	vmul.f32 $1.992984650e-05, v43;
	v4 =	vld [tilespmem:$0x80]  }
0x26d: {  	v55 =	vshrl.u32 v46, $0x10;
	v57 =	vshrl.u32 v48, $0x10;
	v58 =	vshrl.u32 v49, $0x10  }
0x26e: {  	v6 =	vld [tilespmem:$0x180];
	v11 =	vand.u32 $0x1, v11;
	v26 =	vand.u32 $0x1, v25;
	v59 =	vand.u32 $0x1, v58  }
0x26f: {  	v25 =	vshrl.u32 v60, $0x10;
	v61 =	vadd.s32 v11, v10;
	v11 =	vand.u32 $0x1, v36  }
0x270: {  	v9 =	vld [tilespmem:$0x90];
	v28 =	vadd.s32 v26, v22;
	v26 =	vmul.f32 $1.992984650e-05, v56;
	v11 =	vadd.s32 v11, v14  }
0x271: {  	v11 =	vadd.s32 $0x7FFF, v11;
	v8 =	vshrl.u32 v5, $0x10;
	v7 =	vshrl.u32 v4, $0x10  }
0x272: {  	v11 =	vand.u32 $0xFFFF0000, v11;
	v8 =	vand.u32 $0x1, v8;
	v7 =	vand.u32 $0x1, v7  }
0x273: {  	v5 =	vadd.s32 v8, v5;
	v8 =	vld [tilespmem:$0x190];
	v4 =	vadd.s32 v7, v4;
	v7 =	vshrl.u32 v6, $0x10  }
0x274: {  	v5 =	vadd.s32 $0x7FFF, v5;
	v4 =	vadd.s32 $0x7FFF, v4;
	v7 =	vand.u32 $0x1, v7  }
0x275: {  	v5 =	vand.u32 $0xFFFF0000, v5;
	v6 =	vadd.s32 v7, v6;
	v7 =	vshrl.u32 v9, $0x10  }
0x276: {  	v4 =	vand.u32 $0xFFFF0000, v4;
	v6 =	vadd.s32 $0x7FFF, v6;
	v7 =	vand.u32 $0x1, v7;
	s20 =	spop (v2sf)  }
0x277: {  	v7 =	vadd.s32 v7, v9;
	v9 =	vadd.s32 $0x7FFF, v61;
	v61 =	vadd.s32 v59, v49;
	v49 =	vld [tilespmem:$0x320];
	s21 =	spop (v2sf);
	s20 =	smul.f32 $1.992984650e-05, s20  }
0x278: {  	v6 =	vand.u32 $0xFFFF0000, v6;
	v62 =	vshrl.u32 v8, $0x10;
	v7 =	vadd.s32 $0x7FFF, v7;
	s21 =	smul.f32 $1.992984650e-05, s21  }
0x279: {  	v35 =	vld [tilespmem:$0x1C0];
	v10 =	vand.u32 $0x1, v62;
	v9 =	vand.u32 $0xFFFF0000, v9;
	v7 =	vand.u32 $0xFFFF0000, v7  }
0x27a: {  	v12 =	vld [tilespmem:$0x680];
	v8 =	vadd.s32 v10, v8;
	s22 =	spop (v2sf);
	v4 =	vmul.f32 s20, v4;
	v5 =	vmul.f32 s21, v5  }
0x27b: {  	v63 =	vld [tilespmem:$0xA0];
	v8 =	vadd.s32 $0x7FFF, v8;
	s22 =	smul.f32 $1.992984650e-05, s22;
	v7 =	vmul.f32 s20, v7;
	v9 =	vmul.f32 s21, v9  }
0x27c: {  	v11 =	vmul.f32 s20, v11;
	v56 =	vshrl.u32 v49, $0x10;
	v4 =	vadd.f32 v5, v4  }
0x27d: {  	v5 =	vmul.f32 s22, v6;
	v6 =	vand.u32 $0xFFFF0000, v8;
	v8 =	vld [tilespmem:$0x1A0];
	v7 =	vadd.f32 v9, v7  }
0x27e: {  	v9 =	vand.u32 $0x1, v17;
	v17 =	vshrl.u32 v35, $0x10;
	v6 =	vmul.f32 s22, v6  }
0x27f: {  	v9 =	vadd.s32 v9, v16;
	v39 =	vand.u32 $0x1, v17;
	v4 =	vadd.f32 v5, v4  }
0x280: {  	v5 =	vmul.f32 $1.992984650e-05, v12;
	v6 =	vadd.f32 v6, v7;
	v7 =	vshrl.u32 v63, $0x10  }
0x281: {  	v40 =	vld [tilespmem:$0x160];
	v9 =	vadd.s32 $0x7FFF, v9;
	v12 =	vadd.s32 v39, v35;
	v7 =	vand.u32 $0x1, v7  }
0x282: {  	v9 =	vand.u32 $0xFFFF0000, v9;
	v7 =	vadd.s32 v7, v63;
	v19 =	vshrl.u32 v8, $0x10  }
0x283: {  	v43 =	vld [tilespmem:$0x700];
	v12 =	vadd.s32 $0x7FFF, v12;
	v7 =	vadd.s32 $0x7FFF, v7;
	v10 =	vand.u32 $0x1, v19  }
0x284: {  	v9 =	vmul.f32 s21, v9;
	v7 =	vand.u32 $0xFFFF0000, v7;
	v8 =	vadd.s32 v10, v8  }
0x285: {  	v4 =	vsub.f32 v4, v5;
	v7 =	vmul.f32 s20, v7;
	v8 =	vadd.s32 $0x7FFF, v8  }
0x286: {  	v6 =	vsub.f32 v6, v18;
	v18 =	vshrl.u32 v40, $0x10;
	v5 =	vand.u32 $0xFFFF0000, v8;
	v8 =	vld [tilespmem:$0x1B0]  }
0x287: {  	v4 =	vand.u32 $0x7FFFFFFF, v4;
	v7 =	vadd.f32 v9, v7;
	v5 =	vmul.f32 s22, v5  }
0x288: {  	v45 =	vand.u32 $0x1, v18;
	v18 =	vmul.f32 $1.992984650e-05, v43;
	v6 =	vand.u32 $0x7FFFFFFF, v6  }
0x289: {  	v7 =	vadd.f32 v5, v7;
	v5 =	vsub.f32 $0.0e+00, v6;
	v6 =	vand.u32 $0x1, v24  }
0x28a: {  	v4 =	vsub.f32 $0.0e+00, v4;
	v9 =	vadd.s32 $0x7FFF, v28;
	v6 =	vadd.s32 v6, v21  }
0x28b: {  	v31 =	vld [tilespmem:$0x6B0];
	v9 =	vand.u32 $0xFFFF0000, v9;
	v6 =	vadd.s32 $0x7FFF, v6;
	v29 =	vshrl.u32 v8, $0x10  }
0x28c: {  	v63 =	vld [tilespmem:$0x300];
	v9 =	vmul.f32 s21, v9;
	v6 =	vand.u32 $0xFFFF0000, v6;
	v10 =	vand.u32 $0x1, v29  }
0x28d: {  	v7 =	vsub.f32 v7, v23;
	v6 =	vmul.f32 s20, v6;
	v8 =	vadd.s32 v10, v8  }
0x28e: {  	v47 =	vadd.s32 v45, v40;
	v28 =	vand.u32 $0x1, v25;
	v8 =	vadd.s32 $0x7FFF, v8  }
0x28f: {  	v62 =	vld [tilespmem:$0x280];
	v7 =	vand.u32 $0x7FFFFFFF, v7;
	v9 =	vadd.f32 v9, v6;
	v6 =	vand.u32 $0xFFFF0000, v8  }
0x290: {  	v10 =	vmul.f32 $1.992984650e-05, v31;
	v8 =	vand.u32 $0x1, v32;
	v15 =	vmul.f32 s22, v6  }
0x291: {  	v31 =	vshrl.u32 v63, $0x10;
	v8 =	vadd.s32 v8, v27;
	v6 =	vsub.f32 $0.0e+00, v7  }
0x292: {  	v29 =	vld [tilespmem:$0x380];
	v7 =	vadd.s32 $0x7FFF, v8;
	v8 =	vand.u32 $0x1, v34;
	v9 =	vadd.f32 v15, v9  }
0x293: {  	v32 =	vld [tilespmem:$0x6F0];
	v7 =	vand.u32 $0xFFFF0000, v7;
	v8 =	vadd.s32 v8, v30;
	v15 =	vand.u32 $0x1, v37  }
0x294: {  	v30 =	vshrl.u32 v62, $0x10;
	v7 =	vmul.f32 s20, v7;
	v8 =	vadd.s32 $0x7FFF, v8  }
0x295: {  	v13 =	vadd.s32 v15, v33;
	v15 =	vand.u32 $0x1, v44;
	v8 =	vand.u32 $0xFFFF0000, v8  }
0x296: {  	v13 =	vadd.s32 $0x7FFF, v13;
	v9 =	vsub.f32 v9, v10;
	v14 =	vadd.s32 v15, v38  }
0x297: {  	v42 =	vld [tilespmem:$0x390];
	v15 =	vadd.s32 $0x7FFF, v47;
	v10 =	vadd.s32 v28, v60;
	v38 =	vshrl.u32 v29, $0x10  }
0x298: {  	v37 =	vld [tilespmem:$0x310];
	v40 =	vmul.f32 $1.992984650e-05, v32;
	v8 =	vmul.f32 s21, v8;
	v13 =	vand.u32 $0xFFFF0000, v13  }
0x299: {  	v16 =	vld [tilespmem:$0x1D0];
	v14 =	vadd.s32 $0x7FFF, v14;
	v15 =	vand.u32 $0xFFFF0000, v15;
	v10 =	vadd.s32 $0x7FFF, v10  }
0x29a: {  	v33 =	vld [tilespmem:$0x290];
	v13 =	vmul.f32 s21, v13;
	v14 =	vand.u32 $0xFFFF0000, v14;
	v51 =	vmul.f32 s21, v15  }
0x29b: {  	v28 =	vld [tilespmem:$0x340];
	v15 =	vand.u32 $0x1, v57;
	v10 =	vand.u32 $0xFFFF0000, v10;
	v7 =	vadd.f32 v8, v7  }
0x29c: {  	v8 =	vand.u32 $0xFFFF0000, v12;
	v50 =	vmul.f32 s20, v14;
	v15 =	vadd.s32 v15, v48  }
0x29d: {  	v34 =	vmul.f32 s22, v10;
	v45 =	vshrl.u32 v37, $0x10;
	v41 =	vmul.f32 s22, v8  }
0x29e: {  	v11 =	vadd.f32 v13, v11;
	v8 =	vshrl.u32 v16, $0x10;
	v15 =	vadd.s32 $0x7FFF, v15  }
0x29f: {  	v44 =	vshrl.u32 v33, $0x10;
	v8 =	vand.u32 $0x1, v8;
	v54 =	vadd.f32 v51, v50  }
0x2a0: {  	v15 =	vand.u32 $0xFFFF0000, v15;
	v50 =	vshrl.u32 v42, $0x10;
	v25 =	vshrl.u32 v28, $0x10  }
0x2a1: {  	v8 =	vadd.s32 v8, v16;
	v7 =	vadd.f32 v41, v7;
	v16 =	vadd.s32 $0x7FFF, v61  }
0x2a2: {  	v22 =	vmul.f32 s20, v15;
	v15 =	vand.u32 $0x1, v30;
	v17 =	vand.u32 $0x1, v50  }
0x2a3: {  	v57 =	vld [tilespmem:$0x3A0];
	v8 =	vadd.s32 $0x7FFF, v8;
	v16 =	vand.u32 $0xFFFF0000, v16;
	v15 =	vadd.s32 v15, v62  }
0x2a4: {  	v8 =	vand.u32 $0xFFFF0000, v8;
	v23 =	vmul.f32 s21, v16;
	v16 =	vand.u32 $0x1, v31  }
0x2a5: {  	v35 =	vadd.s32 $0x7FFF, v15;
	v19 =	vmul.f32 s22, v8;
	v8 =	vand.u32 $0x7FFFFFFF, v9  }
0x2a6: {  	v9 =	vand.u32 $0x1, v55;
	v16 =	vadd.s32 v16, v63;
	v10 =	vand.u32 $0xFFFF0000, v35  }
0x2a7: {  	v9 =	vadd.s32 v9, v46;
	v27 =	vadd.f32 v23, v22;
	v36 =	vadd.s32 $0x7FFF, v16  }
0x2a8: {  	v32 =	vld [tilespmem:$0x730];
	v21 =	vmul.f32 s20, v10;
	v23 =	vshrl.u32 v57, $0x10;
	v11 =	vadd.f32 v19, v11  }
0x2a9: {  	v55 =	vld [tilespmem:$0x330];
	v9 =	vadd.s32 $0x7FFF, v9;
	v15 =	vand.u32 $0xFFFF0000, v36;
	v19 =	vand.u32 $0x1, v44  }
0x2aa: {  	v35 =	vld [tilespmem:$0x3C0];
	v9 =	vand.u32 $0xFFFF0000, v9;
	v15 =	vmul.f32 s21, v15;
	v39 =	vadd.f32 v34, v27  }
0x2ab: {  	v46 =	vld [tilespmem:$0x2A0];
	v47 =	vadd.s32 v19, v33;
	v27 =	vand.u32 $0x1, v23;
	v34 =	vand.u32 $0x1, v25  }
0x2ac: {  	v22 =	vld [tilespmem:$0x3B0];
	v20 =	vmul.f32 s22, v9;
	v9 =	vsub.f32 v7, v52;
	v7 =	vsub.f32 v11, v53  }
0x2ad: {  	v13 =	vadd.s32 $0x7FFF, v47;
	v36 =	vadd.s32 v34, v28;
	v41 =	vadd.f32 v15, v21  }
0x2ae: {  	v44 =	vld [tilespmem:$0x740];
	v11 =	vsub.f32 v39, v40;
	v13 =	vand.u32 $0xFFFF0000, v13;
	v15 =	vadd.s32 v17, v42  }
0x2af: {  	v62 =	vshrl.u32 v55, $0x10;
	v42 =	vmul.f32 $1.992984650e-05, v32;
	v43 =	vshrl.u32 v35, $0x10  }
0x2b0: {  	v24 =	vadd.f32 v20, v54;
	v20 =	vand.u32 $0x1, v38;
	v13 =	vmul.f32 s20, v13  }
0x2b1: {  	v63 =	vld [tilespmem:$0x2C0];
	v51 =	vshrl.u32 v46, $0x10;
	v53 =	vadd.s32 $0x7FFF, v15;
	v31 =	vshrl.u32 v22, $0x10  }
0x2b2: {  	v9 =	vand.u32 $0x7FFFFFFF, v9;
	v7 =	vand.u32 $0x7FFFFFFF, v7;
	v12 =	vadd.s32 v20, v29  }
0x2b3: {  	v52 =	vld [tilespmem:$0x2B0];
	v20 =	vand.u32 $0x1, v45;
	v54 =	vand.u32 $0x1, v51;
	v51 =	vmul.f32 $1.992984650e-05, v44  }
0x2b4: {  	v47 =	vld [tilespmem:$0x3D0];
	v9 =	vsub.f32 $0.0e+00, v9;
	v7 =	vsub.f32 $0.0e+00, v7;
	v11 =	vand.u32 $0x7FFFFFFF, v11  }
0x2b5: {  	v10 =	vsub.f32 v24, v26;
	v12 =	vadd.s32 $0x7FFF, v12;
	v16 =	vadd.s32 v20, v37  }
0x2b6: {  	v15 =	vadd.s32 v54, v46;
	v20 =	vand.u32 $0x1, v56;
	v24 =	vshrl.u32 v63, $0x10  }
0x2b7: {  	v60 =	vld [tilespmem:$0x710];
	v11 =	vsub.f32 $0.0e+00, v11;
	v12 =	vand.u32 $0xFFFF0000, v12;
	v48 =	vadd.s32 $0x7FFF, v16  }
0x2b8: {  	v15 =	vadd.s32 $0x7FFF, v15;
	v16 =	vadd.s32 v20, v49;
	v61 =	vshrl.u32 v52, $0x10  }
0x2b9: {  	v20 =	vand.u32 $0x1, v62;
	v33 =	vand.u32 $0x1, v24;
	v50 =	vshrl.u32 v47, $0x10  }
0x2ba: {  	v38 =	vld [tilespmem:$0x350];
	v12 =	vmul.f32 s22, v12;
	v14 =	vand.u32 $0xFFFF0000, v48;
	v15 =	vand.u32 $0xFFFF0000, v15  }
0x2bb: {  	v59 =	vadd.s32 $0x7FFF, v16;
	v17 =	vadd.s32 v20, v55;
	v20 =	vadd.s32 v27, v57  }
0x2bc: {  	v30 =	vld [tilespmem:$0x720];
	v16 =	vmul.f32 $1.992984650e-05, v60;
	v19 =	vadd.s32 v33, v63;
	v10 =	vand.u32 $0x7FFFFFFF, v10  }
0x2bd: {  	v37 =	vld [tilespmem:$0x2D0];
	v14 =	vmul.f32 s21, v14;
	v58 =	vmul.f32 s20, v15;
	v15 =	vand.u32 $0xFFFF0000, v59  }
0x2be: {  	v56 =	vld [tilespmem:$0x750];
	v17 =	vadd.s32 $0x7FFF, v17;
	v20 =	vadd.s32 $0x7FFF, v20;
	v19 =	vadd.s32 $0x7FFF, v19  }
0x2bf: {  	v49 =	vld [tilespmem:$0x360];
	v46 =	vshrl.u32 v38, $0x10;
	v10 =	vsub.f32 $0.0e+00, v10;
	v12 =	vadd.f32 v12, v41  }
0x2c0: {  	v62 =	vld [tilespmem:$0x3F0];
	v15 =	vmul.f32 s21, v15;
	v17 =	vand.u32 $0xFFFF0000, v17;
	v29 =	vand.u32 $0xFFFF0000, v20  }
0x2c1: {  	v48 =	vld [tilespmem:$0x2E0];
	v19 =	vand.u32 $0xFFFF0000, v19;
	v41 =	vmul.f32 $1.992984650e-05, v30;
	v13 =	vadd.f32 v14, v13  }
0x2c2: {  	v57 =	vld [tilespmem:$0x2F0];
	v14 =	vand.u32 $0xFFFF0000, v53;
	v17 =	vmul.f32 s21, v17;
	v39 =	vmul.f32 s20, v19  }
0x2c3: {  	v27 =	vld [tilespmem:$0x480];
	v19 =	vand.u32 $0x1, v43;
	v45 =	vshrl.u32 v37, $0x10;
	v60 =	vmul.f32 $1.992984650e-05, v56  }
0x2c4: {  	v14 =	vmul.f32 s22, v14;
	v12 =	vsub.f32 v12, v18;
	v18 =	vand.u32 $0x1, v61  }
0x2c5: {  	v19 =	vadd.s32 v19, v35;
	v21 =	vand.u32 $0x1, v45;
	v55 =	vshrl.u32 v49, $0x10  }
0x2c6: {  	v34 =	vshrl.u32 v62, $0x10;
	v18 =	vadd.s32 v18, v52;
	v19 =	vadd.s32 $0x7FFF, v19  }
0x2c7: {  	v21 =	vadd.s32 v21, v37;
	v54 =	vshrl.u32 v48, $0x10;
	v28 =	vshrl.u32 v57, $0x10  }
0x2c8: {  	v53 =	vld [tilespmem:$0x3E0];
	v24 =	vand.u32 $0x1, v34;
	v35 =	vshrl.u32 v27, $0x10;
	v13 =	vadd.f32 v14, v13  }
0x2c9: {  	v18 =	vadd.s32 $0x7FFF, v18;
	v14 =	vadd.f32 v15, v58;
	v15 =	vmul.f32 s22, v29  }
0x2ca: {  	v19 =	vand.u32 $0xFFFF0000, v19;
	v21 =	vadd.s32 $0x7FFF, v21;
	v25 =	vand.u32 $0x1, v28  }
0x2cb: {  	v58 =	vld [tilespmem:$0x370];
	v12 =	vand.u32 $0x7FFFFFFF, v12;
	v18 =	vand.u32 $0xFFFF0000, v18;
	v19 =	vmul.f32 s22, v19  }
0x2cc: {  	[tilespmem:$0x800] =	vst v4;
	v28 =	vld [tilespmem:$0x590];
	v21 =	vand.u32 $0xFFFF0000, v21;
	v30 =	vadd.s32 v25, v57;
	v4 =	vsub.f32 $0.0e+00, v12  }
0x2cd: {  	v57 =	vld [tilespmem:$0x5A0];
	v18 =	vmul.f32 s20, v18;
	v14 =	vadd.f32 v15, v14;
	v26 =	vshrl.u32 v53, $0x10  }
0x2ce: {  	v13 =	vsub.f32 v13, v16;
	v21 =	vmul.f32 s20, v21;
	v26 =	vand.u32 $0x1, v26  }
0x2cf: {  	v17 =	vadd.f32 v17, v18;
	v18 =	vand.u32 $0x1, v31;
	v14 =	vsub.f32 v14, v41  }
0x2d0: {  	v59 =	vadd.s32 v26, v53;
	v18 =	vadd.s32 v18, v22;
	v22 =	vadd.s32 $0x7FFF, v36  }
0x2d1: {  	v33 =	vld [tilespmem:$0x500];
	v29 =	vshrl.u32 v58, $0x10;
	v53 =	vshrl.u32 v28, $0x10;
	v18 =	vadd.s32 $0x7FFF, v18  }
0x2d2: {  	v41 =	vld [tilespmem:$0x580];
	v22 =	vand.u32 $0xFFFF0000, v22;
	v26 =	vand.u32 $0x1, v29;
	v34 =	vshrl.u32 v57, $0x10  }
0x2d3: {  	[tilespmem:$0x820] =	vst v6;
	v6 =	vand.u32 $0x7FFFFFFF, v14;
	v18 =	vand.u32 $0xFFFF0000, v18;
	v40 =	vmul.f32 s21, v22  }
0x2d4: {  	v36 =	vld [tilespmem:$0x490];
	v22 =	vand.u32 $0x1, v46;
	v31 =	vadd.s32 v26, v58;
	v6 =	vsub.f32 $0.0e+00, v6  }
0x2d5: {  	v18 =	vmul.f32 s22, v18;
	v22 =	vadd.s32 v22, v38;
	v32 =	vadd.s32 $0x7FFF, v31  }
0x2d6: {  	v38 =	vand.u32 $0x1, v35;
	v16 =	vadd.f32 v40, v39;
	v22 =	vadd.s32 $0x7FFF, v22  }
0x2d7: {  	v20 =	vand.u32 $0xFFFF0000, v32;
	v40 =	vshrl.u32 v33, $0x10;
	v29 =	vshrl.u32 v41, $0x10  }
0x2d8: {  	v17 =	vadd.f32 v18, v17;
	v22 =	vand.u32 $0xFFFF0000, v22;
	v18 =	vadd.s32 $0x7FFF, v59  }
0x2d9: {  	v20 =	vmul.f32 s21, v20;
	v26 =	vand.u32 $0x1, v40;
	v46 =	vshrl.u32 v36, $0x10  }
0x2da: {  	v22 =	vmul.f32 s21, v22;
	v16 =	vadd.f32 v19, v16;
	v18 =	vand.u32 $0xFFFF0000, v18  }
0x2db: {  	v35 =	vld [tilespmem:$0x7A0];
	v19 =	vadd.s32 $0x7FFF, v30;
	v23 =	vand.u32 $0x1, v46;
	v15 =	vsub.f32 v17, v42  }
0x2dc: {  	v39 =	vld [tilespmem:$0x510];
	v17 =	vand.u32 $0x1, v50;
	v18 =	vmul.f32 s22, v18;
	v19 =	vand.u32 $0xFFFF0000, v19  }
0x2dd: {  	v42 =	vadd.s32 v26, v33;
	v23 =	vadd.s32 v23, v36;
	v52 =	vadd.f32 v22, v21  }
0x2de: {  	v17 =	vadd.s32 v17, v47;
	v21 =	vand.u32 $0x1, v54;
	v22 =	vand.u32 $0x1, v55  }
0x2df: {  	v59 =	vld [tilespmem:$0x4B0];
	v16 =	vsub.f32 v16, v51;
	v19 =	vmul.f32 s20, v19;
	v44 =	vadd.s32 $0x7FFF, v42  }
0x2e0: {  	v63 =	vld [tilespmem:$0x760];
	v23 =	vadd.s32 $0x7FFF, v23;
	v42 =	vmul.f32 $1.992984650e-05, v35;
	v17 =	vadd.s32 $0x7FFF, v17  }
0x2e1: {  	v50 =	vld [tilespmem:$0x520];
	v21 =	vadd.s32 v21, v48;
	v22 =	vadd.s32 v22, v49;
	v47 =	vshrl.u32 v39, $0x10  }
0x2e2: {  	v40 =	vld [tilespmem:$0x540];
	v49 =	vand.u32 $0x1, v29;
	v23 =	vand.u32 $0xFFFF0000, v23;
	v17 =	vand.u32 $0xFFFF0000, v17  }
0x2e3: {  	v54 =	vld [tilespmem:$0x790];
	v21 =	vadd.s32 $0x7FFF, v21;
	v22 =	vadd.s32 $0x7FFF, v22;
	v19 =	vadd.f32 v20, v19  }
0x2e4: {  	v26 =	vand.u32 $0x1, v47;
	v23 =	vmul.f32 s20, v23;
	v36 =	vshrl.u32 v59, $0x10  }
0x2e5: {  	v48 =	vld [tilespmem:$0x4A0];
	v17 =	vmul.f32 s22, v17;
	v21 =	vand.u32 $0xFFFF0000, v21;
	v22 =	vand.u32 $0xFFFF0000, v22  }
0x2e6: {  	v21 =	vmul.f32 s20, v21;
	v22 =	vmul.f32 s21, v22;
	v31 =	vshrl.u32 v50, $0x10  }
0x2e7: {  	v46 =	vshrl.u32 v40, $0x10;
	v17 =	vadd.f32 v17, v52;
	v56 =	vand.u32 $0x1, v31  }
0x2e8: {  	v33 =	vmul.f32 $1.992984650e-05, v54;
	v61 =	vadd.f32 v22, v21;
	v22 =	vmul.f32 $1.992984650e-05, v63  }
0x2e9: {  	v21 =	vadd.s32 v24, v62;
	v24 =	vadd.s32 v26, v39;
	v26 =	vadd.s32 v49, v41  }
0x2ea: {  	v32 =	vld [tilespmem:$0x5D0];
	v30 =	vshrl.u32 v48, $0x10;
	v58 =	vadd.s32 v56, v50;
	v17 =	vsub.f32 v17, v60  }
0x2eb: {  	v37 =	vadd.s32 $0x7FFF, v21;
	v21 =	vadd.s32 v38, v27;
	v24 =	vadd.s32 $0x7FFF, v24  }
0x2ec: {  	v45 =	vld [tilespmem:$0x770];
	v26 =	vadd.s32 $0x7FFF, v26;
	v55 =	vand.u32 $0x1, v30;
	v27 =	vand.u32 $0x1, v36  }
0x2ed: {  	v47 =	vld [tilespmem:$0x4D0];
	v18 =	vadd.f32 v18, v61;
	v20 =	vand.u32 $0xFFFF0000, v37;
	v21 =	vadd.s32 $0x7FFF, v21  }
0x2ee: {  	v52 =	vld [tilespmem:$0x780];
	v24 =	vand.u32 $0xFFFF0000, v24;
	v51 =	vand.u32 $0xFFFF0000, v26;
	v25 =	vadd.s32 v55, v48  }
0x2ef: {  	v27 =	vadd.s32 v27, v59;
	v55 =	vshrl.u32 v32, $0x10;
	v20 =	vmul.f32 s22, v20  }
0x2f0: {  	v39 =	vld [tilespmem:$0x4C0];
	v21 =	vand.u32 $0xFFFF0000, v21;
	v24 =	vmul.f32 s21, v24;
	v25 =	vadd.s32 $0x7FFF, v25  }
0x2f1: {  	v56 =	vld [tilespmem:$0x7C0];
	v27 =	vadd.s32 $0x7FFF, v27;
	v18 =	vsub.f32 v18, v22;
	v43 =	vmul.f32 s20, v21  }
0x2f2: {  	v60 =	vld [tilespmem:$0x530];
	v21 =	vand.u32 $0xFFFF0000, v44;
	v22 =	vmul.f32 $1.992984650e-05, v45;
	v25 =	vand.u32 $0xFFFF0000, v25  }
0x2f3: {  	v38 =	vld [tilespmem:$0x5B0];
	v63 =	vmul.f32 $1.992984650e-05, v52;
	v27 =	vand.u32 $0xFFFF0000, v27;
	v52 =	vshrl.u32 v47, $0x10  }
0x2f4: {  	v19 =	vadd.f32 v20, v19;
	v21 =	vmul.f32 s21, v21;
	v23 =	vadd.f32 v24, v23  }
0x2f5: {  	v48 =	vld [tilespmem:$0x550];
	v24 =	vand.u32 $0x1, v53;
	v61 =	vmul.f32 s20, v25;
	v25 =	vand.u32 $0x1, v34  }
0x2f6: {  	v27 =	vmul.f32 s20, v27;
	v45 =	vshrl.u32 v39, $0x10;
	v29 =	vmul.f32 $1.992984650e-05, v56  }
0x2f7: {  	v24 =	vadd.s32 v24, v28;
	v28 =	vadd.s32 $0x7FFF, v58;
	v37 =	vshrl.u32 v60, $0x10  }
0x2f8: {  	v25 =	vadd.s32 v25, v57;
	v41 =	vshrl.u32 v38, $0x10;
	v20 =	vadd.f32 v21, v43  }
0x2f9: {  	v44 =	vld [tilespmem:$0x5C0];
	v21 =	vmul.f32 s22, v51;
	v24 =	vadd.s32 $0x7FFF, v24;
	v28 =	vand.u32 $0xFFFF0000, v28  }
0x2fa: {  	v19 =	vsub.f32 v19, v22;
	v25 =	vadd.s32 $0x7FFF, v25;
	v53 =	vshrl.u32 v48, $0x10  }
0x2fb: {  	v24 =	vand.u32 $0xFFFF0000, v24;
	v62 =	vmul.f32 s21, v28;
	v28 =	vand.u32 $0x1, v37  }
0x2fc: {  	v25 =	vand.u32 $0xFFFF0000, v25;
	v26 =	vand.u32 $0x1, v53;
	v24 =	vmul.f32 s22, v24  }
0x2fd: {  	v57 =	vld [tilespmem:$0x7D0];
	v20 =	vadd.f32 v21, v20;
	v28 =	vadd.s32 v28, v60;
	v25 =	vmul.f32 s22, v25  }
0x2fe: {  	v49 =	vshrl.u32 v44, $0x10;
	v26 =	vadd.s32 v26, v48;
	v48 =	vand.u32 $0x7FFFFFFF, v17  }
0x2ff: {  	v22 =	vadd.f32 v62, v61;
	v28 =	vadd.s32 $0x7FFF, v28;
	v31 =	vand.u32 $0x1, v49  }
0x300: {  	v36 =	vld [tilespmem:$0x570];
	v26 =	vadd.s32 $0x7FFF, v26;
	v23 =	vadd.f32 v24, v23;
	v28 =	vand.u32 $0xFFFF0000, v28  }
0x301: {  	v21 =	vsub.f32 v20, v63;
	v50 =	vadd.s32 v31, v44;
	v26 =	vand.u32 $0xFFFF0000, v26  }
0x302: {  	v62 =	vmul.f32 $1.992984650e-05, v57;
	v28 =	vmul.f32 s21, v28;
	v22 =	vadd.f32 v25, v22  }
0x303: {  	v60 =	vld [tilespmem:$0x560];
	v25 =	vand.u32 $0x1, v52;
	v26 =	vmul.f32 s21, v26;
	v52 =	vand.u32 $0x7FFFFFFF, v18  }
0x304: {  	v20 =	vsub.f32 v23, v33;
	v23 =	vand.u32 $0x1, v41;
	v33 =	vsub.f32 $0.0e+00, v8  }
0x305: {  	v25 =	vadd.s32 v25, v47;
	v41 =	vshrl.u32 v36, $0x10;
	v47 =	vand.u32 $0x7FFFFFFF, v16  }
0x306: {  	v61 =	vld [tilespmem:$0x5E0];
	v43 =	vadd.f32 v28, v27;
	v23 =	vadd.s32 v23, v38;
	v27 =	vand.u32 $0x1, v45  }
0x307: {  	v28 =	vand.u32 $0x1, v46;
	v8 =	vsub.f32 v22, v42;
	v22 =	vadd.s32 $0x7FFF, v50  }
0x308: {  	v25 =	vadd.s32 $0x7FFF, v25;
	v35 =	vshrl.u32 v60, $0x10;
	v42 =	vand.u32 $0x7FFFFFFF, v13  }
0x309: {  	[tilespmem:$0x850] =	vst v7;
	v63 =	vld [tilespmem:$0x4F0];
	v46 =	vand.u32 $0x7FFFFFFF, v15;
	v7 =	vsub.f32 $0.0e+00, v47;
	v50 =	vsub.f32 $0.0e+00, v48  }
0x30a: {  	v23 =	vadd.s32 $0x7FFF, v23;
	v27 =	vadd.s32 v27, v39;
	v28 =	vadd.s32 v28, v40  }
0x30b: {  	v22 =	vand.u32 $0xFFFF0000, v22;
	v25 =	vand.u32 $0xFFFF0000, v25;
	v37 =	vshrl.u32 v61, $0x10  }
0x30c: {  	[tilespmem:$0x810] =	vst v5;
	v5 =	vsub.f32 $0.0e+00, v42;
	v14 =	vsub.f32 $0.0e+00, v46;
	v23 =	vand.u32 $0xFFFF0000, v23  }
0x30d: {  	v27 =	vadd.s32 $0x7FFF, v27;
	v28 =	vadd.s32 $0x7FFF, v28;
	v22 =	vmul.f32 s22, v22  }
0x30e: {  	v25 =	vmul.f32 s20, v25;
	v38 =	vand.u32 $0x1, v37;
	v40 =	vshrl.u32 v63, $0x10  }
0x30f: {  	v54 =	vld [tilespmem:$0x7B0];
	[tilespmem:$0x8C0] =	vst v7;
	v7 =	vsub.f32 $0.0e+00, v52;
	v8 =	vand.u32 $0x7FFFFFFF, v8;
	v23 =	vmul.f32 s22, v23  }
0x310: {  	v39 =	vld [tilespmem:$0x5F0];
	v27 =	vand.u32 $0xFFFF0000, v27;
	v28 =	vand.u32 $0xFFFF0000, v28;
	v8 =	vsub.f32 $0.0e+00, v8  }
0x311: {  	v58 =	vld [tilespmem:$0x4E0];
	v27 =	vmul.f32 s20, v27;
	v28 =	vmul.f32 s21, v28;
	v25 =	vadd.f32 v26, v25  }
0x312: {  	v26 =	vadd.s32 v38, v61;
	v61 =	vand.u32 $0x7FFFFFFF, v20;
	v23 =	vadd.f32 v23, v43  }
0x313: {  	[tilespmem:$0x890] =	vst v5;
	v43 =	vand.u32 $0x1, v41;
	v5 =	vadd.s32 $0x7FFF, v26;
	v51 =	vadd.f32 v28, v27  }
0x314: {  	v28 =	vand.u32 $0x1, v55;
	v27 =	vmul.f32 $1.992984650e-05, v54;
	v44 =	vadd.s32 v43, v36  }
0x315: {  	v45 =	vshrl.u32 v39, $0x10;
	v5 =	vand.u32 $0xFFFF0000, v5;
	v28 =	vadd.s32 v28, v32  }
0x316: {  	v32 =	vshrl.u32 v58, $0x10;
	v13 =	vand.u32 $0x1, v45;
	v28 =	vadd.s32 $0x7FFF, v28  }
0x317: {  	v12 =	vadd.s32 $0x7FFF, v44;
	v5 =	vmul.f32 s22, v5;
	v59 =	vand.u32 $0xFFFF0000, v28  }
0x318: {  	v22 =	vadd.f32 v22, v51;
	v23 =	vsub.f32 v23, v27;
	v24 =	vmul.f32 s22, v59  }
0x319: {  	v34 =	vand.u32 $0x1, v32;
	v27 =	vand.u32 $0x1, v35;
	v13 =	vadd.s32 v13, v39  }
0x31a: {  	[tilespmem:$0x840] =	vst v9;
	v27 =	vadd.s32 v27, v60;
	v24 =	vadd.f32 v24, v25;
	v25 =	vadd.s32 v34, v58  }
0x31b: {  	[tilespmem:$0x870] =	vst v11;
	v12 =	vand.u32 $0xFFFF0000, v12;
	v53 =	vadd.s32 $0x7FFF, v27;
	v49 =	vadd.s32 $0x7FFF, v25  }
0x31c: {  	[tilespmem:$0x860] =	vst v10;
	v28 =	vand.u32 $0x1, v40;
	v54 =	vand.u32 $0xFFFF0000, v53;
	v51 =	vand.u32 $0xFFFF0000, v49  }
0x31d: {  	[tilespmem:$0x880] =	vst v4;
	v28 =	vadd.s32 v28, v63;
	v4 =	vmul.f32 s21, v54;
	v15 =	vmul.f32 s20, v51  }
0x31e: {  	[tilespmem:$0x8A0] =	vst v6;
	v6 =	vld [tilespmem:$0x7E0];
	v12 =	vmul.f32 s21, v12;
	v13 =	vadd.s32 $0x7FFF, v13;
	v55 =	vadd.s32 $0x7FFF, v28  }
0x31f: {  	[tilespmem:$0x830] =	vst v33;
	v60 =	vand.u32 $0x7FFFFFFF, v21;
	v56 =	vand.u32 $0xFFFF0000, v55;
	v58 =	vld [tilespmem:$0x7F0];
	v4 =	vadd.f32 v4, v15  }
0x320: {  	[tilespmem:$0x8D0] =	vst v50;
	v22 =	vsub.f32 v22, v29;
	v59 =	vand.u32 $0x7FFFFFFF, v19;
	v11 =	vmul.f32 s20, v56  }
0x321: {  	[tilespmem:$0x8B0] =	vst v14;
	v57 =	vand.u32 $0xFFFF0000, v13;
	v4 =	vadd.f32 v5, v4;
	v5 =	vsub.f32 $0.0e+00, v59  }
0x322: {  	[tilespmem:$0x8E0] =	vst v7;
	v9 =	vsub.f32 $0.0e+00, v60;
	v11 =	vadd.f32 v12, v11;
	v12 =	vmul.f32 s22, v57  }
0x323: {  	v6 =	vmul.f32 $1.992984650e-05, v6;
	v24 =	vsub.f32 v24, v62;
	[tilespmem:$0x8F0] =	vst v5;
	v5 =	vsub.f32 $0.0e+00, v61  }
0x324: {  	[tilespmem:$0x920] =	vst v8;
	v62 =	vand.u32 $0x7FFFFFFF, v23;
	v7 =	vadd.f32 v12, v11;
	v63 =	vmul.f32 $1.992984650e-05, v58  }
0x325: {  	v4 =	vsub.f32 v4, v6;
	v6 =	vand.u32 $0x7FFFFFFF, v22;
	[tilespmem:$0x910] =	vst v5;
	v5 =	vsub.f32 $0.0e+00, v62  }
0x326: {  	[tilespmem:$0x900] =	vst v9;
	v8 =	vand.u32 $0x7FFFFFFF, v24;
	v7 =	vsub.f32 v7, v63;
	v6 =	vsub.f32 $0.0e+00, v6  }
0x327: {  	v4 =	vand.u32 $0x7FFFFFFF, v4;
	[tilespmem:$0x930] =	vst v5;
	v5 =	vsub.f32 $0.0e+00, v8  }
0x328: {  	[tilespmem:$0x940] =	vst v6;
	v4 =	vsub.f32 $0.0e+00, v4;
	v6 =	vand.u32 $0x7FFFFFFF, v7  }
0x329: {  	[tilespmem:$0x950] =	vst v5;
	v5 =	vsub.f32 $0.0e+00, v6  }
0x32a: {  	[tilespmem:$0x960] =	vst v4  }
0x32b: {  	s31 =	simm.s32 $0x800;
	[tilespmem:$0x970] =	vst v5  }
0x32c: {  	v7 =	vld [tilespmem:s31+$0x0];
	_ =	sdelay $0x3  }
0x32d: {  	v4 =	vimm.s32 $0x40000000;
	v6 =	vor.u32 s19, v2;
	v5 =	vimm.f32 $-Inf  }
0x32e: {  	s20 =	simm.s32 $0x810;
	s19 =	simm.s32 $0x10;
	vm12 =	vlt.s32 v6, v4;
	vm11 =	veq.f32 v7, v5  }
.LBB2_21:
0x32f: {  	v8 =	vld [tilespmem:s20+$0x0];
	p2 =	sne.s32 s19, $0x170;
	vm13 =	vgt.f32 v7, v5;
	vm11 =	vmand vm12, vm11;
	s21 =	smov.u32 s19;
	s19 =	sadd.s32 $0x10, s19  }
.Ltmp12:
0x330: {  	vm11 =	vmor vm13, vm11;
	(pc) =	sbr.rel @p2 .LBB2_21-.Ltmp12, $3  }
0x331: {  	v5 =	vsel vm11, v7, v5;
	v4 =	vsel vm11, v6, v4;
	_ =	sdelay $0x1  }
0x332: {  	v6 =	vor.u32 s21, v2  }
0x333: {  	s20 =	sadd.s32 $0x10, s20;
	vm12 =	vlt.s32 v6, v4;
	vm11 =	veq.f32 v8, v5;
	v7 =	vmov v8  }
0x334: {  	vm13 =	vgt.f32 v7, v5;
	vm11 =	vmand vm12, vm11  }
0x335: {  	vm11 =	vmor vm13, vm11  }
0x336: {  	v7 =	vsel vm11, v7, v5  }
0x337: {  	(xrf0) =	vmax.scan.msk.f32 $0xffff, v7;
	_ =	sdelay $0x5  }
0x338: {  	v5, _, _ =	vpop (xrf0)  }
0x339: {  	v5 =	vbroadcast v5, $0xF  }
0x33a: {  	v4 =	vsel vm11, v6, v4  }
0x33b: {  	v4 =	vxor.u32 $0x80000000, v4;
	vm11 =	veq.f32 v7, v5  }
0x33c: {  	v4 =	vnsel vm11, $0xC0000000, v4  }
0x33d: {  	(xrf0) =	vmin.scan.msk.u32 $0xffff, v4;
	_ =	sdelay $0x5  }
0x33e: {  	v4, _, _ =	vpop (xrf0)  }
0x33f: {  	(v2sf) =	vpush v4, $0xF;
	_ =	sdelay $0xc  }
0x340: {  	s19 =	simm.s32 $0x800  }
0x341: {  	v9 =	vld [tilespmem:s19+$0x0]  }
0x342: {  	s20 =	spop (v2sf)  }
0x343: {  	s21 =	simm.s32 $0x0;
	s20 =	sxor.u32 $0x80000000, s20  }
0x344: {  	v6 =	vor.u32 s21, v2;
	v4 =	vmov s20  }
0x345: {  	vm11 =	veq.s32 v6, v4  }
0x346: {  	v8 =	vimm.s32 $0x40000000;
	v7 =	vimm.f32 $-Inf;
	v9 =	vsel vm11, $0xFF800000, v9  }
0x347: {  	vm13 =	vlt.s32 v6, v8;
	[tilespmem:s19+$0x0] =	vst v9;
	vm12 =	veq.f32 v9, v7;
	s19 =	simm.s32 $0x810  }
0x348: {  	s21 =	simm.s32 $0x20;
	s20 =	simm.s32 $0x10;
	vm11 =	vgt.f32 v9, v7;
	v10 =	vld [tilespmem:s19+$0x0];
	vm12 =	vmand vm13, vm12  }
.LBB2_23:
0x349: {  	p2 =	sne.s32 s21, $0x170;
	vm11 =	vmor vm11, vm12  }
0x34a: {  	v7 =	vsel vm11, v9, v7;
	v8 =	vsel vm11, v6, v8  }
.Ltmp13:
0x34b: {  	v6 =	vor.u32 s20, v2;
	s20 =	smov.u32 s21;
	(pc) =	sbr.rel @p2 .LBB2_23-.Ltmp13, $4  }
0x34c: {  	vm11 =	veq.s32 v6, v4  }
0x34d: {  	v9 =	vsel vm11, $0xFF800000, v10  }
0x34e: {  	vm13 =	vlt.s32 v6, v8;
	[tilespmem:s19+$0x0] =	vst v9;
	vm12 =	veq.f32 v9, v7;
	s19 =	sadd.s32 $0x10, s19  }
0x34f: {  	s21 =	sadd.s32 $0x10, s21;
	vm11 =	vgt.f32 v9, v7;
	v10 =	vld [tilespmem:s19+$0x0];
	vm12 =	vmand vm13, vm12  }
0x350: {  	_ =	sdelay $0x1  }
0x351: {  	v11 =	vor.u32 s20, v2  }
0x352: {  	vm11 =	vmor vm11, vm12;
	vm12 =	veq.s32 v11, v4  }
0x353: {  	v7 =	vsel vm11, v9, v7;
	v6 =	vsel vm11, v6, v8;
	v8 =	vsel vm12, $0xFF800000, v10  }
0x354: {  	vm12 =	vlt.s32 v11, v6;
	vm11 =	veq.f32 v8, v7  }
0x355: {  	vm13 =	vgt.f32 v8, v7;
	vm11 =	vmand vm12, vm11  }
0x356: {  	vm11 =	vmor vm13, vm11  }
0x357: {  	v9 =	vsel vm11, v8, v7  }
0x358: {  	(xrf0) =	vmax.scan.msk.f32 $0xffff, v9;
	_ =	sdelay $0x5  }
0x359: {  	v7, _, _ =	vpop (xrf0)  }
0x35a: {  	v7 =	vbroadcast v7, $0xF  }
0x35b: {  	v6 =	vsel vm11, v11, v6  }
0x35c: {  	v6 =	vxor.u32 $0x80000000, v6;
	vm11 =	veq.f32 v9, v7  }
0x35d: {  	v6 =	vnsel vm11, $0xC0000000, v6  }
0x35e: {  	(xrf0) =	vmin.scan.msk.u32 $0xffff, v6;
	_ =	sdelay $0x5  }
0x35f: {  	v6, _, _ =	vpop (xrf0)  }
0x360: {  	(v2sf) =	vpush v6, $0xF;
	_ =	sdelay $0xc  }
0x361: {  	s30 =	simm.s32 $0x800;
	[tilespmem:s19+$0x0] =	vst v8  }
0x362: {  	v11 =	vld [tilespmem:s30+$0x0]  }
0x363: {  	s31 =	spop (v2sf)  }
0x364: {  	s21 =	simm.s32 $0x0;
	s20 =	sxor.u32 $0x80000000, s31  }
0x365: {  	v8 =	vor.u32 s21, v2;
	v6 =	vmov s20  }
0x366: {  	vm11 =	veq.s32 v8, v6  }
0x367: {  	v10 =	vimm.s32 $0x40000000;
	v9 =	vimm.f32 $-Inf;
	v11 =	vsel vm11, $0xFF800000, v11  }
0x368: {  	s19 =	simm.s32 $0x810;
	vm13 =	vlt.s32 v8, v10;
	[tilespmem:s30+$0x0] =	vst v11;
	vm12 =	veq.f32 v11, v9  }
0x369: {  	s21 =	simm.s32 $0x20;
	s20 =	simm.s32 $0x10;
	vm11 =	vgt.f32 v11, v9;
	v12 =	vld [tilespmem:s19+$0x0];
	vm12 =	vmand vm13, vm12  }
.LBB2_25:
0x36a: {  	p2 =	sne.s32 s21, $0x170;
	vm11 =	vmor vm11, vm12  }
0x36b: {  	v9 =	vsel vm11, v11, v9;
	v10 =	vsel vm11, v8, v10  }
.Ltmp14:
0x36c: {  	v8 =	vor.u32 s20, v2;
	s20 =	smov.u32 s21;
	(pc) =	sbr.rel @p2 .LBB2_25-.Ltmp14, $4  }
0x36d: {  	vm11 =	veq.s32 v8, v6  }
0x36e: {  	v11 =	vsel vm11, $0xFF800000, v12  }
0x36f: {  	vm13 =	vlt.s32 v8, v10;
	[tilespmem:s19+$0x0] =	vst v11;
	vm12 =	veq.f32 v11, v9;
	s19 =	sadd.s32 $0x10, s19  }
0x370: {  	s21 =	sadd.s32 $0x10, s21;
	vm11 =	vgt.f32 v11, v9;
	v12 =	vld [tilespmem:s19+$0x0];
	vm12 =	vmand vm13, vm12  }
0x371: {  	_ =	sdelay $0x1  }
0x372: {  	v13 =	vor.u32 s20, v2  }
0x373: {  	vm11 =	vmor vm11, vm12;
	vm12 =	veq.s32 v13, v6  }
0x374: {  	v9 =	vsel vm11, v11, v9;
	v8 =	vsel vm11, v8, v10;
	v10 =	vsel vm12, $0xFF800000, v12  }
0x375: {  	vm12 =	vlt.s32 v13, v8;
	vm11 =	veq.f32 v10, v9  }
0x376: {  	vm13 =	vgt.f32 v10, v9;
	vm11 =	vmand vm12, vm11  }
0x377: {  	vm11 =	vmor vm13, vm11  }
0x378: {  	v11 =	vsel vm11, v10, v9  }
0x379: {  	(xrf0) =	vmax.scan.msk.f32 $0xffff, v11;
	_ =	sdelay $0x5  }
0x37a: {  	v9, _, _ =	vpop (xrf0)  }
0x37b: {  	v9 =	vbroadcast v9, $0xF  }
0x37c: {  	v8 =	vsel vm11, v13, v8  }
0x37d: {  	v8 =	vxor.u32 $0x80000000, v8;
	vm11 =	veq.f32 v11, v9  }
0x37e: {  	v8 =	vnsel vm11, $0xC0000000, v8  }
0x37f: {  	(xrf0) =	vmin.scan.msk.u32 $0xffff, v8;
	_ =	sdelay $0x5  }
0x380: {  	v8, _, _ =	vpop (xrf0)  }
0x381: {  	(v2sf) =	vpush v8, $0xF;
	_ =	sdelay $0xc  }
0x382: {  	s30 =	simm.s32 $0x800;
	[tilespmem:s19+$0x0] =	vst v10  }
0x383: {  	v13 =	vld [tilespmem:s30+$0x0]  }
0x384: {  	s31 =	spop (v2sf)  }
0x385: {  	s21 =	simm.s32 $0x0;
	s20 =	sxor.u32 $0x80000000, s31  }
0x386: {  	v10 =	vor.u32 s21, v2;
	v8 =	vmov s20  }
0x387: {  	vm11 =	veq.s32 v10, v8  }
0x388: {  	v12 =	vimm.s32 $0x40000000;
	v11 =	vimm.f32 $-Inf;
	v13 =	vsel vm11, $0xFF800000, v13  }
0x389: {  	s19 =	simm.s32 $0x810;
	vm13 =	vlt.s32 v10, v12;
	[tilespmem:s30+$0x0] =	vst v13;
	vm12 =	veq.f32 v13, v11  }
0x38a: {  	s21 =	simm.s32 $0x20;
	s20 =	simm.s32 $0x10;
	vm11 =	vgt.f32 v13, v11;
	v14 =	vld [tilespmem:s19+$0x0];
	vm12 =	vmand vm13, vm12  }
.LBB2_27:
0x38b: {  	p2 =	sne.s32 s21, $0x170;
	vm11 =	vmor vm11, vm12  }
0x38c: {  	v11 =	vsel vm11, v13, v11;
	v12 =	vsel vm11, v10, v12  }
.Ltmp15:
0x38d: {  	v10 =	vor.u32 s20, v2;
	s20 =	smov.u32 s21;
	(pc) =	sbr.rel @p2 .LBB2_27-.Ltmp15, $4  }
0x38e: {  	vm11 =	veq.s32 v10, v8  }
0x38f: {  	v13 =	vsel vm11, $0xFF800000, v14  }
0x390: {  	vm13 =	vlt.s32 v10, v12;
	[tilespmem:s19+$0x0] =	vst v13;
	vm12 =	veq.f32 v13, v11;
	s19 =	sadd.s32 $0x10, s19  }
0x391: {  	s21 =	sadd.s32 $0x10, s21;
	vm11 =	vgt.f32 v13, v11;
	v14 =	vld [tilespmem:s19+$0x0];
	vm12 =	vmand vm13, vm12  }
0x392: {  	_ =	sdelay $0x1  }
0x393: {  	v15 =	vor.u32 s20, v2  }
0x394: {  	vm11 =	vmor vm11, vm12;
	vm12 =	veq.s32 v15, v8  }
0x395: {  	v11 =	vsel vm11, v13, v11;
	v10 =	vsel vm11, v10, v12;
	v12 =	vsel vm12, $0xFF800000, v14  }
0x396: {  	vm12 =	vlt.s32 v15, v10;
	vm11 =	veq.f32 v12, v11  }
0x397: {  	vm13 =	vgt.f32 v12, v11;
	vm11 =	vmand vm12, vm11  }
0x398: {  	vm11 =	vmor vm13, vm11  }
0x399: {  	v13 =	vsel vm11, v12, v11  }
0x39a: {  	(xrf0) =	vmax.scan.msk.f32 $0xffff, v13;
	_ =	sdelay $0x5  }
0x39b: {  	v11, _, _ =	vpop (xrf0)  }
0x39c: {  	v11 =	vbroadcast v11, $0xF  }
0x39d: {  	v10 =	vsel vm11, v15, v10  }
0x39e: {  	v10 =	vxor.u32 $0x80000000, v10;
	vm11 =	veq.f32 v13, v11  }
0x39f: {  	v10 =	vnsel vm11, $0xC0000000, v10  }
0x3a0: {  	(xrf0) =	vmin.scan.msk.u32 $0xffff, v10;
	_ =	sdelay $0x5  }
0x3a1: {  	v10, _, _ =	vpop (xrf0)  }
0x3a2: {  	(v2sf) =	vpush v10, $0xF;
	_ =	sdelay $0xc  }
0x3a3: {  	s30 =	simm.s32 $0x800;
	[tilespmem:s19+$0x0] =	vst v12  }
0x3a4: {  	v15 =	vld [tilespmem:s30+$0x0]  }
0x3a5: {  	s31 =	spop (v2sf)  }
0x3a6: {  	s21 =	simm.s32 $0x0;
	s20 =	sxor.u32 $0x80000000, s31  }
0x3a7: {  	v12 =	vor.u32 s21, v2;
	v10 =	vmov s20  }
0x3a8: {  	vm11 =	veq.s32 v12, v10  }
0x3a9: {  	v14 =	vimm.s32 $0x40000000;
	v13 =	vimm.f32 $-Inf;
	v15 =	vsel vm11, $0xFF800000, v15  }
0x3aa: {  	s19 =	simm.s32 $0x810;
	vm13 =	vlt.s32 v12, v14;
	[tilespmem:s30+$0x0] =	vst v15;
	vm12 =	veq.f32 v15, v13  }
0x3ab: {  	s21 =	simm.s32 $0x20;
	s20 =	simm.s32 $0x10;
	vm11 =	vgt.f32 v15, v13;
	v16 =	vld [tilespmem:s19+$0x0];
	vm12 =	vmand vm13, vm12  }
.LBB2_29:
0x3ac: {  	p2 =	sne.s32 s21, $0x170;
	vm11 =	vmor vm11, vm12  }
0x3ad: {  	v13 =	vsel vm11, v15, v13;
	v14 =	vsel vm11, v12, v14  }
.Ltmp16:
0x3ae: {  	v12 =	vor.u32 s20, v2;
	s20 =	smov.u32 s21;
	(pc) =	sbr.rel @p2 .LBB2_29-.Ltmp16, $4  }
0x3af: {  	vm11 =	veq.s32 v12, v10  }
0x3b0: {  	v15 =	vsel vm11, $0xFF800000, v16  }
0x3b1: {  	vm13 =	vlt.s32 v12, v14;
	[tilespmem:s19+$0x0] =	vst v15;
	vm12 =	veq.f32 v15, v13;
	s19 =	sadd.s32 $0x10, s19  }
0x3b2: {  	s21 =	sadd.s32 $0x10, s21;
	vm11 =	vgt.f32 v15, v13;
	v16 =	vld [tilespmem:s19+$0x0];
	vm12 =	vmand vm13, vm12  }
0x3b3: {  	_ =	sdelay $0x1  }
0x3b4: {  	v17 =	vor.u32 s20, v2  }
0x3b5: {  	vm11 =	vmor vm11, vm12;
	vm12 =	veq.s32 v17, v10  }
0x3b6: {  	v13 =	vsel vm11, v15, v13;
	v12 =	vsel vm11, v12, v14;
	v14 =	vsel vm12, $0xFF800000, v16  }
0x3b7: {  	vm12 =	vlt.s32 v17, v12;
	vm11 =	veq.f32 v14, v13  }
0x3b8: {  	vm13 =	vgt.f32 v14, v13;
	vm11 =	vmand vm12, vm11  }
0x3b9: {  	vm11 =	vmor vm13, vm11  }
0x3ba: {  	v15 =	vsel vm11, v14, v13  }
0x3bb: {  	(xrf0) =	vmax.scan.msk.f32 $0xffff, v15;
	_ =	sdelay $0x5  }
0x3bc: {  	v13, _, _ =	vpop (xrf0)  }
0x3bd: {  	v13 =	vbroadcast v13, $0xF  }
0x3be: {  	v12 =	vsel vm11, v17, v12  }
0x3bf: {  	v12 =	vxor.u32 $0x80000000, v12;
	vm11 =	veq.f32 v15, v13  }
0x3c0: {  	v12 =	vnsel vm11, $0xC0000000, v12  }
0x3c1: {  	(xrf0) =	vmin.scan.msk.u32 $0xffff, v12;
	_ =	sdelay $0x5  }
0x3c2: {  	v12, _, _ =	vpop (xrf0)  }
0x3c3: {  	(v2sf) =	vpush v12, $0xF;
	_ =	sdelay $0xc  }
0x3c4: {  	s30 =	simm.s32 $0x800;
	[tilespmem:s19+$0x0] =	vst v14  }
0x3c5: {  	v17 =	vld [tilespmem:s30+$0x0]  }
0x3c6: {  	s31 =	spop (v2sf)  }
0x3c7: {  	s21 =	simm.s32 $0x0;
	s20 =	sxor.u32 $0x80000000, s31  }
0x3c8: {  	v14 =	vor.u32 s21, v2;
	v12 =	vmov s20  }
0x3c9: {  	vm11 =	veq.s32 v14, v12  }
0x3ca: {  	v16 =	vimm.s32 $0x40000000;
	v15 =	vimm.f32 $-Inf;
	v17 =	vsel vm11, $0xFF800000, v17  }
0x3cb: {  	s19 =	simm.s32 $0x810;
	vm13 =	vlt.s32 v14, v16;
	[tilespmem:s30+$0x0] =	vst v17;
	vm12 =	veq.f32 v17, v15  }
0x3cc: {  	s21 =	simm.s32 $0x20;
	s20 =	simm.s32 $0x10;
	vm11 =	vgt.f32 v17, v15;
	v18 =	vld [tilespmem:s19+$0x0];
	vm12 =	vmand vm13, vm12  }
.LBB2_31:
0x3cd: {  	p2 =	sne.s32 s21, $0x170;
	vm11 =	vmor vm11, vm12  }
0x3ce: {  	v15 =	vsel vm11, v17, v15;
	v16 =	vsel vm11, v14, v16  }
.Ltmp17:
0x3cf: {  	v14 =	vor.u32 s20, v2;
	s20 =	smov.u32 s21;
	(pc) =	sbr.rel @p2 .LBB2_31-.Ltmp17, $4  }
0x3d0: {  	vm11 =	veq.s32 v14, v12  }
0x3d1: {  	v17 =	vsel vm11, $0xFF800000, v18  }
0x3d2: {  	vm13 =	vlt.s32 v14, v16;
	[tilespmem:s19+$0x0] =	vst v17;
	vm12 =	veq.f32 v17, v15;
	s19 =	sadd.s32 $0x10, s19  }
0x3d3: {  	s21 =	sadd.s32 $0x10, s21;
	vm11 =	vgt.f32 v17, v15;
	v18 =	vld [tilespmem:s19+$0x0];
	vm12 =	vmand vm13, vm12  }
0x3d4: {  	_ =	sdelay $0x1  }
0x3d5: {  	v19 =	vor.u32 s20, v2  }
0x3d6: {  	vm11 =	vmor vm11, vm12;
	vm12 =	veq.s32 v19, v12  }
0x3d7: {  	v15 =	vsel vm11, v17, v15;
	v14 =	vsel vm11, v14, v16;
	v16 =	vsel vm12, $0xFF800000, v18  }
0x3d8: {  	vm12 =	vlt.s32 v19, v14;
	vm11 =	veq.f32 v16, v15  }
0x3d9: {  	vm13 =	vgt.f32 v16, v15;
	vm11 =	vmand vm12, vm11  }
0x3da: {  	vm11 =	vmor vm13, vm11  }
0x3db: {  	v17 =	vsel vm11, v16, v15  }
0x3dc: {  	(xrf0) =	vmax.scan.msk.f32 $0xffff, v17;
	_ =	sdelay $0x5  }
0x3dd: {  	v15, _, _ =	vpop (xrf0)  }
0x3de: {  	v15 =	vbroadcast v15, $0xF  }
0x3df: {  	v14 =	vsel vm11, v19, v14  }
0x3e0: {  	v14 =	vxor.u32 $0x80000000, v14;
	vm11 =	veq.f32 v17, v15  }
0x3e1: {  	v14 =	vnsel vm11, $0xC0000000, v14  }
0x3e2: {  	(xrf0) =	vmin.scan.msk.u32 $0xffff, v14;
	_ =	sdelay $0x5  }
0x3e3: {  	v14, _, _ =	vpop (xrf0)  }
0x3e4: {  	(v2sf) =	vpush v14, $0xF;
	_ =	sdelay $0xc  }
0x3e5: {  	s30 =	simm.s32 $0x800;
	[tilespmem:s19+$0x0] =	vst v16  }
0x3e6: {  	v19 =	vld [tilespmem:s30+$0x0]  }
0x3e7: {  	s31 =	spop (v2sf)  }
0x3e8: {  	s21 =	simm.s32 $0x0;
	s20 =	sxor.u32 $0x80000000, s31  }
0x3e9: {  	v16 =	vor.u32 s21, v2;
	v14 =	vmov s20  }
0x3ea: {  	vm11 =	veq.s32 v16, v14  }
0x3eb: {  	v18 =	vimm.s32 $0x40000000;
	v17 =	vimm.f32 $-Inf;
	v19 =	vsel vm11, $0xFF800000, v19  }
0x3ec: {  	s19 =	simm.s32 $0x810;
	vm13 =	vlt.s32 v16, v18;
	[tilespmem:s30+$0x0] =	vst v19;
	vm12 =	veq.f32 v19, v17  }
0x3ed: {  	s21 =	simm.s32 $0x20;
	s20 =	simm.s32 $0x10;
	vm11 =	vgt.f32 v19, v17;
	v20 =	vld [tilespmem:s19+$0x0];
	vm12 =	vmand vm13, vm12  }
.LBB2_33:
0x3ee: {  	p2 =	sne.s32 s21, $0x170;
	vm11 =	vmor vm11, vm12  }
0x3ef: {  	v17 =	vsel vm11, v19, v17;
	v18 =	vsel vm11, v16, v18  }
.Ltmp18:
0x3f0: {  	v16 =	vor.u32 s20, v2;
	s20 =	smov.u32 s21;
	(pc) =	sbr.rel @p2 .LBB2_33-.Ltmp18, $4  }
0x3f1: {  	vm11 =	veq.s32 v16, v14  }
0x3f2: {  	v19 =	vsel vm11, $0xFF800000, v20  }
0x3f3: {  	vm13 =	vlt.s32 v16, v18;
	[tilespmem:s19+$0x0] =	vst v19;
	vm12 =	veq.f32 v19, v17;
	s19 =	sadd.s32 $0x10, s19  }
0x3f4: {  	s21 =	sadd.s32 $0x10, s21;
	vm11 =	vgt.f32 v19, v17;
	v20 =	vld [tilespmem:s19+$0x0];
	vm12 =	vmand vm13, vm12  }
0x3f5: {  	_ =	sdelay $0x1  }
0x3f6: {  	v21 =	vor.u32 s20, v2  }
0x3f7: {  	vm11 =	vmor vm11, vm12;
	vm12 =	veq.s32 v21, v14  }
0x3f8: {  	v17 =	vsel vm11, v19, v17;
	v16 =	vsel vm11, v16, v18;
	v18 =	vsel vm12, $0xFF800000, v20  }
0x3f9: {  	vm12 =	vlt.s32 v21, v16;
	vm11 =	veq.f32 v18, v17  }
0x3fa: {  	vm13 =	vgt.f32 v18, v17;
	vm11 =	vmand vm12, vm11  }
0x3fb: {  	vm11 =	vmor vm13, vm11  }
0x3fc: {  	v19 =	vsel vm11, v18, v17  }
0x3fd: {  	(xrf0) =	vmax.scan.msk.f32 $0xffff, v19;
	_ =	sdelay $0x5  }
0x3fe: {  	v17, _, _ =	vpop (xrf0)  }
0x3ff: {  	v17 =	vbroadcast v17, $0xF  }
0x400: {  	v16 =	vsel vm11, v21, v16  }
0x401: {  	v16 =	vxor.u32 $0x80000000, v16;
	vm11 =	veq.f32 v19, v17  }
0x402: {  	v16 =	vnsel vm11, $0xC0000000, v16  }
0x403: {  	(xrf0) =	vmin.scan.msk.u32 $0xffff, v16;
	_ =	sdelay $0x5  }
0x404: {  	v16, _, _ =	vpop (xrf0)  }
0x405: {  	(v2sf) =	vpush v16, $0xF;
	_ =	sdelay $0xc  }
0x406: {  	s30 =	simm.s32 $0x800;
	[tilespmem:s19+$0x0] =	vst v18  }
0x407: {  	v21 =	vld [tilespmem:s30+$0x0]  }
0x408: {  	s31 =	spop (v2sf)  }
0x409: {  	s21 =	simm.s32 $0x0;
	s20 =	sxor.u32 $0x80000000, s31  }
0x40a: {  	v18 =	vor.u32 s21, v2;
	v16 =	vmov s20  }
0x40b: {  	vm11 =	veq.s32 v18, v16  }
0x40c: {  	v20 =	vimm.s32 $0x40000000;
	v19 =	vimm.f32 $-Inf;
	v21 =	vsel vm11, $0xFF800000, v21  }
0x40d: {  	s19 =	simm.s32 $0x810;
	vm13 =	vlt.s32 v18, v20;
	[tilespmem:s30+$0x0] =	vst v21;
	vm12 =	veq.f32 v21, v19  }
0x40e: {  	s21 =	simm.s32 $0x20;
	s20 =	simm.s32 $0x10;
	vm11 =	vgt.f32 v21, v19;
	v22 =	vld [tilespmem:s19+$0x0];
	vm12 =	vmand vm13, vm12  }
.LBB2_35:
0x40f: {  	p2 =	sne.s32 s21, $0x170;
	vm11 =	vmor vm11, vm12  }
0x410: {  	v19 =	vsel vm11, v21, v19;
	v20 =	vsel vm11, v18, v20  }
.Ltmp19:
0x411: {  	v18 =	vor.u32 s20, v2;
	s20 =	smov.u32 s21;
	(pc) =	sbr.rel @p2 .LBB2_35-.Ltmp19, $4  }
0x412: {  	vm11 =	veq.s32 v18, v16  }
0x413: {  	v21 =	vsel vm11, $0xFF800000, v22  }
0x414: {  	vm13 =	vlt.s32 v18, v20;
	vm12 =	veq.f32 v21, v19;
	[tilespmem:s19+$0x0] =	vst v21;
	s19 =	sadd.s32 $0x10, s19  }
0x415: {  	s21 =	sadd.s32 $0x10, s21;
	vm11 =	vgt.f32 v21, v19;
	vm12 =	vmand vm13, vm12;
	v22 =	vld [tilespmem:s19+$0x0]  }
.Ltmp20:
0x416: {  	_ = 	snop;
	(pc) =	sbr.rel .LBB2_36-.Ltmp20, $1  }
0x417: {  	_ =	sdelay $0x3  }
.LBB2_38:
0x418: {  	_ =	sfence.sel $0x180000  }
0x419: {  	[bflag:$0x0] =	sbarrier.arrive $0xFFFF  }
0x41a: {  	p0 =	sne.s32 s2, $0x0;
	_ =	strace $0x90000047  }
0x41b: {  	s0 =	sadd.s32 @!p0 $0x100000, s0;
	[bflag:$0x2] =	sbarrier.arrive $0xFFFF  }
0x41c: {  	[sflag:s0] =	ssyncadd.tile.s32 @!p0 $0x1;
	_ =	shalt  }
.Lfunc_end2:
_tile_overlayer_lowered:
.L_overlay_start_2:
0x41d: {  	(tag) =	ssettag $0x2  }
0x41e: {  	s0 =	rddreg [dreg:$0x0];
	s2 =	stileid.u32  }
0x41f: {  	s1 =	rddreg [dreg:$0x1];
	p0 =	sne.s32 s2, $0x0  }
0x420: {  	s3 =	rddreg [dreg:$0x2];
	[bflag:$0x3] =	sbarrier.arrive $0xFFFF;
	s2 =	simm.s32 @!p0 $0x1C01  }
0x421: {  	[timem:s3], [sflag:s2] =	dma.local @!p0 [hbm:s0], s1  }
0x422: {  	s0 =	simm.s32 @!p0 $0x1  }
0x423: {  	_ =	swait.ge @!p0 [sflag:s0], s1  }
0x424: {  	s1 =	ssub.s32 @!p0 $0x0, s1;
	[sflag:s0] =	ssyncset.done @!p0 $0x0  }
0x425: {  	[sflag:s0] =	ssyncadd.s32 @!p0 s1  }
0x426: {  	[bflag:$0x3] =	sbarrier.arrive $0xFFFF  }
0x427: {  	_ =	shalt  }

</sc_bundles>
